<compile_context>
chip_gen: v7x
topology: tpu7x:2x2x1
jax: 0.10.2.dev20260603
libtpu: 0.0.44.dev20260713+nightly
codegen_flags: <defaults>
</compile_context>

<pallas_src>
import functools

import jax
import jax.numpy as jnp
from jax import lax
from jax.experimental import pallas as pl
from jax.experimental.pallas import tpu as pltpu
from jax.experimental.pallas import tpu_sc as plsc

L = 16
KC = 128


def _build_transpose(V, D, NC, NS):
    NW = NC * NS
    nblk = V // KC
    VT = nblk * KC
    tail = V - VT
    trips = (nblk + NW - 1) // NW
    if trips % 2:
        trips += 1
    ntr = D // 8

    mesh = plsc.VectorSubcoreMesh(core_axis_name="c", subcore_axis_name="s")

    @functools.partial(
        pl.kernel,
        mesh=mesh,
        out_type=jax.ShapeDtypeStruct((V * D,), jnp.float32),
        scratch_types=[
            pltpu.VMEM((D, KC), jnp.float32),
            pltpu.VMEM((D, KC), jnp.float32),
            pltpu.VMEM((KC, 65), jnp.float32),
            pltpu.VMEM((KC * D,), jnp.float32),
            pltpu.VMEM((KC * D,), jnp.float32),
            pltpu.VMEM((max(tail, 1) * D,), jnp.float32),
            pltpu.SemaphoreType.DMA,
            pltpu.SemaphoreType.DMA,
        ],
        compiler_params=pltpu.CompilerParams(needs_layout_passes=False),
    )
    def transpose_kernel(tt_hbm, tail_hbm, out_hbm,
                         tb0, tb1, mid, ob0, ob1, tlb, sem_i, sem_o):
        wid = lax.axis_index("s") * NC + lax.axis_index("c")
        tb = (tb0, tb1)
        ob = (ob0, ob1)
        iota = lax.iota(jnp.int32, L)
        pat65 = iota * 65

        def blk(i):
            return wid + NW * i

        def tiles(i, buf):
            c0 = blk(i) * KC
            pairs = []
            for tr in range(ntr):
                pairs.append((tt_hbm.at[pl.ds(tr * 8, 8), pl.ds(c0, KC)],
                              buf.at[pl.ds(tr * 8, 8), :]))
            return pairs

        def start_in(i, buf):
            @pl.when(blk(i) < nblk)
            def _():
                for s_, d_ in tiles(i, buf):
                    pltpu.async_copy(s_, d_, sem_i)

        def wait_in(i, buf):
            @pl.when(blk(i) < nblk)
            def _():
                for s_, d_ in tiles(i, buf):
                    pltpu.make_async_copy(s_, d_, sem_i).wait()

        def start_out(i, buf):
            @pl.when(blk(i) < nblk)
            def _():
                pltpu.async_copy(
                    buf, out_hbm.at[pl.ds(blk(i) * KC * D, KC * D)], sem_o)

        def wait_out(i, buf):
            @pl.when(blk(i) < nblk)
            def _():
                pltpu.make_async_copy(
                    buf, out_hbm.at[pl.ds(blk(i) * KC * D, KC * D)],
                    sem_o).wait()

        def transpose_block(src, dst):
            @plsc.parallel_loop(0, D, 1, unroll=8)
            def hop_a(d):
                db = jnp.broadcast_to(d, (L,))
                for c16 in range(KC // L):
                    v = src[d, pl.ds(c16 * L, L)]
                    plsc.store_scatter(mid, [iota + c16 * L, db], v)

            @plsc.parallel_loop(0, KC, 1, unroll=8)
            def hop_b(v):
                for j in range(D // L):
                    dst[pl.ds(v * D + j * L, L)] = mid[v, pl.ds(j * L, L)]

        if tail:
            @pl.when(wid == NW - 1)
            def _():
                pltpu.sync_copy(tail_hbm, tlb)
                pltpu.sync_copy(tlb, out_hbm.at[pl.ds(VT * D, tail * D)])

        start_in(0, tb[0])

        def pair(t, carry):
            for k in range(2):
                i = 2 * t + k
                p = k
                start_in(i + 1, tb[1 - p])
                wait_in(i, tb[p])
                lax.cond(i >= 2, lambda: wait_out(i - 2, ob[p]),
                         lambda: None)
                transpose_block(tb[p], ob[p])
                start_out(i, ob[p])
            return carry

        lax.fori_loop(0, trips // 2, pair, 0)
        wait_out(trips - 2, ob[0])
        wait_out(trips - 1, ob[1])

    return transpose_kernel


def _build_gather(B, S, D, V, NC, NS):
    NW = NC * NS
    BPW = B // NW

    mesh = plsc.VectorSubcoreMesh(core_axis_name="c", subcore_axis_name="s")

    @functools.partial(
        pl.kernel,
        mesh=mesh,
        out_type=jax.ShapeDtypeStruct((S, D // 8, B // 128, 8, 128),
                                      jnp.float32),
        scratch_types=[
            pltpu.VMEM((BPW * S,), jnp.int32),
            pltpu.VMEM((BPW,), jnp.int32),
            pltpu.VMEM((BPW,), jnp.int32),
            pltpu.VMEM((BPW, D), jnp.float32),
            pltpu.VMEM((BPW, D), jnp.float32),
            pltpu.VMEM((D, BPW + 1), jnp.float32),
            pltpu.VMEM((D // 8, 8, BPW), jnp.float32),
            pltpu.VMEM((D // 8, 8, BPW), jnp.float32),
            pltpu.VMEM((S, D), jnp.float32),
            pltpu.SemaphoreType.DMA,
            pltpu.SemaphoreType.DMA,
        ],
        compiler_params=pltpu.CompilerParams(
            use_tc_tiling_on_sc=False, needs_layout_passes=False),
    )
    def gather_kernel(x_hbm, tbl_hbm, pos_hbm, out_hbm,
                      xb, ib0, ib1, gb0, gb1, mid, ob0, ob1, pos_v,
                      sem_g, sem_o):
        wid = lax.axis_index("s") * NC + lax.axis_index("c")
        b0 = wid * BPW
        ib = (ib0, ib1)
        gb = (gb0, gb1)
        ob = (ob0, ob1)
        iota = lax.iota(jnp.int32, L)

        pltpu.sync_copy(x_hbm.at[pl.ds(b0 * S, BPW * S)], xb)
        pltpu.sync_copy(pos_hbm, pos_v)

        def build_idx(s, buf):
            for j in range(BPW // L):
                g = plsc.load_gather(xb, [(iota + j * L) * S + s])
                buf[pl.ds(j * L, L)] = g

        def start_g(s, p):
            pltpu.async_copy(tbl_hbm.at[ib[p]], gb[p], sem_g)

        def wait_g(s, p):
            pltpu.make_async_copy(tbl_hbm.at[ib[p]], gb[p], sem_g).wait()

        def start_o(s, buf):
            pltpu.async_copy(buf, out_hbm.at[s, :, wid], sem_o)

        def wait_o(s, buf):
            pltpu.make_async_copy(buf, out_hbm.at[s, :, wid], sem_o).wait()

        def transpose_add(s, src, dst):
            pvs = [pos_v[s, pl.ds(jg * L, L)] for jg in range(D // L)]

            @plsc.parallel_loop(0, BPW, 1, unroll=8)
            def hop_a(b):
                bb = jnp.broadcast_to(b, (L,))
                for jg in range(D // L):
                    v = src[b, pl.ds(jg * L, L)] + pvs[jg]
                    plsc.store_scatter(mid, [iota + jg * L, bb], v)

            @plsc.parallel_loop(0, D, 1, unroll=8)
            def hop_b(d):
                for j in range(BPW // L):
                    dst[d >> 3, d & 7, pl.ds(j * L, L)] = \
                        mid[d, pl.ds(j * L, L)]

        build_idx(0, ib[0])
        start_g(0, 0)
        build_idx(1, ib[1])

        def pair(t, carry):
            for k in range(2):
                s = 2 * t + k
                p = k
                lax.cond(s + 1 < S, lambda: start_g(s + 1, 1 - p),
                         lambda: None)
                wait_g(s, p)
                lax.cond(s >= 2, lambda: wait_o(s - 2, ob[p]), lambda: None)
                transpose_add(s, gb[p], ob[p])
                start_o(s, ob[p])
                lax.cond(s + 2 < S, lambda: build_idx(s + 2, ib[p]),
                         lambda: None)
            return carry

        lax.fori_loop(0, S // 2, pair, 0)
        wait_o(S - 2, ob[0])
        wait_o(S - 1, ob[1])

    return gather_kernel


def kernel(x, token_table, pos_embed):
    B, S = x.shape
    V, D = token_table.shape
    info = plsc.get_sparse_core_info()
    NC, NS = info.num_cores, info.num_subcores

    x_flat = x.reshape(B * S).astype(jnp.int32)
    pos2d = pos_embed[0, :S, :].astype(jnp.float32)
    tbl_t = token_table.T
    VT = (V // KC) * KC
    tail_lin = tbl_t[:, VT:].T.reshape((V - VT) * D)

    lin = _build_transpose(V, D, NC, NS)(tbl_t, tail_lin)
    out5 = _build_gather(B, S, D, V, NC, NS)(
        x_flat, lin.reshape(V, D), pos2d)
    return out5.transpose(2, 4, 0, 1, 3).reshape(B, S, D)

# --- scband reference (transcript-rebuilt; emitter-appended) ---
"""Pipeline reference for scband-embedding-layer-88484916232408 (READ-ONLY COPY).

The authoritative reference and input builder live on the scoring server;
editing this copy changes nothing except your own understanding.
"""

import jax, jax.numpy as jnp
import numpy as np

VOCAB = 1000000
EMBED_DIM = 64
MAX_LEN = 200
BATCH = 4096
SEQ = 200

def setup_inputs(seed: int = 0) -> dict:
    key = jax.random.key(seed)
    k1, k2, k3 = jax.random.split(key, 3)
    x = jax.random.randint(k1, (BATCH, SEQ), 0, VOCAB, dtype=jnp.int64 if jax.config.read('jax_enable_x64') else jnp.int32)
    token_table = jax.random.normal(k2, (VOCAB, EMBED_DIM), dtype=jnp.float32) * 0.02
    pos_embed = jnp.zeros((1, MAX_LEN, EMBED_DIM), dtype=jnp.float32)
    return {"x": x, "token_table": token_table, "pos_embed": pos_embed}

def reference(x, token_table, pos_embed):
    # token embedding lookup (gather rows)
    tok = jnp.take(token_table, x, axis=0)  # [B, S, D]
    # positional embedding sliced to sequence length
    seq_len = x.shape[1]
    return tok + pos_embed[:, :seq_len, :]

if __name__ == "__main__":
    import jax
    _d = setup_inputs()
    print(jax.jit(kernel)(*tuple(_d.values())))

</pallas_src>

<mosaic_0001>
#map = affine_map<(d0, d1) -> (0)>
#map1 = affine_map<(d0, d1) -> (0, 0)>
#map2 = affine_map<(d0, d1) -> (0, 0, 0, 0, 0)>
module attributes {stable_mosaic.version = 14 : i64} {
  func.func @gather_kernel(%arg0: i32, %arg1: i32, %arg2: memref<819200xi32, #tpu.memory_space<hbm>>, %arg3: memref<1000000x64xf32, #tpu.memory_space<hbm>>, %arg4: memref<200x64xf32, #tpu.memory_space<hbm>>, %arg5: memref<200x8x32x8x128xf32, #tpu.memory_space<hbm>>, %arg6: memref<25600xi32, #tpu.memory_space<vmem>>, %arg7: memref<128xi32, #tpu.memory_space<vmem>>, %arg8: memref<128xi32, #tpu.memory_space<vmem>>, %arg9: memref<128x64xf32, #tpu.memory_space<vmem>>, %arg10: memref<128x64xf32, #tpu.memory_space<vmem>>, %arg11: memref<64x129xf32, #tpu.memory_space<vmem>>, %arg12: memref<8x8x128xf32, #tpu.memory_space<vmem>>, %arg13: memref<8x8x128xf32, #tpu.memory_space<vmem>>, %arg14: memref<200x64xf32, #tpu.memory_space<vmem>>, %arg15: memref<!tpu.dma_semaphore, #tpu.memory_space<semaphore_mem>>, %arg16: memref<!tpu.dma_semaphore, #tpu.memory_space<semaphore_mem>>) attributes {dimension_semantics = [#tpu.dimension_semantics<core_parallel>, #tpu.dimension_semantics<subcore_parallel>], iteration_bounds = array<i64: 2, 16>, scalar_prefetch = 0 : i64, scratch_operands = 11 : i64, tpu.core_type = #tpu.core_type<sc_vector_subcore>, window_params = [{transform_indices = #map}, {transform_indices = #map1}, {transform_indices = #map1}, {transform_indices = #map2}]} {
    %mul3A = arith.constant 2 : i32
    %mul3A_0 = arith.muli %arg1, %mul3A : i32
    %add3A = arith.addi %mul3A_0, %arg0 : i32
    %mul3A_1 = arith.constant 128 : i32
    %mul3A_2 = arith.muli %add3A, %mul3A_1 : i32
    %iota3A = tpu.iota {dimensions = array<i32: 0>} : vector<16xi32>
    %mul3A_3 = arith.constant 200 : i32
    %mul3A_4 = arith.muli %mul3A_2, %mul3A_3 : i32
    "tpu.region"() ({
      %run_scoped3A = tpu.sem_alloc : memref<!tpu.dma_semaphore, #tpu.memory_space<semaphore_mem>>
      %dma_start3A_223 = tpu.memref_slice %arg2[%mul3A_4] : memref<819200xi32, #tpu.memory_space<hbm>> -> memref<25600xi32, #tpu.memory_space<hbm>>
      %dma_start3A_224 = tpu.memref_slice %arg2[%mul3A_4] : memref<819200xi32, #tpu.memory_space<hbm>> -> memref<25600xi32, #tpu.memory_space<hbm>>
      tpu.enqueue_dma source(%dma_start3A_224 : memref<25600xi32, #tpu.memory_space<hbm>>) target(%arg6 : memref<25600xi32, #tpu.memory_space<vmem>>) target_semaphore(%run_scoped3A : memref<!tpu.dma_semaphore, #tpu.memory_space<semaphore_mem>>)
      %dma_wait3A_225 = tpu.memref_slice %arg2[%mul3A_4] : memref<819200xi32, #tpu.memory_space<hbm>> -> memref<25600xi32, #tpu.memory_space<hbm>>
      %dma_wait3A_226 = tpu.memref_slice %arg2[%mul3A_4] : memref<819200xi32, #tpu.memory_space<hbm>> -> memref<25600xi32, #tpu.memory_space<hbm>>
      tpu.wait_dma2 semaphore(%run_scoped3A : memref<!tpu.dma_semaphore, #tpu.memory_space<semaphore_mem>>) src(%dma_wait3A_226 : memref<25600xi32, #tpu.memory_space<hbm>>) dst(%arg6 : memref<25600xi32, #tpu.memory_space<vmem>>)
      tpu.yield
    }) : () -> ()
    "tpu.region"() ({
      %run_scoped3A = tpu.sem_alloc : memref<!tpu.dma_semaphore, #tpu.memory_space<semaphore_mem>>
      tpu.enqueue_dma source(%arg4 : memref<200x64xf32, #tpu.memory_space<hbm>>) target(%arg14 : memref<200x64xf32, #tpu.memory_space<vmem>>) target_semaphore(%run_scoped3A : memref<!tpu.dma_semaphore, #tpu.memory_space<semaphore_mem>>)
      tpu.wait_dma2 semaphore(%run_scoped3A : memref<!tpu.dma_semaphore, #tpu.memory_space<semaphore_mem>>) src(%arg4 : memref<200x64xf32, #tpu.memory_space<hbm>>) dst(%arg14 : memref<200x64xf32, #tpu.memory_space<vmem>>)
      tpu.yield
    }) : () -> ()
    %add3A_5 = arith.constant 0 : i32
    %add3A_6 = vector.broadcast %add3A_5 : i32 to vector<16xi32>
    %add3A_7 = arith.addi %iota3A, %add3A_6 : vector<16xi32>
    %mul3A_8 = arith.constant 200 : i32
    %mul3A_9 = vector.broadcast %mul3A_8 : i32 to vector<16xi32>
    %mul3A_10 = arith.muli %add3A_7, %mul3A_9 : vector<16xi32>
    %add3A_11 = arith.constant 0 : i32
    %add3A_12 = vector.broadcast %add3A_11 : i32 to vector<16xi32>
    %add3A_13 = arith.addi %mul3A_10, %add3A_12 : vector<16xi32>
    %gather3A = tpu.vector_load_idx %arg6[%add3A_13] : memref<25600xi32, #tpu.memory_space<vmem>>[vector<16xi32>], vector<16xi32>,
    %swap3A = arith.constant 0 : index
    %swap3A_14 = tpu.vector_load %arg7[%swap3A] {strides = array<i32>} : memref<128xi32, #tpu.memory_space<vmem>>, vector<16xi32>,
    tpu.vector_store %arg7[%swap3A], %gather3A {strides = array<i32>} : memref<128xi32, #tpu.memory_space<vmem>>, vector<16xi32>,
    %add3A_15 = arith.constant 16 : i32
    %add3A_16 = vector.broadcast %add3A_15 : i32 to vector<16xi32>
    %add3A_17 = arith.addi %iota3A, %add3A_16 : vector<16xi32>
    %mul3A_18 = arith.constant 200 : i32
    %mul3A_19 = vector.broadcast %mul3A_18 : i32 to vector<16xi32>
    %mul3A_20 = arith.muli %add3A_17, %mul3A_19 : vector<16xi32>
    %add3A_21 = arith.constant 0 : i32
    %add3A_22 = vector.broadcast %add3A_21 : i32 to vector<16xi32>
    %add3A_23 = arith.addi %mul3A_20, %add3A_22 : vector<16xi32>
    %gather3A_24 = tpu.vector_load_idx %arg6[%add3A_23] : memref<25600xi32, #tpu.memory_space<vmem>>[vector<16xi32>], vector<16xi32>,
    %swap3A_25 = arith.constant 16 : index
    %swap3A_26 = tpu.vector_load %arg7[%swap3A_25] {strides = array<i32>} : memref<128xi32, #tpu.memory_space<vmem>>, vector<16xi32>,
    tpu.vector_store %arg7[%swap3A_25], %gather3A_24 {strides = array<i32>} : memref<128xi32, #tpu.memory_space<vmem>>, vector<16xi32>,
    %add3A_27 = arith.constant 32 : i32
    %add3A_28 = vector.broadcast %add3A_27 : i32 to vector<16xi32>
    %add3A_29 = arith.addi %iota3A, %add3A_28 : vector<16xi32>
    %mul3A_30 = arith.constant 200 : i32
    %mul3A_31 = vector.broadcast %mul3A_30 : i32 to vector<16xi32>
    %mul3A_32 = arith.muli %add3A_29, %mul3A_31 : vector<16xi32>
    %add3A_33 = arith.constant 0 : i32
    %add3A_34 = vector.broadcast %add3A_33 : i32 to vector<16xi32>
    %add3A_35 = arith.addi %mul3A_32, %add3A_34 : vector<16xi32>
    %gather3A_36 = tpu.vector_load_idx %arg6[%add3A_35] : memref<25600xi32, #tpu.memory_space<vmem>>[vector<16xi32>], vector<16xi32>,
    %swap3A_37 = arith.constant 32 : index
    %swap3A_38 = tpu.vector_load %arg7[%swap3A_37] {strides = array<i32>} : memref<128xi32, #tpu.memory_space<vmem>>, vector<16xi32>,
    tpu.vector_store %arg7[%swap3A_37], %gather3A_36 {strides = array<i32>} : memref<128xi32, #tpu.memory_space<vmem>>, vector<16xi32>,
    %add3A_39 = arith.constant 48 : i32
    %add3A_40 = vector.broadcast %add3A_39 : i32 to vector<16xi32>
    %add3A_41 = arith.addi %iota3A, %add3A_40 : vector<16xi32>
    %mul3A_42 = arith.constant 200 : i32
    %mul3A_43 = vector.broadcast %mul3A_42 : i32 to vector<16xi32>
    %mul3A_44 = arith.muli %add3A_41, %mul3A_43 : vector<16xi32>
    %add3A_45 = arith.constant 0 : i32
    %add3A_46 = vector.broadcast %add3A_45 : i32 to vector<16xi32>
    %add3A_47 = arith.addi %mul3A_44, %add3A_46 : vector<16xi32>
    %gather3A_48 = tpu.vector_load_idx %arg6[%add3A_47] : memref<25600xi32, #tpu.memory_space<vmem>>[vector<16xi32>], vector<16xi32>,
    %swap3A_49 = arith.constant 48 : index
    %swap3A_50 = tpu.vector_load %arg7[%swap3A_49] {strides = array<i32>} : memref<128xi32, #tpu.memory_space<vmem>>, vector<16xi32>,
    tpu.vector_store %arg7[%swap3A_49], %gather3A_48 {strides = array<i32>} : memref<128xi32, #tpu.memory_space<vmem>>, vector<16xi32>,
    %add3A_51 = arith.constant 64 : i32
    %add3A_52 = vector.broadcast %add3A_51 : i32 to vector<16xi32>
    %add3A_53 = arith.addi %iota3A, %add3A_52 : vector<16xi32>
    %mul3A_54 = arith.constant 200 : i32
    %mul3A_55 = vector.broadcast %mul3A_54 : i32 to vector<16xi32>
    %mul3A_56 = arith.muli %add3A_53, %mul3A_55 : vector<16xi32>
    %add3A_57 = arith.constant 0 : i32
    %add3A_58 = vector.broadcast %add3A_57 : i32 to vector<16xi32>
    %add3A_59 = arith.addi %mul3A_56, %add3A_58 : vector<16xi32>
    %gather3A_60 = tpu.vector_load_idx %arg6[%add3A_59] : memref<25600xi32, #tpu.memory_space<vmem>>[vector<16xi32>], vector<16xi32>,
    %swap3A_61 = arith.constant 64 : index
    %swap3A_62 = tpu.vector_load %arg7[%swap3A_61] {strides = array<i32>} : memref<128xi32, #tpu.memory_space<vmem>>, vector<16xi32>,
    tpu.vector_store %arg7[%swap3A_61], %gather3A_60 {strides = array<i32>} : memref<128xi32, #tpu.memory_space<vmem>>, vector<16xi32>,
    %add3A_63 = arith.constant 80 : i32
    %add3A_64 = vector.broadcast %add3A_63 : i32 to vector<16xi32>
    %add3A_65 = arith.addi %iota3A, %add3A_64 : vector<16xi32>
    %mul3A_66 = arith.constant 200 : i32
    %mul3A_67 = vector.broadcast %mul3A_66 : i32 to vector<16xi32>
    %mul3A_68 = arith.muli %add3A_65, %mul3A_67 : vector<16xi32>
    %add3A_69 = arith.constant 0 : i32
    %add3A_70 = vector.broadcast %add3A_69 : i32 to vector<16xi32>
    %add3A_71 = arith.addi %mul3A_68, %add3A_70 : vector<16xi32>
    %gather3A_72 = tpu.vector_load_idx %arg6[%add3A_71] : memref<25600xi32, #tpu.memory_space<vmem>>[vector<16xi32>], vector<16xi32>,
    %swap3A_73 = arith.constant 80 : index
    %swap3A_74 = tpu.vector_load %arg7[%swap3A_73] {strides = array<i32>} : memref<128xi32, #tpu.memory_space<vmem>>, vector<16xi32>,
    tpu.vector_store %arg7[%swap3A_73], %gather3A_72 {strides = array<i32>} : memref<128xi32, #tpu.memory_space<vmem>>, vector<16xi32>,
    %add3A_75 = arith.constant 96 : i32
    %add3A_76 = vector.broadcast %add3A_75 : i32 to vector<16xi32>
    %add3A_77 = arith.addi %iota3A, %add3A_76 : vector<16xi32>
    %mul3A_78 = arith.constant 200 : i32
    %mul3A_79 = vector.broadcast %mul3A_78 : i32 to vector<16xi32>
    %mul3A_80 = arith.muli %add3A_77, %mul3A_79 : vector<16xi32>
    %add3A_81 = arith.constant 0 : i32
    %add3A_82 = vector.broadcast %add3A_81 : i32 to vector<16xi32>
    %add3A_83 = arith.addi %mul3A_80, %add3A_82 : vector<16xi32>
    %gather3A_84 = tpu.vector_load_idx %arg6[%add3A_83] : memref<25600xi32, #tpu.memory_space<vmem>>[vector<16xi32>], vector<16xi32>,
    %swap3A_85 = arith.constant 96 : index
    %swap3A_86 = tpu.vector_load %arg7[%swap3A_85] {strides = array<i32>} : memref<128xi32, #tpu.memory_space<vmem>>, vector<16xi32>,
    tpu.vector_store %arg7[%swap3A_85], %gather3A_84 {strides = array<i32>} : memref<128xi32, #tpu.memory_space<vmem>>, vector<16xi32>,
    %add3A_87 = arith.constant 112 : i32
    %add3A_88 = vector.broadcast %add3A_87 : i32 to vector<16xi32>
    %add3A_89 = arith.addi %iota3A, %add3A_88 : vector<16xi32>
    %mul3A_90 = arith.constant 200 : i32
    %mul3A_91 = vector.broadcast %mul3A_90 : i32 to vector<16xi32>
    %mul3A_92 = arith.muli %add3A_89, %mul3A_91 : vector<16xi32>
    %add3A_93 = arith.constant 0 : i32
    %add3A_94 = vector.broadcast %add3A_93 : i32 to vector<16xi32>
    %add3A_95 = arith.addi %mul3A_92, %add3A_94 : vector<16xi32>
    %gather3A_96 = tpu.vector_load_idx %arg6[%add3A_95] : memref<25600xi32, #tpu.memory_space<vmem>>[vector<16xi32>], vector<16xi32>,
    %swap3A_97 = arith.constant 112 : index
    %swap3A_98 = tpu.vector_load %arg7[%swap3A_97] {strides = array<i32>} : memref<128xi32, #tpu.memory_space<vmem>>, vector<16xi32>,
    tpu.vector_store %arg7[%swap3A_97], %gather3A_96 {strides = array<i32>} : memref<128xi32, #tpu.memory_space<vmem>>, vector<16xi32>,
    %dma_start3A = arith.constant 0 : i32
    %dma_start3A_99 = arith.constant 0 : i32
    %dma_start3A_100 = tpu.memref_slice %arg3[%dma_start3A, %dma_start3A_99] : memref<1000000x64xf32, #tpu.memory_space<hbm>> -> memref<1000000x64xf32, #tpu.memory_space<hbm>>
    tpu.enqueue_indirect_dma source(%dma_start3A_100 : memref<1000000x64xf32, #tpu.memory_space<hbm>>) target(%arg9 : memref<128x64xf32, #tpu.memory_space<vmem>>) offsets(%arg7 : memref<128xi32, #tpu.memory_space<vmem>>) semaphore(%arg15 : memref<!tpu.dma_semaphore, #tpu.memory_space<semaphore_mem>>)
    %add3A_101 = arith.constant 0 : i32
    %add3A_102 = vector.broadcast %add3A_101 : i32 to vector<16xi32>
    %add3A_103 = arith.addi %iota3A, %add3A_102 : vector<16xi32>
    %mul3A_104 = arith.constant 200 : i32
    %mul3A_105 = vector.broadcast %mul3A_104 : i32 to vector<16xi32>
    %mul3A_106 = arith.muli %add3A_103, %mul3A_105 : vector<16xi32>
    %add3A_107 = arith.constant 1 : i32
    %add3A_108 = vector.broadcast %add3A_107 : i32 to vector<16xi32>
    %add3A_109 = arith.addi %mul3A_106, %add3A_108 : vector<16xi32>
    %gather3A_110 = tpu.vector_load_idx %arg6[%add3A_109] : memref<25600xi32, #tpu.memory_space<vmem>>[vector<16xi32>], vector<16xi32>,
    %swap3A_111 = arith.constant 0 : index
    %swap3A_112 = tpu.vector_load %arg8[%swap3A_111] {strides = array<i32>} : memref<128xi32, #tpu.memory_space<vmem>>, vector<16xi32>,
    tpu.vector_store %arg8[%swap3A_111], %gather3A_110 {strides = array<i32>} : memref<128xi32, #tpu.memory_space<vmem>>, vector<16xi32>,
    %add3A_113 = arith.constant 16 : i32
    %add3A_114 = vector.broadcast %add3A_113 : i32 to vector<16xi32>
    %add3A_115 = arith.addi %iota3A, %add3A_114 : vector<16xi32>
    %mul3A_116 = arith.constant 200 : i32
    %mul3A_117 = vector.broadcast %mul3A_116 : i32 to vector<16xi32>
    %mul3A_118 = arith.muli %add3A_115, %mul3A_117 : vector<16xi32>
    %add3A_119 = arith.constant 1 : i32
    %add3A_120 = vector.broadcast %add3A_119 : i32 to vector<16xi32>
    %add3A_121 = arith.addi %mul3A_118, %add3A_120 : vector<16xi32>
    %gather3A_122 = tpu.vector_load_idx %arg6[%add3A_121] : memref<25600xi32, #tpu.memory_space<vmem>>[vector<16xi32>], vector<16xi32>,
    %swap3A_123 = arith.constant 16 : index
    %swap3A_124 = tpu.vector_load %arg8[%swap3A_123] {strides = array<i32>} : memref<128xi32, #tpu.memory_space<vmem>>, vector<16xi32>,
    tpu.vector_store %arg8[%swap3A_123], %gather3A_122 {strides = array<i32>} : memref<128xi32, #tpu.memory_space<vmem>>, vector<16xi32>,
    %add3A_125 = arith.constant 32 : i32
    %add3A_126 = vector.broadcast %add3A_125 : i32 to vector<16xi32>
    %add3A_127 = arith.addi %iota3A, %add3A_126 : vector<16xi32>
    %mul3A_128 = arith.constant 200 : i32
    %mul3A_129 = vector.broadcast %mul3A_128 : i32 to vector<16xi32>
    %mul3A_130 = arith.muli %add3A_127, %mul3A_129 : vector<16xi32>
    %add3A_131 = arith.constant 1 : i32
    %add3A_132 = vector.broadcast %add3A_131 : i32 to vector<16xi32>
    %add3A_133 = arith.addi %mul3A_130, %add3A_132 : vector<16xi32>
    %gather3A_134 = tpu.vector_load_idx %arg6[%add3A_133] : memref<25600xi32, #tpu.memory_space<vmem>>[vector<16xi32>], vector<16xi32>,
    %swap3A_135 = arith.constant 32 : index
    %swap3A_136 = tpu.vector_load %arg8[%swap3A_135] {strides = array<i32>} : memref<128xi32, #tpu.memory_space<vmem>>, vector<16xi32>,
    tpu.vector_store %arg8[%swap3A_135], %gather3A_134 {strides = array<i32>} : memref<128xi32, #tpu.memory_space<vmem>>, vector<16xi32>,
    %add3A_137 = arith.constant 48 : i32
    %add3A_138 = vector.broadcast %add3A_137 : i32 to vector<16xi32>
    %add3A_139 = arith.addi %iota3A, %add3A_138 : vector<16xi32>
    %mul3A_140 = arith.constant 200 : i32
    %mul3A_141 = vector.broadcast %mul3A_140 : i32 to vector<16xi32>
    %mul3A_142 = arith.muli %add3A_139, %mul3A_141 : vector<16xi32>
    %add3A_143 = arith.constant 1 : i32
    %add3A_144 = vector.broadcast %add3A_143 : i32 to vector<16xi32>
    %add3A_145 = arith.addi %mul3A_142, %add3A_144 : vector<16xi32>
    %gather3A_146 = tpu.vector_load_idx %arg6[%add3A_145] : memref<25600xi32, #tpu.memory_space<vmem>>[vector<16xi32>], vector<16xi32>,
    %swap3A_147 = arith.constant 48 : index
    %swap3A_148 = tpu.vector_load %arg8[%swap3A_147] {strides = array<i32>} : memref<128xi32, #tpu.memory_space<vmem>>, vector<16xi32>,
    tpu.vector_store %arg8[%swap3A_147], %gather3A_146 {strides = array<i32>} : memref<128xi32, #tpu.memory_space<vmem>>, vector<16xi32>,
    %add3A_149 = arith.constant 64 : i32
    %add3A_150 = vector.broadcast %add3A_149 : i32 to vector<16xi32>
    %add3A_151 = arith.addi %iota3A, %add3A_150 : vector<16xi32>
    %mul3A_152 = arith.constant 200 : i32
    %mul3A_153 = vector.broadcast %mul3A_152 : i32 to vector<16xi32>
    %mul3A_154 = arith.muli %add3A_151, %mul3A_153 : vector<16xi32>
    %add3A_155 = arith.constant 1 : i32
    %add3A_156 = vector.broadcast %add3A_155 : i32 to vector<16xi32>
    %add3A_157 = arith.addi %mul3A_154, %add3A_156 : vector<16xi32>
    %gather3A_158 = tpu.vector_load_idx %arg6[%add3A_157] : memref<25600xi32, #tpu.memory_space<vmem>>[vector<16xi32>], vector<16xi32>,
    %swap3A_159 = arith.constant 64 : index
    %swap3A_160 = tpu.vector_load %arg8[%swap3A_159] {strides = array<i32>} : memref<128xi32, #tpu.memory_space<vmem>>, vector<16xi32>,
    tpu.vector_store %arg8[%swap3A_159], %gather3A_158 {strides = array<i32>} : memref<128xi32, #tpu.memory_space<vmem>>, vector<16xi32>,
    %add3A_161 = arith.constant 80 : i32
    %add3A_162 = vector.broadcast %add3A_161 : i32 to vector<16xi32>
    %add3A_163 = arith.addi %iota3A, %add3A_162 : vector<16xi32>
    %mul3A_164 = arith.constant 200 : i32
    %mul3A_165 = vector.broadcast %mul3A_164 : i32 to vector<16xi32>
    %mul3A_166 = arith.muli %add3A_163, %mul3A_165 : vector<16xi32>
    %add3A_167 = arith.constant 1 : i32
    %add3A_168 = vector.broadcast %add3A_167 : i32 to vector<16xi32>
    %add3A_169 = arith.addi %mul3A_166, %add3A_168 : vector<16xi32>
    %gather3A_170 = tpu.vector_load_idx %arg6[%add3A_169] : memref<25600xi32, #tpu.memory_space<vmem>>[vector<16xi32>], vector<16xi32>,
    %swap3A_171 = arith.constant 80 : index
    %swap3A_172 = tpu.vector_load %arg8[%swap3A_171] {strides = array<i32>} : memref<128xi32, #tpu.memory_space<vmem>>, vector<16xi32>,
    tpu.vector_store %arg8[%swap3A_171], %gather3A_170 {strides = array<i32>} : memref<128xi32, #tpu.memory_space<vmem>>, vector<16xi32>,
    %add3A_173 = arith.constant 96 : i32
    %add3A_174 = vector.broadcast %add3A_173 : i32 to vector<16xi32>
    %add3A_175 = arith.addi %iota3A, %add3A_174 : vector<16xi32>
    %mul3A_176 = arith.constant 200 : i32
    %mul3A_177 = vector.broadcast %mul3A_176 : i32 to vector<16xi32>
    %mul3A_178 = arith.muli %add3A_175, %mul3A_177 : vector<16xi32>
    %add3A_179 = arith.constant 1 : i32
    %add3A_180 = vector.broadcast %add3A_179 : i32 to vector<16xi32>
    %add3A_181 = arith.addi %mul3A_178, %add3A_180 : vector<16xi32>
    %gather3A_182 = tpu.vector_load_idx %arg6[%add3A_181] : memref<25600xi32, #tpu.memory_space<vmem>>[vector<16xi32>], vector<16xi32>,
    %swap3A_183 = arith.constant 96 : index
    %swap3A_184 = tpu.vector_load %arg8[%swap3A_183] {strides = array<i32>} : memref<128xi32, #tpu.memory_space<vmem>>, vector<16xi32>,
    tpu.vector_store %arg8[%swap3A_183], %gather3A_182 {strides = array<i32>} : memref<128xi32, #tpu.memory_space<vmem>>, vector<16xi32>,
    %add3A_185 = arith.constant 112 : i32
    %add3A_186 = vector.broadcast %add3A_185 : i32 to vector<16xi32>
    %add3A_187 = arith.addi %iota3A, %add3A_186 : vector<16xi32>
    %mul3A_188 = arith.constant 200 : i32
    %mul3A_189 = vector.broadcast %mul3A_188 : i32 to vector<16xi32>
    %mul3A_190 = arith.muli %add3A_187, %mul3A_189 : vector<16xi32>
    %add3A_191 = arith.constant 1 : i32
    %add3A_192 = vector.broadcast %add3A_191 : i32 to vector<16xi32>
    %add3A_193 = arith.addi %mul3A_190, %add3A_192 : vector<16xi32>
    %gather3A_194 = tpu.vector_load_idx %arg6[%add3A_193] : memref<25600xi32, #tpu.memory_space<vmem>>[vector<16xi32>], vector<16xi32>,
    %swap3A_195 = arith.constant 112 : index
    %swap3A_196 = tpu.vector_load %arg8[%swap3A_195] {strides = array<i32>} : memref<128xi32, #tpu.memory_space<vmem>>, vector<16xi32>,
    tpu.vector_store %arg8[%swap3A_195], %gather3A_194 {strides = array<i32>} : memref<128xi32, #tpu.memory_space<vmem>>, vector<16xi32>,
    %scan3A = arith.constant 0 : i32
    %scan3A_197 = arith.constant 0 : i32
    %scan3A_198 = arith.constant 100 : i32
    %scan3A_199 = arith.addi %scan3A_197, %scan3A_198 : i32
    %scan3A_200 = arith.constant 1 : i32
    scf.for %scan3A_223 = %scan3A_197 to %scan3A_199 step %scan3A_200  : i32 {
      %mul3A_224 = arith.constant 2 : i32
      %mul3A_225 = arith.muli %mul3A_224, %scan3A_223 : i32
      %add3A_226 = arith.constant 0 : i32
      %add3A_227 = arith.addi %mul3A_225, %add3A_226 : i32
      %add3A_228 = arith.constant 1 : i32
      %add3A_229 = arith.addi %add3A_227, %add3A_228 : i32
      %lt3A = arith.constant 200 : i32
      %lt3A_230 = arith.cmpi slt, %add3A_229, %lt3A : i32
      %convert_element_type3A = arith.extui %lt3A_230 : i1 to i32
      %cond3A = arith.constant 0 : i32
      %cond3A_231 = arith.cmpi ne, %convert_element_type3A, %cond3A : i32
      scf.if %cond3A_231 {
        %add3A_326 = arith.constant 1 : i32
        %add3A_327 = arith.addi %add3A_227, %add3A_326 : i32
        %dma_start3A_328 = arith.constant 0 : i32
        %dma_start3A_329 = arith.constant 0 : i32
        %dma_start3A_330 = tpu.memref_slice %arg3[%dma_start3A_328, %dma_start3A_329] : memref<1000000x64xf32, #tpu.memory_space<hbm>> -> memref<1000000x64xf32, #tpu.memory_space<hbm>>
        tpu.enqueue_indirect_dma source(%dma_start3A_330 : memref<1000000x64xf32, #tpu.memory_space<hbm>>) target(%arg10 : memref<128x64xf32, #tpu.memory_space<vmem>>) offsets(%arg8 : memref<128xi32, #tpu.memory_space<vmem>>) semaphore(%arg15 : memref<!tpu.dma_semaphore, #tpu.memory_space<semaphore_mem>>)
      } else {
      }
      %dma_wait3A_232 = arith.constant 0 : i32
      %dma_wait3A_233 = arith.constant 0 : i32
      %dma_wait3A_234 = tpu.memref_slice %arg3[%dma_wait3A_232, %dma_wait3A_233] : memref<1000000x64xf32, #tpu.memory_space<hbm>> -> memref<1000000x64xf32, #tpu.memory_space<hbm>>
      tpu.wait_indirect_dma semaphore(%arg15 : memref<!tpu.dma_semaphore, #tpu.memory_space<semaphore_mem>>) src(%dma_wait3A_234 : memref<1000000x64xf32, #tpu.memory_space<hbm>>) dst(%arg9 : memref<128x64xf32, #tpu.memory_space<vmem>>)
      %ge3A = arith.constant 2 : i32
      %ge3A_235 = arith.cmpi sge, %add3A_227, %ge3A : i32
      %convert_element_type3A_236 = arith.extui %ge3A_235 : i1 to i32
      %cond3A_237 = arith.constant 0 : i32
      %cond3A_238 = arith.cmpi ne, %convert_element_type3A_236, %cond3A_237 : i32
      scf.if %cond3A_238 {
        %sub3A = arith.constant 2 : i32
        %sub3A_326 = arith.subi %add3A_227, %sub3A : i32
        %dma_wait3A_327 = arith.constant 0 : i32
        %dma_wait3A_328 = arith.constant 0 : i32
        %dma_wait3A_329 = arith.constant 0 : i32
        %dma_wait3A_330 = tpu.memref_slice %arg5[%sub3A_326, %dma_wait3A_327, %add3A, %dma_wait3A_328, %dma_wait3A_329] : memref<200x8x32x8x128xf32, #tpu.memory_space<hbm>> -> memref<1x8x1x8x128xf32, #tpu.memory_space<hbm>>
        %dma_wait3A_331 = tpu.memref_squeeze %dma_wait3A_330 : memref<1x8x1x8x128xf32, #tpu.memory_space<hbm>> -> memref<8x8x128xf32, #tpu.memory_space<hbm>>
        %dma_wait3A_332 = arith.constant 0 : i32
        %dma_wait3A_333 = arith.constant 0 : i32
        %dma_wait3A_334 = arith.constant 0 : i32
        %dma_wait3A_335 = tpu.memref_slice %arg5[%sub3A_326, %dma_wait3A_332, %add3A, %dma_wait3A_333, %dma_wait3A_334] : memref<200x8x32x8x128xf32, #tpu.memory_space<hbm>> -> memref<1x8x1x8x128xf32, #tpu.memory_space<hbm>>
        %dma_wait3A_336 = tpu.memref_squeeze %dma_wait3A_335 : memref<1x8x1x8x128xf32, #tpu.memory_space<hbm>> -> memref<8x8x128xf32, #tpu.memory_space<hbm>>
        tpu.wait_dma2 semaphore(%arg16 : memref<!tpu.dma_semaphore, #tpu.memory_space<semaphore_mem>>) src(%arg12 : memref<8x8x128xf32, #tpu.memory_space<vmem>>) dst(%dma_wait3A_336 : memref<8x8x128xf32, #tpu.memory_space<hbm>>)
      } else {
      }
      %get3A = arith.index_cast %add3A_227 : i32 to index
      %get3A_239 = arith.constant 0 : index
      %get3A_240 = tpu.vector_load %arg14[%get3A, %get3A_239] {strides = array<i32>} : memref<200x64xf32, #tpu.memory_space<vmem>>, vector<16xf32>,
      %get3A_241 = arith.index_cast %add3A_227 : i32 to index
      %get3A_242 = arith.constant 16 : index
      %get3A_243 = tpu.vector_load %arg14[%get3A_241, %get3A_242] {strides = array<i32>} : memref<200x64xf32, #tpu.memory_space<vmem>>, vector<16xf32>,
      %get3A_244 = arith.index_cast %add3A_227 : i32 to index
      %get3A_245 = arith.constant 32 : index
      %get3A_246 = tpu.vector_load %arg14[%get3A_244, %get3A_245] {strides = array<i32>} : memref<200x64xf32, #tpu.memory_space<vmem>>, vector<16xf32>,
      %get3A_247 = arith.index_cast %add3A_227 : i32 to index
      %get3A_248 = arith.constant 48 : index
      %get3A_249 = tpu.vector_load %arg14[%get3A_247, %get3A_248] {strides = array<i32>} : memref<200x64xf32, #tpu.memory_space<vmem>>, vector<16xf32>,
      %parallel_loop3A = arith.constant 0 : i32
      %parallel_loop3A_250 = arith.constant 128 : i32
      %parallel_loop3A_251 = arith.constant 1 : i32
      scf.for %parallel_loop3A_326 = %parallel_loop3A to %parallel_loop3A_250 step %parallel_loop3A_251  : i32 {
        %parallel_loop3A_327 = vector.broadcast %parallel_loop3A_326 : i32 to vector<16xi32>
        %parallel_loop3A_328 = arith.index_cast %parallel_loop3A_326 : i32 to index
        %parallel_loop3A_329 = arith.constant 0 : index
        %parallel_loop3A_330 = tpu.vector_load %arg9[%parallel_loop3A_328, %parallel_loop3A_329] {strides = array<i32>} : memref<128x64xf32, #tpu.memory_space<vmem>>, vector<16xf32>,
        %parallel_loop3A_331 = arith.addf %parallel_loop3A_330, %get3A_240 : vector<16xf32>
        %parallel_loop3A_332 = arith.constant 0 : i32
        %parallel_loop3A_333 = vector.broadcast %parallel_loop3A_332 : i32 to vector<16xi32>
        %parallel_loop3A_334 = arith.addi %iota3A, %parallel_loop3A_333 : vector<16xi32>
        tpu.vector_store_idx %arg11[%parallel_loop3A_334, %parallel_loop3A_327], %parallel_loop3A_331 : memref<64x129xf32, #tpu.memory_space<vmem>>[vector<16xi32>, vector<16xi32>], vector<16xf32>,
        %parallel_loop3A_335 = arith.index_cast %parallel_loop3A_326 : i32 to index
        %parallel_loop3A_336 = arith.constant 16 : index
        %parallel_loop3A_337 = tpu.vector_load %arg9[%parallel_loop3A_335, %parallel_loop3A_336] {strides = array<i32>} : memref<128x64xf32, #tpu.memory_space<vmem>>, vector<16xf32>,
        %parallel_loop3A_338 = arith.addf %parallel_loop3A_337, %get3A_243 : vector<16xf32>
        %parallel_loop3A_339 = arith.constant 16 : i32
        %parallel_loop3A_340 = vector.broadcast %parallel_loop3A_339 : i32 to vector<16xi32>
        %parallel_loop3A_341 = arith.addi %iota3A, %parallel_loop3A_340 : vector<16xi32>
        tpu.vector_store_idx %arg11[%parallel_loop3A_341, %parallel_loop3A_327], %parallel_loop3A_338 : memref<64x129xf32, #tpu.memory_space<vmem>>[vector<16xi32>, vector<16xi32>], vector<16xf32>,
        %parallel_loop3A_342 = arith.index_cast %parallel_loop3A_326 : i32 to index
        %parallel_loop3A_343 = arith.constant 32 : index
        %parallel_loop3A_344 = tpu.vector_load %arg9[%parallel_loop3A_342, %parallel_loop3A_343] {strides = array<i32>} : memref<128x64xf32, #tpu.memory_space<vmem>>, vector<16xf32>,
        %parallel_loop3A_345 = arith.addf %parallel_loop3A_344, %get3A_246 : vector<16xf32>
        %parallel_loop3A_346 = arith.constant 32 : i32
        %parallel_loop3A_347 = vector.broadcast %parallel_loop3A_346 : i32 to vector<16xi32>
        %parallel_loop3A_348 = arith.addi %iota3A, %parallel_loop3A_347 : vector<16xi32>
        tpu.vector_store_idx %arg11[%parallel_loop3A_348, %parallel_loop3A_327], %parallel_loop3A_345 : memref<64x129xf32, #tpu.memory_space<vmem>>[vector<16xi32>, vector<16xi32>], vector<16xf32>,
        %parallel_loop3A_349 = arith.index_cast %parallel_loop3A_326 : i32 to index
        %parallel_loop3A_350 = arith.constant 48 : index
        %parallel_loop3A_351 = tpu.vector_load %arg9[%parallel_loop3A_349, %parallel_loop3A_350] {strides = array<i32>} : memref<128x64xf32, #tpu.memory_space<vmem>>, vector<16xf32>,
        %parallel_loop3A_352 = arith.addf %parallel_loop3A_351, %get3A_249 : vector<16xf32>
        %parallel_loop3A_353 = arith.constant 48 : i32
        %parallel_loop3A_354 = vector.broadcast %parallel_loop3A_353 : i32 to vector<16xi32>
        %parallel_loop3A_355 = arith.addi %iota3A, %parallel_loop3A_354 : vector<16xi32>
        tpu.vector_store_idx %arg11[%parallel_loop3A_355, %parallel_loop3A_327], %parallel_loop3A_352 : memref<64x129xf32, #tpu.memory_space<vmem>>[vector<16xi32>, vector<16xi32>], vector<16xf32>,
      } {sc.loop_unroll_factor = 8 : i64, sc.parallel_access}
      %parallel_loop3A_252 = arith.constant 0 : i32
      %parallel_loop3A_253 = arith.constant 64 : i32
      %parallel_loop3A_254 = arith.constant 1 : i32
      scf.for %parallel_loop3A_326 = %parallel_loop3A_252 to %parallel_loop3A_253 step %parallel_loop3A_254  : i32 {
        %parallel_loop3A_327 = arith.index_cast %parallel_loop3A_326 : i32 to index
        %parallel_loop3A_328 = arith.constant 0 : index
        %parallel_loop3A_329 = tpu.vector_load %arg11[%parallel_loop3A_327, %parallel_loop3A_328] {strides = array<i32>} : memref<64x129xf32, #tpu.memory_space<vmem>>, vector<16xf32>,
        %parallel_loop3A_330 = arith.constant 3 : i32
        %parallel_loop3A_331 = arith.shrsi %parallel_loop3A_326, %parallel_loop3A_330 : i32
        %parallel_loop3A_332 = arith.constant 7 : i32
        %parallel_loop3A_333 = arith.andi %parallel_loop3A_326, %parallel_loop3A_332 : i32
        %parallel_loop3A_334 = arith.index_cast %parallel_loop3A_331 : i32 to index
        %parallel_loop3A_335 = arith.index_cast %parallel_loop3A_333 : i32 to index
        %parallel_loop3A_336 = arith.constant 0 : index
        %parallel_loop3A_337 = tpu.vector_load %arg12[%parallel_loop3A_334, %parallel_loop3A_335, %parallel_loop3A_336] {strides = array<i32>} : memref<8x8x128xf32, #tpu.memory_space<vmem>>, vector<16xf32>,
        tpu.vector_store %arg12[%parallel_loop3A_334, %parallel_loop3A_335, %parallel_loop3A_336], %parallel_loop3A_329 {strides = array<i32>} : memref<8x8x128xf32, #tpu.memory_space<vmem>>, vector<16xf32>,
        %parallel_loop3A_338 = arith.index_cast %parallel_loop3A_326 : i32 to index
        %parallel_loop3A_339 = arith.constant 16 : index
        %parallel_loop3A_340 = tpu.vector_load %arg11[%parallel_loop3A_338, %parallel_loop3A_339] {strides = array<i32>} : memref<64x129xf32, #tpu.memory_space<vmem>>, vector<16xf32>,
        %parallel_loop3A_341 = arith.constant 3 : i32
        %parallel_loop3A_342 = arith.shrsi %parallel_loop3A_326, %parallel_loop3A_341 : i32
        %parallel_loop3A_343 = arith.constant 7 : i32
        %parallel_loop3A_344 = arith.andi %parallel_loop3A_326, %parallel_loop3A_343 : i32
        %parallel_loop3A_345 = arith.index_cast %parallel_loop3A_342 : i32 to index
        %parallel_loop3A_346 = arith.index_cast %parallel_loop3A_344 : i32 to index
        %parallel_loop3A_347 = arith.constant 16 : index
        %parallel_loop3A_348 = tpu.vector_load %arg12[%parallel_loop3A_345, %parallel_loop3A_346, %parallel_loop3A_347] {strides = array<i32>} : memref<8x8x128xf32, #tpu.memory_space<vmem>>, vector<16xf32>,
        tpu.vector_store %arg12[%parallel_loop3A_345, %parallel_loop3A_346, %parallel_loop3A_347], %parallel_loop3A_340 {strides = array<i32>} : memref<8x8x128xf32, #tpu.memory_space<vmem>>, vector<16xf32>,
        %parallel_loop3A_349 = arith.index_cast %parallel_loop3A_326 : i32 to index
        %parallel_loop3A_350 = arith.constant 32 : index
        %parallel_loop3A_351 = tpu.vector_load %arg11[%parallel_loop3A_349, %parallel_loop3A_350] {strides = array<i32>} : memref<64x129xf32, #tpu.memory_space<vmem>>, vector<16xf32>,
        %parallel_loop3A_352 = arith.constant 3 : i32
        %parallel_loop3A_353 = arith.shrsi %parallel_loop3A_326, %parallel_loop3A_352 : i32
        %parallel_loop3A_354 = arith.constant 7 : i32
        %parallel_loop3A_355 = arith.andi %parallel_loop3A_326, %parallel_loop3A_354 : i32
        %parallel_loop3A_356 = arith.index_cast %parallel_loop3A_353 : i32 to index
        %parallel_loop3A_357 = arith.index_cast %parallel_loop3A_355 : i32 to index
        %parallel_loop3A_358 = arith.constant 32 : index
        %parallel_loop3A_359 = tpu.vector_load %arg12[%parallel_loop3A_356, %parallel_loop3A_357, %parallel_loop3A_358] {strides = array<i32>} : memref<8x8x128xf32, #tpu.memory_space<vmem>>, vector<16xf32>,
        tpu.vector_store %arg12[%parallel_loop3A_356, %parallel_loop3A_357, %parallel_loop3A_358], %parallel_loop3A_351 {strides = array<i32>} : memref<8x8x128xf32, #tpu.memory_space<vmem>>, vector<16xf32>,
        %parallel_loop3A_360 = arith.index_cast %parallel_loop3A_326 : i32 to index
        %parallel_loop3A_361 = arith.constant 48 : index
        %parallel_loop3A_362 = tpu.vector_load %arg11[%parallel_loop3A_360, %parallel_loop3A_361] {strides = array<i32>} : memref<64x129xf32, #tpu.memory_space<vmem>>, vector<16xf32>,
        %parallel_loop3A_363 = arith.constant 3 : i32
        %parallel_loop3A_364 = arith.shrsi %parallel_loop3A_326, %parallel_loop3A_363 : i32
        %parallel_loop3A_365 = arith.constant 7 : i32
        %parallel_loop3A_366 = arith.andi %parallel_loop3A_326, %parallel_loop3A_365 : i32
        %parallel_loop3A_367 = arith.index_cast %parallel_loop3A_364 : i32 to index
        %parallel_loop3A_368 = arith.index_cast %parallel_loop3A_366 : i32 to index
        %parallel_loop3A_369 = arith.constant 48 : index
        %parallel_loop3A_370 = tpu.vector_load %arg12[%parallel_loop3A_367, %parallel_loop3A_368, %parallel_loop3A_369] {strides = array<i32>} : memref<8x8x128xf32, #tpu.memory_space<vmem>>, vector<16xf32>,
        tpu.vector_store %arg12[%parallel_loop3A_367, %parallel_loop3A_368, %parallel_loop3A_369], %parallel_loop3A_362 {strides = array<i32>} : memref<8x8x128xf32, #tpu.memory_space<vmem>>, vector<16xf32>,
        %parallel_loop3A_371 = arith.index_cast %parallel_loop3A_326 : i32 to index
        %parallel_loop3A_372 = arith.constant 64 : index
        %parallel_loop3A_373 = tpu.vector_load %arg11[%parallel_loop3A_371, %parallel_loop3A_372] {strides = array<i32>} : memref<64x129xf32, #tpu.memory_space<vmem>>, vector<16xf32>,
        %parallel_loop3A_374 = arith.constant 3 : i32
        %parallel_loop3A_375 = arith.shrsi %parallel_loop3A_326, %parallel_loop3A_374 : i32
        %parallel_loop3A_376 = arith.constant 7 : i32
        %parallel_loop3A_377 = arith.andi %parallel_loop3A_326, %parallel_loop3A_376 : i32
        %parallel_loop3A_378 = arith.index_cast %parallel_loop3A_375 : i32 to index
        %parallel_loop3A_379 = arith.index_cast %parallel_loop3A_377 : i32 to index
        %parallel_loop3A_380 = arith.constant 64 : index
        %parallel_loop3A_381 = tpu.vector_load %arg12[%parallel_loop3A_378, %parallel_loop3A_379, %parallel_loop3A_380] {strides = array<i32>} : memref<8x8x128xf32, #tpu.memory_space<vmem>>, vector<16xf32>,
        tpu.vector_store %arg12[%parallel_loop3A_378, %parallel_loop3A_379, %parallel_loop3A_380], %parallel_loop3A_373 {strides = array<i32>} : memref<8x8x128xf32, #tpu.memory_space<vmem>>, vector<16xf32>,
        %parallel_loop3A_382 = arith.index_cast %parallel_loop3A_326 : i32 to index
        %parallel_loop3A_383 = arith.constant 80 : index
        %parallel_loop3A_384 = tpu.vector_load %arg11[%parallel_loop3A_382, %parallel_loop3A_383] {strides = array<i32>} : memref<64x129xf32, #tpu.memory_space<vmem>>, vector<16xf32>,
        %parallel_loop3A_385 = arith.constant 3 : i32
        %parallel_loop3A_386 = arith.shrsi %parallel_loop3A_326, %parallel_loop3A_385 : i32
        %parallel_loop3A_387 = arith.constant 7 : i32
        %parallel_loop3A_388 = arith.andi %parallel_loop3A_326, %parallel_loop3A_387 : i32
        %parallel_loop3A_389 = arith.index_cast %parallel_loop3A_386 : i32 to index
        %parallel_loop3A_390 = arith.index_cast %parallel_loop3A_388 : i32 to index
        %parallel_loop3A_391 = arith.constant 80 : index
        %parallel_loop3A_392 = tpu.vector_load %arg12[%parallel_loop3A_389, %parallel_loop3A_390, %parallel_loop3A_391] {strides = array<i32>} : memref<8x8x128xf32, #tpu.memory_space<vmem>>, vector<16xf32>,
        tpu.vector_store %arg12[%parallel_loop3A_389, %parallel_loop3A_390, %parallel_loop3A_391], %parallel_loop3A_384 {strides = array<i32>} : memref<8x8x128xf32, #tpu.memory_space<vmem>>, vector<16xf32>,
        %parallel_loop3A_393 = arith.index_cast %parallel_loop3A_326 : i32 to index
        %parallel_loop3A_394 = arith.constant 96 : index
        %parallel_loop3A_395 = tpu.vector_load %arg11[%parallel_loop3A_393, %parallel_loop3A_394] {strides = array<i32>} : memref<64x129xf32, #tpu.memory_space<vmem>>, vector<16xf32>,
        %parallel_loop3A_396 = arith.constant 3 : i32
        %parallel_loop3A_397 = arith.shrsi %parallel_loop3A_326, %parallel_loop3A_396 : i32
        %parallel_loop3A_398 = arith.constant 7 : i32
        %parallel_loop3A_399 = arith.andi %parallel_loop3A_326, %parallel_loop3A_398 : i32
        %parallel_loop3A_400 = arith.index_cast %parallel_loop3A_397 : i32 to index
        %parallel_loop3A_401 = arith.index_cast %parallel_loop3A_399 : i32 to index
        %parallel_loop3A_402 = arith.constant 96 : index
        %parallel_loop3A_403 = tpu.vector_load %arg12[%parallel_loop3A_400, %parallel_loop3A_401, %parallel_loop3A_402] {strides = array<i32>} : memref<8x8x128xf32, #tpu.memory_space<vmem>>, vector<16xf32>,
        tpu.vector_store %arg12[%parallel_loop3A_400, %parallel_loop3A_401, %parallel_loop3A_402], %parallel_loop3A_395 {strides = array<i32>} : memref<8x8x128xf32, #tpu.memory_space<vmem>>, vector<16xf32>,
        %parallel_loop3A_404 = arith.index_cast %parallel_loop3A_326 : i32 to index
        %parallel_loop3A_405 = arith.constant 112 : index
        %parallel_loop3A_406 = tpu.vector_load %arg11[%parallel_loop3A_404, %parallel_loop3A_405] {strides = array<i32>} : memref<64x129xf32, #tpu.memory_space<vmem>>, vector<16xf32>,
        %parallel_loop3A_407 = arith.constant 3 : i32
        %parallel_loop3A_408 = arith.shrsi %parallel_loop3A_326, %parallel_loop3A_407 : i32
        %parallel_loop3A_409 = arith.constant 7 : i32
        %parallel_loop3A_410 = arith.andi %parallel_loop3A_326, %parallel_loop3A_409 : i32
        %parallel_loop3A_411 = arith.index_cast %parallel_loop3A_408 : i32 to index
        %parallel_loop3A_412 = arith.index_cast %parallel_loop3A_410 : i32 to index
        %parallel_loop3A_413 = arith.constant 112 : index
        %parallel_loop3A_414 = tpu.vector_load %arg12[%parallel_loop3A_411, %parallel_loop3A_412, %parallel_loop3A_413] {strides = array<i32>} : memref<8x8x128xf32, #tpu.memory_space<vmem>>, vector<16xf32>,
        tpu.vector_store %arg12[%parallel_loop3A_411, %parallel_loop3A_412, %parallel_loop3A_413], %parallel_loop3A_406 {strides = array<i32>} : memref<8x8x128xf32, #tpu.memory_space<vmem>>, vector<16xf32>,
      } {sc.loop_unroll_factor = 8 : i64, sc.parallel_access}
      %dma_start3A_255 = arith.constant 0 : i32
      %dma_start3A_256 = arith.constant 0 : i32
      %dma_start3A_257 = arith.constant 0 : i32
      %dma_start3A_258 = tpu.memref_slice %arg5[%add3A_227, %dma_start3A_255, %add3A, %dma_start3A_256, %dma_start3A_257] : memref<200x8x32x8x128xf32, #tpu.memory_space<hbm>> -> memref<1x8x1x8x128xf32, #tpu.memory_space<hbm>>
      %dma_start3A_259 = tpu.memref_squeeze %dma_start3A_258 : memref<1x8x1x8x128xf32, #tpu.memory_space<hbm>> -> memref<8x8x128xf32, #tpu.memory_space<hbm>>
      %dma_start3A_260 = arith.constant 0 : i32
      %dma_start3A_261 = arith.constant 0 : i32
      %dma_start3A_262 = arith.constant 0 : i32
      %dma_start3A_263 = tpu.memref_slice %arg5[%add3A_227, %dma_start3A_260, %add3A, %dma_start3A_261, %dma_start3A_262] : memref<200x8x32x8x128xf32, #tpu.memory_space<hbm>> -> memref<1x8x1x8x128xf32, #tpu.memory_space<hbm>>
      %dma_start3A_264 = tpu.memref_squeeze %dma_start3A_263 : memref<1x8x1x8x128xf32, #tpu.memory_space<hbm>> -> memref<8x8x128xf32, #tpu.memory_space<hbm>>
      tpu.enqueue_dma source(%arg12 : memref<8x8x128xf32, #tpu.memory_space<vmem>>) target(%dma_start3A_264 : memref<8x8x128xf32, #tpu.memory_space<hbm>>) target_semaphore(%arg16 : memref<!tpu.dma_semaphore, #tpu.memory_space<semaphore_mem>>)
      %add3A_265 = arith.constant 2 : i32
      %add3A_266 = arith.addi %add3A_227, %add3A_265 : i32
      %lt3A_267 = arith.constant 200 : i32
      %lt3A_268 = arith.cmpi slt, %add3A_266, %lt3A_267 : i32
      %convert_element_type3A_269 = arith.extui %lt3A_268 : i1 to i32
      %cond3A_270 = arith.constant 0 : i32
      %cond3A_271 = arith.cmpi ne, %convert_element_type3A_269, %cond3A_270 : i32
      scf.if %cond3A_271 {
        %add3A_326 = arith.constant 2 : i32
        %add3A_327 = arith.addi %add3A_227, %add3A_326 : i32
        %add3A_328 = arith.constant 0 : i32
        %add3A_329 = vector.broadcast %add3A_328 : i32 to vector<16xi32>
        %add3A_330 = arith.addi %iota3A, %add3A_329 : vector<16xi32>
        %mul3A_331 = arith.constant 200 : i32
        %mul3A_332 = vector.broadcast %mul3A_331 : i32 to vector<16xi32>
        %mul3A_333 = arith.muli %add3A_330, %mul3A_332 : vector<16xi32>
        %add3A_334 = vector.broadcast %add3A_327 : i32 to vector<16xi32>
        %add3A_335 = arith.addi %mul3A_333, %add3A_334 : vector<16xi32>
        %gather3A_336 = tpu.vector_load_idx %arg6[%add3A_335] : memref<25600xi32, #tpu.memory_space<vmem>>[vector<16xi32>], vector<16xi32>,
        %swap3A_337 = arith.constant 0 : index
        %swap3A_338 = tpu.vector_load %arg7[%swap3A_337] {strides = array<i32>} : memref<128xi32, #tpu.memory_space<vmem>>, vector<16xi32>,
        tpu.vector_store %arg7[%swap3A_337], %gather3A_336 {strides = array<i32>} : memref<128xi32, #tpu.memory_space<vmem>>, vector<16xi32>,
        %add3A_339 = arith.constant 16 : i32
        %add3A_340 = vector.broadcast %add3A_339 : i32 to vector<16xi32>
        %add3A_341 = arith.addi %iota3A, %add3A_340 : vector<16xi32>
        %mul3A_342 = arith.constant 200 : i32
        %mul3A_343 = vector.broadcast %mul3A_342 : i32 to vector<16xi32>
        %mul3A_344 = arith.muli %add3A_341, %mul3A_343 : vector<16xi32>
        %add3A_345 = vector.broadcast %add3A_327 : i32 to vector<16xi32>
        %add3A_346 = arith.addi %mul3A_344, %add3A_345 : vector<16xi32>
        %gather3A_347 = tpu.vector_load_idx %arg6[%add3A_346] : memref<25600xi32, #tpu.memory_space<vmem>>[vector<16xi32>], vector<16xi32>,
        %swap3A_348 = arith.constant 16 : index
        %swap3A_349 = tpu.vector_load %arg7[%swap3A_348] {strides = array<i32>} : memref<128xi32, #tpu.memory_space<vmem>>, vector<16xi32>,
        tpu.vector_store %arg7[%swap3A_348], %gather3A_347 {strides = array<i32>} : memref<128xi32, #tpu.memory_space<vmem>>, vector<16xi32>,
        %add3A_350 = arith.constant 32 : i32
        %add3A_351 = vector.broadcast %add3A_350 : i32 to vector<16xi32>
        %add3A_352 = arith.addi %iota3A, %add3A_351 : vector<16xi32>
        %mul3A_353 = arith.constant 200 : i32
        %mul3A_354 = vector.broadcast %mul3A_353 : i32 to vector<16xi32>
        %mul3A_355 = arith.muli %add3A_352, %mul3A_354 : vector<16xi32>
        %add3A_356 = vector.broadcast %add3A_327 : i32 to vector<16xi32>
        %add3A_357 = arith.addi %mul3A_355, %add3A_356 : vector<16xi32>
        %gather3A_358 = tpu.vector_load_idx %arg6[%add3A_357] : memref<25600xi32, #tpu.memory_space<vmem>>[vector<16xi32>], vector<16xi32>,
        %swap3A_359 = arith.constant 32 : index
        %swap3A_360 = tpu.vector_load %arg7[%swap3A_359] {strides = array<i32>} : memref<128xi32, #tpu.memory_space<vmem>>, vector<16xi32>,
        tpu.vector_store %arg7[%swap3A_359], %gather3A_358 {strides = array<i32>} : memref<128xi32, #tpu.memory_space<vmem>>, vector<16xi32>,
        %add3A_361 = arith.constant 48 : i32
        %add3A_362 = vector.broadcast %add3A_361 : i32 to vector<16xi32>
        %add3A_363 = arith.addi %iota3A, %add3A_362 : vector<16xi32>
        %mul3A_364 = arith.constant 200 : i32
        %mul3A_365 = vector.broadcast %mul3A_364 : i32 to vector<16xi32>
        %mul3A_366 = arith.muli %add3A_363, %mul3A_365 : vector<16xi32>
        %add3A_367 = vector.broadcast %add3A_327 : i32 to vector<16xi32>
        %add3A_368 = arith.addi %mul3A_366, %add3A_367 : vector<16xi32>
        %gather3A_369 = tpu.vector_load_idx %arg6[%add3A_368] : memref<25600xi32, #tpu.memory_space<vmem>>[vector<16xi32>], vector<16xi32>,
        %swap3A_370 = arith.constant 48 : index
        %swap3A_371 = tpu.vector_load %arg7[%swap3A_370] {strides = array<i32>} : memref<128xi32, #tpu.memory_space<vmem>>, vector<16xi32>,
        tpu.vector_store %arg7[%swap3A_370], %gather3A_369 {strides = array<i32>} : memref<128xi32, #tpu.memory_space<vmem>>, vector<16xi32>,
        %add3A_372 = arith.constant 64 : i32
        %add3A_373 = vector.broadcast %add3A_372 : i32 to vector<16xi32>
        %add3A_374 = arith.addi %iota3A, %add3A_373 : vector<16xi32>
        %mul3A_375 = arith.constant 200 : i32
        %mul3A_376 = vector.broadcast %mul3A_375 : i32 to vector<16xi32>
        %mul3A_377 = arith.muli %add3A_374, %mul3A_376 : vector<16xi32>
        %add3A_378 = vector.broadcast %add3A_327 : i32 to vector<16xi32>
        %add3A_379 = arith.addi %mul3A_377, %add3A_378 : vector<16xi32>
        %gather3A_380 = tpu.vector_load_idx %arg6[%add3A_379] : memref<25600xi32, #tpu.memory_space<vmem>>[vector<16xi32>], vector<16xi32>,
        %swap3A_381 = arith.constant 64 : index
        %swap3A_382 = tpu.vector_load %arg7[%swap3A_381] {strides = array<i32>} : memref<128xi32, #tpu.memory_space<vmem>>, vector<16xi32>,
        tpu.vector_store %arg7[%swap3A_381], %gather3A_380 {strides = array<i32>} : memref<128xi32, #tpu.memory_space<vmem>>, vector<16xi32>,
        %add3A_383 = arith.constant 80 : i32
        %add3A_384 = vector.broadcast %add3A_383 : i32 to vector<16xi32>
        %add3A_385 = arith.addi %iota3A, %add3A_384 : vector<16xi32>
        %mul3A_386 = arith.constant 200 : i32
        %mul3A_387 = vector.broadcast %mul3A_386 : i32 to vector<16xi32>
        %mul3A_388 = arith.muli %add3A_385, %mul3A_387 : vector<16xi32>
        %add3A_389 = vector.broadcast %add3A_327 : i32 to vector<16xi32>
        %add3A_390 = arith.addi %mul3A_388, %add3A_389 : vector<16xi32>
        %gather3A_391 = tpu.vector_load_idx %arg6[%add3A_390] : memref<25600xi32, #tpu.memory_space<vmem>>[vector<16xi32>], vector<16xi32>,
        %swap3A_392 = arith.constant 80 : index
        %swap3A_393 = tpu.vector_load %arg7[%swap3A_392] {strides = array<i32>} : memref<128xi32, #tpu.memory_space<vmem>>, vector<16xi32>,
        tpu.vector_store %arg7[%swap3A_392], %gather3A_391 {strides = array<i32>} : memref<128xi32, #tpu.memory_space<vmem>>, vector<16xi32>,
        %add3A_394 = arith.constant 96 : i32
        %add3A_395 = vector.broadcast %add3A_394 : i32 to vector<16xi32>
        %add3A_396 = arith.addi %iota3A, %add3A_395 : vector<16xi32>
        %mul3A_397 = arith.constant 200 : i32
        %mul3A_398 = vector.broadcast %mul3A_397 : i32 to vector<16xi32>
        %mul3A_399 = arith.muli %add3A_396, %mul3A_398 : vector<16xi32>
        %add3A_400 = vector.broadcast %add3A_327 : i32 to vector<16xi32>
        %add3A_401 = arith.addi %mul3A_399, %add3A_400 : vector<16xi32>
        %gather3A_402 = tpu.vector_load_idx %arg6[%add3A_401] : memref<25600xi32, #tpu.memory_space<vmem>>[vector<16xi32>], vector<16xi32>,
        %swap3A_403 = arith.constant 96 : index
        %swap3A_404 = tpu.vector_load %arg7[%swap3A_403] {strides = array<i32>} : memref<128xi32, #tpu.memory_space<vmem>>, vector<16xi32>,
        tpu.vector_store %arg7[%swap3A_403], %gather3A_402 {strides = array<i32>} : memref<128xi32, #tpu.memory_space<vmem>>, vector<16xi32>,
        %add3A_405 = arith.constant 112 : i32
        %add3A_406 = vector.broadcast %add3A_405 : i32 to vector<16xi32>
        %add3A_407 = arith.addi %iota3A, %add3A_406 : vector<16xi32>
        %mul3A_408 = arith.constant 200 : i32
        %mul3A_409 = vector.broadcast %mul3A_408 : i32 to vector<16xi32>
        %mul3A_410 = arith.muli %add3A_407, %mul3A_409 : vector<16xi32>
        %add3A_411 = vector.broadcast %add3A_327 : i32 to vector<16xi32>
        %add3A_412 = arith.addi %mul3A_410, %add3A_411 : vector<16xi32>
        %gather3A_413 = tpu.vector_load_idx %arg6[%add3A_412] : memref<25600xi32, #tpu.memory_space<vmem>>[vector<16xi32>], vector<16xi32>,
        %swap3A_414 = arith.constant 112 : index
        %swap3A_415 = tpu.vector_load %arg7[%swap3A_414] {strides = array<i32>} : memref<128xi32, #tpu.memory_space<vmem>>, vector<16xi32>,
        tpu.vector_store %arg7[%swap3A_414], %gather3A_413 {strides = array<i32>} : memref<128xi32, #tpu.memory_space<vmem>>, vector<16xi32>,
      } else {
      }
      %mul3A_272 = arith.constant 2 : i32
      %mul3A_273 = arith.muli %mul3A_272, %scan3A_223 : i32
      %add3A_274 = arith.constant 1 : i32
      %add3A_275 = arith.addi %mul3A_273, %add3A_274 : i32
      %add3A_276 = arith.constant 1 : i32
      %add3A_277 = arith.addi %add3A_275, %add3A_276 : i32
      %lt3A_278 = arith.constant 200 : i32
      %lt3A_279 = arith.cmpi slt, %add3A_277, %lt3A_278 : i32
      %convert_element_type3A_280 = arith.extui %lt3A_279 : i1 to i32
      %cond3A_281 = arith.constant 0 : i32
      %cond3A_282 = arith.cmpi ne, %convert_element_type3A_280, %cond3A_281 : i32
      scf.if %cond3A_282 {
        %add3A_326 = arith.constant 1 : i32
        %add3A_327 = arith.addi %add3A_275, %add3A_326 : i32
        %dma_start3A_328 = arith.constant 0 : i32
        %dma_start3A_329 = arith.constant 0 : i32
        %dma_start3A_330 = tpu.memref_slice %arg3[%dma_start3A_328, %dma_start3A_329] : memref<1000000x64xf32, #tpu.memory_space<hbm>> -> memref<1000000x64xf32, #tpu.memory_space<hbm>>
        tpu.enqueue_indirect_dma source(%dma_start3A_330 : memref<1000000x64xf32, #tpu.memory_space<hbm>>) target(%arg9 : memref<128x64xf32, #tpu.memory_space<vmem>>) offsets(%arg7 : memref<128xi32, #tpu.memory_space<vmem>>) semaphore(%arg15 : memref<!tpu.dma_semaphore, #tpu.memory_space<semaphore_mem>>)
      } else {
      }
      %dma_wait3A_283 = arith.constant 0 : i32
      %dma_wait3A_284 = arith.constant 0 : i32
      %dma_wait3A_285 = tpu.memref_slice %arg3[%dma_wait3A_283, %dma_wait3A_284] : memref<1000000x64xf32, #tpu.memory_space<hbm>> -> memref<1000000x64xf32, #tpu.memory_space<hbm>>
      tpu.wait_indirect_dma semaphore(%arg15 : memref<!tpu.dma_semaphore, #tpu.memory_space<semaphore_mem>>) src(%dma_wait3A_285 : memref<1000000x64xf32, #tpu.memory_space<hbm>>) dst(%arg10 : memref<128x64xf32, #tpu.memory_space<vmem>>)
      %ge3A_286 = arith.constant 2 : i32
      %ge3A_287 = arith.cmpi sge, %add3A_275, %ge3A_286 : i32
      %convert_element_type3A_288 = arith.extui %ge3A_287 : i1 to i32
      %cond3A_289 = arith.constant 0 : i32
      %cond3A_290 = arith.cmpi ne, %convert_element_type3A_288, %cond3A_289 : i32
      scf.if %cond3A_290 {
        %sub3A = arith.constant 2 : i32
        %sub3A_326 = arith.subi %add3A_275, %sub3A : i32
        %dma_wait3A_327 = arith.constant 0 : i32
        %dma_wait3A_328 = arith.constant 0 : i32
        %dma_wait3A_329 = arith.constant 0 : i32
        %dma_wait3A_330 = tpu.memref_slice %arg5[%sub3A_326, %dma_wait3A_327, %add3A, %dma_wait3A_328, %dma_wait3A_329] : memref<200x8x32x8x128xf32, #tpu.memory_space<hbm>> -> memref<1x8x1x8x128xf32, #tpu.memory_space<hbm>>
        %dma_wait3A_331 = tpu.memref_squeeze %dma_wait3A_330 : memref<1x8x1x8x128xf32, #tpu.memory_space<hbm>> -> memref<8x8x128xf32, #tpu.memory_space<hbm>>
        %dma_wait3A_332 = arith.constant 0 : i32
        %dma_wait3A_333 = arith.constant 0 : i32
        %dma_wait3A_334 = arith.constant 0 : i32
        %dma_wait3A_335 = tpu.memref_slice %arg5[%sub3A_326, %dma_wait3A_332, %add3A, %dma_wait3A_333, %dma_wait3A_334] : memref<200x8x32x8x128xf32, #tpu.memory_space<hbm>> -> memref<1x8x1x8x128xf32, #tpu.memory_space<hbm>>
        %dma_wait3A_336 = tpu.memref_squeeze %dma_wait3A_335 : memref<1x8x1x8x128xf32, #tpu.memory_space<hbm>> -> memref<8x8x128xf32, #tpu.memory_space<hbm>>
        tpu.wait_dma2 semaphore(%arg16 : memref<!tpu.dma_semaphore, #tpu.memory_space<semaphore_mem>>) src(%arg13 : memref<8x8x128xf32, #tpu.memory_space<vmem>>) dst(%dma_wait3A_336 : memref<8x8x128xf32, #tpu.memory_space<hbm>>)
      } else {
      }
      %get3A_291 = arith.index_cast %add3A_275 : i32 to index
      %get3A_292 = arith.constant 0 : index
      %get3A_293 = tpu.vector_load %arg14[%get3A_291, %get3A_292] {strides = array<i32>} : memref<200x64xf32, #tpu.memory_space<vmem>>, vector<16xf32>,
      %get3A_294 = arith.index_cast %add3A_275 : i32 to index
      %get3A_295 = arith.constant 16 : index
      %get3A_296 = tpu.vector_load %arg14[%get3A_294, %get3A_295] {strides = array<i32>} : memref<200x64xf32, #tpu.memory_space<vmem>>, vector<16xf32>,
      %get3A_297 = arith.index_cast %add3A_275 : i32 to index
      %get3A_298 = arith.constant 32 : index
      %get3A_299 = tpu.vector_load %arg14[%get3A_297, %get3A_298] {strides = array<i32>} : memref<200x64xf32, #tpu.memory_space<vmem>>, vector<16xf32>,
      %get3A_300 = arith.index_cast %add3A_275 : i32 to index
      %get3A_301 = arith.constant 48 : index
      %get3A_302 = tpu.vector_load %arg14[%get3A_300, %get3A_301] {strides = array<i32>} : memref<200x64xf32, #tpu.memory_space<vmem>>, vector<16xf32>,
      %parallel_loop3A_303 = arith.constant 0 : i32
      %parallel_loop3A_304 = arith.constant 128 : i32
      %parallel_loop3A_305 = arith.constant 1 : i32
      scf.for %parallel_loop3A_326 = %parallel_loop3A_303 to %parallel_loop3A_304 step %parallel_loop3A_305  : i32 {
        %parallel_loop3A_327 = vector.broadcast %parallel_loop3A_326 : i32 to vector<16xi32>
        %parallel_loop3A_328 = arith.index_cast %parallel_loop3A_326 : i32 to index
        %parallel_loop3A_329 = arith.constant 0 : index
        %parallel_loop3A_330 = tpu.vector_load %arg10[%parallel_loop3A_328, %parallel_loop3A_329] {strides = array<i32>} : memref<128x64xf32, #tpu.memory_space<vmem>>, vector<16xf32>,
        %parallel_loop3A_331 = arith.addf %parallel_loop3A_330, %get3A_293 : vector<16xf32>
        %parallel_loop3A_332 = arith.constant 0 : i32
        %parallel_loop3A_333 = vector.broadcast %parallel_loop3A_332 : i32 to vector<16xi32>
        %parallel_loop3A_334 = arith.addi %iota3A, %parallel_loop3A_333 : vector<16xi32>
        tpu.vector_store_idx %arg11[%parallel_loop3A_334, %parallel_loop3A_327], %parallel_loop3A_331 : memref<64x129xf32, #tpu.memory_space<vmem>>[vector<16xi32>, vector<16xi32>], vector<16xf32>,
        %parallel_loop3A_335 = arith.index_cast %parallel_loop3A_326 : i32 to index
        %parallel_loop3A_336 = arith.constant 16 : index
        %parallel_loop3A_337 = tpu.vector_load %arg10[%parallel_loop3A_335, %parallel_loop3A_336] {strides = array<i32>} : memref<128x64xf32, #tpu.memory_space<vmem>>, vector<16xf32>,
        %parallel_loop3A_338 = arith.addf %parallel_loop3A_337, %get3A_296 : vector<16xf32>
        %parallel_loop3A_339 = arith.constant 16 : i32
        %parallel_loop3A_340 = vector.broadcast %parallel_loop3A_339 : i32 to vector<16xi32>
        %parallel_loop3A_341 = arith.addi %iota3A, %parallel_loop3A_340 : vector<16xi32>
        tpu.vector_store_idx %arg11[%parallel_loop3A_341, %parallel_loop3A_327], %parallel_loop3A_338 : memref<64x129xf32, #tpu.memory_space<vmem>>[vector<16xi32>, vector<16xi32>], vector<16xf32>,
        %parallel_loop3A_342 = arith.index_cast %parallel_loop3A_326 : i32 to index
        %parallel_loop3A_343 = arith.constant 32 : index
        %parallel_loop3A_344 = tpu.vector_load %arg10[%parallel_loop3A_342, %parallel_loop3A_343] {strides = array<i32>} : memref<128x64xf32, #tpu.memory_space<vmem>>, vector<16xf32>,
        %parallel_loop3A_345 = arith.addf %parallel_loop3A_344, %get3A_299 : vector<16xf32>
        %parallel_loop3A_346 = arith.constant 32 : i32
        %parallel_loop3A_347 = vector.broadcast %parallel_loop3A_346 : i32 to vector<16xi32>
        %parallel_loop3A_348 = arith.addi %iota3A, %parallel_loop3A_347 : vector<16xi32>
        tpu.vector_store_idx %arg11[%parallel_loop3A_348, %parallel_loop3A_327], %parallel_loop3A_345 : memref<64x129xf32, #tpu.memory_space<vmem>>[vector<16xi32>, vector<16xi32>], vector<16xf32>,
        %parallel_loop3A_349 = arith.index_cast %parallel_loop3A_326 : i32 to index
        %parallel_loop3A_350 = arith.constant 48 : index
        %parallel_loop3A_351 = tpu.vector_load %arg10[%parallel_loop3A_349, %parallel_loop3A_350] {strides = array<i32>} : memref<128x64xf32, #tpu.memory_space<vmem>>, vector<16xf32>,
        %parallel_loop3A_352 = arith.addf %parallel_loop3A_351, %get3A_302 : vector<16xf32>
        %parallel_loop3A_353 = arith.constant 48 : i32
        %parallel_loop3A_354 = vector.broadcast %parallel_loop3A_353 : i32 to vector<16xi32>
        %parallel_loop3A_355 = arith.addi %iota3A, %parallel_loop3A_354 : vector<16xi32>
        tpu.vector_store_idx %arg11[%parallel_loop3A_355, %parallel_loop3A_327], %parallel_loop3A_352 : memref<64x129xf32, #tpu.memory_space<vmem>>[vector<16xi32>, vector<16xi32>], vector<16xf32>,
      } {sc.loop_unroll_factor = 8 : i64, sc.parallel_access}
      %parallel_loop3A_306 = arith.constant 0 : i32
      %parallel_loop3A_307 = arith.constant 64 : i32
      %parallel_loop3A_308 = arith.constant 1 : i32
      scf.for %parallel_loop3A_326 = %parallel_loop3A_306 to %parallel_loop3A_307 step %parallel_loop3A_308  : i32 {
        %parallel_loop3A_327 = arith.index_cast %parallel_loop3A_326 : i32 to index
        %parallel_loop3A_328 = arith.constant 0 : index
        %parallel_loop3A_329 = tpu.vector_load %arg11[%parallel_loop3A_327, %parallel_loop3A_328] {strides = array<i32>} : memref<64x129xf32, #tpu.memory_space<vmem>>, vector<16xf32>,
        %parallel_loop3A_330 = arith.constant 3 : i32
        %parallel_loop3A_331 = arith.shrsi %parallel_loop3A_326, %parallel_loop3A_330 : i32
        %parallel_loop3A_332 = arith.constant 7 : i32
        %parallel_loop3A_333 = arith.andi %parallel_loop3A_326, %parallel_loop3A_332 : i32
        %parallel_loop3A_334 = arith.index_cast %parallel_loop3A_331 : i32 to index
        %parallel_loop3A_335 = arith.index_cast %parallel_loop3A_333 : i32 to index
        %parallel_loop3A_336 = arith.constant 0 : index
        %parallel_loop3A_337 = tpu.vector_load %arg13[%parallel_loop3A_334, %parallel_loop3A_335, %parallel_loop3A_336] {strides = array<i32>} : memref<8x8x128xf32, #tpu.memory_space<vmem>>, vector<16xf32>,
        tpu.vector_store %arg13[%parallel_loop3A_334, %parallel_loop3A_335, %parallel_loop3A_336], %parallel_loop3A_329 {strides = array<i32>} : memref<8x8x128xf32, #tpu.memory_space<vmem>>, vector<16xf32>,
        %parallel_loop3A_338 = arith.index_cast %parallel_loop3A_326 : i32 to index
        %parallel_loop3A_339 = arith.constant 16 : index
        %parallel_loop3A_340 = tpu.vector_load %arg11[%parallel_loop3A_338, %parallel_loop3A_339] {strides = array<i32>} : memref<64x129xf32, #tpu.memory_space<vmem>>, vector<16xf32>,
        %parallel_loop3A_341 = arith.constant 3 : i32
        %parallel_loop3A_342 = arith.shrsi %parallel_loop3A_326, %parallel_loop3A_341 : i32
        %parallel_loop3A_343 = arith.constant 7 : i32
        %parallel_loop3A_344 = arith.andi %parallel_loop3A_326, %parallel_loop3A_343 : i32
        %parallel_loop3A_345 = arith.index_cast %parallel_loop3A_342 : i32 to index
        %parallel_loop3A_346 = arith.index_cast %parallel_loop3A_344 : i32 to index
        %parallel_loop3A_347 = arith.constant 16 : index
        %parallel_loop3A_348 = tpu.vector_load %arg13[%parallel_loop3A_345, %parallel_loop3A_346, %parallel_loop3A_347] {strides = array<i32>} : memref<8x8x128xf32, #tpu.memory_space<vmem>>, vector<16xf32>,
        tpu.vector_store %arg13[%parallel_loop3A_345, %parallel_loop3A_346, %parallel_loop3A_347], %parallel_loop3A_340 {strides = array<i32>} : memref<8x8x128xf32, #tpu.memory_space<vmem>>, vector<16xf32>,
        %parallel_loop3A_349 = arith.index_cast %parallel_loop3A_326 : i32 to index
        %parallel_loop3A_350 = arith.constant 32 : index
        %parallel_loop3A_351 = tpu.vector_load %arg11[%parallel_loop3A_349, %parallel_loop3A_350] {strides = array<i32>} : memref<64x129xf32, #tpu.memory_space<vmem>>, vector<16xf32>,
        %parallel_loop3A_352 = arith.constant 3 : i32
        %parallel_loop3A_353 = arith.shrsi %parallel_loop3A_326, %parallel_loop3A_352 : i32
        %parallel_loop3A_354 = arith.constant 7 : i32
        %parallel_loop3A_355 = arith.andi %parallel_loop3A_326, %parallel_loop3A_354 : i32
        %parallel_loop3A_356 = arith.index_cast %parallel_loop3A_353 : i32 to index
        %parallel_loop3A_357 = arith.index_cast %parallel_loop3A_355 : i32 to index
        %parallel_loop3A_358 = arith.constant 32 : index
        %parallel_loop3A_359 = tpu.vector_load %arg13[%parallel_loop3A_356, %parallel_loop3A_357, %parallel_loop3A_358] {strides = array<i32>} : memref<8x8x128xf32, #tpu.memory_space<vmem>>, vector<16xf32>,
        tpu.vector_store %arg13[%parallel_loop3A_356, %parallel_loop3A_357, %parallel_loop3A_358], %parallel_loop3A_351 {strides = array<i32>} : memref<8x8x128xf32, #tpu.memory_space<vmem>>, vector<16xf32>,
        %parallel_loop3A_360 = arith.index_cast %parallel_loop3A_326 : i32 to index
        %parallel_loop3A_361 = arith.constant 48 : index
        %parallel_loop3A_362 = tpu.vector_load %arg11[%parallel_loop3A_360, %parallel_loop3A_361] {strides = array<i32>} : memref<64x129xf32, #tpu.memory_space<vmem>>, vector<16xf32>,
        %parallel_loop3A_363 = arith.constant 3 : i32
        %parallel_loop3A_364 = arith.shrsi %parallel_loop3A_326, %parallel_loop3A_363 : i32
        %parallel_loop3A_365 = arith.constant 7 : i32
        %parallel_loop3A_366 = arith.andi %parallel_loop3A_326, %parallel_loop3A_365 : i32
        %parallel_loop3A_367 = arith.index_cast %parallel_loop3A_364 : i32 to index
        %parallel_loop3A_368 = arith.index_cast %parallel_loop3A_366 : i32 to index
        %parallel_loop3A_369 = arith.constant 48 : index
        %parallel_loop3A_370 = tpu.vector_load %arg13[%parallel_loop3A_367, %parallel_loop3A_368, %parallel_loop3A_369] {strides = array<i32>} : memref<8x8x128xf32, #tpu.memory_space<vmem>>, vector<16xf32>,
        tpu.vector_store %arg13[%parallel_loop3A_367, %parallel_loop3A_368, %parallel_loop3A_369], %parallel_loop3A_362 {strides = array<i32>} : memref<8x8x128xf32, #tpu.memory_space<vmem>>, vector<16xf32>,
        %parallel_loop3A_371 = arith.index_cast %parallel_loop3A_326 : i32 to index
        %parallel_loop3A_372 = arith.constant 64 : index
        %parallel_loop3A_373 = tpu.vector_load %arg11[%parallel_loop3A_371, %parallel_loop3A_372] {strides = array<i32>} : memref<64x129xf32, #tpu.memory_space<vmem>>, vector<16xf32>,
        %parallel_loop3A_374 = arith.constant 3 : i32
        %parallel_loop3A_375 = arith.shrsi %parallel_loop3A_326, %parallel_loop3A_374 : i32
        %parallel_loop3A_376 = arith.constant 7 : i32
        %parallel_loop3A_377 = arith.andi %parallel_loop3A_326, %parallel_loop3A_376 : i32
        %parallel_loop3A_378 = arith.index_cast %parallel_loop3A_375 : i32 to index
        %parallel_loop3A_379 = arith.index_cast %parallel_loop3A_377 : i32 to index
        %parallel_loop3A_380 = arith.constant 64 : index
        %parallel_loop3A_381 = tpu.vector_load %arg13[%parallel_loop3A_378, %parallel_loop3A_379, %parallel_loop3A_380] {strides = array<i32>} : memref<8x8x128xf32, #tpu.memory_space<vmem>>, vector<16xf32>,
        tpu.vector_store %arg13[%parallel_loop3A_378, %parallel_loop3A_379, %parallel_loop3A_380], %parallel_loop3A_373 {strides = array<i32>} : memref<8x8x128xf32, #tpu.memory_space<vmem>>, vector<16xf32>,
        %parallel_loop3A_382 = arith.index_cast %parallel_loop3A_326 : i32 to index
        %parallel_loop3A_383 = arith.constant 80 : index
        %parallel_loop3A_384 = tpu.vector_load %arg11[%parallel_loop3A_382, %parallel_loop3A_383] {strides = array<i32>} : memref<64x129xf32, #tpu.memory_space<vmem>>, vector<16xf32>,
        %parallel_loop3A_385 = arith.constant 3 : i32
        %parallel_loop3A_386 = arith.shrsi %parallel_loop3A_326, %parallel_loop3A_385 : i32
        %parallel_loop3A_387 = arith.constant 7 : i32
        %parallel_loop3A_388 = arith.andi %parallel_loop3A_326, %parallel_loop3A_387 : i32
        %parallel_loop3A_389 = arith.index_cast %parallel_loop3A_386 : i32 to index
        %parallel_loop3A_390 = arith.index_cast %parallel_loop3A_388 : i32 to index
        %parallel_loop3A_391 = arith.constant 80 : index
        %parallel_loop3A_392 = tpu.vector_load %arg13[%parallel_loop3A_389, %parallel_loop3A_390, %parallel_loop3A_391] {strides = array<i32>} : memref<8x8x128xf32, #tpu.memory_space<vmem>>, vector<16xf32>,
        tpu.vector_store %arg13[%parallel_loop3A_389, %parallel_loop3A_390, %parallel_loop3A_391], %parallel_loop3A_384 {strides = array<i32>} : memref<8x8x128xf32, #tpu.memory_space<vmem>>, vector<16xf32>,
        %parallel_loop3A_393 = arith.index_cast %parallel_loop3A_326 : i32 to index
        %parallel_loop3A_394 = arith.constant 96 : index
        %parallel_loop3A_395 = tpu.vector_load %arg11[%parallel_loop3A_393, %parallel_loop3A_394] {strides = array<i32>} : memref<64x129xf32, #tpu.memory_space<vmem>>, vector<16xf32>,
        %parallel_loop3A_396 = arith.constant 3 : i32
        %parallel_loop3A_397 = arith.shrsi %parallel_loop3A_326, %parallel_loop3A_396 : i32
        %parallel_loop3A_398 = arith.constant 7 : i32
        %parallel_loop3A_399 = arith.andi %parallel_loop3A_326, %parallel_loop3A_398 : i32
        %parallel_loop3A_400 = arith.index_cast %parallel_loop3A_397 : i32 to index
        %parallel_loop3A_401 = arith.index_cast %parallel_loop3A_399 : i32 to index
        %parallel_loop3A_402 = arith.constant 96 : index
        %parallel_loop3A_403 = tpu.vector_load %arg13[%parallel_loop3A_400, %parallel_loop3A_401, %parallel_loop3A_402] {strides = array<i32>} : memref<8x8x128xf32, #tpu.memory_space<vmem>>, vector<16xf32>,
        tpu.vector_store %arg13[%parallel_loop3A_400, %parallel_loop3A_401, %parallel_loop3A_402], %parallel_loop3A_395 {strides = array<i32>} : memref<8x8x128xf32, #tpu.memory_space<vmem>>, vector<16xf32>,
        %parallel_loop3A_404 = arith.index_cast %parallel_loop3A_326 : i32 to index
        %parallel_loop3A_405 = arith.constant 112 : index
        %parallel_loop3A_406 = tpu.vector_load %arg11[%parallel_loop3A_404, %parallel_loop3A_405] {strides = array<i32>} : memref<64x129xf32, #tpu.memory_space<vmem>>, vector<16xf32>,
        %parallel_loop3A_407 = arith.constant 3 : i32
        %parallel_loop3A_408 = arith.shrsi %parallel_loop3A_326, %parallel_loop3A_407 : i32
        %parallel_loop3A_409 = arith.constant 7 : i32
        %parallel_loop3A_410 = arith.andi %parallel_loop3A_326, %parallel_loop3A_409 : i32
        %parallel_loop3A_411 = arith.index_cast %parallel_loop3A_408 : i32 to index
        %parallel_loop3A_412 = arith.index_cast %parallel_loop3A_410 : i32 to index
        %parallel_loop3A_413 = arith.constant 112 : index
        %parallel_loop3A_414 = tpu.vector_load %arg13[%parallel_loop3A_411, %parallel_loop3A_412, %parallel_loop3A_413] {strides = array<i32>} : memref<8x8x128xf32, #tpu.memory_space<vmem>>, vector<16xf32>,
        tpu.vector_store %arg13[%parallel_loop3A_411, %parallel_loop3A_412, %parallel_loop3A_413], %parallel_loop3A_406 {strides = array<i32>} : memref<8x8x128xf32, #tpu.memory_space<vmem>>, vector<16xf32>,
      } {sc.loop_unroll_factor = 8 : i64, sc.parallel_access}
      %dma_start3A_309 = arith.constant 0 : i32
      %dma_start3A_310 = arith.constant 0 : i32
      %dma_start3A_311 = arith.constant 0 : i32
      %dma_start3A_312 = tpu.memref_slice %arg5[%add3A_275, %dma_start3A_309, %add3A, %dma_start3A_310, %dma_start3A_311] : memref<200x8x32x8x128xf32, #tpu.memory_space<hbm>> -> memref<1x8x1x8x128xf32, #tpu.memory_space<hbm>>
      %dma_start3A_313 = tpu.memref_squeeze %dma_start3A_312 : memref<1x8x1x8x128xf32, #tpu.memory_space<hbm>> -> memref<8x8x128xf32, #tpu.memory_space<hbm>>
      %dma_start3A_314 = arith.constant 0 : i32
      %dma_start3A_315 = arith.constant 0 : i32
      %dma_start3A_316 = arith.constant 0 : i32
      %dma_start3A_317 = tpu.memref_slice %arg5[%add3A_275, %dma_start3A_314, %add3A, %dma_start3A_315, %dma_start3A_316] : memref<200x8x32x8x128xf32, #tpu.memory_space<hbm>> -> memref<1x8x1x8x128xf32, #tpu.memory_space<hbm>>
      %dma_start3A_318 = tpu.memref_squeeze %dma_start3A_317 : memref<1x8x1x8x128xf32, #tpu.memory_space<hbm>> -> memref<8x8x128xf32, #tpu.memory_space<hbm>>
      tpu.enqueue_dma source(%arg13 : memref<8x8x128xf32, #tpu.memory_space<vmem>>) target(%dma_start3A_318 : memref<8x8x128xf32, #tpu.memory_space<hbm>>) target_semaphore(%arg16 : memref<!tpu.dma_semaphore, #tpu.memory_space<semaphore_mem>>)
      %add3A_319 = arith.constant 2 : i32
      %add3A_320 = arith.addi %add3A_275, %add3A_319 : i32
      %lt3A_321 = arith.constant 200 : i32
      %lt3A_322 = arith.cmpi slt, %add3A_320, %lt3A_321 : i32
      %convert_element_type3A_323 = arith.extui %lt3A_322 : i1 to i32
      %cond3A_324 = arith.constant 0 : i32
      %cond3A_325 = arith.cmpi ne, %convert_element_type3A_323, %cond3A_324 : i32
      scf.if %cond3A_325 {
        %add3A_326 = arith.constant 2 : i32
        %add3A_327 = arith.addi %add3A_275, %add3A_326 : i32
        %add3A_328 = arith.constant 0 : i32
        %add3A_329 = vector.broadcast %add3A_328 : i32 to vector<16xi32>
        %add3A_330 = arith.addi %iota3A, %add3A_329 : vector<16xi32>
        %mul3A_331 = arith.constant 200 : i32
        %mul3A_332 = vector.broadcast %mul3A_331 : i32 to vector<16xi32>
        %mul3A_333 = arith.muli %add3A_330, %mul3A_332 : vector<16xi32>
        %add3A_334 = vector.broadcast %add3A_327 : i32 to vector<16xi32>
        %add3A_335 = arith.addi %mul3A_333, %add3A_334 : vector<16xi32>
        %gather3A_336 = tpu.vector_load_idx %arg6[%add3A_335] : memref<25600xi32, #tpu.memory_space<vmem>>[vector<16xi32>], vector<16xi32>,
        %swap3A_337 = arith.constant 0 : index
        %swap3A_338 = tpu.vector_load %arg8[%swap3A_337] {strides = array<i32>} : memref<128xi32, #tpu.memory_space<vmem>>, vector<16xi32>,
        tpu.vector_store %arg8[%swap3A_337], %gather3A_336 {strides = array<i32>} : memref<128xi32, #tpu.memory_space<vmem>>, vector<16xi32>,
        %add3A_339 = arith.constant 16 : i32
        %add3A_340 = vector.broadcast %add3A_339 : i32 to vector<16xi32>
        %add3A_341 = arith.addi %iota3A, %add3A_340 : vector<16xi32>
        %mul3A_342 = arith.constant 200 : i32
        %mul3A_343 = vector.broadcast %mul3A_342 : i32 to vector<16xi32>
        %mul3A_344 = arith.muli %add3A_341, %mul3A_343 : vector<16xi32>
        %add3A_345 = vector.broadcast %add3A_327 : i32 to vector<16xi32>
        %add3A_346 = arith.addi %mul3A_344, %add3A_345 : vector<16xi32>
        %gather3A_347 = tpu.vector_load_idx %arg6[%add3A_346] : memref<25600xi32, #tpu.memory_space<vmem>>[vector<16xi32>], vector<16xi32>,
        %swap3A_348 = arith.constant 16 : index
        %swap3A_349 = tpu.vector_load %arg8[%swap3A_348] {strides = array<i32>} : memref<128xi32, #tpu.memory_space<vmem>>, vector<16xi32>,
        tpu.vector_store %arg8[%swap3A_348], %gather3A_347 {strides = array<i32>} : memref<128xi32, #tpu.memory_space<vmem>>, vector<16xi32>,
        %add3A_350 = arith.constant 32 : i32
        %add3A_351 = vector.broadcast %add3A_350 : i32 to vector<16xi32>
        %add3A_352 = arith.addi %iota3A, %add3A_351 : vector<16xi32>
        %mul3A_353 = arith.constant 200 : i32
        %mul3A_354 = vector.broadcast %mul3A_353 : i32 to vector<16xi32>
        %mul3A_355 = arith.muli %add3A_352, %mul3A_354 : vector<16xi32>
        %add3A_356 = vector.broadcast %add3A_327 : i32 to vector<16xi32>
        %add3A_357 = arith.addi %mul3A_355, %add3A_356 : vector<16xi32>
        %gather3A_358 = tpu.vector_load_idx %arg6[%add3A_357] : memref<25600xi32, #tpu.memory_space<vmem>>[vector<16xi32>], vector<16xi32>,
        %swap3A_359 = arith.constant 32 : index
        %swap3A_360 = tpu.vector_load %arg8[%swap3A_359] {strides = array<i32>} : memref<128xi32, #tpu.memory_space<vmem>>, vector<16xi32>,
        tpu.vector_store %arg8[%swap3A_359], %gather3A_358 {strides = array<i32>} : memref<128xi32, #tpu.memory_space<vmem>>, vector<16xi32>,
        %add3A_361 = arith.constant 48 : i32
        %add3A_362 = vector.broadcast %add3A_361 : i32 to vector<16xi32>
        %add3A_363 = arith.addi %iota3A, %add3A_362 : vector<16xi32>
        %mul3A_364 = arith.constant 200 : i32
        %mul3A_365 = vector.broadcast %mul3A_364 : i32 to vector<16xi32>
        %mul3A_366 = arith.muli %add3A_363, %mul3A_365 : vector<16xi32>
        %add3A_367 = vector.broadcast %add3A_327 : i32 to vector<16xi32>
        %add3A_368 = arith.addi %mul3A_366, %add3A_367 : vector<16xi32>
        %gather3A_369 = tpu.vector_load_idx %arg6[%add3A_368] : memref<25600xi32, #tpu.memory_space<vmem>>[vector<16xi32>], vector<16xi32>,
        %swap3A_370 = arith.constant 48 : index
        %swap3A_371 = tpu.vector_load %arg8[%swap3A_370] {strides = array<i32>} : memref<128xi32, #tpu.memory_space<vmem>>, vector<16xi32>,
        tpu.vector_store %arg8[%swap3A_370], %gather3A_369 {strides = array<i32>} : memref<128xi32, #tpu.memory_space<vmem>>, vector<16xi32>,
        %add3A_372 = arith.constant 64 : i32
        %add3A_373 = vector.broadcast %add3A_372 : i32 to vector<16xi32>
        %add3A_374 = arith.addi %iota3A, %add3A_373 : vector<16xi32>
        %mul3A_375 = arith.constant 200 : i32
        %mul3A_376 = vector.broadcast %mul3A_375 : i32 to vector<16xi32>
        %mul3A_377 = arith.muli %add3A_374, %mul3A_376 : vector<16xi32>
        %add3A_378 = vector.broadcast %add3A_327 : i32 to vector<16xi32>
        %add3A_379 = arith.addi %mul3A_377, %add3A_378 : vector<16xi32>
        %gather3A_380 = tpu.vector_load_idx %arg6[%add3A_379] : memref<25600xi32, #tpu.memory_space<vmem>>[vector<16xi32>], vector<16xi32>,
        %swap3A_381 = arith.constant 64 : index
        %swap3A_382 = tpu.vector_load %arg8[%swap3A_381] {strides = array<i32>} : memref<128xi32, #tpu.memory_space<vmem>>, vector<16xi32>,
        tpu.vector_store %arg8[%swap3A_381], %gather3A_380 {strides = array<i32>} : memref<128xi32, #tpu.memory_space<vmem>>, vector<16xi32>,
        %add3A_383 = arith.constant 80 : i32
        %add3A_384 = vector.broadcast %add3A_383 : i32 to vector<16xi32>
        %add3A_385 = arith.addi %iota3A, %add3A_384 : vector<16xi32>
        %mul3A_386 = arith.constant 200 : i32
        %mul3A_387 = vector.broadcast %mul3A_386 : i32 to vector<16xi32>
        %mul3A_388 = arith.muli %add3A_385, %mul3A_387 : vector<16xi32>
        %add3A_389 = vector.broadcast %add3A_327 : i32 to vector<16xi32>
        %add3A_390 = arith.addi %mul3A_388, %add3A_389 : vector<16xi32>
        %gather3A_391 = tpu.vector_load_idx %arg6[%add3A_390] : memref<25600xi32, #tpu.memory_space<vmem>>[vector<16xi32>], vector<16xi32>,
        %swap3A_392 = arith.constant 80 : index
        %swap3A_393 = tpu.vector_load %arg8[%swap3A_392] {strides = array<i32>} : memref<128xi32, #tpu.memory_space<vmem>>, vector<16xi32>,
        tpu.vector_store %arg8[%swap3A_392], %gather3A_391 {strides = array<i32>} : memref<128xi32, #tpu.memory_space<vmem>>, vector<16xi32>,
        %add3A_394 = arith.constant 96 : i32
        %add3A_395 = vector.broadcast %add3A_394 : i32 to vector<16xi32>
        %add3A_396 = arith.addi %iota3A, %add3A_395 : vector<16xi32>
        %mul3A_397 = arith.constant 200 : i32
        %mul3A_398 = vector.broadcast %mul3A_397 : i32 to vector<16xi32>
        %mul3A_399 = arith.muli %add3A_396, %mul3A_398 : vector<16xi32>
        %add3A_400 = vector.broadcast %add3A_327 : i32 to vector<16xi32>
        %add3A_401 = arith.addi %mul3A_399, %add3A_400 : vector<16xi32>
        %gather3A_402 = tpu.vector_load_idx %arg6[%add3A_401] : memref<25600xi32, #tpu.memory_space<vmem>>[vector<16xi32>], vector<16xi32>,
        %swap3A_403 = arith.constant 96 : index
        %swap3A_404 = tpu.vector_load %arg8[%swap3A_403] {strides = array<i32>} : memref<128xi32, #tpu.memory_space<vmem>>, vector<16xi32>,
        tpu.vector_store %arg8[%swap3A_403], %gather3A_402 {strides = array<i32>} : memref<128xi32, #tpu.memory_space<vmem>>, vector<16xi32>,
        %add3A_405 = arith.constant 112 : i32
        %add3A_406 = vector.broadcast %add3A_405 : i32 to vector<16xi32>
        %add3A_407 = arith.addi %iota3A, %add3A_406 : vector<16xi32>
        %mul3A_408 = arith.constant 200 : i32
        %mul3A_409 = vector.broadcast %mul3A_408 : i32 to vector<16xi32>
        %mul3A_410 = arith.muli %add3A_407, %mul3A_409 : vector<16xi32>
        %add3A_411 = vector.broadcast %add3A_327 : i32 to vector<16xi32>
        %add3A_412 = arith.addi %mul3A_410, %add3A_411 : vector<16xi32>
        %gather3A_413 = tpu.vector_load_idx %arg6[%add3A_412] : memref<25600xi32, #tpu.memory_space<vmem>>[vector<16xi32>], vector<16xi32>,
        %swap3A_414 = arith.constant 112 : index
        %swap3A_415 = tpu.vector_load %arg8[%swap3A_414] {strides = array<i32>} : memref<128xi32, #tpu.memory_space<vmem>>, vector<16xi32>,
        tpu.vector_store %arg8[%swap3A_414], %gather3A_413 {strides = array<i32>} : memref<128xi32, #tpu.memory_space<vmem>>, vector<16xi32>,
      } else {
      }
    }
    %scan3A_201 = arith.constant 100 : i32
    %dma_wait3A = arith.constant 198 : i32
    %dma_wait3A_202 = arith.constant 0 : i32
    %dma_wait3A_203 = arith.constant 0 : i32
    %dma_wait3A_204 = arith.constant 0 : i32
    %dma_wait3A_205 = tpu.memref_slice %arg5[%dma_wait3A, %dma_wait3A_202, %add3A, %dma_wait3A_203, %dma_wait3A_204] : memref<200x8x32x8x128xf32, #tpu.memory_space<hbm>> -> memref<1x8x1x8x128xf32, #tpu.memory_space<hbm>>
    %dma_wait3A_206 = tpu.memref_squeeze %dma_wait3A_205 : memref<1x8x1x8x128xf32, #tpu.memory_space<hbm>> -> memref<8x8x128xf32, #tpu.memory_space<hbm>>
    %dma_wait3A_207 = arith.constant 0 : i32
    %dma_wait3A_208 = arith.constant 0 : i32
    %dma_wait3A_209 = arith.constant 0 : i32
    %dma_wait3A_210 = tpu.memref_slice %arg5[%dma_wait3A, %dma_wait3A_207, %add3A, %dma_wait3A_208, %dma_wait3A_209] : memref<200x8x32x8x128xf32, #tpu.memory_space<hbm>> -> memref<1x8x1x8x128xf32, #tpu.memory_space<hbm>>
    %dma_wait3A_211 = tpu.memref_squeeze %dma_wait3A_210 : memref<1x8x1x8x128xf32, #tpu.memory_space<hbm>> -> memref<8x8x128xf32, #tpu.memory_space<hbm>>
    tpu.wait_dma2 semaphore(%arg16 : memref<!tpu.dma_semaphore, #tpu.memory_space<semaphore_mem>>) src(%arg12 : memref<8x8x128xf32, #tpu.memory_space<vmem>>) dst(%dma_wait3A_211 : memref<8x8x128xf32, #tpu.memory_space<hbm>>)
    %dma_wait3A_212 = arith.constant 199 : i32
    %dma_wait3A_213 = arith.constant 0 : i32
    %dma_wait3A_214 = arith.constant 0 : i32
    %dma_wait3A_215 = arith.constant 0 : i32
    %dma_wait3A_216 = tpu.memref_slice %arg5[%dma_wait3A_212, %dma_wait3A_213, %add3A, %dma_wait3A_214, %dma_wait3A_215] : memref<200x8x32x8x128xf32, #tpu.memory_space<hbm>> -> memref<1x8x1x8x128xf32, #tpu.memory_space<hbm>>
    %dma_wait3A_217 = tpu.memref_squeeze %dma_wait3A_216 : memref<1x8x1x8x128xf32, #tpu.memory_space<hbm>> -> memref<8x8x128xf32, #tpu.memory_space<hbm>>
    %dma_wait3A_218 = arith.constant 0 : i32
    %dma_wait3A_219 = arith.constant 0 : i32
    %dma_wait3A_220 = arith.constant 0 : i32
    %dma_wait3A_221 = tpu.memref_slice %arg5[%dma_wait3A_212, %dma_wait3A_218, %add3A, %dma_wait3A_219, %dma_wait3A_220] : memref<200x8x32x8x128xf32, #tpu.memory_space<hbm>> -> memref<1x8x1x8x128xf32, #tpu.memory_space<hbm>>
    %dma_wait3A_222 = tpu.memref_squeeze %dma_wait3A_221 : memref<1x8x1x8x128xf32, #tpu.memory_space<hbm>> -> memref<8x8x128xf32, #tpu.memory_space<hbm>>
    tpu.wait_dma2 semaphore(%arg16 : memref<!tpu.dma_semaphore, #tpu.memory_space<semaphore_mem>>) src(%arg13 : memref<8x8x128xf32, #tpu.memory_space<vmem>>) dst(%dma_wait3A_222 : memref<8x8x128xf32, #tpu.memory_space<hbm>>)
    return
  }
}

#map = affine_map<(d0, d1) -> (0, 0)>
#map1 = affine_map<(d0, d1) -> (0)>
module attributes {stable_mosaic.version = 14 : i64} {
  func.func @transpose_kernel(%arg0: i32, %arg1: i32, %arg2: memref<64x1000000xf32, #tpu.memory_space<hbm>>, %arg3: memref<4096xf32, #tpu.memory_space<hbm>>, %arg4: memref<64000000xf32, #tpu.memory_space<hbm>>, %arg5: memref<64x128xf32, #tpu.memory_space<vmem>>, %arg6: memref<64x128xf32, #tpu.memory_space<vmem>>, %arg7: memref<128x65xf32, #tpu.memory_space<vmem>>, %arg8: memref<8192xf32, #tpu.memory_space<vmem>>, %arg9: memref<8192xf32, #tpu.memory_space<vmem>>, %arg10: memref<4096xf32, #tpu.memory_space<vmem>>, %arg11: memref<!tpu.dma_semaphore, #tpu.memory_space<semaphore_mem>>, %arg12: memref<!tpu.dma_semaphore, #tpu.memory_space<semaphore_mem>>) attributes {dimension_semantics = [#tpu.dimension_semantics<core_parallel>, #tpu.dimension_semantics<subcore_parallel>], iteration_bounds = array<i64: 2, 16>, scalar_prefetch = 0 : i64, scratch_operands = 8 : i64, tpu.core_type = #tpu.core_type<sc_vector_subcore>, window_params = [{transform_indices = #map}, {transform_indices = #map1}, {transform_indices = #map1}]} {
    %mul3A = arith.constant 2 : i32
    %mul3A_0 = arith.muli %arg1, %mul3A : i32
    %add3A = arith.addi %mul3A_0, %arg0 : i32
    %iota3A = tpu.iota {dimensions = array<i32: 0>} : vector<16xi32>
    %mul3A_1 = arith.constant 65 : i32
    %mul3A_2 = vector.broadcast %mul3A_1 : i32 to vector<16xi32>
    %mul3A_3 = arith.muli %iota3A, %mul3A_2 : vector<16xi32>
    %eq3A = arith.constant 31 : i32
    %eq3A_4 = arith.cmpi eq, %add3A, %eq3A : i32
    %convert_element_type3A = arith.extui %eq3A_4 : i1 to i32
    %cond3A = arith.constant 0 : i32
    %cond3A_5 = arith.cmpi ne, %convert_element_type3A, %cond3A : i32
    scf.if %cond3A_5 {
      "tpu.region"() ({
        %run_scoped3A = tpu.sem_alloc : memref<!tpu.dma_semaphore, #tpu.memory_space<semaphore_mem>>
        tpu.enqueue_dma source(%arg3 : memref<4096xf32, #tpu.memory_space<hbm>>) target(%arg10 : memref<4096xf32, #tpu.memory_space<vmem>>) target_semaphore(%run_scoped3A : memref<!tpu.dma_semaphore, #tpu.memory_space<semaphore_mem>>)
        tpu.wait_dma2 semaphore(%run_scoped3A : memref<!tpu.dma_semaphore, #tpu.memory_space<semaphore_mem>>) src(%arg3 : memref<4096xf32, #tpu.memory_space<hbm>>) dst(%arg10 : memref<4096xf32, #tpu.memory_space<vmem>>)
        tpu.yield
      }) : () -> ()
      "tpu.region"() ({
        %run_scoped3A = tpu.sem_alloc : memref<!tpu.dma_semaphore, #tpu.memory_space<semaphore_mem>>
        %dma_start3A = arith.constant 63995904 : i32
        %dma_start3A_31 = tpu.memref_slice %arg4[%dma_start3A] : memref<64000000xf32, #tpu.memory_space<hbm>> -> memref<4096xf32, #tpu.memory_space<hbm>>
        %dma_start3A_32 = arith.constant 63995904 : i32
        %dma_start3A_33 = tpu.memref_slice %arg4[%dma_start3A_32] : memref<64000000xf32, #tpu.memory_space<hbm>> -> memref<4096xf32, #tpu.memory_space<hbm>>
        tpu.enqueue_dma source(%arg10 : memref<4096xf32, #tpu.memory_space<vmem>>) target(%dma_start3A_33 : memref<4096xf32, #tpu.memory_space<hbm>>) target_semaphore(%run_scoped3A : memref<!tpu.dma_semaphore, #tpu.memory_space<semaphore_mem>>)
        %dma_wait3A = arith.constant 63995904 : i32
        %dma_wait3A_34 = tpu.memref_slice %arg4[%dma_wait3A] : memref<64000000xf32, #tpu.memory_space<hbm>> -> memref<4096xf32, #tpu.memory_space<hbm>>
        %dma_wait3A_35 = arith.constant 63995904 : i32
        %dma_wait3A_36 = tpu.memref_slice %arg4[%dma_wait3A_35] : memref<64000000xf32, #tpu.memory_space<hbm>> -> memref<4096xf32, #tpu.memory_space<hbm>>
        tpu.wait_dma2 semaphore(%run_scoped3A : memref<!tpu.dma_semaphore, #tpu.memory_space<semaphore_mem>>) src(%arg10 : memref<4096xf32, #tpu.memory_space<vmem>>) dst(%dma_wait3A_36 : memref<4096xf32, #tpu.memory_space<hbm>>)
        tpu.yield
      }) : () -> ()
    } else {
    }
    %add3A_6 = arith.constant 0 : i32
    %add3A_7 = arith.addi %add3A, %add3A_6 : i32
    %lt3A = arith.constant 7812 : i32
    %lt3A_8 = arith.cmpi slt, %add3A_7, %lt3A : i32
    %convert_element_type3A_9 = arith.extui %lt3A_8 : i1 to i32
    %cond3A_10 = arith.constant 0 : i32
    %cond3A_11 = arith.cmpi ne, %convert_element_type3A_9, %cond3A_10 : i32
    scf.if %cond3A_11 {
      %add3A_31 = arith.constant 0 : i32
      %add3A_32 = arith.addi %add3A, %add3A_31 : i32
      %mul3A_33 = arith.constant 128 : i32
      %mul3A_34 = arith.muli %add3A_32, %mul3A_33 : i32
      %dma_start3A = arith.constant 0 : i32
      %dma_start3A_35 = arith.constant 0 : i32
      %dma_start3A_36 = tpu.memref_slice %arg5[%dma_start3A, %dma_start3A_35] : memref<64x128xf32, #tpu.memory_space<vmem>> -> memref<8x128xf32, #tpu.memory_space<vmem>>
      %dma_start3A_37 = arith.constant 0 : i32
      %dma_start3A_38 = tpu.memref_slice %arg2[%dma_start3A_37, %mul3A_34] : memref<64x1000000xf32, #tpu.memory_space<hbm>> -> memref<8x128xf32, #tpu.memory_space<hbm>>
      %dma_start3A_39 = arith.constant 0 : i32
      %dma_start3A_40 = arith.constant 0 : i32
      %dma_start3A_41 = tpu.memref_slice %arg5[%dma_start3A_39, %dma_start3A_40] : memref<64x128xf32, #tpu.memory_space<vmem>> -> memref<8x128xf32, #tpu.memory_space<vmem>>
      %dma_start3A_42 = arith.constant 0 : i32
      %dma_start3A_43 = tpu.memref_slice %arg2[%dma_start3A_42, %mul3A_34] : memref<64x1000000xf32, #tpu.memory_space<hbm>> -> memref<8x128xf32, #tpu.memory_space<hbm>>
      tpu.enqueue_dma source(%dma_start3A_43 : memref<8x128xf32, #tpu.memory_space<hbm>>) target(%dma_start3A_41 : memref<8x128xf32, #tpu.memory_space<vmem>>) target_semaphore(%arg11 : memref<!tpu.dma_semaphore, #tpu.memory_space<semaphore_mem>>)
      %dma_start3A_44 = arith.constant 8 : i32
      %dma_start3A_45 = arith.constant 0 : i32
      %dma_start3A_46 = tpu.memref_slice %arg5[%dma_start3A_44, %dma_start3A_45] : memref<64x128xf32, #tpu.memory_space<vmem>> -> memref<8x128xf32, #tpu.memory_space<vmem>>
      %dma_start3A_47 = arith.constant 8 : i32
      %dma_start3A_48 = tpu.memref_slice %arg2[%dma_start3A_47, %mul3A_34] : memref<64x1000000xf32, #tpu.memory_space<hbm>> -> memref<8x128xf32, #tpu.memory_space<hbm>>
      %dma_start3A_49 = arith.constant 8 : i32
      %dma_start3A_50 = arith.constant 0 : i32
      %dma_start3A_51 = tpu.memref_slice %arg5[%dma_start3A_49, %dma_start3A_50] : memref<64x128xf32, #tpu.memory_space<vmem>> -> memref<8x128xf32, #tpu.memory_space<vmem>>
      %dma_start3A_52 = arith.constant 8 : i32
      %dma_start3A_53 = tpu.memref_slice %arg2[%dma_start3A_52, %mul3A_34] : memref<64x1000000xf32, #tpu.memory_space<hbm>> -> memref<8x128xf32, #tpu.memory_space<hbm>>
      tpu.enqueue_dma source(%dma_start3A_53 : memref<8x128xf32, #tpu.memory_space<hbm>>) target(%dma_start3A_51 : memref<8x128xf32, #tpu.memory_space<vmem>>) target_semaphore(%arg11 : memref<!tpu.dma_semaphore, #tpu.memory_space<semaphore_mem>>)
      %dma_start3A_54 = arith.constant 16 : i32
      %dma_start3A_55 = arith.constant 0 : i32
      %dma_start3A_56 = tpu.memref_slice %arg5[%dma_start3A_54, %dma_start3A_55] : memref<64x128xf32, #tpu.memory_space<vmem>> -> memref<8x128xf32, #tpu.memory_space<vmem>>
      %dma_start3A_57 = arith.constant 16 : i32
      %dma_start3A_58 = tpu.memref_slice %arg2[%dma_start3A_57, %mul3A_34] : memref<64x1000000xf32, #tpu.memory_space<hbm>> -> memref<8x128xf32, #tpu.memory_space<hbm>>
      %dma_start3A_59 = arith.constant 16 : i32
      %dma_start3A_60 = arith.constant 0 : i32
      %dma_start3A_61 = tpu.memref_slice %arg5[%dma_start3A_59, %dma_start3A_60] : memref<64x128xf32, #tpu.memory_space<vmem>> -> memref<8x128xf32, #tpu.memory_space<vmem>>
      %dma_start3A_62 = arith.constant 16 : i32
      %dma_start3A_63 = tpu.memref_slice %arg2[%dma_start3A_62, %mul3A_34] : memref<64x1000000xf32, #tpu.memory_space<hbm>> -> memref<8x128xf32, #tpu.memory_space<hbm>>
      tpu.enqueue_dma source(%dma_start3A_63 : memref<8x128xf32, #tpu.memory_space<hbm>>) target(%dma_start3A_61 : memref<8x128xf32, #tpu.memory_space<vmem>>) target_semaphore(%arg11 : memref<!tpu.dma_semaphore, #tpu.memory_space<semaphore_mem>>)
      %dma_start3A_64 = arith.constant 24 : i32
      %dma_start3A_65 = arith.constant 0 : i32
      %dma_start3A_66 = tpu.memref_slice %arg5[%dma_start3A_64, %dma_start3A_65] : memref<64x128xf32, #tpu.memory_space<vmem>> -> memref<8x128xf32, #tpu.memory_space<vmem>>
      %dma_start3A_67 = arith.constant 24 : i32
      %dma_start3A_68 = tpu.memref_slice %arg2[%dma_start3A_67, %mul3A_34] : memref<64x1000000xf32, #tpu.memory_space<hbm>> -> memref<8x128xf32, #tpu.memory_space<hbm>>
      %dma_start3A_69 = arith.constant 24 : i32
      %dma_start3A_70 = arith.constant 0 : i32
      %dma_start3A_71 = tpu.memref_slice %arg5[%dma_start3A_69, %dma_start3A_70] : memref<64x128xf32, #tpu.memory_space<vmem>> -> memref<8x128xf32, #tpu.memory_space<vmem>>
      %dma_start3A_72 = arith.constant 24 : i32
      %dma_start3A_73 = tpu.memref_slice %arg2[%dma_start3A_72, %mul3A_34] : memref<64x1000000xf32, #tpu.memory_space<hbm>> -> memref<8x128xf32, #tpu.memory_space<hbm>>
      tpu.enqueue_dma source(%dma_start3A_73 : memref<8x128xf32, #tpu.memory_space<hbm>>) target(%dma_start3A_71 : memref<8x128xf32, #tpu.memory_space<vmem>>) target_semaphore(%arg11 : memref<!tpu.dma_semaphore, #tpu.memory_space<semaphore_mem>>)
      %dma_start3A_74 = arith.constant 32 : i32
      %dma_start3A_75 = arith.constant 0 : i32
      %dma_start3A_76 = tpu.memref_slice %arg5[%dma_start3A_74, %dma_start3A_75] : memref<64x128xf32, #tpu.memory_space<vmem>> -> memref<8x128xf32, #tpu.memory_space<vmem>>
      %dma_start3A_77 = arith.constant 32 : i32
      %dma_start3A_78 = tpu.memref_slice %arg2[%dma_start3A_77, %mul3A_34] : memref<64x1000000xf32, #tpu.memory_space<hbm>> -> memref<8x128xf32, #tpu.memory_space<hbm>>
      %dma_start3A_79 = arith.constant 32 : i32
      %dma_start3A_80 = arith.constant 0 : i32
      %dma_start3A_81 = tpu.memref_slice %arg5[%dma_start3A_79, %dma_start3A_80] : memref<64x128xf32, #tpu.memory_space<vmem>> -> memref<8x128xf32, #tpu.memory_space<vmem>>
      %dma_start3A_82 = arith.constant 32 : i32
      %dma_start3A_83 = tpu.memref_slice %arg2[%dma_start3A_82, %mul3A_34] : memref<64x1000000xf32, #tpu.memory_space<hbm>> -> memref<8x128xf32, #tpu.memory_space<hbm>>
      tpu.enqueue_dma source(%dma_start3A_83 : memref<8x128xf32, #tpu.memory_space<hbm>>) target(%dma_start3A_81 : memref<8x128xf32, #tpu.memory_space<vmem>>) target_semaphore(%arg11 : memref<!tpu.dma_semaphore, #tpu.memory_space<semaphore_mem>>)
      %dma_start3A_84 = arith.constant 40 : i32
      %dma_start3A_85 = arith.constant 0 : i32
      %dma_start3A_86 = tpu.memref_slice %arg5[%dma_start3A_84, %dma_start3A_85] : memref<64x128xf32, #tpu.memory_space<vmem>> -> memref<8x128xf32, #tpu.memory_space<vmem>>
      %dma_start3A_87 = arith.constant 40 : i32
      %dma_start3A_88 = tpu.memref_slice %arg2[%dma_start3A_87, %mul3A_34] : memref<64x1000000xf32, #tpu.memory_space<hbm>> -> memref<8x128xf32, #tpu.memory_space<hbm>>
      %dma_start3A_89 = arith.constant 40 : i32
      %dma_start3A_90 = arith.constant 0 : i32
      %dma_start3A_91 = tpu.memref_slice %arg5[%dma_start3A_89, %dma_start3A_90] : memref<64x128xf32, #tpu.memory_space<vmem>> -> memref<8x128xf32, #tpu.memory_space<vmem>>
      %dma_start3A_92 = arith.constant 40 : i32
      %dma_start3A_93 = tpu.memref_slice %arg2[%dma_start3A_92, %mul3A_34] : memref<64x1000000xf32, #tpu.memory_space<hbm>> -> memref<8x128xf32, #tpu.memory_space<hbm>>
      tpu.enqueue_dma source(%dma_start3A_93 : memref<8x128xf32, #tpu.memory_space<hbm>>) target(%dma_start3A_91 : memref<8x128xf32, #tpu.memory_space<vmem>>) target_semaphore(%arg11 : memref<!tpu.dma_semaphore, #tpu.memory_space<semaphore_mem>>)
      %dma_start3A_94 = arith.constant 48 : i32
      %dma_start3A_95 = arith.constant 0 : i32
      %dma_start3A_96 = tpu.memref_slice %arg5[%dma_start3A_94, %dma_start3A_95] : memref<64x128xf32, #tpu.memory_space<vmem>> -> memref<8x128xf32, #tpu.memory_space<vmem>>
      %dma_start3A_97 = arith.constant 48 : i32
      %dma_start3A_98 = tpu.memref_slice %arg2[%dma_start3A_97, %mul3A_34] : memref<64x1000000xf32, #tpu.memory_space<hbm>> -> memref<8x128xf32, #tpu.memory_space<hbm>>
      %dma_start3A_99 = arith.constant 48 : i32
      %dma_start3A_100 = arith.constant 0 : i32
      %dma_start3A_101 = tpu.memref_slice %arg5[%dma_start3A_99, %dma_start3A_100] : memref<64x128xf32, #tpu.memory_space<vmem>> -> memref<8x128xf32, #tpu.memory_space<vmem>>
      %dma_start3A_102 = arith.constant 48 : i32
      %dma_start3A_103 = tpu.memref_slice %arg2[%dma_start3A_102, %mul3A_34] : memref<64x1000000xf32, #tpu.memory_space<hbm>> -> memref<8x128xf32, #tpu.memory_space<hbm>>
      tpu.enqueue_dma source(%dma_start3A_103 : memref<8x128xf32, #tpu.memory_space<hbm>>) target(%dma_start3A_101 : memref<8x128xf32, #tpu.memory_space<vmem>>) target_semaphore(%arg11 : memref<!tpu.dma_semaphore, #tpu.memory_space<semaphore_mem>>)
      %dma_start3A_104 = arith.constant 56 : i32
      %dma_start3A_105 = arith.constant 0 : i32
      %dma_start3A_106 = tpu.memref_slice %arg5[%dma_start3A_104, %dma_start3A_105] : memref<64x128xf32, #tpu.memory_space<vmem>> -> memref<8x128xf32, #tpu.memory_space<vmem>>
      %dma_start3A_107 = arith.constant 56 : i32
      %dma_start3A_108 = tpu.memref_slice %arg2[%dma_start3A_107, %mul3A_34] : memref<64x1000000xf32, #tpu.memory_space<hbm>> -> memref<8x128xf32, #tpu.memory_space<hbm>>
      %dma_start3A_109 = arith.constant 56 : i32
      %dma_start3A_110 = arith.constant 0 : i32
      %dma_start3A_111 = tpu.memref_slice %arg5[%dma_start3A_109, %dma_start3A_110] : memref<64x128xf32, #tpu.memory_space<vmem>> -> memref<8x128xf32, #tpu.memory_space<vmem>>
      %dma_start3A_112 = arith.constant 56 : i32
      %dma_start3A_113 = tpu.memref_slice %arg2[%dma_start3A_112, %mul3A_34] : memref<64x1000000xf32, #tpu.memory_space<hbm>> -> memref<8x128xf32, #tpu.memory_space<hbm>>
      tpu.enqueue_dma source(%dma_start3A_113 : memref<8x128xf32, #tpu.memory_space<hbm>>) target(%dma_start3A_111 : memref<8x128xf32, #tpu.memory_space<vmem>>) target_semaphore(%arg11 : memref<!tpu.dma_semaphore, #tpu.memory_space<semaphore_mem>>)
    } else {
    }
    %scan3A = arith.constant 0 : i32
    %scan3A_12 = arith.constant 0 : i32
    %scan3A_13 = arith.constant 123 : i32
    %scan3A_14 = arith.addi %scan3A_12, %scan3A_13 : i32
    %scan3A_15 = arith.constant 1 : i32
    scf.for %scan3A_31 = %scan3A_12 to %scan3A_14 step %scan3A_15  : i32 {
      %mul3A_32 = arith.constant 2 : i32
      %mul3A_33 = arith.muli %mul3A_32, %scan3A_31 : i32
      %add3A_34 = arith.constant 0 : i32
      %add3A_35 = arith.addi %mul3A_33, %add3A_34 : i32
      %add3A_36 = arith.constant 1 : i32
      %add3A_37 = arith.addi %add3A_35, %add3A_36 : i32
      %mul3A_38 = arith.constant 32 : i32
      %mul3A_39 = arith.muli %mul3A_38, %add3A_37 : i32
      %add3A_40 = arith.addi %add3A, %mul3A_39 : i32
      %lt3A_41 = arith.constant 7812 : i32
      %lt3A_42 = arith.cmpi slt, %add3A_40, %lt3A_41 : i32
      %convert_element_type3A_43 = arith.extui %lt3A_42 : i1 to i32
      %cond3A_44 = arith.constant 0 : i32
      %cond3A_45 = arith.cmpi ne, %convert_element_type3A_43, %cond3A_44 : i32
      scf.if %cond3A_45 {
        %mul3A_112 = arith.constant 32 : i32
        %mul3A_113 = arith.muli %mul3A_112, %add3A_37 : i32
        %add3A_114 = arith.addi %add3A, %mul3A_113 : i32
        %mul3A_115 = arith.constant 128 : i32
        %mul3A_116 = arith.muli %add3A_114, %mul3A_115 : i32
        %dma_start3A = arith.constant 0 : i32
        %dma_start3A_117 = arith.constant 0 : i32
        %dma_start3A_118 = tpu.memref_slice %arg6[%dma_start3A, %dma_start3A_117] : memref<64x128xf32, #tpu.memory_space<vmem>> -> memref<8x128xf32, #tpu.memory_space<vmem>>
        %dma_start3A_119 = arith.constant 0 : i32
        %dma_start3A_120 = tpu.memref_slice %arg2[%dma_start3A_119, %mul3A_116] : memref<64x1000000xf32, #tpu.memory_space<hbm>> -> memref<8x128xf32, #tpu.memory_space<hbm>>
        %dma_start3A_121 = arith.constant 0 : i32
        %dma_start3A_122 = arith.constant 0 : i32
        %dma_start3A_123 = tpu.memref_slice %arg6[%dma_start3A_121, %dma_start3A_122] : memref<64x128xf32, #tpu.memory_space<vmem>> -> memref<8x128xf32, #tpu.memory_space<vmem>>
        %dma_start3A_124 = arith.constant 0 : i32
        %dma_start3A_125 = tpu.memref_slice %arg2[%dma_start3A_124, %mul3A_116] : memref<64x1000000xf32, #tpu.memory_space<hbm>> -> memref<8x128xf32, #tpu.memory_space<hbm>>
        tpu.enqueue_dma source(%dma_start3A_125 : memref<8x128xf32, #tpu.memory_space<hbm>>) target(%dma_start3A_123 : memref<8x128xf32, #tpu.memory_space<vmem>>) target_semaphore(%arg11 : memref<!tpu.dma_semaphore, #tpu.memory_space<semaphore_mem>>)
        %dma_start3A_126 = arith.constant 8 : i32
        %dma_start3A_127 = arith.constant 0 : i32
        %dma_start3A_128 = tpu.memref_slice %arg6[%dma_start3A_126, %dma_start3A_127] : memref<64x128xf32, #tpu.memory_space<vmem>> -> memref<8x128xf32, #tpu.memory_space<vmem>>
        %dma_start3A_129 = arith.constant 8 : i32
        %dma_start3A_130 = tpu.memref_slice %arg2[%dma_start3A_129, %mul3A_116] : memref<64x1000000xf32, #tpu.memory_space<hbm>> -> memref<8x128xf32, #tpu.memory_space<hbm>>
        %dma_start3A_131 = arith.constant 8 : i32
        %dma_start3A_132 = arith.constant 0 : i32
        %dma_start3A_133 = tpu.memref_slice %arg6[%dma_start3A_131, %dma_start3A_132] : memref<64x128xf32, #tpu.memory_space<vmem>> -> memref<8x128xf32, #tpu.memory_space<vmem>>
        %dma_start3A_134 = arith.constant 8 : i32
        %dma_start3A_135 = tpu.memref_slice %arg2[%dma_start3A_134, %mul3A_116] : memref<64x1000000xf32, #tpu.memory_space<hbm>> -> memref<8x128xf32, #tpu.memory_space<hbm>>
        tpu.enqueue_dma source(%dma_start3A_135 : memref<8x128xf32, #tpu.memory_space<hbm>>) target(%dma_start3A_133 : memref<8x128xf32, #tpu.memory_space<vmem>>) target_semaphore(%arg11 : memref<!tpu.dma_semaphore, #tpu.memory_space<semaphore_mem>>)
        %dma_start3A_136 = arith.constant 16 : i32
        %dma_start3A_137 = arith.constant 0 : i32
        %dma_start3A_138 = tpu.memref_slice %arg6[%dma_start3A_136, %dma_start3A_137] : memref<64x128xf32, #tpu.memory_space<vmem>> -> memref<8x128xf32, #tpu.memory_space<vmem>>
        %dma_start3A_139 = arith.constant 16 : i32
        %dma_start3A_140 = tpu.memref_slice %arg2[%dma_start3A_139, %mul3A_116] : memref<64x1000000xf32, #tpu.memory_space<hbm>> -> memref<8x128xf32, #tpu.memory_space<hbm>>
        %dma_start3A_141 = arith.constant 16 : i32
        %dma_start3A_142 = arith.constant 0 : i32
        %dma_start3A_143 = tpu.memref_slice %arg6[%dma_start3A_141, %dma_start3A_142] : memref<64x128xf32, #tpu.memory_space<vmem>> -> memref<8x128xf32, #tpu.memory_space<vmem>>
        %dma_start3A_144 = arith.constant 16 : i32
        %dma_start3A_145 = tpu.memref_slice %arg2[%dma_start3A_144, %mul3A_116] : memref<64x1000000xf32, #tpu.memory_space<hbm>> -> memref<8x128xf32, #tpu.memory_space<hbm>>
        tpu.enqueue_dma source(%dma_start3A_145 : memref<8x128xf32, #tpu.memory_space<hbm>>) target(%dma_start3A_143 : memref<8x128xf32, #tpu.memory_space<vmem>>) target_semaphore(%arg11 : memref<!tpu.dma_semaphore, #tpu.memory_space<semaphore_mem>>)
        %dma_start3A_146 = arith.constant 24 : i32
        %dma_start3A_147 = arith.constant 0 : i32
        %dma_start3A_148 = tpu.memref_slice %arg6[%dma_start3A_146, %dma_start3A_147] : memref<64x128xf32, #tpu.memory_space<vmem>> -> memref<8x128xf32, #tpu.memory_space<vmem>>
        %dma_start3A_149 = arith.constant 24 : i32
        %dma_start3A_150 = tpu.memref_slice %arg2[%dma_start3A_149, %mul3A_116] : memref<64x1000000xf32, #tpu.memory_space<hbm>> -> memref<8x128xf32, #tpu.memory_space<hbm>>
        %dma_start3A_151 = arith.constant 24 : i32
        %dma_start3A_152 = arith.constant 0 : i32
        %dma_start3A_153 = tpu.memref_slice %arg6[%dma_start3A_151, %dma_start3A_152] : memref<64x128xf32, #tpu.memory_space<vmem>> -> memref<8x128xf32, #tpu.memory_space<vmem>>
        %dma_start3A_154 = arith.constant 24 : i32
        %dma_start3A_155 = tpu.memref_slice %arg2[%dma_start3A_154, %mul3A_116] : memref<64x1000000xf32, #tpu.memory_space<hbm>> -> memref<8x128xf32, #tpu.memory_space<hbm>>
        tpu.enqueue_dma source(%dma_start3A_155 : memref<8x128xf32, #tpu.memory_space<hbm>>) target(%dma_start3A_153 : memref<8x128xf32, #tpu.memory_space<vmem>>) target_semaphore(%arg11 : memref<!tpu.dma_semaphore, #tpu.memory_space<semaphore_mem>>)
        %dma_start3A_156 = arith.constant 32 : i32
        %dma_start3A_157 = arith.constant 0 : i32
        %dma_start3A_158 = tpu.memref_slice %arg6[%dma_start3A_156, %dma_start3A_157] : memref<64x128xf32, #tpu.memory_space<vmem>> -> memref<8x128xf32, #tpu.memory_space<vmem>>
        %dma_start3A_159 = arith.constant 32 : i32
        %dma_start3A_160 = tpu.memref_slice %arg2[%dma_start3A_159, %mul3A_116] : memref<64x1000000xf32, #tpu.memory_space<hbm>> -> memref<8x128xf32, #tpu.memory_space<hbm>>
        %dma_start3A_161 = arith.constant 32 : i32
        %dma_start3A_162 = arith.constant 0 : i32
        %dma_start3A_163 = tpu.memref_slice %arg6[%dma_start3A_161, %dma_start3A_162] : memref<64x128xf32, #tpu.memory_space<vmem>> -> memref<8x128xf32, #tpu.memory_space<vmem>>
        %dma_start3A_164 = arith.constant 32 : i32
        %dma_start3A_165 = tpu.memref_slice %arg2[%dma_start3A_164, %mul3A_116] : memref<64x1000000xf32, #tpu.memory_space<hbm>> -> memref<8x128xf32, #tpu.memory_space<hbm>>
        tpu.enqueue_dma source(%dma_start3A_165 : memref<8x128xf32, #tpu.memory_space<hbm>>) target(%dma_start3A_163 : memref<8x128xf32, #tpu.memory_space<vmem>>) target_semaphore(%arg11 : memref<!tpu.dma_semaphore, #tpu.memory_space<semaphore_mem>>)
        %dma_start3A_166 = arith.constant 40 : i32
        %dma_start3A_167 = arith.constant 0 : i32
        %dma_start3A_168 = tpu.memref_slice %arg6[%dma_start3A_166, %dma_start3A_167] : memref<64x128xf32, #tpu.memory_space<vmem>> -> memref<8x128xf32, #tpu.memory_space<vmem>>
        %dma_start3A_169 = arith.constant 40 : i32
        %dma_start3A_170 = tpu.memref_slice %arg2[%dma_start3A_169, %mul3A_116] : memref<64x1000000xf32, #tpu.memory_space<hbm>> -> memref<8x128xf32, #tpu.memory_space<hbm>>
        %dma_start3A_171 = arith.constant 40 : i32
        %dma_start3A_172 = arith.constant 0 : i32
        %dma_start3A_173 = tpu.memref_slice %arg6[%dma_start3A_171, %dma_start3A_172] : memref<64x128xf32, #tpu.memory_space<vmem>> -> memref<8x128xf32, #tpu.memory_space<vmem>>
        %dma_start3A_174 = arith.constant 40 : i32
        %dma_start3A_175 = tpu.memref_slice %arg2[%dma_start3A_174, %mul3A_116] : memref<64x1000000xf32, #tpu.memory_space<hbm>> -> memref<8x128xf32, #tpu.memory_space<hbm>>
        tpu.enqueue_dma source(%dma_start3A_175 : memref<8x128xf32, #tpu.memory_space<hbm>>) target(%dma_start3A_173 : memref<8x128xf32, #tpu.memory_space<vmem>>) target_semaphore(%arg11 : memref<!tpu.dma_semaphore, #tpu.memory_space<semaphore_mem>>)
        %dma_start3A_176 = arith.constant 48 : i32
        %dma_start3A_177 = arith.constant 0 : i32
        %dma_start3A_178 = tpu.memref_slice %arg6[%dma_start3A_176, %dma_start3A_177] : memref<64x128xf32, #tpu.memory_space<vmem>> -> memref<8x128xf32, #tpu.memory_space<vmem>>
        %dma_start3A_179 = arith.constant 48 : i32
        %dma_start3A_180 = tpu.memref_slice %arg2[%dma_start3A_179, %mul3A_116] : memref<64x1000000xf32, #tpu.memory_space<hbm>> -> memref<8x128xf32, #tpu.memory_space<hbm>>
        %dma_start3A_181 = arith.constant 48 : i32
        %dma_start3A_182 = arith.constant 0 : i32
        %dma_start3A_183 = tpu.memref_slice %arg6[%dma_start3A_181, %dma_start3A_182] : memref<64x128xf32, #tpu.memory_space<vmem>> -> memref<8x128xf32, #tpu.memory_space<vmem>>
        %dma_start3A_184 = arith.constant 48 : i32
        %dma_start3A_185 = tpu.memref_slice %arg2[%dma_start3A_184, %mul3A_116] : memref<64x1000000xf32, #tpu.memory_space<hbm>> -> memref<8x128xf32, #tpu.memory_space<hbm>>
        tpu.enqueue_dma source(%dma_start3A_185 : memref<8x128xf32, #tpu.memory_space<hbm>>) target(%dma_start3A_183 : memref<8x128xf32, #tpu.memory_space<vmem>>) target_semaphore(%arg11 : memref<!tpu.dma_semaphore, #tpu.memory_space<semaphore_mem>>)
        %dma_start3A_186 = arith.constant 56 : i32
        %dma_start3A_187 = arith.constant 0 : i32
        %dma_start3A_188 = tpu.memref_slice %arg6[%dma_start3A_186, %dma_start3A_187] : memref<64x128xf32, #tpu.memory_space<vmem>> -> memref<8x128xf32, #tpu.memory_space<vmem>>
        %dma_start3A_189 = arith.constant 56 : i32
        %dma_start3A_190 = tpu.memref_slice %arg2[%dma_start3A_189, %mul3A_116] : memref<64x1000000xf32, #tpu.memory_space<hbm>> -> memref<8x128xf32, #tpu.memory_space<hbm>>
        %dma_start3A_191 = arith.constant 56 : i32
        %dma_start3A_192 = arith.constant 0 : i32
        %dma_start3A_193 = tpu.memref_slice %arg6[%dma_start3A_191, %dma_start3A_192] : memref<64x128xf32, #tpu.memory_space<vmem>> -> memref<8x128xf32, #tpu.memory_space<vmem>>
        %dma_start3A_194 = arith.constant 56 : i32
        %dma_start3A_195 = tpu.memref_slice %arg2[%dma_start3A_194, %mul3A_116] : memref<64x1000000xf32, #tpu.memory_space<hbm>> -> memref<8x128xf32, #tpu.memory_space<hbm>>
        tpu.enqueue_dma source(%dma_start3A_195 : memref<8x128xf32, #tpu.memory_space<hbm>>) target(%dma_start3A_193 : memref<8x128xf32, #tpu.memory_space<vmem>>) target_semaphore(%arg11 : memref<!tpu.dma_semaphore, #tpu.memory_space<semaphore_mem>>)
      } else {
      }
      %mul3A_46 = arith.constant 32 : i32
      %mul3A_47 = arith.muli %mul3A_46, %add3A_35 : i32
      %add3A_48 = arith.addi %add3A, %mul3A_47 : i32
      %lt3A_49 = arith.constant 7812 : i32
      %lt3A_50 = arith.cmpi slt, %add3A_48, %lt3A_49 : i32
      %convert_element_type3A_51 = arith.extui %lt3A_50 : i1 to i32
      %cond3A_52 = arith.constant 0 : i32
      %cond3A_53 = arith.cmpi ne, %convert_element_type3A_51, %cond3A_52 : i32
      scf.if %cond3A_53 {
        %mul3A_112 = arith.constant 32 : i32
        %mul3A_113 = arith.muli %mul3A_112, %add3A_35 : i32
        %add3A_114 = arith.addi %add3A, %mul3A_113 : i32
        %mul3A_115 = arith.constant 128 : i32
        %mul3A_116 = arith.muli %add3A_114, %mul3A_115 : i32
        %dma_wait3A = arith.constant 0 : i32
        %dma_wait3A_117 = arith.constant 0 : i32
        %dma_wait3A_118 = tpu.memref_slice %arg5[%dma_wait3A, %dma_wait3A_117] : memref<64x128xf32, #tpu.memory_space<vmem>> -> memref<8x128xf32, #tpu.memory_space<vmem>>
        %dma_wait3A_119 = arith.constant 0 : i32
        %dma_wait3A_120 = tpu.memref_slice %arg2[%dma_wait3A_119, %mul3A_116] : memref<64x1000000xf32, #tpu.memory_space<hbm>> -> memref<8x128xf32, #tpu.memory_space<hbm>>
        %dma_wait3A_121 = arith.constant 0 : i32
        %dma_wait3A_122 = arith.constant 0 : i32
        %dma_wait3A_123 = tpu.memref_slice %arg5[%dma_wait3A_121, %dma_wait3A_122] : memref<64x128xf32, #tpu.memory_space<vmem>> -> memref<8x128xf32, #tpu.memory_space<vmem>>
        %dma_wait3A_124 = arith.constant 0 : i32
        %dma_wait3A_125 = tpu.memref_slice %arg2[%dma_wait3A_124, %mul3A_116] : memref<64x1000000xf32, #tpu.memory_space<hbm>> -> memref<8x128xf32, #tpu.memory_space<hbm>>
        tpu.wait_dma2 semaphore(%arg11 : memref<!tpu.dma_semaphore, #tpu.memory_space<semaphore_mem>>) src(%dma_wait3A_125 : memref<8x128xf32, #tpu.memory_space<hbm>>) dst(%dma_wait3A_123 : memref<8x128xf32, #tpu.memory_space<vmem>>)
        %dma_wait3A_126 = arith.constant 8 : i32
        %dma_wait3A_127 = arith.constant 0 : i32
        %dma_wait3A_128 = tpu.memref_slice %arg5[%dma_wait3A_126, %dma_wait3A_127] : memref<64x128xf32, #tpu.memory_space<vmem>> -> memref<8x128xf32, #tpu.memory_space<vmem>>
        %dma_wait3A_129 = arith.constant 8 : i32
        %dma_wait3A_130 = tpu.memref_slice %arg2[%dma_wait3A_129, %mul3A_116] : memref<64x1000000xf32, #tpu.memory_space<hbm>> -> memref<8x128xf32, #tpu.memory_space<hbm>>
        %dma_wait3A_131 = arith.constant 8 : i32
        %dma_wait3A_132 = arith.constant 0 : i32
        %dma_wait3A_133 = tpu.memref_slice %arg5[%dma_wait3A_131, %dma_wait3A_132] : memref<64x128xf32, #tpu.memory_space<vmem>> -> memref<8x128xf32, #tpu.memory_space<vmem>>
        %dma_wait3A_134 = arith.constant 8 : i32
        %dma_wait3A_135 = tpu.memref_slice %arg2[%dma_wait3A_134, %mul3A_116] : memref<64x1000000xf32, #tpu.memory_space<hbm>> -> memref<8x128xf32, #tpu.memory_space<hbm>>
        tpu.wait_dma2 semaphore(%arg11 : memref<!tpu.dma_semaphore, #tpu.memory_space<semaphore_mem>>) src(%dma_wait3A_135 : memref<8x128xf32, #tpu.memory_space<hbm>>) dst(%dma_wait3A_133 : memref<8x128xf32, #tpu.memory_space<vmem>>)
        %dma_wait3A_136 = arith.constant 16 : i32
        %dma_wait3A_137 = arith.constant 0 : i32
        %dma_wait3A_138 = tpu.memref_slice %arg5[%dma_wait3A_136, %dma_wait3A_137] : memref<64x128xf32, #tpu.memory_space<vmem>> -> memref<8x128xf32, #tpu.memory_space<vmem>>
        %dma_wait3A_139 = arith.constant 16 : i32
        %dma_wait3A_140 = tpu.memref_slice %arg2[%dma_wait3A_139, %mul3A_116] : memref<64x1000000xf32, #tpu.memory_space<hbm>> -> memref<8x128xf32, #tpu.memory_space<hbm>>
        %dma_wait3A_141 = arith.constant 16 : i32
        %dma_wait3A_142 = arith.constant 0 : i32
        %dma_wait3A_143 = tpu.memref_slice %arg5[%dma_wait3A_141, %dma_wait3A_142] : memref<64x128xf32, #tpu.memory_space<vmem>> -> memref<8x128xf32, #tpu.memory_space<vmem>>
        %dma_wait3A_144 = arith.constant 16 : i32
        %dma_wait3A_145 = tpu.memref_slice %arg2[%dma_wait3A_144, %mul3A_116] : memref<64x1000000xf32, #tpu.memory_space<hbm>> -> memref<8x128xf32, #tpu.memory_space<hbm>>
        tpu.wait_dma2 semaphore(%arg11 : memref<!tpu.dma_semaphore, #tpu.memory_space<semaphore_mem>>) src(%dma_wait3A_145 : memref<8x128xf32, #tpu.memory_space<hbm>>) dst(%dma_wait3A_143 : memref<8x128xf32, #tpu.memory_space<vmem>>)
        %dma_wait3A_146 = arith.constant 24 : i32
        %dma_wait3A_147 = arith.constant 0 : i32
        %dma_wait3A_148 = tpu.memref_slice %arg5[%dma_wait3A_146, %dma_wait3A_147] : memref<64x128xf32, #tpu.memory_space<vmem>> -> memref<8x128xf32, #tpu.memory_space<vmem>>
        %dma_wait3A_149 = arith.constant 24 : i32
        %dma_wait3A_150 = tpu.memref_slice %arg2[%dma_wait3A_149, %mul3A_116] : memref<64x1000000xf32, #tpu.memory_space<hbm>> -> memref<8x128xf32, #tpu.memory_space<hbm>>
        %dma_wait3A_151 = arith.constant 24 : i32
        %dma_wait3A_152 = arith.constant 0 : i32
        %dma_wait3A_153 = tpu.memref_slice %arg5[%dma_wait3A_151, %dma_wait3A_152] : memref<64x128xf32, #tpu.memory_space<vmem>> -> memref<8x128xf32, #tpu.memory_space<vmem>>
        %dma_wait3A_154 = arith.constant 24 : i32
        %dma_wait3A_155 = tpu.memref_slice %arg2[%dma_wait3A_154, %mul3A_116] : memref<64x1000000xf32, #tpu.memory_space<hbm>> -> memref<8x128xf32, #tpu.memory_space<hbm>>
        tpu.wait_dma2 semaphore(%arg11 : memref<!tpu.dma_semaphore, #tpu.memory_space<semaphore_mem>>) src(%dma_wait3A_155 : memref<8x128xf32, #tpu.memory_space<hbm>>) dst(%dma_wait3A_153 : memref<8x128xf32, #tpu.memory_space<vmem>>)
        %dma_wait3A_156 = arith.constant 32 : i32
        %dma_wait3A_157 = arith.constant 0 : i32
        %dma_wait3A_158 = tpu.memref_slice %arg5[%dma_wait3A_156, %dma_wait3A_157] : memref<64x128xf32, #tpu.memory_space<vmem>> -> memref<8x128xf32, #tpu.memory_space<vmem>>
        %dma_wait3A_159 = arith.constant 32 : i32
        %dma_wait3A_160 = tpu.memref_slice %arg2[%dma_wait3A_159, %mul3A_116] : memref<64x1000000xf32, #tpu.memory_space<hbm>> -> memref<8x128xf32, #tpu.memory_space<hbm>>
        %dma_wait3A_161 = arith.constant 32 : i32
        %dma_wait3A_162 = arith.constant 0 : i32
        %dma_wait3A_163 = tpu.memref_slice %arg5[%dma_wait3A_161, %dma_wait3A_162] : memref<64x128xf32, #tpu.memory_space<vmem>> -> memref<8x128xf32, #tpu.memory_space<vmem>>
        %dma_wait3A_164 = arith.constant 32 : i32
        %dma_wait3A_165 = tpu.memref_slice %arg2[%dma_wait3A_164, %mul3A_116] : memref<64x1000000xf32, #tpu.memory_space<hbm>> -> memref<8x128xf32, #tpu.memory_space<hbm>>
        tpu.wait_dma2 semaphore(%arg11 : memref<!tpu.dma_semaphore, #tpu.memory_space<semaphore_mem>>) src(%dma_wait3A_165 : memref<8x128xf32, #tpu.memory_space<hbm>>) dst(%dma_wait3A_163 : memref<8x128xf32, #tpu.memory_space<vmem>>)
        %dma_wait3A_166 = arith.constant 40 : i32
        %dma_wait3A_167 = arith.constant 0 : i32
        %dma_wait3A_168 = tpu.memref_slice %arg5[%dma_wait3A_166, %dma_wait3A_167] : memref<64x128xf32, #tpu.memory_space<vmem>> -> memref<8x128xf32, #tpu.memory_space<vmem>>
        %dma_wait3A_169 = arith.constant 40 : i32
        %dma_wait3A_170 = tpu.memref_slice %arg2[%dma_wait3A_169, %mul3A_116] : memref<64x1000000xf32, #tpu.memory_space<hbm>> -> memref<8x128xf32, #tpu.memory_space<hbm>>
        %dma_wait3A_171 = arith.constant 40 : i32
        %dma_wait3A_172 = arith.constant 0 : i32
        %dma_wait3A_173 = tpu.memref_slice %arg5[%dma_wait3A_171, %dma_wait3A_172] : memref<64x128xf32, #tpu.memory_space<vmem>> -> memref<8x128xf32, #tpu.memory_space<vmem>>
        %dma_wait3A_174 = arith.constant 40 : i32
        %dma_wait3A_175 = tpu.memref_slice %arg2[%dma_wait3A_174, %mul3A_116] : memref<64x1000000xf32, #tpu.memory_space<hbm>> -> memref<8x128xf32, #tpu.memory_space<hbm>>
        tpu.wait_dma2 semaphore(%arg11 : memref<!tpu.dma_semaphore, #tpu.memory_space<semaphore_mem>>) src(%dma_wait3A_175 : memref<8x128xf32, #tpu.memory_space<hbm>>) dst(%dma_wait3A_173 : memref<8x128xf32, #tpu.memory_space<vmem>>)
        %dma_wait3A_176 = arith.constant 48 : i32
        %dma_wait3A_177 = arith.constant 0 : i32
        %dma_wait3A_178 = tpu.memref_slice %arg5[%dma_wait3A_176, %dma_wait3A_177] : memref<64x128xf32, #tpu.memory_space<vmem>> -> memref<8x128xf32, #tpu.memory_space<vmem>>
        %dma_wait3A_179 = arith.constant 48 : i32
        %dma_wait3A_180 = tpu.memref_slice %arg2[%dma_wait3A_179, %mul3A_116] : memref<64x1000000xf32, #tpu.memory_space<hbm>> -> memref<8x128xf32, #tpu.memory_space<hbm>>
        %dma_wait3A_181 = arith.constant 48 : i32
        %dma_wait3A_182 = arith.constant 0 : i32
        %dma_wait3A_183 = tpu.memref_slice %arg5[%dma_wait3A_181, %dma_wait3A_182] : memref<64x128xf32, #tpu.memory_space<vmem>> -> memref<8x128xf32, #tpu.memory_space<vmem>>
        %dma_wait3A_184 = arith.constant 48 : i32
        %dma_wait3A_185 = tpu.memref_slice %arg2[%dma_wait3A_184, %mul3A_116] : memref<64x1000000xf32, #tpu.memory_space<hbm>> -> memref<8x128xf32, #tpu.memory_space<hbm>>
        tpu.wait_dma2 semaphore(%arg11 : memref<!tpu.dma_semaphore, #tpu.memory_space<semaphore_mem>>) src(%dma_wait3A_185 : memref<8x128xf32, #tpu.memory_space<hbm>>) dst(%dma_wait3A_183 : memref<8x128xf32, #tpu.memory_space<vmem>>)
        %dma_wait3A_186 = arith.constant 56 : i32
        %dma_wait3A_187 = arith.constant 0 : i32
        %dma_wait3A_188 = tpu.memref_slice %arg5[%dma_wait3A_186, %dma_wait3A_187] : memref<64x128xf32, #tpu.memory_space<vmem>> -> memref<8x128xf32, #tpu.memory_space<vmem>>
        %dma_wait3A_189 = arith.constant 56 : i32
        %dma_wait3A_190 = tpu.memref_slice %arg2[%dma_wait3A_189, %mul3A_116] : memref<64x1000000xf32, #tpu.memory_space<hbm>> -> memref<8x128xf32, #tpu.memory_space<hbm>>
        %dma_wait3A_191 = arith.constant 56 : i32
        %dma_wait3A_192 = arith.constant 0 : i32
        %dma_wait3A_193 = tpu.memref_slice %arg5[%dma_wait3A_191, %dma_wait3A_192] : memref<64x128xf32, #tpu.memory_space<vmem>> -> memref<8x128xf32, #tpu.memory_space<vmem>>
        %dma_wait3A_194 = arith.constant 56 : i32
        %dma_wait3A_195 = tpu.memref_slice %arg2[%dma_wait3A_194, %mul3A_116] : memref<64x1000000xf32, #tpu.memory_space<hbm>> -> memref<8x128xf32, #tpu.memory_space<hbm>>
        tpu.wait_dma2 semaphore(%arg11 : memref<!tpu.dma_semaphore, #tpu.memory_space<semaphore_mem>>) src(%dma_wait3A_195 : memref<8x128xf32, #tpu.memory_space<hbm>>) dst(%dma_wait3A_193 : memref<8x128xf32, #tpu.memory_space<vmem>>)
      } else {
      }
      %ge3A = arith.constant 2 : i32
      %ge3A_54 = arith.cmpi sge, %add3A_35, %ge3A : i32
      %convert_element_type3A_55 = arith.extui %ge3A_54 : i1 to i32
      %cond3A_56 = arith.constant 0 : i32
      %cond3A_57 = arith.cmpi ne, %convert_element_type3A_55, %cond3A_56 : i32
      scf.if %cond3A_57 {
        %sub3A = arith.constant 2 : i32
        %sub3A_112 = arith.subi %add3A_35, %sub3A : i32
        %mul3A_113 = arith.constant 32 : i32
        %mul3A_114 = arith.muli %mul3A_113, %sub3A_112 : i32
        %add3A_115 = arith.addi %add3A, %mul3A_114 : i32
        %lt3A_116 = arith.constant 7812 : i32
        %lt3A_117 = arith.cmpi slt, %add3A_115, %lt3A_116 : i32
        %convert_element_type3A_118 = arith.extui %lt3A_117 : i1 to i32
        %cond3A_119 = arith.constant 0 : i32
        %cond3A_120 = arith.cmpi ne, %convert_element_type3A_118, %cond3A_119 : i32
        scf.if %cond3A_120 {
          %mul3A_121 = arith.constant 32 : i32
          %mul3A_122 = arith.muli %mul3A_121, %sub3A_112 : i32
          %add3A_123 = arith.addi %add3A, %mul3A_122 : i32
          %mul3A_124 = arith.constant 128 : i32
          %mul3A_125 = arith.muli %add3A_123, %mul3A_124 : i32
          %mul3A_126 = arith.constant 64 : i32
          %mul3A_127 = arith.muli %mul3A_125, %mul3A_126 : i32
          %dma_wait3A = tpu.memref_slice %arg4[%mul3A_127] : memref<64000000xf32, #tpu.memory_space<hbm>> -> memref<8192xf32, #tpu.memory_space<hbm>>
          %dma_wait3A_128 = tpu.memref_slice %arg4[%mul3A_127] : memref<64000000xf32, #tpu.memory_space<hbm>> -> memref<8192xf32, #tpu.memory_space<hbm>>
          tpu.wait_dma2 semaphore(%arg12 : memref<!tpu.dma_semaphore, #tpu.memory_space<semaphore_mem>>) src(%arg8 : memref<8192xf32, #tpu.memory_space<vmem>>) dst(%dma_wait3A_128 : memref<8192xf32, #tpu.memory_space<hbm>>)
        } else {
        }
      } else {
      }
      %parallel_loop3A = arith.constant 0 : i32
      %parallel_loop3A_58 = arith.constant 64 : i32
      %parallel_loop3A_59 = arith.constant 1 : i32
      scf.for %parallel_loop3A_112 = %parallel_loop3A to %parallel_loop3A_58 step %parallel_loop3A_59  : i32 {
        %parallel_loop3A_113 = vector.broadcast %parallel_loop3A_112 : i32 to vector<16xi32>
        %parallel_loop3A_114 = arith.index_cast %parallel_loop3A_112 : i32 to index
        %parallel_loop3A_115 = arith.constant 0 : index
        %parallel_loop3A_116 = tpu.vector_load %arg5[%parallel_loop3A_114, %parallel_loop3A_115] {strides = array<i32>} : memref<64x128xf32, #tpu.memory_space<vmem>>, vector<16xf32>,
        %parallel_loop3A_117 = arith.constant 0 : i32
        %parallel_loop3A_118 = vector.broadcast %parallel_loop3A_117 : i32 to vector<16xi32>
        %parallel_loop3A_119 = arith.addi %iota3A, %parallel_loop3A_118 : vector<16xi32>
        tpu.vector_store_idx %arg7[%parallel_loop3A_119, %parallel_loop3A_113], %parallel_loop3A_116 : memref<128x65xf32, #tpu.memory_space<vmem>>[vector<16xi32>, vector<16xi32>], vector<16xf32>,
        %parallel_loop3A_120 = arith.index_cast %parallel_loop3A_112 : i32 to index
        %parallel_loop3A_121 = arith.constant 16 : index
        %parallel_loop3A_122 = tpu.vector_load %arg5[%parallel_loop3A_120, %parallel_loop3A_121] {strides = array<i32>} : memref<64x128xf32, #tpu.memory_space<vmem>>, vector<16xf32>,
        %parallel_loop3A_123 = arith.constant 16 : i32
        %parallel_loop3A_124 = vector.broadcast %parallel_loop3A_123 : i32 to vector<16xi32>
        %parallel_loop3A_125 = arith.addi %iota3A, %parallel_loop3A_124 : vector<16xi32>
        tpu.vector_store_idx %arg7[%parallel_loop3A_125, %parallel_loop3A_113], %parallel_loop3A_122 : memref<128x65xf32, #tpu.memory_space<vmem>>[vector<16xi32>, vector<16xi32>], vector<16xf32>,
        %parallel_loop3A_126 = arith.index_cast %parallel_loop3A_112 : i32 to index
        %parallel_loop3A_127 = arith.constant 32 : index
        %parallel_loop3A_128 = tpu.vector_load %arg5[%parallel_loop3A_126, %parallel_loop3A_127] {strides = array<i32>} : memref<64x128xf32, #tpu.memory_space<vmem>>, vector<16xf32>,
        %parallel_loop3A_129 = arith.constant 32 : i32
        %parallel_loop3A_130 = vector.broadcast %parallel_loop3A_129 : i32 to vector<16xi32>
        %parallel_loop3A_131 = arith.addi %iota3A, %parallel_loop3A_130 : vector<16xi32>
        tpu.vector_store_idx %arg7[%parallel_loop3A_131, %parallel_loop3A_113], %parallel_loop3A_128 : memref<128x65xf32, #tpu.memory_space<vmem>>[vector<16xi32>, vector<16xi32>], vector<16xf32>,
        %parallel_loop3A_132 = arith.index_cast %parallel_loop3A_112 : i32 to index
        %parallel_loop3A_133 = arith.constant 48 : index
        %parallel_loop3A_134 = tpu.vector_load %arg5[%parallel_loop3A_132, %parallel_loop3A_133] {strides = array<i32>} : memref<64x128xf32, #tpu.memory_space<vmem>>, vector<16xf32>,
        %parallel_loop3A_135 = arith.constant 48 : i32
        %parallel_loop3A_136 = vector.broadcast %parallel_loop3A_135 : i32 to vector<16xi32>
        %parallel_loop3A_137 = arith.addi %iota3A, %parallel_loop3A_136 : vector<16xi32>
        tpu.vector_store_idx %arg7[%parallel_loop3A_137, %parallel_loop3A_113], %parallel_loop3A_134 : memref<128x65xf32, #tpu.memory_space<vmem>>[vector<16xi32>, vector<16xi32>], vector<16xf32>,
        %parallel_loop3A_138 = arith.index_cast %parallel_loop3A_112 : i32 to index
        %parallel_loop3A_139 = arith.constant 64 : index
        %parallel_loop3A_140 = tpu.vector_load %arg5[%parallel_loop3A_138, %parallel_loop3A_139] {strides = array<i32>} : memref<64x128xf32, #tpu.memory_space<vmem>>, vector<16xf32>,
        %parallel_loop3A_141 = arith.constant 64 : i32
        %parallel_loop3A_142 = vector.broadcast %parallel_loop3A_141 : i32 to vector<16xi32>
        %parallel_loop3A_143 = arith.addi %iota3A, %parallel_loop3A_142 : vector<16xi32>
        tpu.vector_store_idx %arg7[%parallel_loop3A_143, %parallel_loop3A_113], %parallel_loop3A_140 : memref<128x65xf32, #tpu.memory_space<vmem>>[vector<16xi32>, vector<16xi32>], vector<16xf32>,
        %parallel_loop3A_144 = arith.index_cast %parallel_loop3A_112 : i32 to index
        %parallel_loop3A_145 = arith.constant 80 : index
        %parallel_loop3A_146 = tpu.vector_load %arg5[%parallel_loop3A_144, %parallel_loop3A_145] {strides = array<i32>} : memref<64x128xf32, #tpu.memory_space<vmem>>, vector<16xf32>,
        %parallel_loop3A_147 = arith.constant 80 : i32
        %parallel_loop3A_148 = vector.broadcast %parallel_loop3A_147 : i32 to vector<16xi32>
        %parallel_loop3A_149 = arith.addi %iota3A, %parallel_loop3A_148 : vector<16xi32>
        tpu.vector_store_idx %arg7[%parallel_loop3A_149, %parallel_loop3A_113], %parallel_loop3A_146 : memref<128x65xf32, #tpu.memory_space<vmem>>[vector<16xi32>, vector<16xi32>], vector<16xf32>,
        %parallel_loop3A_150 = arith.index_cast %parallel_loop3A_112 : i32 to index
        %parallel_loop3A_151 = arith.constant 96 : index
        %parallel_loop3A_152 = tpu.vector_load %arg5[%parallel_loop3A_150, %parallel_loop3A_151] {strides = array<i32>} : memref<64x128xf32, #tpu.memory_space<vmem>>, vector<16xf32>,
        %parallel_loop3A_153 = arith.constant 96 : i32
        %parallel_loop3A_154 = vector.broadcast %parallel_loop3A_153 : i32 to vector<16xi32>
        %parallel_loop3A_155 = arith.addi %iota3A, %parallel_loop3A_154 : vector<16xi32>
        tpu.vector_store_idx %arg7[%parallel_loop3A_155, %parallel_loop3A_113], %parallel_loop3A_152 : memref<128x65xf32, #tpu.memory_space<vmem>>[vector<16xi32>, vector<16xi32>], vector<16xf32>,
        %parallel_loop3A_156 = arith.index_cast %parallel_loop3A_112 : i32 to index
        %parallel_loop3A_157 = arith.constant 112 : index
        %parallel_loop3A_158 = tpu.vector_load %arg5[%parallel_loop3A_156, %parallel_loop3A_157] {strides = array<i32>} : memref<64x128xf32, #tpu.memory_space<vmem>>, vector<16xf32>,
        %parallel_loop3A_159 = arith.constant 112 : i32
        %parallel_loop3A_160 = vector.broadcast %parallel_loop3A_159 : i32 to vector<16xi32>
        %parallel_loop3A_161 = arith.addi %iota3A, %parallel_loop3A_160 : vector<16xi32>
        tpu.vector_store_idx %arg7[%parallel_loop3A_161, %parallel_loop3A_113], %parallel_loop3A_158 : memref<128x65xf32, #tpu.memory_space<vmem>>[vector<16xi32>, vector<16xi32>], vector<16xf32>,
      } {sc.loop_unroll_factor = 8 : i64, sc.parallel_access}
      %parallel_loop3A_60 = arith.constant 0 : i32
      %parallel_loop3A_61 = arith.constant 128 : i32
      %parallel_loop3A_62 = arith.constant 1 : i32
      scf.for %parallel_loop3A_112 = %parallel_loop3A_60 to %parallel_loop3A_61 step %parallel_loop3A_62  : i32 {
        %parallel_loop3A_113 = arith.index_cast %parallel_loop3A_112 : i32 to index
        %parallel_loop3A_114 = arith.constant 0 : index
        %parallel_loop3A_115 = tpu.vector_load %arg7[%parallel_loop3A_113, %parallel_loop3A_114] {strides = array<i32>} : memref<128x65xf32, #tpu.memory_space<vmem>>, vector<16xf32>,
        %parallel_loop3A_116 = arith.constant 64 : i32
        %parallel_loop3A_117 = arith.muli %parallel_loop3A_112, %parallel_loop3A_116 : i32
        %parallel_loop3A_118 = arith.constant 0 : i32
        %parallel_loop3A_119 = arith.addi %parallel_loop3A_117, %parallel_loop3A_118 : i32
        %parallel_loop3A_120 = arith.index_cast %parallel_loop3A_119 : i32 to index
        %parallel_loop3A_121 = tpu.vector_load %arg8[%parallel_loop3A_120] {strides = array<i32>} : memref<8192xf32, #tpu.memory_space<vmem>>, vector<16xf32>,
        tpu.vector_store %arg8[%parallel_loop3A_120], %parallel_loop3A_115 {strides = array<i32>} : memref<8192xf32, #tpu.memory_space<vmem>>, vector<16xf32>,
        %parallel_loop3A_122 = arith.index_cast %parallel_loop3A_112 : i32 to index
        %parallel_loop3A_123 = arith.constant 16 : index
        %parallel_loop3A_124 = tpu.vector_load %arg7[%parallel_loop3A_122, %parallel_loop3A_123] {strides = array<i32>} : memref<128x65xf32, #tpu.memory_space<vmem>>, vector<16xf32>,
        %parallel_loop3A_125 = arith.constant 64 : i32
        %parallel_loop3A_126 = arith.muli %parallel_loop3A_112, %parallel_loop3A_125 : i32
        %parallel_loop3A_127 = arith.constant 16 : i32
        %parallel_loop3A_128 = arith.addi %parallel_loop3A_126, %parallel_loop3A_127 : i32
        %parallel_loop3A_129 = arith.index_cast %parallel_loop3A_128 : i32 to index
        %parallel_loop3A_130 = tpu.vector_load %arg8[%parallel_loop3A_129] {strides = array<i32>} : memref<8192xf32, #tpu.memory_space<vmem>>, vector<16xf32>,
        tpu.vector_store %arg8[%parallel_loop3A_129], %parallel_loop3A_124 {strides = array<i32>} : memref<8192xf32, #tpu.memory_space<vmem>>, vector<16xf32>,
        %parallel_loop3A_131 = arith.index_cast %parallel_loop3A_112 : i32 to index
        %parallel_loop3A_132 = arith.constant 32 : index
        %parallel_loop3A_133 = tpu.vector_load %arg7[%parallel_loop3A_131, %parallel_loop3A_132] {strides = array<i32>} : memref<128x65xf32, #tpu.memory_space<vmem>>, vector<16xf32>,
        %parallel_loop3A_134 = arith.constant 64 : i32
        %parallel_loop3A_135 = arith.muli %parallel_loop3A_112, %parallel_loop3A_134 : i32
        %parallel_loop3A_136 = arith.constant 32 : i32
        %parallel_loop3A_137 = arith.addi %parallel_loop3A_135, %parallel_loop3A_136 : i32
        %parallel_loop3A_138 = arith.index_cast %parallel_loop3A_137 : i32 to index
        %parallel_loop3A_139 = tpu.vector_load %arg8[%parallel_loop3A_138] {strides = array<i32>} : memref<8192xf32, #tpu.memory_space<vmem>>, vector<16xf32>,
        tpu.vector_store %arg8[%parallel_loop3A_138], %parallel_loop3A_133 {strides = array<i32>} : memref<8192xf32, #tpu.memory_space<vmem>>, vector<16xf32>,
        %parallel_loop3A_140 = arith.index_cast %parallel_loop3A_112 : i32 to index
        %parallel_loop3A_141 = arith.constant 48 : index
        %parallel_loop3A_142 = tpu.vector_load %arg7[%parallel_loop3A_140, %parallel_loop3A_141] {strides = array<i32>} : memref<128x65xf32, #tpu.memory_space<vmem>>, vector<16xf32>,
        %parallel_loop3A_143 = arith.constant 64 : i32
        %parallel_loop3A_144 = arith.muli %parallel_loop3A_112, %parallel_loop3A_143 : i32
        %parallel_loop3A_145 = arith.constant 48 : i32
        %parallel_loop3A_146 = arith.addi %parallel_loop3A_144, %parallel_loop3A_145 : i32
        %parallel_loop3A_147 = arith.index_cast %parallel_loop3A_146 : i32 to index
        %parallel_loop3A_148 = tpu.vector_load %arg8[%parallel_loop3A_147] {strides = array<i32>} : memref<8192xf32, #tpu.memory_space<vmem>>, vector<16xf32>,
        tpu.vector_store %arg8[%parallel_loop3A_147], %parallel_loop3A_142 {strides = array<i32>} : memref<8192xf32, #tpu.memory_space<vmem>>, vector<16xf32>,
      } {sc.loop_unroll_factor = 8 : i64, sc.parallel_access}
      %mul3A_63 = arith.constant 32 : i32
      %mul3A_64 = arith.muli %mul3A_63, %add3A_35 : i32
      %add3A_65 = arith.addi %add3A, %mul3A_64 : i32
      %lt3A_66 = arith.constant 7812 : i32
      %lt3A_67 = arith.cmpi slt, %add3A_65, %lt3A_66 : i32
      %convert_element_type3A_68 = arith.extui %lt3A_67 : i1 to i32
      %cond3A_69 = arith.constant 0 : i32
      %cond3A_70 = arith.cmpi ne, %convert_element_type3A_68, %cond3A_69 : i32
      scf.if %cond3A_70 {
        %mul3A_112 = arith.constant 32 : i32
        %mul3A_113 = arith.muli %mul3A_112, %add3A_35 : i32
        %add3A_114 = arith.addi %add3A, %mul3A_113 : i32
        %mul3A_115 = arith.constant 128 : i32
        %mul3A_116 = arith.muli %add3A_114, %mul3A_115 : i32
        %mul3A_117 = arith.constant 64 : i32
        %mul3A_118 = arith.muli %mul3A_116, %mul3A_117 : i32
        %dma_start3A = tpu.memref_slice %arg4[%mul3A_118] : memref<64000000xf32, #tpu.memory_space<hbm>> -> memref<8192xf32, #tpu.memory_space<hbm>>
        %dma_start3A_119 = tpu.memref_slice %arg4[%mul3A_118] : memref<64000000xf32, #tpu.memory_space<hbm>> -> memref<8192xf32, #tpu.memory_space<hbm>>
        tpu.enqueue_dma source(%arg8 : memref<8192xf32, #tpu.memory_space<vmem>>) target(%dma_start3A_119 : memref<8192xf32, #tpu.memory_space<hbm>>) target_semaphore(%arg12 : memref<!tpu.dma_semaphore, #tpu.memory_space<semaphore_mem>>)
      } else {
      }
      %mul3A_71 = arith.constant 2 : i32
      %mul3A_72 = arith.muli %mul3A_71, %scan3A_31 : i32
      %add3A_73 = arith.constant 1 : i32
      %add3A_74 = arith.addi %mul3A_72, %add3A_73 : i32
      %add3A_75 = arith.constant 1 : i32
      %add3A_76 = arith.addi %add3A_74, %add3A_75 : i32
      %mul3A_77 = arith.constant 32 : i32
      %mul3A_78 = arith.muli %mul3A_77, %add3A_76 : i32
      %add3A_79 = arith.addi %add3A, %mul3A_78 : i32
      %lt3A_80 = arith.constant 7812 : i32
      %lt3A_81 = arith.cmpi slt, %add3A_79, %lt3A_80 : i32
      %convert_element_type3A_82 = arith.extui %lt3A_81 : i1 to i32
      %cond3A_83 = arith.constant 0 : i32
      %cond3A_84 = arith.cmpi ne, %convert_element_type3A_82, %cond3A_83 : i32
      scf.if %cond3A_84 {
        %mul3A_112 = arith.constant 32 : i32
        %mul3A_113 = arith.muli %mul3A_112, %add3A_76 : i32
        %add3A_114 = arith.addi %add3A, %mul3A_113 : i32
        %mul3A_115 = arith.constant 128 : i32
        %mul3A_116 = arith.muli %add3A_114, %mul3A_115 : i32
        %dma_start3A = arith.constant 0 : i32
        %dma_start3A_117 = arith.constant 0 : i32
        %dma_start3A_118 = tpu.memref_slice %arg5[%dma_start3A, %dma_start3A_117] : memref<64x128xf32, #tpu.memory_space<vmem>> -> memref<8x128xf32, #tpu.memory_space<vmem>>
        %dma_start3A_119 = arith.constant 0 : i32
        %dma_start3A_120 = tpu.memref_slice %arg2[%dma_start3A_119, %mul3A_116] : memref<64x1000000xf32, #tpu.memory_space<hbm>> -> memref<8x128xf32, #tpu.memory_space<hbm>>
        %dma_start3A_121 = arith.constant 0 : i32
        %dma_start3A_122 = arith.constant 0 : i32
        %dma_start3A_123 = tpu.memref_slice %arg5[%dma_start3A_121, %dma_start3A_122] : memref<64x128xf32, #tpu.memory_space<vmem>> -> memref<8x128xf32, #tpu.memory_space<vmem>>
        %dma_start3A_124 = arith.constant 0 : i32
        %dma_start3A_125 = tpu.memref_slice %arg2[%dma_start3A_124, %mul3A_116] : memref<64x1000000xf32, #tpu.memory_space<hbm>> -> memref<8x128xf32, #tpu.memory_space<hbm>>
        tpu.enqueue_dma source(%dma_start3A_125 : memref<8x128xf32, #tpu.memory_space<hbm>>) target(%dma_start3A_123 : memref<8x128xf32, #tpu.memory_space<vmem>>) target_semaphore(%arg11 : memref<!tpu.dma_semaphore, #tpu.memory_space<semaphore_mem>>)
        %dma_start3A_126 = arith.constant 8 : i32
        %dma_start3A_127 = arith.constant 0 : i32
        %dma_start3A_128 = tpu.memref_slice %arg5[%dma_start3A_126, %dma_start3A_127] : memref<64x128xf32, #tpu.memory_space<vmem>> -> memref<8x128xf32, #tpu.memory_space<vmem>>
        %dma_start3A_129 = arith.constant 8 : i32
        %dma_start3A_130 = tpu.memref_slice %arg2[%dma_start3A_129, %mul3A_116] : memref<64x1000000xf32, #tpu.memory_space<hbm>> -> memref<8x128xf32, #tpu.memory_space<hbm>>
        %dma_start3A_131 = arith.constant 8 : i32
        %dma_start3A_132 = arith.constant 0 : i32
        %dma_start3A_133 = tpu.memref_slice %arg5[%dma_start3A_131, %dma_start3A_132] : memref<64x128xf32, #tpu.memory_space<vmem>> -> memref<8x128xf32, #tpu.memory_space<vmem>>
        %dma_start3A_134 = arith.constant 8 : i32
        %dma_start3A_135 = tpu.memref_slice %arg2[%dma_start3A_134, %mul3A_116] : memref<64x1000000xf32, #tpu.memory_space<hbm>> -> memref<8x128xf32, #tpu.memory_space<hbm>>
        tpu.enqueue_dma source(%dma_start3A_135 : memref<8x128xf32, #tpu.memory_space<hbm>>) target(%dma_start3A_133 : memref<8x128xf32, #tpu.memory_space<vmem>>) target_semaphore(%arg11 : memref<!tpu.dma_semaphore, #tpu.memory_space<semaphore_mem>>)
        %dma_start3A_136 = arith.constant 16 : i32
        %dma_start3A_137 = arith.constant 0 : i32
        %dma_start3A_138 = tpu.memref_slice %arg5[%dma_start3A_136, %dma_start3A_137] : memref<64x128xf32, #tpu.memory_space<vmem>> -> memref<8x128xf32, #tpu.memory_space<vmem>>
        %dma_start3A_139 = arith.constant 16 : i32
        %dma_start3A_140 = tpu.memref_slice %arg2[%dma_start3A_139, %mul3A_116] : memref<64x1000000xf32, #tpu.memory_space<hbm>> -> memref<8x128xf32, #tpu.memory_space<hbm>>
        %dma_start3A_141 = arith.constant 16 : i32
        %dma_start3A_142 = arith.constant 0 : i32
        %dma_start3A_143 = tpu.memref_slice %arg5[%dma_start3A_141, %dma_start3A_142] : memref<64x128xf32, #tpu.memory_space<vmem>> -> memref<8x128xf32, #tpu.memory_space<vmem>>
        %dma_start3A_144 = arith.constant 16 : i32
        %dma_start3A_145 = tpu.memref_slice %arg2[%dma_start3A_144, %mul3A_116] : memref<64x1000000xf32, #tpu.memory_space<hbm>> -> memref<8x128xf32, #tpu.memory_space<hbm>>
        tpu.enqueue_dma source(%dma_start3A_145 : memref<8x128xf32, #tpu.memory_space<hbm>>) target(%dma_start3A_143 : memref<8x128xf32, #tpu.memory_space<vmem>>) target_semaphore(%arg11 : memref<!tpu.dma_semaphore, #tpu.memory_space<semaphore_mem>>)
        %dma_start3A_146 = arith.constant 24 : i32
        %dma_start3A_147 = arith.constant 0 : i32
        %dma_start3A_148 = tpu.memref_slice %arg5[%dma_start3A_146, %dma_start3A_147] : memref<64x128xf32, #tpu.memory_space<vmem>> -> memref<8x128xf32, #tpu.memory_space<vmem>>
        %dma_start3A_149 = arith.constant 24 : i32
        %dma_start3A_150 = tpu.memref_slice %arg2[%dma_start3A_149, %mul3A_116] : memref<64x1000000xf32, #tpu.memory_space<hbm>> -> memref<8x128xf32, #tpu.memory_space<hbm>>
        %dma_start3A_151 = arith.constant 24 : i32
        %dma_start3A_152 = arith.constant 0 : i32
        %dma_start3A_153 = tpu.memref_slice %arg5[%dma_start3A_151, %dma_start3A_152] : memref<64x128xf32, #tpu.memory_space<vmem>> -> memref<8x128xf32, #tpu.memory_space<vmem>>
        %dma_start3A_154 = arith.constant 24 : i32
        %dma_start3A_155 = tpu.memref_slice %arg2[%dma_start3A_154, %mul3A_116] : memref<64x1000000xf32, #tpu.memory_space<hbm>> -> memref<8x128xf32, #tpu.memory_space<hbm>>
        tpu.enqueue_dma source(%dma_start3A_155 : memref<8x128xf32, #tpu.memory_space<hbm>>) target(%dma_start3A_153 : memref<8x128xf32, #tpu.memory_space<vmem>>) target_semaphore(%arg11 : memref<!tpu.dma_semaphore, #tpu.memory_space<semaphore_mem>>)
        %dma_start3A_156 = arith.constant 32 : i32
        %dma_start3A_157 = arith.constant 0 : i32
        %dma_start3A_158 = tpu.memref_slice %arg5[%dma_start3A_156, %dma_start3A_157] : memref<64x128xf32, #tpu.memory_space<vmem>> -> memref<8x128xf32, #tpu.memory_space<vmem>>
        %dma_start3A_159 = arith.constant 32 : i32
        %dma_start3A_160 = tpu.memref_slice %arg2[%dma_start3A_159, %mul3A_116] : memref<64x1000000xf32, #tpu.memory_space<hbm>> -> memref<8x128xf32, #tpu.memory_space<hbm>>
        %dma_start3A_161 = arith.constant 32 : i32
        %dma_start3A_162 = arith.constant 0 : i32
        %dma_start3A_163 = tpu.memref_slice %arg5[%dma_start3A_161, %dma_start3A_162] : memref<64x128xf32, #tpu.memory_space<vmem>> -> memref<8x128xf32, #tpu.memory_space<vmem>>
        %dma_start3A_164 = arith.constant 32 : i32
        %dma_start3A_165 = tpu.memref_slice %arg2[%dma_start3A_164, %mul3A_116] : memref<64x1000000xf32, #tpu.memory_space<hbm>> -> memref<8x128xf32, #tpu.memory_space<hbm>>
        tpu.enqueue_dma source(%dma_start3A_165 : memref<8x128xf32, #tpu.memory_space<hbm>>) target(%dma_start3A_163 : memref<8x128xf32, #tpu.memory_space<vmem>>) target_semaphore(%arg11 : memref<!tpu.dma_semaphore, #tpu.memory_space<semaphore_mem>>)
        %dma_start3A_166 = arith.constant 40 : i32
        %dma_start3A_167 = arith.constant 0 : i32
        %dma_start3A_168 = tpu.memref_slice %arg5[%dma_start3A_166, %dma_start3A_167] : memref<64x128xf32, #tpu.memory_space<vmem>> -> memref<8x128xf32, #tpu.memory_space<vmem>>
        %dma_start3A_169 = arith.constant 40 : i32
        %dma_start3A_170 = tpu.memref_slice %arg2[%dma_start3A_169, %mul3A_116] : memref<64x1000000xf32, #tpu.memory_space<hbm>> -> memref<8x128xf32, #tpu.memory_space<hbm>>
        %dma_start3A_171 = arith.constant 40 : i32
        %dma_start3A_172 = arith.constant 0 : i32
        %dma_start3A_173 = tpu.memref_slice %arg5[%dma_start3A_171, %dma_start3A_172] : memref<64x128xf32, #tpu.memory_space<vmem>> -> memref<8x128xf32, #tpu.memory_space<vmem>>
        %dma_start3A_174 = arith.constant 40 : i32
        %dma_start3A_175 = tpu.memref_slice %arg2[%dma_start3A_174, %mul3A_116] : memref<64x1000000xf32, #tpu.memory_space<hbm>> -> memref<8x128xf32, #tpu.memory_space<hbm>>
        tpu.enqueue_dma source(%dma_start3A_175 : memref<8x128xf32, #tpu.memory_space<hbm>>) target(%dma_start3A_173 : memref<8x128xf32, #tpu.memory_space<vmem>>) target_semaphore(%arg11 : memref<!tpu.dma_semaphore, #tpu.memory_space<semaphore_mem>>)
        %dma_start3A_176 = arith.constant 48 : i32
        %dma_start3A_177 = arith.constant 0 : i32
        %dma_start3A_178 = tpu.memref_slice %arg5[%dma_start3A_176, %dma_start3A_177] : memref<64x128xf32, #tpu.memory_space<vmem>> -> memref<8x128xf32, #tpu.memory_space<vmem>>
        %dma_start3A_179 = arith.constant 48 : i32
        %dma_start3A_180 = tpu.memref_slice %arg2[%dma_start3A_179, %mul3A_116] : memref<64x1000000xf32, #tpu.memory_space<hbm>> -> memref<8x128xf32, #tpu.memory_space<hbm>>
        %dma_start3A_181 = arith.constant 48 : i32
        %dma_start3A_182 = arith.constant 0 : i32
        %dma_start3A_183 = tpu.memref_slice %arg5[%dma_start3A_181, %dma_start3A_182] : memref<64x128xf32, #tpu.memory_space<vmem>> -> memref<8x128xf32, #tpu.memory_space<vmem>>
        %dma_start3A_184 = arith.constant 48 : i32
        %dma_start3A_185 = tpu.memref_slice %arg2[%dma_start3A_184, %mul3A_116] : memref<64x1000000xf32, #tpu.memory_space<hbm>> -> memref<8x128xf32, #tpu.memory_space<hbm>>
        tpu.enqueue_dma source(%dma_start3A_185 : memref<8x128xf32, #tpu.memory_space<hbm>>) target(%dma_start3A_183 : memref<8x128xf32, #tpu.memory_space<vmem>>) target_semaphore(%arg11 : memref<!tpu.dma_semaphore, #tpu.memory_space<semaphore_mem>>)
        %dma_start3A_186 = arith.constant 56 : i32
        %dma_start3A_187 = arith.constant 0 : i32
        %dma_start3A_188 = tpu.memref_slice %arg5[%dma_start3A_186, %dma_start3A_187] : memref<64x128xf32, #tpu.memory_space<vmem>> -> memref<8x128xf32, #tpu.memory_space<vmem>>
        %dma_start3A_189 = arith.constant 56 : i32
        %dma_start3A_190 = tpu.memref_slice %arg2[%dma_start3A_189, %mul3A_116] : memref<64x1000000xf32, #tpu.memory_space<hbm>> -> memref<8x128xf32, #tpu.memory_space<hbm>>
        %dma_start3A_191 = arith.constant 56 : i32
        %dma_start3A_192 = arith.constant 0 : i32
        %dma_start3A_193 = tpu.memref_slice %arg5[%dma_start3A_191, %dma_start3A_192] : memref<64x128xf32, #tpu.memory_space<vmem>> -> memref<8x128xf32, #tpu.memory_space<vmem>>
        %dma_start3A_194 = arith.constant 56 : i32
        %dma_start3A_195 = tpu.memref_slice %arg2[%dma_start3A_194, %mul3A_116] : memref<64x1000000xf32, #tpu.memory_space<hbm>> -> memref<8x128xf32, #tpu.memory_space<hbm>>
        tpu.enqueue_dma source(%dma_start3A_195 : memref<8x128xf32, #tpu.memory_space<hbm>>) target(%dma_start3A_193 : memref<8x128xf32, #tpu.memory_space<vmem>>) target_semaphore(%arg11 : memref<!tpu.dma_semaphore, #tpu.memory_space<semaphore_mem>>)
      } else {
      }
      %mul3A_85 = arith.constant 32 : i32
      %mul3A_86 = arith.muli %mul3A_85, %add3A_74 : i32
      %add3A_87 = arith.addi %add3A, %mul3A_86 : i32
      %lt3A_88 = arith.constant 7812 : i32
      %lt3A_89 = arith.cmpi slt, %add3A_87, %lt3A_88 : i32
      %convert_element_type3A_90 = arith.extui %lt3A_89 : i1 to i32
      %cond3A_91 = arith.constant 0 : i32
      %cond3A_92 = arith.cmpi ne, %convert_element_type3A_90, %cond3A_91 : i32
      scf.if %cond3A_92 {
        %mul3A_112 = arith.constant 32 : i32
        %mul3A_113 = arith.muli %mul3A_112, %add3A_74 : i32
        %add3A_114 = arith.addi %add3A, %mul3A_113 : i32
        %mul3A_115 = arith.constant 128 : i32
        %mul3A_116 = arith.muli %add3A_114, %mul3A_115 : i32
        %dma_wait3A = arith.constant 0 : i32
        %dma_wait3A_117 = arith.constant 0 : i32
        %dma_wait3A_118 = tpu.memref_slice %arg6[%dma_wait3A, %dma_wait3A_117] : memref<64x128xf32, #tpu.memory_space<vmem>> -> memref<8x128xf32, #tpu.memory_space<vmem>>
        %dma_wait3A_119 = arith.constant 0 : i32
        %dma_wait3A_120 = tpu.memref_slice %arg2[%dma_wait3A_119, %mul3A_116] : memref<64x1000000xf32, #tpu.memory_space<hbm>> -> memref<8x128xf32, #tpu.memory_space<hbm>>
        %dma_wait3A_121 = arith.constant 0 : i32
        %dma_wait3A_122 = arith.constant 0 : i32
        %dma_wait3A_123 = tpu.memref_slice %arg6[%dma_wait3A_121, %dma_wait3A_122] : memref<64x128xf32, #tpu.memory_space<vmem>> -> memref<8x128xf32, #tpu.memory_space<vmem>>
        %dma_wait3A_124 = arith.constant 0 : i32
        %dma_wait3A_125 = tpu.memref_slice %arg2[%dma_wait3A_124, %mul3A_116] : memref<64x1000000xf32, #tpu.memory_space<hbm>> -> memref<8x128xf32, #tpu.memory_space<hbm>>
        tpu.wait_dma2 semaphore(%arg11 : memref<!tpu.dma_semaphore, #tpu.memory_space<semaphore_mem>>) src(%dma_wait3A_125 : memref<8x128xf32, #tpu.memory_space<hbm>>) dst(%dma_wait3A_123 : memref<8x128xf32, #tpu.memory_space<vmem>>)
        %dma_wait3A_126 = arith.constant 8 : i32
        %dma_wait3A_127 = arith.constant 0 : i32
        %dma_wait3A_128 = tpu.memref_slice %arg6[%dma_wait3A_126, %dma_wait3A_127] : memref<64x128xf32, #tpu.memory_space<vmem>> -> memref<8x128xf32, #tpu.memory_space<vmem>>
        %dma_wait3A_129 = arith.constant 8 : i32
        %dma_wait3A_130 = tpu.memref_slice %arg2[%dma_wait3A_129, %mul3A_116] : memref<64x1000000xf32, #tpu.memory_space<hbm>> -> memref<8x128xf32, #tpu.memory_space<hbm>>
        %dma_wait3A_131 = arith.constant 8 : i32
        %dma_wait3A_132 = arith.constant 0 : i32
        %dma_wait3A_133 = tpu.memref_slice %arg6[%dma_wait3A_131, %dma_wait3A_132] : memref<64x128xf32, #tpu.memory_space<vmem>> -> memref<8x128xf32, #tpu.memory_space<vmem>>
        %dma_wait3A_134 = arith.constant 8 : i32
        %dma_wait3A_135 = tpu.memref_slice %arg2[%dma_wait3A_134, %mul3A_116] : memref<64x1000000xf32, #tpu.memory_space<hbm>> -> memref<8x128xf32, #tpu.memory_space<hbm>>
        tpu.wait_dma2 semaphore(%arg11 : memref<!tpu.dma_semaphore, #tpu.memory_space<semaphore_mem>>) src(%dma_wait3A_135 : memref<8x128xf32, #tpu.memory_space<hbm>>) dst(%dma_wait3A_133 : memref<8x128xf32, #tpu.memory_space<vmem>>)
        %dma_wait3A_136 = arith.constant 16 : i32
        %dma_wait3A_137 = arith.constant 0 : i32
        %dma_wait3A_138 = tpu.memref_slice %arg6[%dma_wait3A_136, %dma_wait3A_137] : memref<64x128xf32, #tpu.memory_space<vmem>> -> memref<8x128xf32, #tpu.memory_space<vmem>>
        %dma_wait3A_139 = arith.constant 16 : i32
        %dma_wait3A_140 = tpu.memref_slice %arg2[%dma_wait3A_139, %mul3A_116] : memref<64x1000000xf32, #tpu.memory_space<hbm>> -> memref<8x128xf32, #tpu.memory_space<hbm>>
        %dma_wait3A_141 = arith.constant 16 : i32
        %dma_wait3A_142 = arith.constant 0 : i32
        %dma_wait3A_143 = tpu.memref_slice %arg6[%dma_wait3A_141, %dma_wait3A_142] : memref<64x128xf32, #tpu.memory_space<vmem>> -> memref<8x128xf32, #tpu.memory_space<vmem>>
        %dma_wait3A_144 = arith.constant 16 : i32
        %dma_wait3A_145 = tpu.memref_slice %arg2[%dma_wait3A_144, %mul3A_116] : memref<64x1000000xf32, #tpu.memory_space<hbm>> -> memref<8x128xf32, #tpu.memory_space<hbm>>
        tpu.wait_dma2 semaphore(%arg11 : memref<!tpu.dma_semaphore, #tpu.memory_space<semaphore_mem>>) src(%dma_wait3A_145 : memref<8x128xf32, #tpu.memory_space<hbm>>) dst(%dma_wait3A_143 : memref<8x128xf32, #tpu.memory_space<vmem>>)
        %dma_wait3A_146 = arith.constant 24 : i32
        %dma_wait3A_147 = arith.constant 0 : i32
        %dma_wait3A_148 = tpu.memref_slice %arg6[%dma_wait3A_146, %dma_wait3A_147] : memref<64x128xf32, #tpu.memory_space<vmem>> -> memref<8x128xf32, #tpu.memory_space<vmem>>
        %dma_wait3A_149 = arith.constant 24 : i32
        %dma_wait3A_150 = tpu.memref_slice %arg2[%dma_wait3A_149, %mul3A_116] : memref<64x1000000xf32, #tpu.memory_space<hbm>> -> memref<8x128xf32, #tpu.memory_space<hbm>>
        %dma_wait3A_151 = arith.constant 24 : i32
        %dma_wait3A_152 = arith.constant 0 : i32
        %dma_wait3A_153 = tpu.memref_slice %arg6[%dma_wait3A_151, %dma_wait3A_152] : memref<64x128xf32, #tpu.memory_space<vmem>> -> memref<8x128xf32, #tpu.memory_space<vmem>>
        %dma_wait3A_154 = arith.constant 24 : i32
        %dma_wait3A_155 = tpu.memref_slice %arg2[%dma_wait3A_154, %mul3A_116] : memref<64x1000000xf32, #tpu.memory_space<hbm>> -> memref<8x128xf32, #tpu.memory_space<hbm>>
        tpu.wait_dma2 semaphore(%arg11 : memref<!tpu.dma_semaphore, #tpu.memory_space<semaphore_mem>>) src(%dma_wait3A_155 : memref<8x128xf32, #tpu.memory_space<hbm>>) dst(%dma_wait3A_153 : memref<8x128xf32, #tpu.memory_space<vmem>>)
        %dma_wait3A_156 = arith.constant 32 : i32
        %dma_wait3A_157 = arith.constant 0 : i32
        %dma_wait3A_158 = tpu.memref_slice %arg6[%dma_wait3A_156, %dma_wait3A_157] : memref<64x128xf32, #tpu.memory_space<vmem>> -> memref<8x128xf32, #tpu.memory_space<vmem>>
        %dma_wait3A_159 = arith.constant 32 : i32
        %dma_wait3A_160 = tpu.memref_slice %arg2[%dma_wait3A_159, %mul3A_116] : memref<64x1000000xf32, #tpu.memory_space<hbm>> -> memref<8x128xf32, #tpu.memory_space<hbm>>
        %dma_wait3A_161 = arith.constant 32 : i32
        %dma_wait3A_162 = arith.constant 0 : i32
        %dma_wait3A_163 = tpu.memref_slice %arg6[%dma_wait3A_161, %dma_wait3A_162] : memref<64x128xf32, #tpu.memory_space<vmem>> -> memref<8x128xf32, #tpu.memory_space<vmem>>
        %dma_wait3A_164 = arith.constant 32 : i32
        %dma_wait3A_165 = tpu.memref_slice %arg2[%dma_wait3A_164, %mul3A_116] : memref<64x1000000xf32, #tpu.memory_space<hbm>> -> memref<8x128xf32, #tpu.memory_space<hbm>>
        tpu.wait_dma2 semaphore(%arg11 : memref<!tpu.dma_semaphore, #tpu.memory_space<semaphore_mem>>) src(%dma_wait3A_165 : memref<8x128xf32, #tpu.memory_space<hbm>>) dst(%dma_wait3A_163 : memref<8x128xf32, #tpu.memory_space<vmem>>)
        %dma_wait3A_166 = arith.constant 40 : i32
        %dma_wait3A_167 = arith.constant 0 : i32
        %dma_wait3A_168 = tpu.memref_slice %arg6[%dma_wait3A_166, %dma_wait3A_167] : memref<64x128xf32, #tpu.memory_space<vmem>> -> memref<8x128xf32, #tpu.memory_space<vmem>>
        %dma_wait3A_169 = arith.constant 40 : i32
        %dma_wait3A_170 = tpu.memref_slice %arg2[%dma_wait3A_169, %mul3A_116] : memref<64x1000000xf32, #tpu.memory_space<hbm>> -> memref<8x128xf32, #tpu.memory_space<hbm>>
        %dma_wait3A_171 = arith.constant 40 : i32
        %dma_wait3A_172 = arith.constant 0 : i32
        %dma_wait3A_173 = tpu.memref_slice %arg6[%dma_wait3A_171, %dma_wait3A_172] : memref<64x128xf32, #tpu.memory_space<vmem>> -> memref<8x128xf32, #tpu.memory_space<vmem>>
        %dma_wait3A_174 = arith.constant 40 : i32
        %dma_wait3A_175 = tpu.memref_slice %arg2[%dma_wait3A_174, %mul3A_116] : memref<64x1000000xf32, #tpu.memory_space<hbm>> -> memref<8x128xf32, #tpu.memory_space<hbm>>
        tpu.wait_dma2 semaphore(%arg11 : memref<!tpu.dma_semaphore, #tpu.memory_space<semaphore_mem>>) src(%dma_wait3A_175 : memref<8x128xf32, #tpu.memory_space<hbm>>) dst(%dma_wait3A_173 : memref<8x128xf32, #tpu.memory_space<vmem>>)
        %dma_wait3A_176 = arith.constant 48 : i32
        %dma_wait3A_177 = arith.constant 0 : i32
        %dma_wait3A_178 = tpu.memref_slice %arg6[%dma_wait3A_176, %dma_wait3A_177] : memref<64x128xf32, #tpu.memory_space<vmem>> -> memref<8x128xf32, #tpu.memory_space<vmem>>
        %dma_wait3A_179 = arith.constant 48 : i32
        %dma_wait3A_180 = tpu.memref_slice %arg2[%dma_wait3A_179, %mul3A_116] : memref<64x1000000xf32, #tpu.memory_space<hbm>> -> memref<8x128xf32, #tpu.memory_space<hbm>>
        %dma_wait3A_181 = arith.constant 48 : i32
        %dma_wait3A_182 = arith.constant 0 : i32
        %dma_wait3A_183 = tpu.memref_slice %arg6[%dma_wait3A_181, %dma_wait3A_182] : memref<64x128xf32, #tpu.memory_space<vmem>> -> memref<8x128xf32, #tpu.memory_space<vmem>>
        %dma_wait3A_184 = arith.constant 48 : i32
        %dma_wait3A_185 = tpu.memref_slice %arg2[%dma_wait3A_184, %mul3A_116] : memref<64x1000000xf32, #tpu.memory_space<hbm>> -> memref<8x128xf32, #tpu.memory_space<hbm>>
        tpu.wait_dma2 semaphore(%arg11 : memref<!tpu.dma_semaphore, #tpu.memory_space<semaphore_mem>>) src(%dma_wait3A_185 : memref<8x128xf32, #tpu.memory_space<hbm>>) dst(%dma_wait3A_183 : memref<8x128xf32, #tpu.memory_space<vmem>>)
        %dma_wait3A_186 = arith.constant 56 : i32
        %dma_wait3A_187 = arith.constant 0 : i32
        %dma_wait3A_188 = tpu.memref_slice %arg6[%dma_wait3A_186, %dma_wait3A_187] : memref<64x128xf32, #tpu.memory_space<vmem>> -> memref<8x128xf32, #tpu.memory_space<vmem>>
        %dma_wait3A_189 = arith.constant 56 : i32
        %dma_wait3A_190 = tpu.memref_slice %arg2[%dma_wait3A_189, %mul3A_116] : memref<64x1000000xf32, #tpu.memory_space<hbm>> -> memref<8x128xf32, #tpu.memory_space<hbm>>
        %dma_wait3A_191 = arith.constant 56 : i32
        %dma_wait3A_192 = arith.constant 0 : i32
        %dma_wait3A_193 = tpu.memref_slice %arg6[%dma_wait3A_191, %dma_wait3A_192] : memref<64x128xf32, #tpu.memory_space<vmem>> -> memref<8x128xf32, #tpu.memory_space<vmem>>
        %dma_wait3A_194 = arith.constant 56 : i32
        %dma_wait3A_195 = tpu.memref_slice %arg2[%dma_wait3A_194, %mul3A_116] : memref<64x1000000xf32, #tpu.memory_space<hbm>> -> memref<8x128xf32, #tpu.memory_space<hbm>>
        tpu.wait_dma2 semaphore(%arg11 : memref<!tpu.dma_semaphore, #tpu.memory_space<semaphore_mem>>) src(%dma_wait3A_195 : memref<8x128xf32, #tpu.memory_space<hbm>>) dst(%dma_wait3A_193 : memref<8x128xf32, #tpu.memory_space<vmem>>)
      } else {
      }
      %ge3A_93 = arith.constant 2 : i32
      %ge3A_94 = arith.cmpi sge, %add3A_74, %ge3A_93 : i32
      %convert_element_type3A_95 = arith.extui %ge3A_94 : i1 to i32
      %cond3A_96 = arith.constant 0 : i32
      %cond3A_97 = arith.cmpi ne, %convert_element_type3A_95, %cond3A_96 : i32
      scf.if %cond3A_97 {
        %sub3A = arith.constant 2 : i32
        %sub3A_112 = arith.subi %add3A_74, %sub3A : i32
        %mul3A_113 = arith.constant 32 : i32
        %mul3A_114 = arith.muli %mul3A_113, %sub3A_112 : i32
        %add3A_115 = arith.addi %add3A, %mul3A_114 : i32
        %lt3A_116 = arith.constant 7812 : i32
        %lt3A_117 = arith.cmpi slt, %add3A_115, %lt3A_116 : i32
        %convert_element_type3A_118 = arith.extui %lt3A_117 : i1 to i32
        %cond3A_119 = arith.constant 0 : i32
        %cond3A_120 = arith.cmpi ne, %convert_element_type3A_118, %cond3A_119 : i32
        scf.if %cond3A_120 {
          %mul3A_121 = arith.constant 32 : i32
          %mul3A_122 = arith.muli %mul3A_121, %sub3A_112 : i32
          %add3A_123 = arith.addi %add3A, %mul3A_122 : i32
          %mul3A_124 = arith.constant 128 : i32
          %mul3A_125 = arith.muli %add3A_123, %mul3A_124 : i32
          %mul3A_126 = arith.constant 64 : i32
          %mul3A_127 = arith.muli %mul3A_125, %mul3A_126 : i32
          %dma_wait3A = tpu.memref_slice %arg4[%mul3A_127] : memref<64000000xf32, #tpu.memory_space<hbm>> -> memref<8192xf32, #tpu.memory_space<hbm>>
          %dma_wait3A_128 = tpu.memref_slice %arg4[%mul3A_127] : memref<64000000xf32, #tpu.memory_space<hbm>> -> memref<8192xf32, #tpu.memory_space<hbm>>
          tpu.wait_dma2 semaphore(%arg12 : memref<!tpu.dma_semaphore, #tpu.memory_space<semaphore_mem>>) src(%arg9 : memref<8192xf32, #tpu.memory_space<vmem>>) dst(%dma_wait3A_128 : memref<8192xf32, #tpu.memory_space<hbm>>)
        } else {
        }
      } else {
      }
      %parallel_loop3A_98 = arith.constant 0 : i32
      %parallel_loop3A_99 = arith.constant 64 : i32
      %parallel_loop3A_100 = arith.constant 1 : i32
      scf.for %parallel_loop3A_112 = %parallel_loop3A_98 to %parallel_loop3A_99 step %parallel_loop3A_100  : i32 {
        %parallel_loop3A_113 = vector.broadcast %parallel_loop3A_112 : i32 to vector<16xi32>
        %parallel_loop3A_114 = arith.index_cast %parallel_loop3A_112 : i32 to index
        %parallel_loop3A_115 = arith.constant 0 : index
        %parallel_loop3A_116 = tpu.vector_load %arg6[%parallel_loop3A_114, %parallel_loop3A_115] {strides = array<i32>} : memref<64x128xf32, #tpu.memory_space<vmem>>, vector<16xf32>,
        %parallel_loop3A_117 = arith.constant 0 : i32
        %parallel_loop3A_118 = vector.broadcast %parallel_loop3A_117 : i32 to vector<16xi32>
        %parallel_loop3A_119 = arith.addi %iota3A, %parallel_loop3A_118 : vector<16xi32>
        tpu.vector_store_idx %arg7[%parallel_loop3A_119, %parallel_loop3A_113], %parallel_loop3A_116 : memref<128x65xf32, #tpu.memory_space<vmem>>[vector<16xi32>, vector<16xi32>], vector<16xf32>,
        %parallel_loop3A_120 = arith.index_cast %parallel_loop3A_112 : i32 to index
        %parallel_loop3A_121 = arith.constant 16 : index
        %parallel_loop3A_122 = tpu.vector_load %arg6[%parallel_loop3A_120, %parallel_loop3A_121] {strides = array<i32>} : memref<64x128xf32, #tpu.memory_space<vmem>>, vector<16xf32>,
        %parallel_loop3A_123 = arith.constant 16 : i32
        %parallel_loop3A_124 = vector.broadcast %parallel_loop3A_123 : i32 to vector<16xi32>
        %parallel_loop3A_125 = arith.addi %iota3A, %parallel_loop3A_124 : vector<16xi32>
        tpu.vector_store_idx %arg7[%parallel_loop3A_125, %parallel_loop3A_113], %parallel_loop3A_122 : memref<128x65xf32, #tpu.memory_space<vmem>>[vector<16xi32>, vector<16xi32>], vector<16xf32>,
        %parallel_loop3A_126 = arith.index_cast %parallel_loop3A_112 : i32 to index
        %parallel_loop3A_127 = arith.constant 32 : index
        %parallel_loop3A_128 = tpu.vector_load %arg6[%parallel_loop3A_126, %parallel_loop3A_127] {strides = array<i32>} : memref<64x128xf32, #tpu.memory_space<vmem>>, vector<16xf32>,
        %parallel_loop3A_129 = arith.constant 32 : i32
        %parallel_loop3A_130 = vector.broadcast %parallel_loop3A_129 : i32 to vector<16xi32>
        %parallel_loop3A_131 = arith.addi %iota3A, %parallel_loop3A_130 : vector<16xi32>
        tpu.vector_store_idx %arg7[%parallel_loop3A_131, %parallel_loop3A_113], %parallel_loop3A_128 : memref<128x65xf32, #tpu.memory_space<vmem>>[vector<16xi32>, vector<16xi32>], vector<16xf32>,
        %parallel_loop3A_132 = arith.index_cast %parallel_loop3A_112 : i32 to index
        %parallel_loop3A_133 = arith.constant 48 : index
        %parallel_loop3A_134 = tpu.vector_load %arg6[%parallel_loop3A_132, %parallel_loop3A_133] {strides = array<i32>} : memref<64x128xf32, #tpu.memory_space<vmem>>, vector<16xf32>,
        %parallel_loop3A_135 = arith.constant 48 : i32
        %parallel_loop3A_136 = vector.broadcast %parallel_loop3A_135 : i32 to vector<16xi32>
        %parallel_loop3A_137 = arith.addi %iota3A, %parallel_loop3A_136 : vector<16xi32>
        tpu.vector_store_idx %arg7[%parallel_loop3A_137, %parallel_loop3A_113], %parallel_loop3A_134 : memref<128x65xf32, #tpu.memory_space<vmem>>[vector<16xi32>, vector<16xi32>], vector<16xf32>,
        %parallel_loop3A_138 = arith.index_cast %parallel_loop3A_112 : i32 to index
        %parallel_loop3A_139 = arith.constant 64 : index
        %parallel_loop3A_140 = tpu.vector_load %arg6[%parallel_loop3A_138, %parallel_loop3A_139] {strides = array<i32>} : memref<64x128xf32, #tpu.memory_space<vmem>>, vector<16xf32>,
        %parallel_loop3A_141 = arith.constant 64 : i32
        %parallel_loop3A_142 = vector.broadcast %parallel_loop3A_141 : i32 to vector<16xi32>
        %parallel_loop3A_143 = arith.addi %iota3A, %parallel_loop3A_142 : vector<16xi32>
        tpu.vector_store_idx %arg7[%parallel_loop3A_143, %parallel_loop3A_113], %parallel_loop3A_140 : memref<128x65xf32, #tpu.memory_space<vmem>>[vector<16xi32>, vector<16xi32>], vector<16xf32>,
        %parallel_loop3A_144 = arith.index_cast %parallel_loop3A_112 : i32 to index
        %parallel_loop3A_145 = arith.constant 80 : index
        %parallel_loop3A_146 = tpu.vector_load %arg6[%parallel_loop3A_144, %parallel_loop3A_145] {strides = array<i32>} : memref<64x128xf32, #tpu.memory_space<vmem>>, vector<16xf32>,
        %parallel_loop3A_147 = arith.constant 80 : i32
        %parallel_loop3A_148 = vector.broadcast %parallel_loop3A_147 : i32 to vector<16xi32>
        %parallel_loop3A_149 = arith.addi %iota3A, %parallel_loop3A_148 : vector<16xi32>
        tpu.vector_store_idx %arg7[%parallel_loop3A_149, %parallel_loop3A_113], %parallel_loop3A_146 : memref<128x65xf32, #tpu.memory_space<vmem>>[vector<16xi32>, vector<16xi32>], vector<16xf32>,
        %parallel_loop3A_150 = arith.index_cast %parallel_loop3A_112 : i32 to index
        %parallel_loop3A_151 = arith.constant 96 : index
        %parallel_loop3A_152 = tpu.vector_load %arg6[%parallel_loop3A_150, %parallel_loop3A_151] {strides = array<i32>} : memref<64x128xf32, #tpu.memory_space<vmem>>, vector<16xf32>,
        %parallel_loop3A_153 = arith.constant 96 : i32
        %parallel_loop3A_154 = vector.broadcast %parallel_loop3A_153 : i32 to vector<16xi32>
        %parallel_loop3A_155 = arith.addi %iota3A, %parallel_loop3A_154 : vector<16xi32>
        tpu.vector_store_idx %arg7[%parallel_loop3A_155, %parallel_loop3A_113], %parallel_loop3A_152 : memref<128x65xf32, #tpu.memory_space<vmem>>[vector<16xi32>, vector<16xi32>], vector<16xf32>,
        %parallel_loop3A_156 = arith.index_cast %parallel_loop3A_112 : i32 to index
        %parallel_loop3A_157 = arith.constant 112 : index
        %parallel_loop3A_158 = tpu.vector_load %arg6[%parallel_loop3A_156, %parallel_loop3A_157] {strides = array<i32>} : memref<64x128xf32, #tpu.memory_space<vmem>>, vector<16xf32>,
        %parallel_loop3A_159 = arith.constant 112 : i32
        %parallel_loop3A_160 = vector.broadcast %parallel_loop3A_159 : i32 to vector<16xi32>
        %parallel_loop3A_161 = arith.addi %iota3A, %parallel_loop3A_160 : vector<16xi32>
        tpu.vector_store_idx %arg7[%parallel_loop3A_161, %parallel_loop3A_113], %parallel_loop3A_158 : memref<128x65xf32, #tpu.memory_space<vmem>>[vector<16xi32>, vector<16xi32>], vector<16xf32>,
      } {sc.loop_unroll_factor = 8 : i64, sc.parallel_access}
      %parallel_loop3A_101 = arith.constant 0 : i32
      %parallel_loop3A_102 = arith.constant 128 : i32
      %parallel_loop3A_103 = arith.constant 1 : i32
      scf.for %parallel_loop3A_112 = %parallel_loop3A_101 to %parallel_loop3A_102 step %parallel_loop3A_103  : i32 {
        %parallel_loop3A_113 = arith.index_cast %parallel_loop3A_112 : i32 to index
        %parallel_loop3A_114 = arith.constant 0 : index
        %parallel_loop3A_115 = tpu.vector_load %arg7[%parallel_loop3A_113, %parallel_loop3A_114] {strides = array<i32>} : memref<128x65xf32, #tpu.memory_space<vmem>>, vector<16xf32>,
        %parallel_loop3A_116 = arith.constant 64 : i32
        %parallel_loop3A_117 = arith.muli %parallel_loop3A_112, %parallel_loop3A_116 : i32
        %parallel_loop3A_118 = arith.constant 0 : i32
        %parallel_loop3A_119 = arith.addi %parallel_loop3A_117, %parallel_loop3A_118 : i32
        %parallel_loop3A_120 = arith.index_cast %parallel_loop3A_119 : i32 to index
        %parallel_loop3A_121 = tpu.vector_load %arg9[%parallel_loop3A_120] {strides = array<i32>} : memref<8192xf32, #tpu.memory_space<vmem>>, vector<16xf32>,
        tpu.vector_store %arg9[%parallel_loop3A_120], %parallel_loop3A_115 {strides = array<i32>} : memref<8192xf32, #tpu.memory_space<vmem>>, vector<16xf32>,
        %parallel_loop3A_122 = arith.index_cast %parallel_loop3A_112 : i32 to index
        %parallel_loop3A_123 = arith.constant 16 : index
        %parallel_loop3A_124 = tpu.vector_load %arg7[%parallel_loop3A_122, %parallel_loop3A_123] {strides = array<i32>} : memref<128x65xf32, #tpu.memory_space<vmem>>, vector<16xf32>,
        %parallel_loop3A_125 = arith.constant 64 : i32
        %parallel_loop3A_126 = arith.muli %parallel_loop3A_112, %parallel_loop3A_125 : i32
        %parallel_loop3A_127 = arith.constant 16 : i32
        %parallel_loop3A_128 = arith.addi %parallel_loop3A_126, %parallel_loop3A_127 : i32
        %parallel_loop3A_129 = arith.index_cast %parallel_loop3A_128 : i32 to index
        %parallel_loop3A_130 = tpu.vector_load %arg9[%parallel_loop3A_129] {strides = array<i32>} : memref<8192xf32, #tpu.memory_space<vmem>>, vector<16xf32>,
        tpu.vector_store %arg9[%parallel_loop3A_129], %parallel_loop3A_124 {strides = array<i32>} : memref<8192xf32, #tpu.memory_space<vmem>>, vector<16xf32>,
        %parallel_loop3A_131 = arith.index_cast %parallel_loop3A_112 : i32 to index
        %parallel_loop3A_132 = arith.constant 32 : index
        %parallel_loop3A_133 = tpu.vector_load %arg7[%parallel_loop3A_131, %parallel_loop3A_132] {strides = array<i32>} : memref<128x65xf32, #tpu.memory_space<vmem>>, vector<16xf32>,
        %parallel_loop3A_134 = arith.constant 64 : i32
        %parallel_loop3A_135 = arith.muli %parallel_loop3A_112, %parallel_loop3A_134 : i32
        %parallel_loop3A_136 = arith.constant 32 : i32
        %parallel_loop3A_137 = arith.addi %parallel_loop3A_135, %parallel_loop3A_136 : i32
        %parallel_loop3A_138 = arith.index_cast %parallel_loop3A_137 : i32 to index
        %parallel_loop3A_139 = tpu.vector_load %arg9[%parallel_loop3A_138] {strides = array<i32>} : memref<8192xf32, #tpu.memory_space<vmem>>, vector<16xf32>,
        tpu.vector_store %arg9[%parallel_loop3A_138], %parallel_loop3A_133 {strides = array<i32>} : memref<8192xf32, #tpu.memory_space<vmem>>, vector<16xf32>,
        %parallel_loop3A_140 = arith.index_cast %parallel_loop3A_112 : i32 to index
        %parallel_loop3A_141 = arith.constant 48 : index
        %parallel_loop3A_142 = tpu.vector_load %arg7[%parallel_loop3A_140, %parallel_loop3A_141] {strides = array<i32>} : memref<128x65xf32, #tpu.memory_space<vmem>>, vector<16xf32>,
        %parallel_loop3A_143 = arith.constant 64 : i32
        %parallel_loop3A_144 = arith.muli %parallel_loop3A_112, %parallel_loop3A_143 : i32
        %parallel_loop3A_145 = arith.constant 48 : i32
        %parallel_loop3A_146 = arith.addi %parallel_loop3A_144, %parallel_loop3A_145 : i32
        %parallel_loop3A_147 = arith.index_cast %parallel_loop3A_146 : i32 to index
        %parallel_loop3A_148 = tpu.vector_load %arg9[%parallel_loop3A_147] {strides = array<i32>} : memref<8192xf32, #tpu.memory_space<vmem>>, vector<16xf32>,
        tpu.vector_store %arg9[%parallel_loop3A_147], %parallel_loop3A_142 {strides = array<i32>} : memref<8192xf32, #tpu.memory_space<vmem>>, vector<16xf32>,
      } {sc.loop_unroll_factor = 8 : i64, sc.parallel_access}
      %mul3A_104 = arith.constant 32 : i32
      %mul3A_105 = arith.muli %mul3A_104, %add3A_74 : i32
      %add3A_106 = arith.addi %add3A, %mul3A_105 : i32
      %lt3A_107 = arith.constant 7812 : i32
      %lt3A_108 = arith.cmpi slt, %add3A_106, %lt3A_107 : i32
      %convert_element_type3A_109 = arith.extui %lt3A_108 : i1 to i32
      %cond3A_110 = arith.constant 0 : i32
      %cond3A_111 = arith.cmpi ne, %convert_element_type3A_109, %cond3A_110 : i32
      scf.if %cond3A_111 {
        %mul3A_112 = arith.constant 32 : i32
        %mul3A_113 = arith.muli %mul3A_112, %add3A_74 : i32
        %add3A_114 = arith.addi %add3A, %mul3A_113 : i32
        %mul3A_115 = arith.constant 128 : i32
        %mul3A_116 = arith.muli %add3A_114, %mul3A_115 : i32
        %mul3A_117 = arith.constant 64 : i32
        %mul3A_118 = arith.muli %mul3A_116, %mul3A_117 : i32
        %dma_start3A = tpu.memref_slice %arg4[%mul3A_118] : memref<64000000xf32, #tpu.memory_space<hbm>> -> memref<8192xf32, #tpu.memory_space<hbm>>
        %dma_start3A_119 = tpu.memref_slice %arg4[%mul3A_118] : memref<64000000xf32, #tpu.memory_space<hbm>> -> memref<8192xf32, #tpu.memory_space<hbm>>
        tpu.enqueue_dma source(%arg9 : memref<8192xf32, #tpu.memory_space<vmem>>) target(%dma_start3A_119 : memref<8192xf32, #tpu.memory_space<hbm>>) target_semaphore(%arg12 : memref<!tpu.dma_semaphore, #tpu.memory_space<semaphore_mem>>)
      } else {
      }
    }
    %scan3A_16 = arith.constant 123 : i32
    %add3A_17 = arith.constant 7808 : i32
    %add3A_18 = arith.addi %add3A, %add3A_17 : i32
    %lt3A_19 = arith.constant 7812 : i32
    %lt3A_20 = arith.cmpi slt, %add3A_18, %lt3A_19 : i32
    %convert_element_type3A_21 = arith.extui %lt3A_20 : i1 to i32
    %cond3A_22 = arith.constant 0 : i32
    %cond3A_23 = arith.cmpi ne, %convert_element_type3A_21, %cond3A_22 : i32
    scf.if %cond3A_23 {
      %add3A_31 = arith.constant 7808 : i32
      %add3A_32 = arith.addi %add3A, %add3A_31 : i32
      %mul3A_33 = arith.constant 128 : i32
      %mul3A_34 = arith.muli %add3A_32, %mul3A_33 : i32
      %mul3A_35 = arith.constant 64 : i32
      %mul3A_36 = arith.muli %mul3A_34, %mul3A_35 : i32
      %dma_wait3A = tpu.memref_slice %arg4[%mul3A_36] : memref<64000000xf32, #tpu.memory_space<hbm>> -> memref<8192xf32, #tpu.memory_space<hbm>>
      %dma_wait3A_37 = tpu.memref_slice %arg4[%mul3A_36] : memref<64000000xf32, #tpu.memory_space<hbm>> -> memref<8192xf32, #tpu.memory_space<hbm>>
      tpu.wait_dma2 semaphore(%arg12 : memref<!tpu.dma_semaphore, #tpu.memory_space<semaphore_mem>>) src(%arg8 : memref<8192xf32, #tpu.memory_space<vmem>>) dst(%dma_wait3A_37 : memref<8192xf32, #tpu.memory_space<hbm>>)
    } else {
    }
    %add3A_24 = arith.constant 7840 : i32
    %add3A_25 = arith.addi %add3A, %add3A_24 : i32
    %lt3A_26 = arith.constant 7812 : i32
    %lt3A_27 = arith.cmpi slt, %add3A_25, %lt3A_26 : i32
    %convert_element_type3A_28 = arith.extui %lt3A_27 : i1 to i32
    %cond3A_29 = arith.constant 0 : i32
    %cond3A_30 = arith.cmpi ne, %convert_element_type3A_28, %cond3A_29 : i32
    scf.if %cond3A_30 {
      %add3A_31 = arith.constant 7840 : i32
      %add3A_32 = arith.addi %add3A, %add3A_31 : i32
      %mul3A_33 = arith.constant 128 : i32
      %mul3A_34 = arith.muli %add3A_32, %mul3A_33 : i32
      %mul3A_35 = arith.constant 64 : i32
      %mul3A_36 = arith.muli %mul3A_34, %mul3A_35 : i32
      %dma_wait3A = tpu.memref_slice %arg4[%mul3A_36] : memref<64000000xf32, #tpu.memory_space<hbm>> -> memref<8192xf32, #tpu.memory_space<hbm>>
      %dma_wait3A_37 = tpu.memref_slice %arg4[%mul3A_36] : memref<64000000xf32, #tpu.memory_space<hbm>> -> memref<8192xf32, #tpu.memory_space<hbm>>
      tpu.wait_dma2 semaphore(%arg12 : memref<!tpu.dma_semaphore, #tpu.memory_space<semaphore_mem>>) src(%arg9 : memref<8192xf32, #tpu.memory_space<vmem>>) dst(%dma_wait3A_37 : memref<8192xf32, #tpu.memory_space<hbm>>)
    } else {
    }
    return
  }
}

</mosaic_0001>

<sc_bundles>
// kernel: kernel.4.cloned.1.call-start
scs
__scs_entry_jumppad:
0x0: {  	(pc) =	sbr.rel $0x88, $3  }
0x1: {  	(tag) =	ssettag $0x0;
	lr =	simm.s32 $0x1  }
0x2: {  	[smem:$0x3F9E] =	sst lr;
	_ =	strace $0xD0000000  }
0x3: {  	_ = 	snop  }
0x4: {  	_ = 	snop  }
0x5: {  	_ = 	snop  }
0x6: {  	_ = 	snop  }
0x7: {  	_ = 	snop  }
__scs_overlays_trampoline_lowered:
0x8: {  	[smem:$0x3FAD] =	sst s0  }
0x9: {  	[smem:$0x3FAE] =	sst s1  }
0xa: {  	[smem:$0x3FAF] =	sst s2  }
0xb: {  	[smem:$0x3FB0] =	sst s3  }
0xc: {  	[smem:$0x3FB1] =	sst s4  }
0xd: {  	[smem:$0x3FB2] =	sst s5  }
0xe: {  	[smem:$0x3FB3] =	sst s6  }
0xf: {  	[smem:$0x3FB4] =	sst s7  }
0x10: {  	[smem:$0x3FB5] =	sst s8  }
0x11: {  	[smem:$0x3FB6] =	sst s9;
	s0 =	simm.s32 @!p0 $0x0  }
0x12: {  	s1 =	sld [smem:$0x3F9C];
	s0 =	simm.s32 @p0 $0x1  }
0x13: {  	[smem:$0x3FB7] =	sst s0;
	s0 =	simm.s32 @!p1 $0x0  }
0x14: {  	s2 =	sld [smem:$0x3F9B];
	s0 =	simm.s32 @p1 $0x1  }
0x15: {  	[smem:$0x3FB8] =	sst s0;
	s0 =	simm.s32 @!p2 $0x0  }
0x16: {  	s3 =	sld [smem:$0x3FDB];
	s0 =	simm.s32 @p2 $0x1  }
0x17: {  	s4 =	simm.s32 $0x1BF5;
	[smem:$0x3FBA] =	sst s0  }
0x18: {  	s0 =	sld [smem:$0x3F9D];
	_ =	swait.ge [sflag:s4], $0x0  }
0x19: {  	s7 =	sld [smem:$0x3F9E]  }
0x1a: {  	s8 =	sadd.s32 $0xFFFFE003, lr  }
0x1b: {  	s9 =	sadd.s32 $0xFFFFFEF7, lr;
	s5 =	simm.s32 $0xFFFFFFFF;
	p2 =	slt.u32 s8, $0xFFFFF086  }
0x1c: {  	p1 =	slt.u32 s9, $0xF7A;
	s5 =	simm.s32 @!p2 $0x0  }
0x1d: {  	s5 =	simm.s32 @p1 $0x1;
	p0 =	seq.s32 s7, s2  }
0x1e: {  	s7 =	smul.u32 @!p0 $0xF7A, s2;
	p2 =	seq.s32 @!p0 s5, $0x0  }
0x1f: {  	s9 =	smul.u32 $0xF7A, s1;
	s8 =	simm.s32 @!p0 $0x1BF5;
	p2 =	por !p2, p0  }
0x20: {  	[sflag:s8] =	ssyncset.s32 @!p0 $0xFFFFF086;
	s6 =	sadd.s32 @!p0 s3, s7;
	s7 =	simm.s32 @!p0 $0x108  }
0x21: {  	s3 =	sadd.s32 s3, s9;
	s6 =	sadd.s32 @!p0 $0x88, s6;
	s7 =	simm.s32 @p2 $0x1082  }
0x22: {  	[simem:s7], [sflag:s8] =	dma.local @!p0 [hbm:s6], $0xF7A  }
0x23: {  	s9 =	sor.u32 $0xD0000000, s2;
	s6 =	simm.s32 $0x108;
	_ =	swait.ge @!p0 [sflag:s8], $0x0  }
0x24: {  	s3 =	sadd.s32 $0x88, s3;
	s6 =	simm.s32 @!p1 $0x1082;
	[sflag:s4] =	ssyncset.s32 $0xFFFFF086  }
0x25: {  	[simem:s6], [sflag:s4] =	dma.local [hbm:s3], $0xF7A  }
0x26: {  	[smem:$0x3F9E] =	sst s1;
	(tag) =	ssettag s2;
	_ =	strace s9  }
0x27: {  	s1 =	sld [smem:$0x3FAE]  }
0x28: {  	s2 =	sld [smem:$0x3FAF]  }
0x29: {  	s4 =	sld [smem:$0x3FB1]  }
0x2a: {  	p0 =	seq.s32 s5, $0x0;
	s5 =	sld [smem:$0x3FB2]  }
0x2b: {  	s6 =	sld [smem:$0x3FB3]  }
0x2c: {  	s7 =	sld [smem:$0x3FB4]  }
0x2d: {  	s3 =	simm.s32 $0x108;
	s8 =	sld [smem:$0x3FB5]  }
0x2e: {  	s3 =	simm.s32 @!p0 $0x1082;
	s9 =	sld [smem:$0x3FB6]  }
0x2f: {  	lr =	sadd.s32 s0, s3;
	s0 =	sld [smem:$0x3FAD]  }
0x30: {  	s3 =	sld [smem:$0x3FB0]  }
0x31: {  	[smem:$0x3FB9] =	sst s10  }
0x32: {  	s10 =	sld [smem:$0x3FB7];
	_ =	sdelay $0x3  }
0x33: {  	p0 =	seq.s32 s10, $0x1;
	s10 =	sld [smem:$0x3FB9];
	_ =	sdelay $0x3  }
0x34: {  	[smem:$0x3FB9] =	sst s10  }
0x35: {  	s10 =	sld [smem:$0x3FB8];
	_ =	sdelay $0x3  }
0x36: {  	p1 =	seq.s32 s10, $0x1;
	s10 =	sld [smem:$0x3FB9];
	_ =	sdelay $0x3  }
0x37: {  	[smem:$0x3FB9] =	sst s10  }
0x38: {  	s10 =	sld [smem:$0x3FBA]  }
0x39: {  	_ = 	snop;
	(pc) =	sbr.ind lr, $3  }
0x3a: {  	_ = 	snop  }
0x3b: {  	_ = 	snop  }
0x3c: {  	p2 =	seq.s32 s10, $0x1;
	s10 =	sld [smem:$0x3FB9]  }
0x3d: {  	_ =	shalt  }
0x3e: {  	_ =	shalt  }
0x3f: {  	_ =	shalt  }
0x40: {  	_ =	shalt  }
0x41: {  	_ =	shalt  }
0x42: {  	_ =	shalt  }
0x43: {  	_ =	shalt  }
0x44: {  	_ =	shalt  }
0x45: {  	_ =	shalt  }
0x46: {  	_ =	shalt  }
0x47: {  	_ =	shalt  }
0x48: {  	_ =	shalt  }
0x49: {  	_ =	shalt  }
0x4a: {  	_ =	shalt  }
0x4b: {  	_ =	shalt  }
0x4c: {  	_ =	shalt  }
0x4d: {  	_ =	shalt  }
0x4e: {  	_ =	shalt  }
0x4f: {  	_ =	shalt  }
0x50: {  	_ =	shalt  }
0x51: {  	_ =	shalt  }
0x52: {  	_ =	shalt  }
0x53: {  	_ =	shalt  }
0x54: {  	_ =	shalt  }
0x55: {  	_ =	shalt  }
0x56: {  	_ =	shalt  }
0x57: {  	_ =	shalt  }
0x58: {  	_ =	shalt  }
0x59: {  	_ =	shalt  }
0x5a: {  	_ =	shalt  }
0x5b: {  	_ =	shalt  }
0x5c: {  	_ =	shalt  }
0x5d: {  	_ =	shalt  }
0x5e: {  	_ =	shalt  }
0x5f: {  	_ =	shalt  }
0x60: {  	_ =	shalt  }
0x61: {  	_ =	shalt  }
0x62: {  	_ =	shalt  }
0x63: {  	_ =	shalt  }
0x64: {  	_ =	shalt  }
0x65: {  	_ =	shalt  }
0x66: {  	_ =	shalt  }
0x67: {  	_ =	shalt  }
0x68: {  	_ =	shalt  }
0x69: {  	_ =	shalt  }
0x6a: {  	_ =	shalt  }
0x6b: {  	_ =	shalt  }
0x6c: {  	_ =	shalt  }
0x6d: {  	_ =	shalt  }
0x6e: {  	_ =	shalt  }
0x6f: {  	_ =	shalt  }
0x70: {  	_ =	shalt  }
0x71: {  	_ =	shalt  }
0x72: {  	_ =	shalt  }
0x73: {  	_ =	shalt  }
0x74: {  	_ =	shalt  }
0x75: {  	_ =	shalt  }
0x76: {  	_ =	shalt  }
0x77: {  	_ =	shalt  }
0x78: {  	_ =	shalt  }
0x79: {  	_ =	shalt  }
0x7a: {  	_ =	shalt  }
0x7b: {  	_ =	shalt  }
0x7c: {  	_ =	shalt  }
0x7d: {  	_ =	shalt  }
0x7e: {  	_ =	shalt  }
0x7f: {  	_ =	shalt  }
0x80: {  	_ =	shalt  }
0x81: {  	_ =	shalt  }
0x82: {  	_ =	shalt  }
0x83: {  	_ =	shalt  }
0x84: {  	_ =	shalt  }
0x85: {  	_ =	shalt  }
0x86: {  	_ =	shalt  }
0x87: {  	_ =	shalt  }
.Lfunc_end0:
.L_simem_size_0:
called_computation_lowered:
.L_overlay_start_0:
0x88: {  	s2 =	sld [smem:$0x3FD9]  }
0x89: {  	s3 =	sld [smem:$0x3FFE];
	_ =	sdelay $0x1  }
0x8a: {  	s1 =	srdreg.scid  }
0x8b: {  	s0 =	sand.u32 $0x1, s1  }
0x8c: {  	s17 =	sshll.u32 s0, $0xA;
	s2 =	sadd.s32 s3, s2  }
0x8d: {  	s2 =	sadd.s32 s2, s17  }
0x8e: {  	[smem:$0x3FC5] =	sst s2  }
0x8f: {  	_ = 	snop  }
0x90: {  	s2 =	sld [smem:$0x3FC8]  }
0x91: {  	s18 =	sld [smem:$0x3FD0];
	(tm) =	ssettm $0x1  }
0x92: {  	s4 =	sld [smem:$0x3FFB];
	_ =	sdelay $0x3  }
0x93: {  	_ =	strace s4  }
0x94: {  	s4 =	sld [smem:$0x3FFC];
	_ =	sdelay $0x3  }
0x95: {  	_ =	strace s4  }
0x96: {  	s4 =	sld [smem:$0x3FFD];
	_ =	sdelay $0x3  }
0x97: {  	_ =	strace s4  }
0x98: {  	_ =	strace $0x8FFFFFFF  }
0x99: {  	s19 =	sld [smem:$0x3FDB];
	_ =	sdelay $0x1  }
0x9a: {  	s5 =	simm.s32 $_scs_section_size  }
0x9b: {  	s6 =	simm.s32 $_size__tile_overlayer_lowered;
	s7 =	simm.s32 $_tile_overlayer_lowered  }
0x9c: {  	s22 =	simm.s32 $0x1BFF;
	s21 =	sshll.u32 s7, $0x1;
	s4 =	sadd.s32 s5, s19  }
0x9d: {  	s8 =	simm.s32 $0x0;
	s20 =	sshll.u32 s6, $0x1;
	s6 =	sadd.s32 s21, s4  }
0x9e: {  	[timem:s8], [sflag:s22] =	dma.local [hbm:s6], s20  }
0x9f: {  	_ =	swait.ge [sflag:s22], s20  }
0xa0: {  	s5 =	ssub.s32 $0x0, s20;
	[sflag:s22] =	ssyncset.done $0x0  }
0xa1: {  	[sflag:s22] =	ssyncadd.s32 s5;
	_ =	sdelay $0x1  }
0xa2: {  	s23 =	simm.s32 $0x1B8B  }
0xa3: {  	_ =	swait.ge [sflag:s23], $0x1  }
0xa4: {  	[sflag:s23] =	ssyncset.done $0x0  }
0xa5: {  	s25 =	simm.s32 $0x1B8E;
	s24 =	sld [smem:$0x3FFE];
	[sflag:s23] =	ssyncadd.s32 $0xFFFFFFFF  }
0xa6: {  	s26 =	simm.s32 $execute0_lowered;
	[smem:$0x3FD2] =	sst s25  }
0xa7: {  	s6 =	sshll.u32 s26, $0x1;
	_ =	strace $0x80000046;
	[dreg:$0x1] =	wrdreg $0xFFFFFFFF  }
0xa8: {  	s28 =	simm.s32 $_size_execute0_lowered;
	s4 =	sadd.s32 s4, s6;
	[dreg:$0x0] =	wrdreg $0x0  }
0xa9: {  	s6 =	sshll.u32 s28, $0x1;
	[dreg:$0x2] =	wrdreg s4  }
0xaa: {  	[dreg:$0x3] =	wrdreg s6  }
0xab: {  	[dreg:$0x4] =	wrdreg $0xC0  }
0xac: {  	_ =	task [dreg:s8], $0x5FFFF  }
0xad: {  	[dreg:$0x1] =	wrdreg $0xFFFFFFFF  }
0xae: {  	[dreg:$0x0] =	wrdreg $0x60  }
0xaf: {  	[dreg:$0x2] =	wrdreg s2  }
0xb0: {  	[dreg:$0x3] =	wrdreg s18  }
0xb1: {  	[dreg:$0x4] =	wrdreg s24  }
0xb2: {  	[dreg:$0x5] =	wrdreg $0x9  }
0xb3: {  	_ =	task.clear_ibuf [dreg:s8], $0x6FFFF;
	_ =	strace $0x90000046  }
0xb4: {  	s29 =	simm.s32 $0x9;
	_ =	strace $0x80000048  }
0xb5: {  	_ =	swait.ge [sflag:s29], $0x1  }
0xb6: {  	[sflag:s29] =	ssyncadd.s32 $0xFFFFFFFF  }
0xb7: {  	_ =	strace $0x90000048  }
0xb8: {  	_ =	sfence  }
0xb9: {  	s30 =	sld [smem:$0x0];
	_ =	sdelay $0x2  }
0xba: {  	s31 =	sshll.u32 s1, $0xD;
	s1 =	sshrl.u32 s1, $0x2  }
0xbb: {  	s3 =	sand.u32 $0x4000, s31;
	s1 =	sadd.s32 s1, s30  }
0xbc: {  	s0 =	sor.u32 s3, s0;
	s1 =	sshll.u32 s1, $0x11  }
0xbd: {  	s0 =	sor.u32 s1, s0  }
0xbe: {  	s0 =	sadd.s32 $0x8F2B, s0  }
0xbf: {  	[sflag:s0] =	ssyncadd.remote.s32 $0x1  }
0xc0: {  	_ =	sfence.sel $0xFFFF  }
0xc1: {  	[dreg:$0x0] =	wrdreg $0xFFFFFFFF;
	(pc) =	sbr.abs _section_cstart, $3  }
0xc2: {  	[dreg:$0x1] =	wrdreg $0xFFFFFFFF  }
0xc3: {  	_ =	task.clear_ibuf [dreg:s8], $0x2FFFF;
	_ =	strace $0x9FFFFFFF  }
0xc4: {  	(tm) =	ssettm $0x7FFFFFFF  }
0xc5: {  	_ =	shalt  }
tec
execute0_lowered:
.L_overlay_start_1:
0x0: {  	(tag) =	ssettag $0x1  }
0x1: {  	s1 =	rddreg [dreg:$0x0];
	s0 =	srdreg.scid  }
0x2: {  	s8 =	stileid.u32;
	s2 =	rddreg [dreg:$0x2]  }
0x3: {  	s4 =	simm.s32 $0x0;
	s25 =	simm.s32 $0x4000;
	s26 =	simm.s32 $0x0  }
0x4: {  	s0 =	sand.u32 $0x1, s0;
	s3 =	sshll.u32 s8, $0x1;
	[smem:$0x7FF] =	sst s4  }
0x5: {  	s6 =	sadd.s32 $0xC00, s2;
	s2 =	sadd.s32 $0x7A1C00, s2;
	p1 =	sgt.u32 s8, $0x1  }
0x6: {  	s5 =	sor.u32 s0, s3;
	_ =	strace $0x80000047;
	s0 =	ssub.s32 $0x2, s0  }
0x7: {  	v0 =	vlaneseq.u32;
	[dreg:$0x4] =	wrdreg s2;
	s3 =	sshll.u32 s5, $0x7;
	s30 =	sshrl.u32 s0, $0x1  }
0x8: {  	v0 =	vmul.u32 $0x80, v0;
	s16 =	sor.u32 $0x40, s5;
	p0 =	sne.s32 s5, $0x1F;
	s7 =	sadd.s32 s1, s3  }
0x9: {  	s0 =	ssub.s32 s0, s30;
	s29 =	sadd.s32 $0xF4280, s7;
	s3 =	sadd.s32 $0x1E8500, s7  }
0xa: {  	v1 =	vor.u32 $0x800, v0;
	v2 =	vor.u32 $0x1000, v0;
	s31 =	sadd.s32 $0x2DC780, s7;
	s12 =	sadd.s32 $0x3D0A00, s7;
	[dreg:$0x5] =	wrdreg s29  }
0xb: {  	v3 =	vor.u32 $0x1800, v0;
	v4 =	vor.u32 $0x2000, v0;
	s13 =	sadd.s32 $0x4C4C80, s7;
	s14 =	sadd.s32 $0x5B8F00, s7;
	[dreg:$0x6] =	wrdreg s3  }
0xc: {  	v5 =	vor.u32 $0x2800, v0;
	v6 =	vor.u32 $0x3000, v0;
	v7 =	vor.u32 $0x3800, v0;
	s15 =	sadd.s32 $0x6AD180, s7;
	s17 =	smax.u32 s0, $0x1;
	[dreg:$0x7] =	wrdreg s31  }
.LBB2_1:
0xd: {  	s0 =	simm.s32 @!p0 $0x0;
	s2 =	simm.s32 @!p0 $0xC000;
	s3 =	rddreg [dreg:$0x1]  }
0xe: {  	[tilespmem:s2], [sflag:$0x3] =	stream.linear.gather @!p0 [hbm4b:s3+s0], $0x1000, $0x38;
	[tilespmem:$0xD000] =	vst v63  }
0xf: {  	s3 =	simm.s32 @!p0 $0x3  }
0x10: {  	_ =	swait.ge @!p0 [sflag:s3], $0x1000  }
0x11: {  	[sflag:s3] =	ssyncset.done @!p0 $0x0  }
0x12: {  	s8 =	rddreg [dreg:$0x4];
	[sflag:s3] =	ssyncadd.s32 @!p0 $0xFFFFF000  }
0x13: {  	[hbm4b:s8+s0] =	stream.linear.scatter @!p0 [tilespmem:s2], [sflag:$0x3], $0x1000, $0x38;
	[tilespmem:$0xD000] =	vst v63  }
0x14: {  	_ =	swait.ge @!p0 [sflag:s3], $0x1000  }
0x15: {  	[sflag:s3] =	ssyncset.done @!p0 $0x0  }
0x16: {  	[sflag:s3] =	ssyncadd.s32 @!p0 $0xFFFFF000  }
0x17: {  	[tilespmem:s4], [sflag:$0x1] =	stream.linear.gather [hbm4b:s7+s4], $0x400, $0x38;
	[tilespmem:$0xD000] =	vst v63  }
0x18: {  	s19 =	simm.s32 $0x400;
	s18 =	rddreg [dreg:$0x5]  }
0x19: {  	[tilespmem:s19], [sflag:$0x1] =	stream.linear.gather [hbm4b:s18+s4], $0x400, $0x38;
	[tilespmem:$0xD000] =	vst v63  }
0x1a: {  	s21 =	simm.s32 $0x800;
	s20 =	rddreg [dreg:$0x6]  }
0x1b: {  	[tilespmem:s21], [sflag:$0x1] =	stream.linear.gather [hbm4b:s20+s4], $0x400, $0x38;
	[tilespmem:$0xD000] =	vst v63  }
0x1c: {  	s23 =	simm.s32 $0xC00;
	s22 =	rddreg [dreg:$0x7]  }
0x1d: {  	[tilespmem:s23], [sflag:$0x1] =	stream.linear.gather [hbm4b:s22+s4], $0x400, $0x38;
	[tilespmem:$0xD000] =	vst v63  }
0x1e: {  	s24 =	simm.s32 $0x1000  }
0x1f: {  	[tilespmem:s24], [sflag:$0x1] =	stream.linear.gather [hbm4b:s12+s4], $0x400, $0x38;
	[tilespmem:$0xD000] =	vst v63  }
0x20: {  	s29 =	simm.s32 $0x1400  }
0x21: {  	[tilespmem:s29], [sflag:$0x1] =	stream.linear.gather [hbm4b:s13+s4], $0x400, $0x38;
	[tilespmem:$0xD000] =	vst v63  }
0x22: {  	s30 =	simm.s32 $0x1800  }
0x23: {  	[tilespmem:s30], [sflag:$0x1] =	stream.linear.gather [hbm4b:s14+s4], $0x400, $0x38;
	[tilespmem:$0xD000] =	vst v63  }
0x24: {  	s31 =	simm.s32 $0x1C00;
	s28 =	simm.s32 $0x0  }
0x25: {  	[tilespmem:s31], [sflag:$0x1] =	stream.linear.gather [hbm4b:s15+s4], $0x400, $0x38;
	[tilespmem:$0xD000] =	vst v63  }
.LBB2_2:
0x26: {  	s30 =	sshll.u32 s28, $0x6  }
0x27: {  	s31 =	sor.u32 s30, s5  }
0x28: {  	s29 =	sor.u32 $0x20, s31  }
0x29: {  	p2 =	sgt.u32 s29, $0x1E83  }
0x2a: {  	s0 =	sshll.u32 @!p2 s29, $0x7;
	s3 =	simm.s32 @!p2 $0x0  }
0x2b: {  	s18 =	simm.s32 @!p2 $0x2000;
	s2 =	sadd.s32 @!p2 s1, s0;
	s0 =	sand.u32 @!p2 $0x1FFFFF80, s0  }
0x2c: {  	[tilespmem:s18], [sflag:$0x1] =	stream.linear.gather @!p2 [hbm4b:s2+s3], $0x400, $0x38;
	[tilespmem:$0xD000] =	vst v63  }
0x2d: {  	s0 =	sadd.s32 @!p2 s1, s0  }
0x2e: {  	s18 =	simm.s32 @!p2 $0x2400;
	s2 =	sadd.s32 @!p2 $0xF4280, s0  }
0x2f: {  	[tilespmem:s18], [sflag:$0x1] =	stream.linear.gather @!p2 [hbm4b:s2+s3], $0x400, $0x38;
	[tilespmem:$0xD000] =	vst v63  }
0x30: {  	s2 =	sadd.s32 @!p2 $0x1E8500, s0;
	s18 =	simm.s32 @!p2 $0x2800  }
0x31: {  	[tilespmem:s18], [sflag:$0x1] =	stream.linear.gather @!p2 [hbm4b:s2+s3], $0x400, $0x38;
	[tilespmem:$0xD000] =	vst v63  }
0x32: {  	s2 =	sadd.s32 @!p2 $0x2DC780, s0;
	s18 =	simm.s32 @!p2 $0x2C00  }
0x33: {  	[tilespmem:s18], [sflag:$0x1] =	stream.linear.gather @!p2 [hbm4b:s2+s3], $0x400, $0x38;
	[tilespmem:$0xD000] =	vst v63  }
0x34: {  	s2 =	sadd.s32 @!p2 $0x3D0A00, s0;
	s18 =	simm.s32 @!p2 $0x3000  }
0x35: {  	[tilespmem:s18], [sflag:$0x1] =	stream.linear.gather @!p2 [hbm4b:s2+s3], $0x400, $0x38;
	[tilespmem:$0xD000] =	vst v63  }
0x36: {  	s2 =	sadd.s32 @!p2 $0x4C4C80, s0;
	s18 =	simm.s32 @!p2 $0x3400  }
0x37: {  	[tilespmem:s18], [sflag:$0x1] =	stream.linear.gather @!p2 [hbm4b:s2+s3], $0x400, $0x38;
	[tilespmem:$0xD000] =	vst v63  }
0x38: {  	s2 =	sadd.s32 @!p2 $0x5B8F00, s0;
	s18 =	simm.s32 @!p2 $0x3800  }
0x39: {  	[tilespmem:s18], [sflag:$0x1] =	stream.linear.gather @!p2 [hbm4b:s2+s3], $0x400, $0x38;
	[tilespmem:$0xD000] =	vst v63  }
0x3a: {  	p4 =	sgt.u32 s31, $0x1E83;
	s0 =	sadd.s32 @!p2 $0x6AD180, s0;
	s2 =	simm.s32 @!p2 $0x3C00  }
0x3b: {  	[tilespmem:s2], [sflag:$0x1] =	stream.linear.gather @!p2 [hbm4b:s0+s3], $0x400, $0x38;
	[tilespmem:$0xD000] =	vst v63  }
0x3c: {  	s0 =	simm.s32 @!p4 $0x1  }
0x3d: {  	_ =	swait.ge @!p4 [sflag:s0], $0x400  }
0x3e: {  	[sflag:s0] =	ssyncset.done @!p4 $0x0  }
0x3f: {  	[sflag:s0] =	ssyncadd.s32 @!p4 $0xFFFFFC00  }
0x40: {  	_ =	swait.ge @!p4 [sflag:s0], $0x400  }
0x41: {  	[sflag:s0] =	ssyncset.done @!p4 $0x0  }
0x42: {  	[sflag:s0] =	ssyncadd.s32 @!p4 $0xFFFFFC00  }
0x43: {  	_ =	swait.ge @!p4 [sflag:s0], $0x400  }
0x44: {  	[sflag:s0] =	ssyncset.done @!p4 $0x0  }
0x45: {  	[sflag:s0] =	ssyncadd.s32 @!p4 $0xFFFFFC00  }
0x46: {  	_ =	swait.ge @!p4 [sflag:s0], $0x400  }
0x47: {  	[sflag:s0] =	ssyncset.done @!p4 $0x0  }
0x48: {  	[sflag:s0] =	ssyncadd.s32 @!p4 $0xFFFFFC00  }
0x49: {  	_ =	swait.ge @!p4 [sflag:s0], $0x400  }
0x4a: {  	[sflag:s0] =	ssyncset.done @!p4 $0x0  }
0x4b: {  	[sflag:s0] =	ssyncadd.s32 @!p4 $0xFFFFFC00  }
0x4c: {  	_ =	swait.ge @!p4 [sflag:s0], $0x400  }
0x4d: {  	[sflag:s0] =	ssyncset.done @!p4 $0x0  }
0x4e: {  	[sflag:s0] =	ssyncadd.s32 @!p4 $0xFFFFFC00  }
0x4f: {  	_ =	swait.ge @!p4 [sflag:s0], $0x400  }
0x50: {  	[sflag:s0] =	ssyncset.done @!p4 $0x0  }
0x51: {  	p3 =	seq.s32 s28, $0x0;
	[sflag:s0] =	ssyncadd.s32 @!p4 $0xFFFFFC00  }
0x52: {  	s10 =	simm.s32 $0x0;
	s11 =	simm.s32 $0x7;
	_ =	swait.ge @!p4 [sflag:s0], $0x400  }
0x53: {  	s19 =	simm.s32 $0x2;
	s20 =	simm.s32 $0x3;
	v8 =	vmov s10;
	[sflag:s0] =	ssyncset.done @!p4 $0x0  }
0x54: {  	s23 =	simm.s32 $0x6;
	v9 =	vmov s11;
	v11 =	vmov s19;
	v12 =	vmov s20;
	[sflag:s0] =	ssyncadd.s32 @!p4 $0xFFFFFC00;
	s0 =	simm.s32 @!p3 $0x2  }
0x55: {  	s21 =	simm.s32 $0x4;
	v26 =	vmov s23;
	v8 =	vand.u32 $0x78, v8;
	v9 =	vand.u32 $0x7F, v9;
	s18 =	simm.s32 $0x1;
	_ =	swait.ge @!p3 [sflag:s0], $0x2000  }
0x56: {  	v15 =	vbroadcast v9, $0x0;
	v9 =	vmov s21;
	v10 =	vmov s18;
	[sflag:s0] =	ssyncset.done @!p3 $0x0  }
0x57: {  	v8 =	vbroadcast v8, $0x0;
	v9 =	vand.u32 $0x7C, v9;
	s2 =	simm.s32 $0x200;
	v10 =	vand.u32 $0x79, v10;
	[sflag:s0] =	ssyncadd.s32 @!p3 $0xFFFFE000  }
0x58: {  	v17 =	vor.u32 v0, v15;
	v13 =	vbroadcast v10, $0x0;
	v10 =	vand.u32 $0x7A, v11;
	v16 =	vld [tilespmem:s2+$0x180]  }
0x59: {  	s22 =	simm.s32 $0x5;
	v19 =	vor.u32 v0, v8;
	v14 =	vbroadcast v10, $0x0;
	v10 =	vand.u32 $0x7B, v12;
	v18 =	vld [tilespmem:s2+$0xFFFFFE00]  }
0x5a: {  	v21 =	vor.u32 v0, v13;
	v12 =	vbroadcast v10, $0x0;
	v10 =	vmov s22;
	v20 =	vld [tilespmem:s2+$0xFFFFFE80]  }
0x5b: {  	v9 =	vbroadcast v9, $0x0;
	v23 =	vor.u32 v0, v14;
	v10 =	vand.u32 $0x7D, v10;
	v22 =	vld [tilespmem:s2+$0xFFFFFF00]  }
0x5c: {  	v25 =	vor.u32 v0, v12;
	v11 =	vbroadcast v10, $0x0;
	v10 =	vand.u32 $0x7E, v26;
	v24 =	vld [tilespmem:s2+$0xFFFFFF80]  }
0x5d: {  	v28 =	vor.u32 v0, v9;
	v10 =	vbroadcast v10, $0x0;
	v27 =	vld [tilespmem:s2+$0x0];
	[tilespmem:v17+s25+$0x0] =	vst.idx.msk $0xffff, v16  }
0x5e: {  	[tilespmem:v19+s25+$0x0] =	vst.idx.msk $0xffff, v18;
	v18 =	vld [tilespmem:s2+$0x80];
	v19 =	vor.u32 v0, v11  }
0x5f: {  	[tilespmem:v21+s25+$0x0] =	vst.idx.msk $0xffff, v20;
	v20 =	vld [tilespmem:s2+$0x100];
	v21 =	vor.u32 v0, v10  }
0x60: {  	v17 =	vor.u32 v1, v15;
	[tilespmem:v23+s25+$0x0] =	vst.idx.msk $0xffff, v22;
	v16 =	vld [tilespmem:s2+$0x190]  }
0x61: {  	v23 =	vor.u32 v1, v13;
	[tilespmem:v25+s25+$0x0] =	vst.idx.msk $0xffff, v24;
	v22 =	vld [tilespmem:s2+$0xFFFFFE90]  }
0x62: {  	v33 =	vor.u32 v1, v14;
	[tilespmem:v28+s25+$0x0] =	vst.idx.msk $0xffff, v27;
	v32 =	vld [tilespmem:s2+$0xFFFFFF10]  }
0x63: {  	v35 =	vor.u32 v1, v12;
	v34 =	vld [tilespmem:s2+$0xFFFFFF90];
	[tilespmem:v19+s25+$0x0] =	vst.idx.msk $0xffff, v18  }
0x64: {  	v18 =	vld [tilespmem:s2+$0x10];
	v19 =	vor.u32 v1, v9;
	[tilespmem:v21+s25+$0x0] =	vst.idx.msk $0xffff, v20  }
0x65: {  	v21 =	vor.u32 v1, v11;
	[tilespmem:v17+s25+$0x0] =	vst.idx.msk $0xffff, v16;
	v20 =	vld [tilespmem:s2+$0x90]  }
0x66: {  	[tilespmem:v23+s25+$0x0] =	vst.idx.msk $0xffff, v22;
	v22 =	vld [tilespmem:s2+$0x110];
	v23 =	vor.u32 v1, v10  }
0x67: {  	v17 =	vor.u32 v2, v15;
	[tilespmem:v33+s25+$0x0] =	vst.idx.msk $0xffff, v32;
	v16 =	vld [tilespmem:s2+$0x1A0]  }
0x68: {  	v37 =	vor.u32 v1, v8;
	v36 =	vld [tilespmem:s2+$0xFFFFFE10];
	[tilespmem:v35+s25+$0x0] =	vst.idx.msk $0xffff, v34  }
0x69: {  	v39 =	vor.u32 v2, v13;
	v38 =	vld [tilespmem:s2+$0xFFFFFEA0];
	[tilespmem:v19+s25+$0x0] =	vst.idx.msk $0xffff, v18  }
0x6a: {  	v18 =	vld [tilespmem:s2+$0xFFFFFF20];
	v19 =	vor.u32 v2, v14;
	[tilespmem:v21+s25+$0x0] =	vst.idx.msk $0xffff, v20  }
0x6b: {  	v20 =	vld [tilespmem:s2+$0xFFFFFFA0];
	v21 =	vor.u32 v2, v12;
	[tilespmem:v23+s25+$0x0] =	vst.idx.msk $0xffff, v22  }
0x6c: {  	v22 =	vld [tilespmem:s2+$0x20];
	v23 =	vor.u32 v2, v9;
	[tilespmem:v17+s25+$0x0] =	vst.idx.msk $0xffff, v16  }
0x6d: {  	[tilespmem:v37+s25+$0x0] =	vst.idx.msk $0xffff, v36;
	v17 =	vor.u32 v3, v15;
	v16 =	vld [tilespmem:s2+$0x1B0]  }
0x6e: {  	v41 =	vor.u32 v2, v11;
	[tilespmem:v39+s25+$0x0] =	vst.idx.msk $0xffff, v38;
	v40 =	vld [tilespmem:s2+$0xA0]  }
0x6f: {  	v43 =	vor.u32 v2, v10;
	v42 =	vld [tilespmem:s2+$0x120];
	[tilespmem:v19+s25+$0x0] =	vst.idx.msk $0xffff, v18  }
0x70: {  	v18 =	vld [tilespmem:s2+$0xFFFFFE20];
	v19 =	vor.u32 v2, v8;
	[tilespmem:v21+s25+$0x0] =	vst.idx.msk $0xffff, v20  }
0x71: {  	v20 =	vld [tilespmem:s2+$0xFFFFFEB0];
	v21 =	vor.u32 v3, v13;
	[tilespmem:v23+s25+$0x0] =	vst.idx.msk $0xffff, v22  }
0x72: {  	v22 =	vld [tilespmem:s2+$0xFFFFFF30];
	v23 =	vor.u32 v3, v14;
	[tilespmem:v17+s25+$0x0] =	vst.idx.msk $0xffff, v16  }
0x73: {  	[tilespmem:v41+s25+$0x0] =	vst.idx.msk $0xffff, v40;
	v17 =	vor.u32 v4, v15;
	v16 =	vld [tilespmem:s2+$0x1C0]  }
0x74: {  	v45 =	vor.u32 v3, v12;
	v44 =	vld [tilespmem:s2+$0xFFFFFFB0];
	[tilespmem:v43+s25+$0x0] =	vst.idx.msk $0xffff, v42  }
0x75: {  	v47 =	vor.u32 v3, v9;
	v46 =	vld [tilespmem:s2+$0x30];
	[tilespmem:v19+s25+$0x0] =	vst.idx.msk $0xffff, v18  }
0x76: {  	v18 =	vld [tilespmem:s2+$0xB0];
	v19 =	vor.u32 v3, v11;
	[tilespmem:v21+s25+$0x0] =	vst.idx.msk $0xffff, v20  }
0x77: {  	[tilespmem:v23+s25+$0x0] =	vst.idx.msk $0xffff, v22;
	v20 =	vld [tilespmem:s2+$0x130];
	v21 =	vor.u32 v3, v10  }
0x78: {  	v22 =	vld [tilespmem:s2+$0xFFFFFE30];
	v23 =	vor.u32 v3, v8;
	[tilespmem:v17+s25+$0x0] =	vst.idx.msk $0xffff, v16  }
0x79: {  	[tilespmem:v45+s25+$0x0] =	vst.idx.msk $0xffff, v44;
	v17 =	vor.u32 v5, v15;
	v16 =	vld [tilespmem:s2+$0x1D0]  }
0x7a: {  	v49 =	vor.u32 v4, v13;
	v48 =	vld [tilespmem:s2+$0xFFFFFEC0];
	[tilespmem:v47+s25+$0x0] =	vst.idx.msk $0xffff, v46  }
0x7b: {  	v51 =	vor.u32 v4, v14;
	v50 =	vld [tilespmem:s2+$0xFFFFFF40];
	[tilespmem:v19+s25+$0x0] =	vst.idx.msk $0xffff, v18  }
0x7c: {  	v18 =	vld [tilespmem:s2+$0xFFFFFFC0];
	v19 =	vor.u32 v4, v12;
	[tilespmem:v21+s25+$0x0] =	vst.idx.msk $0xffff, v20  }
0x7d: {  	[tilespmem:v23+s25+$0x0] =	vst.idx.msk $0xffff, v22;
	v20 =	vld [tilespmem:s2+$0x40];
	v21 =	vor.u32 v4, v9  }
0x7e: {  	v22 =	vld [tilespmem:s2+$0xC0];
	v23 =	vor.u32 v4, v11;
	[tilespmem:v17+s25+$0x0] =	vst.idx.msk $0xffff, v16  }
0x7f: {  	[tilespmem:v49+s25+$0x0] =	vst.idx.msk $0xffff, v48;
	v17 =	vor.u32 v6, v15;
	v16 =	vld [tilespmem:s2+$0x1E0]  }
0x80: {  	v53 =	vor.u32 v4, v10;
	[tilespmem:v51+s25+$0x0] =	vst.idx.msk $0xffff, v50;
	v52 =	vld [tilespmem:s2+$0x140]  }
0x81: {  	v55 =	vor.u32 v4, v8;
	v54 =	vld [tilespmem:s2+$0xFFFFFE40];
	[tilespmem:v19+s25+$0x0] =	vst.idx.msk $0xffff, v18  }
0x82: {  	v19 =	vld [tilespmem:s2+$0xFFFFFF50];
	[tilespmem:v21+s25+$0x0] =	vst.idx.msk $0xffff, v20;
	v20 =	vor.u32 v5, v14  }
0x83: {  	[tilespmem:v23+s25+$0x0] =	vst.idx.msk $0xffff, v22;
	v21 =	vld [tilespmem:s2+$0xFFFFFFD0];
	v22 =	vor.u32 v5, v12  }
0x84: {  	v18 =	vor.u32 v5, v13;
	[tilespmem:v17+s25+$0x0] =	vst.idx.msk $0xffff, v16;
	v17 =	vld [tilespmem:s2+$0xFFFFFED0]  }
0x85: {  	v15 =	vor.u32 v7, v15;
	[tilespmem:v53+s25+$0x0] =	vst.idx.msk $0xffff, v52;
	v16 =	vld [tilespmem:s2+$0x1F0]  }
0x86: {  	v56 =	vor.u32 v5, v9;
	[tilespmem:v55+s25+$0x0] =	vst.idx.msk $0xffff, v54;
	v23 =	vld [tilespmem:s2+$0x50]  }
0x87: {  	v58 =	vor.u32 v5, v11;
	v57 =	vld [tilespmem:s2+$0xD0];
	[tilespmem:v20+s25+$0x0] =	vst.idx.msk $0xffff, v19  }
0x88: {  	[tilespmem:v22+s25+$0x0] =	vst.idx.msk $0xffff, v21;
	v22 =	vor.u32 v6, v14;
	v21 =	vld [tilespmem:s2+$0xFFFFFF60]  }
0x89: {  	[tilespmem:v18+s25+$0x0] =	vst.idx.msk $0xffff, v17;
	v17 =	vld [tilespmem:s2+$0xFFFFFE50];
	v18 =	vor.u32 v5, v8  }
0x8a: {  	[tilespmem:v15+s25+$0x0] =	vst.idx.msk $0xffff, v16;
	v15 =	vld [tilespmem:s2+$0x150];
	v16 =	vor.u32 v5, v10  }
0x8b: {  	v20 =	vor.u32 v6, v13;
	[tilespmem:v56+s25+$0x0] =	vst.idx.msk $0xffff, v23;
	v19 =	vld [tilespmem:s2+$0xFFFFFEE0]  }
0x8c: {  	[tilespmem:v58+s25+$0x0] =	vst.idx.msk $0xffff, v57  }
0x8d: {  	v59 =	vor.u32 v6, v12;
	v23 =	vld [tilespmem:s2+$0xFFFFFFE0];
	[tilespmem:v22+s25+$0x0] =	vst.idx.msk $0xffff, v21  }
0x8e: {  	v61 =	vor.u32 v6, v9;
	v60 =	vld [tilespmem:s2+$0x60];
	[tilespmem:v18+s25+$0x0] =	vst.idx.msk $0xffff, v17  }
0x8f: {  	v63 =	vor.u32 v6, v11;
	v62 =	vld [tilespmem:s2+$0xE0];
	[tilespmem:v16+s25+$0x0] =	vst.idx.msk $0xffff, v15  }
0x90: {  	v22 =	vor.u32 v6, v10;
	[tilespmem:v20+s25+$0x0] =	vst.idx.msk $0xffff, v19;
	v19 =	vld [tilespmem:s2+$0x160]  }
0x91: {  	v15 =	vld [tilespmem:s2+$0xFFFFFE60];
	v20 =	vor.u32 v6, v8  }
0x92: {  	s0 =	simm.s32 $0x8;
	[tilespmem:v59+s25+$0x0] =	vst.idx.msk $0xffff, v23;
	v18 =	vor.u32 v7, v13;
	v16 =	vld [tilespmem:s2+$0xFFFFFEF0]  }
0x93: {  	s24 =	simm.s32 $0x9;
	v14 =	vor.u32 v7, v14;
	[tilespmem:v61+s25+$0x0] =	vst.idx.msk $0xffff, v60;
	v17 =	vmov s0;
	v13 =	vld [tilespmem:s2+$0xFFFFFF70]  }
0x94: {  	s19 =	simm.s32 $0xA;
	s18 =	simm.s32 $0xF;
	s3 =	simm.s32 $0x10;
	v12 =	vor.u32 v7, v12;
	v23 =	vmov s24;
	[tilespmem:v63+s25+$0x0] =	vst.idx.msk $0xffff, v62;
	v21 =	vand.u32 $0x78, v17;
	v17 =	vld [tilespmem:s2+$0xFFFFFFF0]  }
.LBB2_3:
0x95: {  	p5 =	slt.u32 s3, $0x38;
	v24 =	vmov s19;
	s19 =	sadd.s32 $0x3, s0;
	v25 =	vmov s18;
	v26 =	vld [tilespmem:s2+$0x70];
	v9 =	vor.u32 v7, v9;
	[tilespmem:v22+s25+$0x0] =	vst.idx.msk $0xffff, v19  }
0x96: {  	s18 =	sadd.s32 $0x4, s0;
	v11 =	vor.u32 v7, v11;
	v19 =	vmov s19;
	v22 =	vand.u32 $0x7F, v25;
	[tilespmem:v20+s25+$0x0] =	vst.idx.msk $0xffff, v15;
	v20 =	vld [tilespmem:s2+$0xF0]  }
0x97: {  	v10 =	vor.u32 v7, v10;
	v25 =	vmov s18;
	v15 =	vbroadcast v22, $0x0;
	[tilespmem:v18+s25+$0x0] =	vst.idx.msk $0xffff, v16;
	v16 =	vld [tilespmem:s2+$0x170]  }
0x98: {  	v18 =	vand.u32 $0x79, v23;
	v23 =	vor.u32 v7, v8;
	v8 =	vbroadcast v21, $0x0;
	v22 =	vld [tilespmem:s2+$0xFFFFFE70];
	[tilespmem:v14+s25+$0x0] =	vst.idx.msk $0xffff, v13;
	s2 =	sadd.s32 $0x400, s2  }
0x99: {  	v13 =	vbroadcast v18, $0x0;
	v14 =	vand.u32 $0x7A, v24;
	v18 =	vld [tilespmem:s2+$0x180];
	v21 =	vor.u32 v0, v15;
	[tilespmem:v12+s25+$0x0] =	vst.idx.msk $0xffff, v17  }
0x9a: {  	v24 =	vor.u32 v0, v8;
	v14 =	vbroadcast v14, $0x0;
	v12 =	vand.u32 $0x7B, v19;
	v17 =	vld [tilespmem:s2+$0xFFFFFE00];
	[tilespmem:v9+s25+$0x0] =	vst.idx.msk $0xffff, v26  }
0x9b: {  	s18 =	sadd.s32 $0x5, s0;
	v26 =	vor.u32 v0, v13;
	v12 =	vbroadcast v12, $0x0;
	v9 =	vand.u32 $0x7C, v25;
	v19 =	vld [tilespmem:s2+$0xFFFFFE80];
	[tilespmem:v11+s25+$0x0] =	vst.idx.msk $0xffff, v20  }
0x9c: {  	v25 =	vor.u32 v0, v14;
	v9 =	vbroadcast v9, $0x0;
	v11 =	vmov s18;
	s18 =	sadd.s32 $0x6, s0;
	s0 =	smov.u32 s3;
	v20 =	vld [tilespmem:s2+$0xFFFFFF00];
	[tilespmem:v10+s25+$0x0] =	vst.idx.msk $0xffff, v16  }
0x9d: {  	v27 =	vor.u32 v0, v12;
	v10 =	vand.u32 $0x7D, v11;
	v28 =	vmov s18;
	v16 =	vld [tilespmem:s2+$0xFFFFFF80];
	[tilespmem:v23+s25+$0x0] =	vst.idx.msk $0xffff, v22  }
0x9e: {  	v23 =	vor.u32 v0, v9;
	v11 =	vbroadcast v10, $0x0;
	v10 =	vand.u32 $0x7E, v28;
	v22 =	vld [tilespmem:s2+$0x0];
	[tilespmem:v21+s25+$0x0] =	vst.idx.msk $0xffff, v18  }
0x9f: {  	v10 =	vbroadcast v10, $0x0;
	v18 =	vor.u32 v1, v15;
	[tilespmem:v24+s25+$0x0] =	vst.idx.msk $0xffff, v17;
	v17 =	vld [tilespmem:s2+$0x190]  }
0xa0: {  	v21 =	vor.u32 v0, v11;
	[tilespmem:v26+s25+$0x0] =	vst.idx.msk $0xffff, v19;
	v19 =	vld [tilespmem:s2+$0x80]  }
0xa1: {  	v24 =	vor.u32 v0, v10;
	[tilespmem:v25+s25+$0x0] =	vst.idx.msk $0xffff, v20;
	v20 =	vld [tilespmem:s2+$0x100]  }
0xa2: {  	v26 =	vor.u32 v1, v13;
	v25 =	vld [tilespmem:s2+$0xFFFFFE90];
	[tilespmem:v27+s25+$0x0] =	vst.idx.msk $0xffff, v16  }
0xa3: {  	v27 =	vor.u32 v1, v14;
	v16 =	vld [tilespmem:s2+$0xFFFFFF10];
	[tilespmem:v23+s25+$0x0] =	vst.idx.msk $0xffff, v22  }
0xa4: {  	v23 =	vor.u32 v1, v12;
	v22 =	vld [tilespmem:s2+$0xFFFFFF90];
	[tilespmem:v18+s25+$0x0] =	vst.idx.msk $0xffff, v17  }
0xa5: {  	v18 =	vor.u32 v2, v15;
	[tilespmem:v21+s25+$0x0] =	vst.idx.msk $0xffff, v19;
	v17 =	vld [tilespmem:s2+$0x1A0]  }
0xa6: {  	v21 =	vor.u32 v1, v9;
	v19 =	vld [tilespmem:s2+$0x10];
	[tilespmem:v24+s25+$0x0] =	vst.idx.msk $0xffff, v20  }
0xa7: {  	v24 =	vor.u32 v1, v11;
	[tilespmem:v26+s25+$0x0] =	vst.idx.msk $0xffff, v25;
	v20 =	vld [tilespmem:s2+$0x90]  }
0xa8: {  	v25 =	vor.u32 v1, v10;
	[tilespmem:v27+s25+$0x0] =	vst.idx.msk $0xffff, v16;
	v16 =	vld [tilespmem:s2+$0x110]  }
0xa9: {  	v27 =	vor.u32 v1, v8;
	v26 =	vld [tilespmem:s2+$0xFFFFFE10];
	[tilespmem:v23+s25+$0x0] =	vst.idx.msk $0xffff, v22  }
0xaa: {  	v23 =	vor.u32 v2, v13;
	v22 =	vld [tilespmem:s2+$0xFFFFFEA0];
	[tilespmem:v18+s25+$0x0] =	vst.idx.msk $0xffff, v17  }
0xab: {  	v18 =	vor.u32 v3, v15;
	[tilespmem:v21+s25+$0x0] =	vst.idx.msk $0xffff, v19;
	v17 =	vld [tilespmem:s2+$0x1B0]  }
0xac: {  	v21 =	vor.u32 v2, v14;
	v19 =	vld [tilespmem:s2+$0xFFFFFF20];
	[tilespmem:v24+s25+$0x0] =	vst.idx.msk $0xffff, v20  }
0xad: {  	v24 =	vor.u32 v2, v12;
	v20 =	vld [tilespmem:s2+$0xFFFFFFA0];
	[tilespmem:v25+s25+$0x0] =	vst.idx.msk $0xffff, v16  }
0xae: {  	v25 =	vor.u32 v2, v9;
	[tilespmem:v27+s25+$0x0] =	vst.idx.msk $0xffff, v26;
	v16 =	vld [tilespmem:s2+$0x20]  }
0xaf: {  	[tilespmem:v23+s25+$0x0] =	vst.idx.msk $0xffff, v22;
	v22 =	vld [tilespmem:s2+$0xA0];
	v23 =	vor.u32 v2, v11  }
0xb0: {  	v27 =	vor.u32 v2, v10;
	v26 =	vld [tilespmem:s2+$0x120];
	[tilespmem:v18+s25+$0x0] =	vst.idx.msk $0xffff, v17  }
0xb1: {  	v18 =	vor.u32 v4, v15;
	[tilespmem:v21+s25+$0x0] =	vst.idx.msk $0xffff, v19;
	v17 =	vld [tilespmem:s2+$0x1C0]  }
0xb2: {  	v21 =	vor.u32 v2, v8;
	v19 =	vld [tilespmem:s2+$0xFFFFFE20];
	[tilespmem:v24+s25+$0x0] =	vst.idx.msk $0xffff, v20  }
0xb3: {  	v24 =	vor.u32 v3, v13;
	v20 =	vld [tilespmem:s2+$0xFFFFFEB0];
	[tilespmem:v25+s25+$0x0] =	vst.idx.msk $0xffff, v16  }
0xb4: {  	v25 =	vor.u32 v3, v14;
	v16 =	vld [tilespmem:s2+$0xFFFFFF30];
	[tilespmem:v23+s25+$0x0] =	vst.idx.msk $0xffff, v22  }
0xb5: {  	v23 =	vor.u32 v3, v12;
	v22 =	vld [tilespmem:s2+$0xFFFFFFB0];
	[tilespmem:v27+s25+$0x0] =	vst.idx.msk $0xffff, v26  }
0xb6: {  	v27 =	vor.u32 v3, v9;
	v26 =	vld [tilespmem:s2+$0x30];
	[tilespmem:v18+s25+$0x0] =	vst.idx.msk $0xffff, v17  }
0xb7: {  	v18 =	vor.u32 v5, v15;
	[tilespmem:v21+s25+$0x0] =	vst.idx.msk $0xffff, v19;
	v17 =	vld [tilespmem:s2+$0x1D0]  }
0xb8: {  	[tilespmem:v24+s25+$0x0] =	vst.idx.msk $0xffff, v20;
	v19 =	vld [tilespmem:s2+$0xB0];
	v20 =	vor.u32 v3, v11  }
0xb9: {  	v21 =	vor.u32 v3, v10;
	[tilespmem:v25+s25+$0x0] =	vst.idx.msk $0xffff, v16;
	v16 =	vld [tilespmem:s2+$0x130]  }
0xba: {  	v25 =	vor.u32 v3, v8;
	v24 =	vld [tilespmem:s2+$0xFFFFFE30];
	[tilespmem:v23+s25+$0x0] =	vst.idx.msk $0xffff, v22  }
0xbb: {  	v23 =	vor.u32 v4, v13;
	v22 =	vld [tilespmem:s2+$0xFFFFFEC0];
	[tilespmem:v27+s25+$0x0] =	vst.idx.msk $0xffff, v26  }
0xbc: {  	v27 =	vor.u32 v4, v14;
	v26 =	vld [tilespmem:s2+$0xFFFFFF40];
	[tilespmem:v18+s25+$0x0] =	vst.idx.msk $0xffff, v17  }
0xbd: {  	v18 =	vor.u32 v6, v15;
	[tilespmem:v20+s25+$0x0] =	vst.idx.msk $0xffff, v19;
	v17 =	vld [tilespmem:s2+$0x1E0]  }
0xbe: {  	v20 =	vor.u32 v4, v12;
	v19 =	vld [tilespmem:s2+$0xFFFFFFC0];
	[tilespmem:v21+s25+$0x0] =	vst.idx.msk $0xffff, v16  }
0xbf: {  	v21 =	vor.u32 v4, v9;
	[tilespmem:v25+s25+$0x0] =	vst.idx.msk $0xffff, v24;
	v16 =	vld [tilespmem:s2+$0x40]  }
0xc0: {  	[tilespmem:v23+s25+$0x0] =	vst.idx.msk $0xffff, v22;
	v22 =	vld [tilespmem:s2+$0xC0];
	v23 =	vor.u32 v4, v11  }
0xc1: {  	v25 =	vor.u32 v4, v10;
	[tilespmem:v27+s25+$0x0] =	vst.idx.msk $0xffff, v26;
	v24 =	vld [tilespmem:s2+$0x140]  }
0xc2: {  	v27 =	vor.u32 v4, v8;
	v26 =	vld [tilespmem:s2+$0xFFFFFE40];
	[tilespmem:v18+s25+$0x0] =	vst.idx.msk $0xffff, v17  }
0xc3: {  	v15 =	vor.u32 v7, v15;
	[tilespmem:v20+s25+$0x0] =	vst.idx.msk $0xffff, v19;
	v17 =	vld [tilespmem:s2+$0x1F0]  }
0xc4: {  	v19 =	vor.u32 v5, v13;
	v18 =	vld [tilespmem:s2+$0xFFFFFED0];
	[tilespmem:v21+s25+$0x0] =	vst.idx.msk $0xffff, v16  }
0xc5: {  	v20 =	vor.u32 v5, v14;
	v16 =	vld [tilespmem:s2+$0xFFFFFF50];
	[tilespmem:v23+s25+$0x0] =	vst.idx.msk $0xffff, v22  }
0xc6: {  	v22 =	vor.u32 v5, v12;
	v21 =	vld [tilespmem:s2+$0xFFFFFFD0];
	[tilespmem:v25+s25+$0x0] =	vst.idx.msk $0xffff, v24  }
0xc7: {  	v24 =	vor.u32 v5, v9;
	[tilespmem:v27+s25+$0x0] =	vst.idx.msk $0xffff, v26;
	v23 =	vld [tilespmem:s2+$0x50]  }
0xc8: {  	v26 =	vor.u32 v5, v11;
	v25 =	vld [tilespmem:s2+$0xD0];
	[tilespmem:v15+s25+$0x0] =	vst.idx.msk $0xffff, v17  }
0xc9: {  	v17 =	vor.u32 v5, v10;
	[tilespmem:v19+s25+$0x0] =	vst.idx.msk $0xffff, v18;
	v15 =	vld [tilespmem:s2+$0x150]  }
0xca: {  	v19 =	vor.u32 v5, v8;
	v18 =	vld [tilespmem:s2+$0xFFFFFE50];
	[tilespmem:v20+s25+$0x0] =	vst.idx.msk $0xffff, v16  }
0xcb: {  	v20 =	vor.u32 v6, v13;
	v16 =	vld [tilespmem:s2+$0xFFFFFEE0];
	[tilespmem:v22+s25+$0x0] =	vst.idx.msk $0xffff, v21  }
0xcc: {  	v27 =	vor.u32 v6, v14;
	v21 =	vld [tilespmem:s2+$0xFFFFFF60];
	[tilespmem:v24+s25+$0x0] =	vst.idx.msk $0xffff, v23  }
0xcd: {  	v24 =	vor.u32 v6, v12;
	v23 =	vld [tilespmem:s2+$0xFFFFFFE0];
	[tilespmem:v26+s25+$0x0] =	vst.idx.msk $0xffff, v25  }
0xce: {  	v26 =	vor.u32 v6, v9;
	v25 =	vld [tilespmem:s2+$0x60];
	[tilespmem:v17+s25+$0x0] =	vst.idx.msk $0xffff, v15  }
0xcf: {  	v29 =	vor.u32 v6, v11;
	[tilespmem:v19+s25+$0x0] =	vst.idx.msk $0xffff, v18;
	v28 =	vld [tilespmem:s2+$0xE0]  }
.Ltmp0:
0xd0: {  	v22 =	vor.u32 v6, v10;
	[tilespmem:v20+s25+$0x0] =	vst.idx.msk $0xffff, v16;
	v19 =	vld [tilespmem:s2+$0x160];
	(pc) =	sbr.rel @p5 .LBB2_3-.Ltmp0, $4  }
0xd1: {  	v20 =	vor.u32 v6, v8;
	v15 =	vld [tilespmem:s2+$0xFFFFFE60];
	[tilespmem:v27+s25+$0x0] =	vst.idx.msk $0xffff, v21  }
0xd2: {  	v18 =	vor.u32 v7, v13;
	v16 =	vld [tilespmem:s2+$0xFFFFFEF0];
	[tilespmem:v24+s25+$0x0] =	vst.idx.msk $0xffff, v23  }
0xd3: {  	s18 =	sadd.s32 $0x1, s3;
	v14 =	vor.u32 v7, v14;
	v17 =	vmov s3;
	v13 =	vld [tilespmem:s2+$0xFFFFFF70];
	[tilespmem:v26+s25+$0x0] =	vst.idx.msk $0xffff, v25  }
0xd4: {  	s19 =	sadd.s32 $0x2, s0;
	v12 =	vor.u32 v7, v12;
	s3 =	sadd.s32 $0x8, s3;
	v21 =	vand.u32 $0x78, v17;
	v23 =	vmov s18;
	s18 =	sadd.s32 $0x7, s0;
	v17 =	vld [tilespmem:s2+$0xFFFFFFF0];
	[tilespmem:v29+s25+$0x0] =	vst.idx.msk $0xffff, v28  }
0xd5: {  	_ =	sdelay $0x2  }
0xd6: {  	v24 =	vmov s19  }
0xd7: {  	v25 =	vmov s18;
	v26 =	vld [tilespmem:s2+$0x70];
	v27 =	vor.u32 v7, v9;
	[tilespmem:v22+s25+$0x0] =	vst.idx.msk $0xffff, v19;
	v56 =	vor.u32 v7, v11  }
0xd8: {  	s3 =	sadd.s32 $0x3, s0;
	v55 =	vld [tilespmem:s2+$0xF0];
	v59 =	vor.u32 v7, v10;
	v10 =	vand.u32 $0x79, v23;
	v61 =	vor.u32 v7, v8;
	[tilespmem:v20+s25+$0x0] =	vst.idx.msk $0xffff, v15  }
0xd9: {  	s18 =	sadd.s32 $0x4, s0;
	v54 =	vmov s3;
	v9 =	vand.u32 $0x7F, v25;
	v58 =	vld [tilespmem:s2+$0x170];
	v8 =	vbroadcast v10, $0x0;
	[tilespmem:v18+s25+$0x0] =	vst.idx.msk $0xffff, v16  }
0xda: {  	s19 =	sadd.s32 $0x400, s2;
	v57 =	vmov s18;
	v10 =	vand.u32 $0x7A, v24;
	v15 =	vbroadcast v9, $0x0;
	v60 =	vld [tilespmem:s2+$0xFFFFFE70];
	[tilespmem:v14+s25+$0x0] =	vst.idx.msk $0xffff, v13  }
0xdb: {  	v30 =	vld [tilespmem:s19+$0xFFFFFE80];
	v9 =	vbroadcast v21, $0x0;
	v11 =	vand.u32 $0x7B, v54;
	v31 =	vor.u32 v0, v8;
	[tilespmem:v12+s25+$0x0] =	vst.idx.msk $0xffff, v17  }
0xdc: {  	s20 =	sadd.s32 $0x5, s0;
	v10 =	vbroadcast v10, $0x0;
	v14 =	vld [tilespmem:s19+$0x180];
	v11 =	vbroadcast v11, $0x0;
	v62 =	vor.u32 v0, v15;
	[tilespmem:v27+s25+$0x0] =	vst.idx.msk $0xffff, v26  }
0xdd: {  	v63 =	vld [tilespmem:s19+$0xFFFFFE00];
	v13 =	vmov s20;
	v28 =	vor.u32 v0, v9;
	v12 =	vand.u32 $0x7C, v57;
	[tilespmem:v56+s25+$0x0] =	vst.idx.msk $0xffff, v55  }
0xde: {  	v32 =	vld [tilespmem:s19+$0xFFFFFF00];
	v33 =	vor.u32 v0, v10;
	v13 =	vand.u32 $0x7D, v13;
	v12 =	vbroadcast v12, $0x0;
	[tilespmem:v59+s25+$0x0] =	vst.idx.msk $0xffff, v58  }
0xdf: {  	v34 =	vld [tilespmem:s19+$0xFFFFFF80];
	v35 =	vor.u32 v0, v11;
	v13 =	vbroadcast v13, $0x0;
	[tilespmem:v61+s25+$0x0] =	vst.idx.msk $0xffff, v60  }
0xe0: {  	v37 =	vld [tilespmem:s19+$0x0];
	v38 =	vor.u32 v0, v12;
	[tilespmem:v31+s25+$0x0] =	vst.idx.msk $0xffff, v30  }
0xe1: {  	s21 =	sadd.s32 $0x6, s0;
	v41 =	vld [tilespmem:s19+$0x80];
	v42 =	vor.u32 v0, v13;
	[tilespmem:v62+s25+$0x0] =	vst.idx.msk $0xffff, v14  }
0xe2: {  	v36 =	vmov s21;
	v45 =	vor.u32 v1, v8;
	[tilespmem:v28+s25+$0x0] =	vst.idx.msk $0xffff, v63;
	v26 =	vld [tilespmem:s19+$0xFFFFFE90]  }
0xe3: {  	v25 =	vand.u32 $0x7E, v36;
	v40 =	vor.u32 v1, v15;
	[tilespmem:v33+s25+$0x0] =	vst.idx.msk $0xffff, v32;
	v39 =	vld [tilespmem:s19+$0x190]  }
0xe4: {  	v47 =	vor.u32 v1, v10;
	v14 =	vbroadcast v25, $0x0;
	[tilespmem:v35+s25+$0x0] =	vst.idx.msk $0xffff, v34;
	v46 =	vld [tilespmem:s19+$0xFFFFFF10]  }
0xe5: {  	v58 =	vor.u32 v1, v9;
	v57 =	vld [tilespmem:s19+$0xFFFFFE10];
	[tilespmem:v38+s25+$0x0] =	vst.idx.msk $0xffff, v37  }
0xe6: {  	v43 =	vld [tilespmem:s19+$0x100];
	v44 =	vor.u32 v0, v14;
	[tilespmem:v42+s25+$0x0] =	vst.idx.msk $0xffff, v41  }
0xe7: {  	v49 =	vor.u32 v1, v11;
	v48 =	vld [tilespmem:s19+$0xFFFFFF90];
	[tilespmem:v45+s25+$0x0] =	vst.idx.msk $0xffff, v26  }
0xe8: {  	v52 =	vor.u32 v1, v12;
	v51 =	vld [tilespmem:s19+$0x10];
	[tilespmem:v40+s25+$0x0] =	vst.idx.msk $0xffff, v39  }
0xe9: {  	v54 =	vor.u32 v1, v13;
	v53 =	vld [tilespmem:s19+$0x90];
	[tilespmem:v47+s25+$0x0] =	vst.idx.msk $0xffff, v46  }
0xea: {  	v60 =	vor.u32 v2, v8;
	v59 =	vld [tilespmem:s19+$0xFFFFFEA0];
	[tilespmem:v58+s25+$0x0] =	vst.idx.msk $0xffff, v57  }
0xeb: {  	v50 =	vor.u32 v2, v15;
	v17 =	vld [tilespmem:s19+$0x1A0];
	[tilespmem:v44+s25+$0x0] =	vst.idx.msk $0xffff, v43  }
0xec: {  	v63 =	vor.u32 v2, v10;
	[tilespmem:v49+s25+$0x0] =	vst.idx.msk $0xffff, v48;
	v62 =	vld [tilespmem:s19+$0xFFFFFF20]  }
0xed: {  	v40 =	vor.u32 v2, v9;
	v39 =	vld [tilespmem:s19+$0xFFFFFE20];
	[tilespmem:v52+s25+$0x0] =	vst.idx.msk $0xffff, v51  }
0xee: {  	v56 =	vor.u32 v1, v14;
	v55 =	vld [tilespmem:s19+$0x110];
	[tilespmem:v54+s25+$0x0] =	vst.idx.msk $0xffff, v53  }
0xef: {  	v31 =	vor.u32 v2, v11;
	v30 =	vld [tilespmem:s19+$0xFFFFFFA0];
	[tilespmem:v60+s25+$0x0] =	vst.idx.msk $0xffff, v59  }
0xf0: {  	v33 =	vor.u32 v2, v12;
	v32 =	vld [tilespmem:s19+$0x20];
	[tilespmem:v50+s25+$0x0] =	vst.idx.msk $0xffff, v17  }
0xf1: {  	v61 =	vor.u32 v3, v15;
	[tilespmem:v63+s25+$0x0] =	vst.idx.msk $0xffff, v62;
	v17 =	vld [tilespmem:s19+$0x1B0]  }
0xf2: {  	v35 =	vor.u32 v2, v13;
	v34 =	vld [tilespmem:s19+$0xA0];
	[tilespmem:v40+s25+$0x0] =	vst.idx.msk $0xffff, v39  }
0xf3: {  	v42 =	vor.u32 v3, v8;
	v41 =	vld [tilespmem:s19+$0xFFFFFEB0];
	[tilespmem:v56+s25+$0x0] =	vst.idx.msk $0xffff, v55  }
0xf4: {  	v44 =	vor.u32 v3, v10;
	[tilespmem:v31+s25+$0x0] =	vst.idx.msk $0xffff, v30;
	v43 =	vld [tilespmem:s19+$0xFFFFFF30]  }
0xf5: {  	v54 =	vor.u32 v3, v9;
	v24 =	vld [tilespmem:s19+$0xFFFFFE30];
	[tilespmem:v33+s25+$0x0] =	vst.idx.msk $0xffff, v32  }
0xf6: {  	v37 =	vor.u32 v2, v14;
	v36 =	vld [tilespmem:s19+$0x120];
	[tilespmem:v61+s25+$0x0] =	vst.idx.msk $0xffff, v17  }
0xf7: {  	v38 =	vor.u32 v4, v15;
	[tilespmem:v35+s25+$0x0] =	vst.idx.msk $0xffff, v34;
	v17 =	vld [tilespmem:s19+$0x1C0]  }
0xf8: {  	v46 =	vor.u32 v3, v11;
	v45 =	vld [tilespmem:s19+$0xFFFFFFB0];
	[tilespmem:v42+s25+$0x0] =	vst.idx.msk $0xffff, v41  }
0xf9: {  	v48 =	vor.u32 v3, v12;
	v47 =	vld [tilespmem:s19+$0x30];
	[tilespmem:v44+s25+$0x0] =	vst.idx.msk $0xffff, v43  }
0xfa: {  	v51 =	vor.u32 v3, v13;
	v50 =	vld [tilespmem:s19+$0xB0];
	[tilespmem:v54+s25+$0x0] =	vst.idx.msk $0xffff, v24  }
0xfb: {  	v56 =	vor.u32 v4, v8;
	v55 =	vld [tilespmem:s19+$0xFFFFFEC0];
	[tilespmem:v37+s25+$0x0] =	vst.idx.msk $0xffff, v36  }
0xfc: {  	v58 =	vor.u32 v4, v10;
	v57 =	vld [tilespmem:s19+$0xFFFFFF40];
	[tilespmem:v38+s25+$0x0] =	vst.idx.msk $0xffff, v17  }
0xfd: {  	v49 =	vor.u32 v5, v15;
	[tilespmem:v46+s25+$0x0] =	vst.idx.msk $0xffff, v45;
	v17 =	vld [tilespmem:s19+$0x1D0]  }
0xfe: {  	v35 =	vor.u32 v4, v9;
	v34 =	vld [tilespmem:s19+$0xFFFFFE40];
	[tilespmem:v48+s25+$0x0] =	vst.idx.msk $0xffff, v47  }
0xff: {  	v53 =	vor.u32 v3, v14;
	v52 =	vld [tilespmem:s19+$0x130];
	[tilespmem:v51+s25+$0x0] =	vst.idx.msk $0xffff, v50  }
0x100: {  	v61 =	vor.u32 v4, v11;
	v60 =	vld [tilespmem:s19+$0xFFFFFFC0];
	[tilespmem:v56+s25+$0x0] =	vst.idx.msk $0xffff, v55  }
0x101: {  	v63 =	vor.u32 v4, v12;
	v62 =	vld [tilespmem:s19+$0x40];
	[tilespmem:v58+s25+$0x0] =	vst.idx.msk $0xffff, v57  }
0x102: {  	v31 =	vor.u32 v4, v13;
	v30 =	vld [tilespmem:s19+$0xC0];
	[tilespmem:v49+s25+$0x0] =	vst.idx.msk $0xffff, v17  }
0x103: {  	v59 =	vor.u32 v6, v15;
	[tilespmem:v35+s25+$0x0] =	vst.idx.msk $0xffff, v34;
	v17 =	vld [tilespmem:s19+$0x1E0]  }
0x104: {  	v37 =	vor.u32 v5, v8;
	v36 =	vld [tilespmem:s19+$0xFFFFFED0];
	[tilespmem:v53+s25+$0x0] =	vst.idx.msk $0xffff, v52  }
0x105: {  	v39 =	vor.u32 v5, v10;
	[tilespmem:v61+s25+$0x0] =	vst.idx.msk $0xffff, v60;
	v38 =	vld [tilespmem:s19+$0xFFFFFF50]  }
0x106: {  	v48 =	vor.u32 v5, v9;
	v47 =	vld [tilespmem:s19+$0xFFFFFE50];
	[tilespmem:v63+s25+$0x0] =	vst.idx.msk $0xffff, v62  }
0x107: {  	v33 =	vor.u32 v4, v14;
	v32 =	vld [tilespmem:s19+$0x140];
	[tilespmem:v31+s25+$0x0] =	vst.idx.msk $0xffff, v30  }
0x108: {  	v41 =	vor.u32 v5, v11;
	v40 =	vld [tilespmem:s19+$0xFFFFFFD0];
	[tilespmem:v59+s25+$0x0] =	vst.idx.msk $0xffff, v17  }
0x109: {  	v15 =	vor.u32 v7, v15;
	[tilespmem:v37+s25+$0x0] =	vst.idx.msk $0xffff, v36;
	v17 =	vld [tilespmem:s19+$0x1F0]  }
0x10a: {  	v43 =	vor.u32 v5, v12;
	v42 =	vld [tilespmem:s19+$0x50];
	[tilespmem:v39+s25+$0x0] =	vst.idx.msk $0xffff, v38  }
0x10b: {  	v45 =	vor.u32 v5, v13;
	v44 =	vld [tilespmem:s19+$0xD0];
	[tilespmem:v48+s25+$0x0] =	vst.idx.msk $0xffff, v47  }
0x10c: {  	v50 =	vor.u32 v6, v8;
	v49 =	vld [tilespmem:s19+$0xFFFFFEE0];
	[tilespmem:v33+s25+$0x0] =	vst.idx.msk $0xffff, v32  }
0x10d: {  	v52 =	vor.u32 v6, v10;
	[tilespmem:v41+s25+$0x0] =	vst.idx.msk $0xffff, v40;
	v51 =	vld [tilespmem:s19+$0xFFFFFF60]  }
0x10e: {  	v46 =	vor.u32 v5, v14;
	[tilespmem:v15+s25+$0x0] =	vst.idx.msk $0xffff, v17;
	v15 =	vld [tilespmem:s19+$0x150]  }
0x10f: {  	v60 =	vor.u32 v6, v9;
	v19 =	vld [tilespmem:s19+$0xFFFFFE60];
	[tilespmem:v43+s25+$0x0] =	vst.idx.msk $0xffff, v42  }
0x110: {  	v54 =	vor.u32 v6, v11;
	v53 =	vld [tilespmem:s19+$0xFFFFFFE0];
	[tilespmem:v45+s25+$0x0] =	vst.idx.msk $0xffff, v44  }
0x111: {  	v56 =	vor.u32 v6, v12;
	v55 =	vld [tilespmem:s19+$0x60];
	[tilespmem:v50+s25+$0x0] =	vst.idx.msk $0xffff, v49  }
0x112: {  	v8 =	vor.u32 v7, v8;
	[tilespmem:v52+s25+$0x0] =	vst.idx.msk $0xffff, v51;
	v61 =	vld [tilespmem:s19+$0xFFFFFEF0]  }
0x113: {  	v57 =	vor.u32 v6, v13;
	[tilespmem:v46+s25+$0x0] =	vst.idx.msk $0xffff, v15;
	v15 =	vld [tilespmem:s19+$0xE0]  }
0x114: {  	v59 =	vor.u32 v6, v14;
	[tilespmem:v60+s25+$0x0] =	vst.idx.msk $0xffff, v19;
	v58 =	vld [tilespmem:s19+$0x160]  }
0x115: {  	v10 =	vor.u32 v7, v10;
	[tilespmem:v54+s25+$0x0] =	vst.idx.msk $0xffff, v53;
	v22 =	vld [tilespmem:s19+$0xFFFFFF70]  }
0x116: {  	v9 =	vor.u32 v7, v9;
	v63 =	vld [tilespmem:s19+$0xFFFFFE70];
	[tilespmem:v56+s25+$0x0] =	vst.idx.msk $0xffff, v55  }
0x117: {  	v11 =	vor.u32 v7, v11;
	v23 =	vld [tilespmem:s19+$0xFFFFFFF0];
	[tilespmem:v8+s25+$0x0] =	vst.idx.msk $0xffff, v61  }
0x118: {  	v12 =	vor.u32 v7, v12;
	[tilespmem:v57+s25+$0x0] =	vst.idx.msk $0xffff, v15;
	v15 =	vld [tilespmem:s19+$0x70]  }
0x119: {  	v13 =	vor.u32 v7, v13;
	[tilespmem:v59+s25+$0x0] =	vst.idx.msk $0xffff, v58;
	v62 =	vld [tilespmem:s19+$0xF0]  }
0x11a: {  	v14 =	vor.u32 v7, v14;
	[tilespmem:v10+s25+$0x0] =	vst.idx.msk $0xffff, v22;
	v8 =	vld [tilespmem:s19+$0x170]  }
0x11b: {  	[tilespmem:v9+s25+$0x0] =	vst.idx.msk $0xffff, v63  }
0x11c: {  	[tilespmem:v11+s25+$0x0] =	vst.idx.msk $0xffff, v23  }
0x11d: {  	[tilespmem:v12+s25+$0x0] =	vst.idx.msk $0xffff, v15  }
0x11e: {  	[tilespmem:v13+s25+$0x0] =	vst.idx.msk $0xffff, v62  }
0x11f: {  	s18 =	simm.s32 $0x4200;
	[tilespmem:v14+s25+$0x0] =	vst.idx.msk $0xffff, v8  }
0x120: {  	v8 =	vld [tilespmem:s18+$0x180]  }
0x121: {  	v9 =	vld [tilespmem:s18+$0xFFFFFE80]  }
0x122: {  	v10 =	vld [tilespmem:s18+$0xFFFFFF00]  }
0x123: {  	v11 =	vld [tilespmem:s18+$0xFFFFFF80]  }
0x124: {  	s0 =	simm.s32 $0x8100;
	v12 =	vld [tilespmem:s18+$0x0]  }
0x125: {  	v13 =	vld [tilespmem:s18+$0x80];
	[tilespmem:s0+$0xC0] =	vst v8  }
0x126: {  	[tilespmem:s0+$0xFFFFFF40] =	vst v9;
	v9 =	vld [tilespmem:s18+$0x100]  }
0x127: {  	[tilespmem:s0+$0xFFFFFF80] =	vst v10;
	v10 =	vld [tilespmem:s18+$0xFFFFFE00]  }
0x128: {  	[tilespmem:s0+$0xFFFFFFC0] =	vst v11;
	v8 =	vld [tilespmem:s18+$0x190]  }
0x129: {  	[tilespmem:s0+$0x0] =	vst v12;
	v11 =	vld [tilespmem:s18+$0xFFFFFE90]  }
0x12a: {  	[tilespmem:s0+$0x40] =	vst v13;
	v12 =	vld [tilespmem:s18+$0xFFFFFF10]  }
0x12b: {  	s2 =	simm.s32 $0x1C0;
	v13 =	vld [tilespmem:s18+$0xFFFFFF90];
	[tilespmem:s0+$0x80] =	vst v9  }
0x12c: {  	s3 =	simm.s32 $0x40;
	s22 =	sor.u32 $0x50, s2;
	[tilespmem:s0+$0xFFFFFF00] =	vst v10;
	v9 =	vld [tilespmem:s18+$0x10]  }
0x12d: {  	s23 =	sor.u32 $0x50, s3;
	[tilespmem:s22+$0x8000] =	vst v8;
	v10 =	vld [tilespmem:s18+$0xFFFFFE10]  }
0x12e: {  	s20 =	simm.s32 $0xC0;
	[tilespmem:s23+$0x8000] =	vst v11;
	v11 =	vld [tilespmem:s18+$0x90]  }
0x12f: {  	s24 =	sor.u32 $0x50, s20;
	[tilespmem:s0+$0xFFFFFF90] =	vst v12;
	v12 =	vld [tilespmem:s18+$0x110]  }
0x130: {  	[tilespmem:s24+$0x8000] =	vst v13;
	v8 =	vld [tilespmem:s18+$0x1A0]  }
0x131: {  	s9 =	simm.s32 $0x140;
	v13 =	vld [tilespmem:s18+$0xFFFFFEA0];
	[tilespmem:s0+$0x10] =	vst v9  }
0x132: {  	s21 =	sor.u32 $0x50, s9;
	v9 =	vld [tilespmem:s18+$0xFFFFFF20];
	[tilespmem:s0+$0xFFFFFF10] =	vst v10  }
0x133: {  	[tilespmem:s21+$0x8000] =	vst v11;
	v11 =	vld [tilespmem:s18+$0xFFFFFFA0]  }
0x134: {  	s8 =	sor.u32 $0x60, s2;
	[tilespmem:s0+$0x90] =	vst v12;
	v10 =	vld [tilespmem:s18+$0xFFFFFE20]  }
0x135: {  	s10 =	sor.u32 $0x60, s3;
	v12 =	vld [tilespmem:s18+$0x20];
	[tilespmem:s8+$0x8000] =	vst v8  }
0x136: {  	[tilespmem:s10+$0x8000] =	vst v13;
	v8 =	vld [tilespmem:s18+$0x1B0]  }
0x137: {  	s22 =	sor.u32 $0x60, s20;
	v13 =	vld [tilespmem:s18+$0xA0];
	[tilespmem:s0+$0xFFFFFFA0] =	vst v9  }
0x138: {  	v14 =	vld [tilespmem:s18+$0x120];
	[tilespmem:s22+$0x8000] =	vst v11  }
0x139: {  	v15 =	vld [tilespmem:s18+$0xFFFFFEB0];
	[tilespmem:s0+$0xFFFFFF20] =	vst v10  }
0x13a: {  	p5 =	por $0x1, $0x1;
	s11 =	sor.u32 $0x70, s2;
	[tilespmem:s0+$0x20] =	vst v12;
	v16 =	vld [tilespmem:s18+$0xFFFFFE30]  }
.Ltmp1:
0x13b: {  	s23 =	sor.u32 $0x60, s9;
	[tilespmem:s11+$0x8000] =	vst v8;
	v8 =	vld [tilespmem:s18+$0xFFFFFF30];
	(pc) =	sbr.rel @!p5 .LBB2_6-.Ltmp1, $4  }
0x13c: {  	v9 =	vld [tilespmem:s18+$0xFFFFFFB0];
	[tilespmem:s23+$0x8000] =	vst v13  }
0x13d: {  	s24 =	sor.u32 $0x70, s3;
	v10 =	vld [tilespmem:s18+$0x30];
	[tilespmem:s0+$0xA0] =	vst v14  }
0x13e: {  	s19 =	sor.u32 $0x70, s9;
	[tilespmem:s24+$0x8000] =	vst v15;
	v11 =	vld [tilespmem:s18+$0xB0]  }
0x13f: {  	s3 =	simm.s32 $0x0;
	s20 =	sor.u32 $0x70, s20;
	v12 =	vld [tilespmem:s18+$0x130];
	s18 =	simm.s32 $0x4600;
	[tilespmem:s0+$0xFFFFFF30] =	vst v16  }
.LBB2_5:
0x140: {  	v13 =	vld [tilespmem:s18+$0x180];
	s3 =	sadd.s32 $0x8, s3;
	[tilespmem:s0+$0xFFFFFFB0] =	vst v8  }
0x141: {  	v8 =	vld [tilespmem:s18+$0xFFFFFE80];
	p5 =	slt.u32 s3, $0x78;
	[tilespmem:s20+$0x8000] =	vst v9  }
0x142: {  	v9 =	vld [tilespmem:s18+$0xFFFFFF00];
	[tilespmem:s0+$0x30] =	vst v10  }
0x143: {  	v10 =	vld [tilespmem:s18+$0xFFFFFF80];
	[tilespmem:s19+$0x8000] =	vst v11  }
0x144: {  	v11 =	vld [tilespmem:s18+$0x0];
	[tilespmem:s0+$0xB0] =	vst v12;
	s0 =	sadd.s32 $0x200, s0  }
0x145: {  	v12 =	vld [tilespmem:s18+$0x80];
	[tilespmem:s0+$0xC0] =	vst v13  }
0x146: {  	[tilespmem:s0+$0xFFFFFF40] =	vst v8;
	v8 =	vld [tilespmem:s18+$0x190]  }
0x147: {  	[tilespmem:s0+$0xFFFFFF80] =	vst v9;
	v9 =	vld [tilespmem:s18+$0x100]  }
0x148: {  	v13 =	vld [tilespmem:s18+$0xFFFFFE00];
	[tilespmem:s0+$0xFFFFFFC0] =	vst v10  }
0x149: {  	s2 =	sadd.s32 $0x200, s2;
	v10 =	vld [tilespmem:s18+$0xFFFFFE90];
	[tilespmem:s0+$0x0] =	vst v11  }
0x14a: {  	s20 =	sadd.s32 $0xFFFFFF00, s2;
	s21 =	sor.u32 $0x50, s2;
	s19 =	sadd.s32 $0xFFFFFE80, s2;
	v11 =	vld [tilespmem:s18+$0xFFFFFF10];
	[tilespmem:s0+$0x40] =	vst v12  }
0x14b: {  	s24 =	sadd.s32 $0xFFFFFF80, s2;
	s23 =	sor.u32 $0x50, s20;
	s22 =	sor.u32 $0x50, s19;
	v12 =	vld [tilespmem:s18+$0xFFFFFF90];
	[tilespmem:s21+$0x8000] =	vst v8  }
0x14c: {  	s8 =	sor.u32 $0x60, s20;
	s9 =	sor.u32 $0x50, s24;
	s21 =	sor.u32 $0x60, s19;
	[tilespmem:s0+$0x80] =	vst v9;
	v8 =	vld [tilespmem:s18+$0x1A0]  }
0x14d: {  	s20 =	sor.u32 $0x70, s20;
	s11 =	sor.u32 $0x60, s24;
	s10 =	sor.u32 $0x70, s19;
	[tilespmem:s0+$0xFFFFFF00] =	vst v13;
	v9 =	vld [tilespmem:s18+$0x10]  }
0x14e: {  	s19 =	sor.u32 $0x70, s24;
	v13 =	vld [tilespmem:s18+$0xFFFFFE10];
	[tilespmem:s22+$0x8000] =	vst v10  }
0x14f: {  	[tilespmem:s0+$0xFFFFFF90] =	vst v11;
	v10 =	vld [tilespmem:s18+$0x90]  }
0x150: {  	s22 =	sor.u32 $0x60, s2;
	[tilespmem:s23+$0x8000] =	vst v12;
	v11 =	vld [tilespmem:s18+$0x110]  }
0x151: {  	v12 =	vld [tilespmem:s18+$0xFFFFFEA0];
	[tilespmem:s22+$0x8000] =	vst v8  }
0x152: {  	[tilespmem:s0+$0x10] =	vst v9;
	v8 =	vld [tilespmem:s18+$0x1B0]  }
0x153: {  	[tilespmem:s0+$0xFFFFFF10] =	vst v13;
	v9 =	vld [tilespmem:s18+$0xFFFFFF20]  }
0x154: {  	v13 =	vld [tilespmem:s18+$0xFFFFFE20];
	[tilespmem:s9+$0x8000] =	vst v10  }
0x155: {  	v10 =	vld [tilespmem:s18+$0xFFFFFFA0];
	[tilespmem:s0+$0x90] =	vst v11  }
0x156: {  	s9 =	sor.u32 $0x70, s2;
	[tilespmem:s21+$0x8000] =	vst v12;
	v11 =	vld [tilespmem:s18+$0x20]  }
0x157: {  	v12 =	vld [tilespmem:s18+$0xA0];
	[tilespmem:s9+$0x8000] =	vst v8  }
0x158: {  	[tilespmem:s0+$0xFFFFFFA0] =	vst v9;
	v14 =	vld [tilespmem:s18+$0x120]  }
0x159: {  	[tilespmem:s0+$0xFFFFFF20] =	vst v13;
	v13 =	vld [tilespmem:s18+$0xFFFFFEB0]  }
0x15a: {  	v15 =	vld [tilespmem:s18+$0xFFFFFE30];
	[tilespmem:s8+$0x8000] =	vst v10  }
.Ltmp2:
0x15b: {  	v8 =	vld [tilespmem:s18+$0xFFFFFF30];
	[tilespmem:s0+$0x20] =	vst v11;
	(pc) =	sbr.rel @p5 .LBB2_5-.Ltmp2, $4  }
0x15c: {  	v9 =	vld [tilespmem:s18+$0xFFFFFFB0];
	[tilespmem:s11+$0x8000] =	vst v12  }
0x15d: {  	v10 =	vld [tilespmem:s18+$0x30];
	[tilespmem:s0+$0xA0] =	vst v14  }
0x15e: {  	[tilespmem:s10+$0x8000] =	vst v13;
	v11 =	vld [tilespmem:s18+$0xB0]  }
0x15f: {  	[tilespmem:s0+$0xFFFFFF30] =	vst v15;
	v12 =	vld [tilespmem:s18+$0x130];
	s18 =	sadd.s32 $0x400, s18  }
.LBB2_6:
0x160: {  	[tilespmem:s0+$0xFFFFFFB0] =	vst v8  }
0x161: {  	[tilespmem:s20+$0x8000] =	vst v9  }
0x162: {  	[tilespmem:s0+$0x30] =	vst v10  }
0x163: {  	s2 =	sshll.u32 @!p4 s31, $0xA;
	[tilespmem:s19+$0x8000] =	vst v11  }
0x164: {  	s3 =	simm.s32 @!p4 $0x8000;
	[tilespmem:s0+$0xB0] =	vst v12;
	s0 =	sadd.s32 @!p4 s6, s2;
	s2 =	simm.s32 @!p4 $0x0  }
0x165: {  	[hbm4b:s0+s2] =	stream.linear.scatter @!p4 [tilespmem:s3], [sflag:$0x2], $0x2000, $0x38;
	[tilespmem:$0xD000] =	vst v63  }
0x166: {  	s0 =	sadd.s32 s16, s30  }
0x167: {  	p4 =	sgt.u32 s0, $0x1E83  }
0x168: {  	s0 =	sshll.u32 @!p4 s0, $0x7  }
0x169: {  	s3 =	simm.s32 @!p4 $0x0;
	s2 =	sadd.s32 @!p4 s1, s0;
	s0 =	sand.u32 @!p4 $0x1FFFFF80, s0  }
0x16a: {  	[tilespmem:s3], [sflag:$0x1] =	stream.linear.gather @!p4 [hbm4b:s2+s3], $0x400, $0x38;
	[tilespmem:$0xD000] =	vst v63  }
0x16b: {  	s0 =	sadd.s32 @!p4 s1, s0  }
0x16c: {  	s8 =	simm.s32 @!p4 $0x400;
	s2 =	sadd.s32 @!p4 $0xF4280, s0  }
0x16d: {  	[tilespmem:s8], [sflag:$0x1] =	stream.linear.gather @!p4 [hbm4b:s2+s3], $0x400, $0x38;
	[tilespmem:$0xD000] =	vst v63  }
0x16e: {  	s2 =	sadd.s32 @!p4 $0x1E8500, s0;
	s8 =	simm.s32 @!p4 $0x800  }
0x16f: {  	[tilespmem:s8], [sflag:$0x1] =	stream.linear.gather @!p4 [hbm4b:s2+s3], $0x400, $0x38;
	[tilespmem:$0xD000] =	vst v63  }
0x170: {  	s2 =	sadd.s32 @!p4 $0x2DC780, s0;
	s8 =	simm.s32 @!p4 $0xC00  }
0x171: {  	[tilespmem:s8], [sflag:$0x1] =	stream.linear.gather @!p4 [hbm4b:s2+s3], $0x400, $0x38;
	[tilespmem:$0xD000] =	vst v63  }
0x172: {  	s2 =	sadd.s32 @!p4 $0x3D0A00, s0;
	s8 =	simm.s32 @!p4 $0x1000  }
0x173: {  	[tilespmem:s8], [sflag:$0x1] =	stream.linear.gather @!p4 [hbm4b:s2+s3], $0x400, $0x38;
	[tilespmem:$0xD000] =	vst v63  }
0x174: {  	s2 =	sadd.s32 @!p4 $0x4C4C80, s0;
	s8 =	simm.s32 @!p4 $0x1400  }
0x175: {  	[tilespmem:s8], [sflag:$0x1] =	stream.linear.gather @!p4 [hbm4b:s2+s3], $0x400, $0x38;
	[tilespmem:$0xD000] =	vst v63  }
0x176: {  	s2 =	sadd.s32 @!p4 $0x5B8F00, s0;
	s8 =	simm.s32 @!p4 $0x1800  }
0x177: {  	[tilespmem:s8], [sflag:$0x1] =	stream.linear.gather @!p4 [hbm4b:s2+s3], $0x400, $0x38;
	[tilespmem:$0xD000] =	vst v63  }
0x178: {  	s0 =	sadd.s32 @!p4 $0x6AD180, s0;
	s2 =	simm.s32 @!p4 $0x1C00  }
0x179: {  	[tilespmem:s2], [sflag:$0x1] =	stream.linear.gather @!p4 [hbm4b:s0+s3], $0x400, $0x38;
	[tilespmem:$0xD000] =	vst v63  }
0x17a: {  	s0 =	simm.s32 @!p2 $0x1  }
0x17b: {  	_ =	swait.ge @!p2 [sflag:s0], $0x400  }
0x17c: {  	[sflag:s0] =	ssyncset.done @!p2 $0x0  }
0x17d: {  	[sflag:s0] =	ssyncadd.s32 @!p2 $0xFFFFFC00  }
0x17e: {  	_ =	swait.ge @!p2 [sflag:s0], $0x400  }
0x17f: {  	[sflag:s0] =	ssyncset.done @!p2 $0x0  }
0x180: {  	[sflag:s0] =	ssyncadd.s32 @!p2 $0xFFFFFC00  }
0x181: {  	_ =	swait.ge @!p2 [sflag:s0], $0x400  }
0x182: {  	[sflag:s0] =	ssyncset.done @!p2 $0x0  }
0x183: {  	[sflag:s0] =	ssyncadd.s32 @!p2 $0xFFFFFC00  }
0x184: {  	_ =	swait.ge @!p2 [sflag:s0], $0x400  }
0x185: {  	[sflag:s0] =	ssyncset.done @!p2 $0x0  }
0x186: {  	[sflag:s0] =	ssyncadd.s32 @!p2 $0xFFFFFC00  }
0x187: {  	_ =	swait.ge @!p2 [sflag:s0], $0x400  }
0x188: {  	[sflag:s0] =	ssyncset.done @!p2 $0x0  }
0x189: {  	[sflag:s0] =	ssyncadd.s32 @!p2 $0xFFFFFC00  }
0x18a: {  	_ =	swait.ge @!p2 [sflag:s0], $0x400  }
0x18b: {  	[sflag:s0] =	ssyncset.done @!p2 $0x0  }
0x18c: {  	[sflag:s0] =	ssyncadd.s32 @!p2 $0xFFFFFC00  }
0x18d: {  	_ =	swait.ge @!p2 [sflag:s0], $0x400  }
0x18e: {  	[sflag:s0] =	ssyncset.done @!p2 $0x0  }
0x18f: {  	[sflag:s0] =	ssyncadd.s32 @!p2 $0xFFFFFC00  }
0x190: {  	s18 =	simm.s32 $0x0;
	_ =	swait.ge @!p2 [sflag:s0], $0x400  }
0x191: {  	v8 =	vmov s18;
	s20 =	simm.s32 $0x1;
	s19 =	simm.s32 $0x7;
	[sflag:s0] =	ssyncset.done @!p2 $0x0  }
0x192: {  	s21 =	simm.s32 $0x2;
	v8 =	vand.u32 $0x78, v8;
	v10 =	vmov s20;
	v9 =	vmov s19;
	[sflag:s0] =	ssyncadd.s32 @!p2 $0xFFFFFC00;
	s0 =	simm.s32 @!p3 $0x2  }
0x193: {  	s22 =	simm.s32 $0x3;
	v11 =	vmov s21;
	v8 =	vbroadcast v8, $0x0;
	v9 =	vand.u32 $0x7F, v9;
	_ =	swait.ge @!p3 [sflag:s0], $0x2000  }
0x194: {  	v10 =	vand.u32 $0x79, v10;
	v12 =	vmov s22;
	v15 =	vbroadcast v9, $0x0;
	[sflag:s0] =	ssyncset.done @!p3 $0x0  }
0x195: {  	v13 =	vbroadcast v10, $0x0;
	v10 =	vand.u32 $0x7A, v11;
	v19 =	vor.u32 v0, v8;
	s2 =	simm.s32 $0x2200;
	[sflag:s0] =	ssyncadd.s32 @!p3 $0xFFFFE000  }
0x196: {  	s23 =	simm.s32 $0x4;
	v14 =	vbroadcast v10, $0x0;
	v10 =	vand.u32 $0x7B, v12;
	v17 =	vor.u32 v0, v15;
	v16 =	vld [tilespmem:s2+$0x180]  }
0x197: {  	s24 =	simm.s32 $0x5;
	s30 =	simm.s32 $0x6;
	v9 =	vmov s23;
	v21 =	vor.u32 v0, v13;
	v12 =	vbroadcast v10, $0x0;
	v18 =	vld [tilespmem:s2+$0xFFFFFE00]  }
0x198: {  	v10 =	vmov s24;
	v26 =	vmov s30;
	v9 =	vand.u32 $0x7C, v9;
	v20 =	vld [tilespmem:s2+$0xFFFFFE80]  }
0x199: {  	v23 =	vor.u32 v0, v14;
	v10 =	vand.u32 $0x7D, v10;
	v9 =	vbroadcast v9, $0x0;
	v22 =	vld [tilespmem:s2+$0xFFFFFF00]  }
0x19a: {  	v25 =	vor.u32 v0, v12;
	v11 =	vbroadcast v10, $0x0;
	v10 =	vand.u32 $0x7E, v26;
	v24 =	vld [tilespmem:s2+$0xFFFFFF80]  }
0x19b: {  	v10 =	vbroadcast v10, $0x0;
	v28 =	vor.u32 v0, v9;
	v27 =	vld [tilespmem:s2+$0x0];
	[tilespmem:v17+s25+$0x0] =	vst.idx.msk $0xffff, v16  }
0x19c: {  	[tilespmem:v19+s25+$0x0] =	vst.idx.msk $0xffff, v18;
	v18 =	vld [tilespmem:s2+$0x80];
	v19 =	vor.u32 v0, v11  }
0x19d: {  	[tilespmem:v21+s25+$0x0] =	vst.idx.msk $0xffff, v20;
	v20 =	vld [tilespmem:s2+$0x100];
	v21 =	vor.u32 v0, v10  }
0x19e: {  	v17 =	vor.u32 v1, v15;
	[tilespmem:v23+s25+$0x0] =	vst.idx.msk $0xffff, v22;
	v16 =	vld [tilespmem:s2+$0x190]  }
0x19f: {  	v23 =	vor.u32 v1, v13;
	[tilespmem:v25+s25+$0x0] =	vst.idx.msk $0xffff, v24;
	v22 =	vld [tilespmem:s2+$0xFFFFFE90]  }
0x1a0: {  	v33 =	vor.u32 v1, v14;
	[tilespmem:v28+s25+$0x0] =	vst.idx.msk $0xffff, v27;
	v32 =	vld [tilespmem:s2+$0xFFFFFF10]  }
0x1a1: {  	v35 =	vor.u32 v1, v12;
	v34 =	vld [tilespmem:s2+$0xFFFFFF90];
	[tilespmem:v19+s25+$0x0] =	vst.idx.msk $0xffff, v18  }
0x1a2: {  	v18 =	vld [tilespmem:s2+$0x10];
	v19 =	vor.u32 v1, v9;
	[tilespmem:v21+s25+$0x0] =	vst.idx.msk $0xffff, v20  }
0x1a3: {  	v21 =	vor.u32 v1, v11;
	[tilespmem:v17+s25+$0x0] =	vst.idx.msk $0xffff, v16;
	v20 =	vld [tilespmem:s2+$0x90]  }
0x1a4: {  	[tilespmem:v23+s25+$0x0] =	vst.idx.msk $0xffff, v22;
	v22 =	vld [tilespmem:s2+$0x110];
	v23 =	vor.u32 v1, v10  }
0x1a5: {  	v17 =	vor.u32 v2, v15;
	[tilespmem:v33+s25+$0x0] =	vst.idx.msk $0xffff, v32;
	v16 =	vld [tilespmem:s2+$0x1A0]  }
0x1a6: {  	v37 =	vor.u32 v1, v8;
	v36 =	vld [tilespmem:s2+$0xFFFFFE10];
	[tilespmem:v35+s25+$0x0] =	vst.idx.msk $0xffff, v34  }
0x1a7: {  	v39 =	vor.u32 v2, v13;
	v38 =	vld [tilespmem:s2+$0xFFFFFEA0];
	[tilespmem:v19+s25+$0x0] =	vst.idx.msk $0xffff, v18  }
0x1a8: {  	v18 =	vld [tilespmem:s2+$0xFFFFFF20];
	v19 =	vor.u32 v2, v14;
	[tilespmem:v21+s25+$0x0] =	vst.idx.msk $0xffff, v20  }
0x1a9: {  	v20 =	vld [tilespmem:s2+$0xFFFFFFA0];
	v21 =	vor.u32 v2, v12;
	[tilespmem:v23+s25+$0x0] =	vst.idx.msk $0xffff, v22  }
0x1aa: {  	v22 =	vld [tilespmem:s2+$0x20];
	v23 =	vor.u32 v2, v9;
	[tilespmem:v17+s25+$0x0] =	vst.idx.msk $0xffff, v16  }
0x1ab: {  	[tilespmem:v37+s25+$0x0] =	vst.idx.msk $0xffff, v36;
	v17 =	vor.u32 v3, v15;
	v16 =	vld [tilespmem:s2+$0x1B0]  }
0x1ac: {  	v41 =	vor.u32 v2, v11;
	[tilespmem:v39+s25+$0x0] =	vst.idx.msk $0xffff, v38;
	v40 =	vld [tilespmem:s2+$0xA0]  }
0x1ad: {  	v43 =	vor.u32 v2, v10;
	v42 =	vld [tilespmem:s2+$0x120];
	[tilespmem:v19+s25+$0x0] =	vst.idx.msk $0xffff, v18  }
0x1ae: {  	v18 =	vld [tilespmem:s2+$0xFFFFFE20];
	v19 =	vor.u32 v2, v8;
	[tilespmem:v21+s25+$0x0] =	vst.idx.msk $0xffff, v20  }
0x1af: {  	v20 =	vld [tilespmem:s2+$0xFFFFFEB0];
	v21 =	vor.u32 v3, v13;
	[tilespmem:v23+s25+$0x0] =	vst.idx.msk $0xffff, v22  }
0x1b0: {  	v22 =	vld [tilespmem:s2+$0xFFFFFF30];
	v23 =	vor.u32 v3, v14;
	[tilespmem:v17+s25+$0x0] =	vst.idx.msk $0xffff, v16  }
0x1b1: {  	[tilespmem:v41+s25+$0x0] =	vst.idx.msk $0xffff, v40;
	v17 =	vor.u32 v4, v15;
	v16 =	vld [tilespmem:s2+$0x1C0]  }
0x1b2: {  	v45 =	vor.u32 v3, v12;
	v44 =	vld [tilespmem:s2+$0xFFFFFFB0];
	[tilespmem:v43+s25+$0x0] =	vst.idx.msk $0xffff, v42  }
0x1b3: {  	v47 =	vor.u32 v3, v9;
	v46 =	vld [tilespmem:s2+$0x30];
	[tilespmem:v19+s25+$0x0] =	vst.idx.msk $0xffff, v18  }
0x1b4: {  	v18 =	vld [tilespmem:s2+$0xB0];
	v19 =	vor.u32 v3, v11;
	[tilespmem:v21+s25+$0x0] =	vst.idx.msk $0xffff, v20  }
0x1b5: {  	[tilespmem:v23+s25+$0x0] =	vst.idx.msk $0xffff, v22;
	v20 =	vld [tilespmem:s2+$0x130];
	v21 =	vor.u32 v3, v10  }
0x1b6: {  	v22 =	vld [tilespmem:s2+$0xFFFFFE30];
	v23 =	vor.u32 v3, v8;
	[tilespmem:v17+s25+$0x0] =	vst.idx.msk $0xffff, v16  }
0x1b7: {  	[tilespmem:v45+s25+$0x0] =	vst.idx.msk $0xffff, v44;
	v17 =	vor.u32 v5, v15;
	v16 =	vld [tilespmem:s2+$0x1D0]  }
0x1b8: {  	v49 =	vor.u32 v4, v13;
	v48 =	vld [tilespmem:s2+$0xFFFFFEC0];
	[tilespmem:v47+s25+$0x0] =	vst.idx.msk $0xffff, v46  }
0x1b9: {  	v51 =	vor.u32 v4, v14;
	v50 =	vld [tilespmem:s2+$0xFFFFFF40];
	[tilespmem:v19+s25+$0x0] =	vst.idx.msk $0xffff, v18  }
0x1ba: {  	v18 =	vld [tilespmem:s2+$0xFFFFFFC0];
	v19 =	vor.u32 v4, v12;
	[tilespmem:v21+s25+$0x0] =	vst.idx.msk $0xffff, v20  }
0x1bb: {  	[tilespmem:v23+s25+$0x0] =	vst.idx.msk $0xffff, v22;
	v20 =	vld [tilespmem:s2+$0x40];
	v21 =	vor.u32 v4, v9  }
0x1bc: {  	v22 =	vld [tilespmem:s2+$0xC0];
	v23 =	vor.u32 v4, v11;
	[tilespmem:v17+s25+$0x0] =	vst.idx.msk $0xffff, v16  }
0x1bd: {  	[tilespmem:v49+s25+$0x0] =	vst.idx.msk $0xffff, v48;
	v17 =	vor.u32 v6, v15;
	v16 =	vld [tilespmem:s2+$0x1E0]  }
0x1be: {  	v53 =	vor.u32 v4, v10;
	[tilespmem:v51+s25+$0x0] =	vst.idx.msk $0xffff, v50;
	v52 =	vld [tilespmem:s2+$0x140]  }
0x1bf: {  	v55 =	vor.u32 v4, v8;
	v54 =	vld [tilespmem:s2+$0xFFFFFE40];
	[tilespmem:v19+s25+$0x0] =	vst.idx.msk $0xffff, v18  }
0x1c0: {  	v19 =	vld [tilespmem:s2+$0xFFFFFF50];
	[tilespmem:v21+s25+$0x0] =	vst.idx.msk $0xffff, v20;
	v20 =	vor.u32 v5, v14  }
0x1c1: {  	[tilespmem:v23+s25+$0x0] =	vst.idx.msk $0xffff, v22;
	v21 =	vld [tilespmem:s2+$0xFFFFFFD0];
	v22 =	vor.u32 v5, v12  }
0x1c2: {  	v18 =	vor.u32 v5, v13;
	[tilespmem:v17+s25+$0x0] =	vst.idx.msk $0xffff, v16;
	v17 =	vld [tilespmem:s2+$0xFFFFFED0]  }
0x1c3: {  	v15 =	vor.u32 v7, v15;
	[tilespmem:v53+s25+$0x0] =	vst.idx.msk $0xffff, v52;
	v16 =	vld [tilespmem:s2+$0x1F0]  }
0x1c4: {  	v56 =	vor.u32 v5, v9;
	[tilespmem:v55+s25+$0x0] =	vst.idx.msk $0xffff, v54;
	v23 =	vld [tilespmem:s2+$0x50]  }
0x1c5: {  	v58 =	vor.u32 v5, v11;
	v57 =	vld [tilespmem:s2+$0xD0];
	[tilespmem:v20+s25+$0x0] =	vst.idx.msk $0xffff, v19  }
0x1c6: {  	[tilespmem:v22+s25+$0x0] =	vst.idx.msk $0xffff, v21;
	v22 =	vor.u32 v6, v14;
	v21 =	vld [tilespmem:s2+$0xFFFFFF60]  }
0x1c7: {  	[tilespmem:v18+s25+$0x0] =	vst.idx.msk $0xffff, v17;
	v17 =	vld [tilespmem:s2+$0xFFFFFE50];
	v18 =	vor.u32 v5, v8  }
0x1c8: {  	[tilespmem:v15+s25+$0x0] =	vst.idx.msk $0xffff, v16;
	v15 =	vld [tilespmem:s2+$0x150];
	v16 =	vor.u32 v5, v10  }
0x1c9: {  	v20 =	vor.u32 v6, v13;
	[tilespmem:v56+s25+$0x0] =	vst.idx.msk $0xffff, v23;
	v19 =	vld [tilespmem:s2+$0xFFFFFEE0]  }
0x1ca: {  	[tilespmem:v58+s25+$0x0] =	vst.idx.msk $0xffff, v57  }
0x1cb: {  	v59 =	vor.u32 v6, v12;
	v23 =	vld [tilespmem:s2+$0xFFFFFFE0];
	[tilespmem:v22+s25+$0x0] =	vst.idx.msk $0xffff, v21  }
0x1cc: {  	v61 =	vor.u32 v6, v9;
	v60 =	vld [tilespmem:s2+$0x60];
	[tilespmem:v18+s25+$0x0] =	vst.idx.msk $0xffff, v17  }
0x1cd: {  	v63 =	vor.u32 v6, v11;
	v62 =	vld [tilespmem:s2+$0xE0];
	[tilespmem:v16+s25+$0x0] =	vst.idx.msk $0xffff, v15  }
0x1ce: {  	v22 =	vor.u32 v6, v10;
	[tilespmem:v20+s25+$0x0] =	vst.idx.msk $0xffff, v19;
	v19 =	vld [tilespmem:s2+$0x160]  }
0x1cf: {  	v15 =	vld [tilespmem:s2+$0xFFFFFE60];
	v20 =	vor.u32 v6, v8  }
0x1d0: {  	s0 =	simm.s32 $0x8;
	[tilespmem:v59+s25+$0x0] =	vst.idx.msk $0xffff, v23;
	v18 =	vor.u32 v7, v13;
	v16 =	vld [tilespmem:s2+$0xFFFFFEF0]  }
0x1d1: {  	s31 =	simm.s32 $0x9;
	v14 =	vor.u32 v7, v14;
	[tilespmem:v61+s25+$0x0] =	vst.idx.msk $0xffff, v60;
	v17 =	vmov s0;
	v13 =	vld [tilespmem:s2+$0xFFFFFF70]  }
0x1d2: {  	s18 =	simm.s32 $0xF;
	s19 =	simm.s32 $0xA;
	s3 =	simm.s32 $0x10;
	v12 =	vor.u32 v7, v12;
	v23 =	vmov s31;
	[tilespmem:v63+s25+$0x0] =	vst.idx.msk $0xffff, v62;
	v21 =	vand.u32 $0x78, v17;
	v17 =	vld [tilespmem:s2+$0xFFFFFFF0]  }
.LBB2_7:
0x1d3: {  	p3 =	slt.u32 s3, $0x38;
	v24 =	vmov s19;
	s8 =	sadd.s32 $0x3, s0;
	v25 =	vmov s18;
	v26 =	vld [tilespmem:s2+$0x70];
	v9 =	vor.u32 v7, v9;
	[tilespmem:v22+s25+$0x0] =	vst.idx.msk $0xffff, v19  }
0x1d4: {  	v11 =	vor.u32 v7, v11;
	v19 =	vmov s8;
	s8 =	sadd.s32 $0x4, s0;
	v22 =	vand.u32 $0x7F, v25;
	[tilespmem:v20+s25+$0x0] =	vst.idx.msk $0xffff, v15;
	v20 =	vld [tilespmem:s2+$0xF0]  }
0x1d5: {  	v10 =	vor.u32 v7, v10;
	v25 =	vmov s8;
	v15 =	vbroadcast v22, $0x0;
	[tilespmem:v18+s25+$0x0] =	vst.idx.msk $0xffff, v16;
	v16 =	vld [tilespmem:s2+$0x170]  }
0x1d6: {  	v18 =	vand.u32 $0x79, v23;
	v23 =	vor.u32 v7, v8;
	v8 =	vbroadcast v21, $0x0;
	v22 =	vld [tilespmem:s2+$0xFFFFFE70];
	[tilespmem:v14+s25+$0x0] =	vst.idx.msk $0xffff, v13;
	s2 =	sadd.s32 $0x400, s2  }
0x1d7: {  	v13 =	vbroadcast v18, $0x0;
	v14 =	vand.u32 $0x7A, v24;
	v18 =	vld [tilespmem:s2+$0x180];
	v21 =	vor.u32 v0, v15;
	[tilespmem:v12+s25+$0x0] =	vst.idx.msk $0xffff, v17  }
0x1d8: {  	v24 =	vor.u32 v0, v8;
	v14 =	vbroadcast v14, $0x0;
	v12 =	vand.u32 $0x7B, v19;
	v17 =	vld [tilespmem:s2+$0xFFFFFE00];
	[tilespmem:v9+s25+$0x0] =	vst.idx.msk $0xffff, v26  }
0x1d9: {  	s8 =	sadd.s32 $0x5, s0;
	v26 =	vor.u32 v0, v13;
	v12 =	vbroadcast v12, $0x0;
	v9 =	vand.u32 $0x7C, v25;
	v19 =	vld [tilespmem:s2+$0xFFFFFE80];
	[tilespmem:v11+s25+$0x0] =	vst.idx.msk $0xffff, v20  }
0x1da: {  	v25 =	vor.u32 v0, v14;
	v9 =	vbroadcast v9, $0x0;
	v11 =	vmov s8;
	s8 =	sadd.s32 $0x6, s0;
	s0 =	smov.u32 s3;
	v20 =	vld [tilespmem:s2+$0xFFFFFF00];
	[tilespmem:v10+s25+$0x0] =	vst.idx.msk $0xffff, v16  }
0x1db: {  	v27 =	vor.u32 v0, v12;
	v10 =	vand.u32 $0x7D, v11;
	v28 =	vmov s8;
	v16 =	vld [tilespmem:s2+$0xFFFFFF80];
	[tilespmem:v23+s25+$0x0] =	vst.idx.msk $0xffff, v22  }
0x1dc: {  	v23 =	vor.u32 v0, v9;
	v11 =	vbroadcast v10, $0x0;
	v10 =	vand.u32 $0x7E, v28;
	v22 =	vld [tilespmem:s2+$0x0];
	[tilespmem:v21+s25+$0x0] =	vst.idx.msk $0xffff, v18  }
0x1dd: {  	v10 =	vbroadcast v10, $0x0;
	v18 =	vor.u32 v1, v15;
	[tilespmem:v24+s25+$0x0] =	vst.idx.msk $0xffff, v17;
	v17 =	vld [tilespmem:s2+$0x190]  }
0x1de: {  	v21 =	vor.u32 v0, v11;
	[tilespmem:v26+s25+$0x0] =	vst.idx.msk $0xffff, v19;
	v19 =	vld [tilespmem:s2+$0x80]  }
0x1df: {  	v24 =	vor.u32 v0, v10;
	[tilespmem:v25+s25+$0x0] =	vst.idx.msk $0xffff, v20;
	v20 =	vld [tilespmem:s2+$0x100]  }
0x1e0: {  	v26 =	vor.u32 v1, v13;
	v25 =	vld [tilespmem:s2+$0xFFFFFE90];
	[tilespmem:v27+s25+$0x0] =	vst.idx.msk $0xffff, v16  }
0x1e1: {  	v27 =	vor.u32 v1, v14;
	v16 =	vld [tilespmem:s2+$0xFFFFFF10];
	[tilespmem:v23+s25+$0x0] =	vst.idx.msk $0xffff, v22  }
0x1e2: {  	v23 =	vor.u32 v1, v12;
	v22 =	vld [tilespmem:s2+$0xFFFFFF90];
	[tilespmem:v18+s25+$0x0] =	vst.idx.msk $0xffff, v17  }
0x1e3: {  	v18 =	vor.u32 v2, v15;
	[tilespmem:v21+s25+$0x0] =	vst.idx.msk $0xffff, v19;
	v17 =	vld [tilespmem:s2+$0x1A0]  }
0x1e4: {  	v21 =	vor.u32 v1, v9;
	v19 =	vld [tilespmem:s2+$0x10];
	[tilespmem:v24+s25+$0x0] =	vst.idx.msk $0xffff, v20  }
0x1e5: {  	v24 =	vor.u32 v1, v11;
	[tilespmem:v26+s25+$0x0] =	vst.idx.msk $0xffff, v25;
	v20 =	vld [tilespmem:s2+$0x90]  }
0x1e6: {  	v25 =	vor.u32 v1, v10;
	[tilespmem:v27+s25+$0x0] =	vst.idx.msk $0xffff, v16;
	v16 =	vld [tilespmem:s2+$0x110]  }
0x1e7: {  	v27 =	vor.u32 v1, v8;
	v26 =	vld [tilespmem:s2+$0xFFFFFE10];
	[tilespmem:v23+s25+$0x0] =	vst.idx.msk $0xffff, v22  }
0x1e8: {  	v23 =	vor.u32 v2, v13;
	v22 =	vld [tilespmem:s2+$0xFFFFFEA0];
	[tilespmem:v18+s25+$0x0] =	vst.idx.msk $0xffff, v17  }
0x1e9: {  	v18 =	vor.u32 v3, v15;
	[tilespmem:v21+s25+$0x0] =	vst.idx.msk $0xffff, v19;
	v17 =	vld [tilespmem:s2+$0x1B0]  }
0x1ea: {  	v21 =	vor.u32 v2, v14;
	v19 =	vld [tilespmem:s2+$0xFFFFFF20];
	[tilespmem:v24+s25+$0x0] =	vst.idx.msk $0xffff, v20  }
0x1eb: {  	v24 =	vor.u32 v2, v12;
	v20 =	vld [tilespmem:s2+$0xFFFFFFA0];
	[tilespmem:v25+s25+$0x0] =	vst.idx.msk $0xffff, v16  }
0x1ec: {  	v25 =	vor.u32 v2, v9;
	[tilespmem:v27+s25+$0x0] =	vst.idx.msk $0xffff, v26;
	v16 =	vld [tilespmem:s2+$0x20]  }
0x1ed: {  	[tilespmem:v23+s25+$0x0] =	vst.idx.msk $0xffff, v22;
	v22 =	vld [tilespmem:s2+$0xA0];
	v23 =	vor.u32 v2, v11  }
0x1ee: {  	v27 =	vor.u32 v2, v10;
	v26 =	vld [tilespmem:s2+$0x120];
	[tilespmem:v18+s25+$0x0] =	vst.idx.msk $0xffff, v17  }
0x1ef: {  	v18 =	vor.u32 v4, v15;
	[tilespmem:v21+s25+$0x0] =	vst.idx.msk $0xffff, v19;
	v17 =	vld [tilespmem:s2+$0x1C0]  }
0x1f0: {  	v21 =	vor.u32 v2, v8;
	v19 =	vld [tilespmem:s2+$0xFFFFFE20];
	[tilespmem:v24+s25+$0x0] =	vst.idx.msk $0xffff, v20  }
0x1f1: {  	v24 =	vor.u32 v3, v13;
	v20 =	vld [tilespmem:s2+$0xFFFFFEB0];
	[tilespmem:v25+s25+$0x0] =	vst.idx.msk $0xffff, v16  }
0x1f2: {  	v25 =	vor.u32 v3, v14;
	v16 =	vld [tilespmem:s2+$0xFFFFFF30];
	[tilespmem:v23+s25+$0x0] =	vst.idx.msk $0xffff, v22  }
0x1f3: {  	v23 =	vor.u32 v3, v12;
	v22 =	vld [tilespmem:s2+$0xFFFFFFB0];
	[tilespmem:v27+s25+$0x0] =	vst.idx.msk $0xffff, v26  }
0x1f4: {  	v27 =	vor.u32 v3, v9;
	v26 =	vld [tilespmem:s2+$0x30];
	[tilespmem:v18+s25+$0x0] =	vst.idx.msk $0xffff, v17  }
0x1f5: {  	v18 =	vor.u32 v5, v15;
	[tilespmem:v21+s25+$0x0] =	vst.idx.msk $0xffff, v19;
	v17 =	vld [tilespmem:s2+$0x1D0]  }
0x1f6: {  	[tilespmem:v24+s25+$0x0] =	vst.idx.msk $0xffff, v20;
	v19 =	vld [tilespmem:s2+$0xB0];
	v20 =	vor.u32 v3, v11  }
0x1f7: {  	v21 =	vor.u32 v3, v10;
	[tilespmem:v25+s25+$0x0] =	vst.idx.msk $0xffff, v16;
	v16 =	vld [tilespmem:s2+$0x130]  }
0x1f8: {  	v25 =	vor.u32 v3, v8;
	v24 =	vld [tilespmem:s2+$0xFFFFFE30];
	[tilespmem:v23+s25+$0x0] =	vst.idx.msk $0xffff, v22  }
0x1f9: {  	v23 =	vor.u32 v4, v13;
	v22 =	vld [tilespmem:s2+$0xFFFFFEC0];
	[tilespmem:v27+s25+$0x0] =	vst.idx.msk $0xffff, v26  }
0x1fa: {  	v27 =	vor.u32 v4, v14;
	v26 =	vld [tilespmem:s2+$0xFFFFFF40];
	[tilespmem:v18+s25+$0x0] =	vst.idx.msk $0xffff, v17  }
0x1fb: {  	v18 =	vor.u32 v6, v15;
	[tilespmem:v20+s25+$0x0] =	vst.idx.msk $0xffff, v19;
	v17 =	vld [tilespmem:s2+$0x1E0]  }
0x1fc: {  	v20 =	vor.u32 v4, v12;
	v19 =	vld [tilespmem:s2+$0xFFFFFFC0];
	[tilespmem:v21+s25+$0x0] =	vst.idx.msk $0xffff, v16  }
0x1fd: {  	v21 =	vor.u32 v4, v9;
	[tilespmem:v25+s25+$0x0] =	vst.idx.msk $0xffff, v24;
	v16 =	vld [tilespmem:s2+$0x40]  }
0x1fe: {  	[tilespmem:v23+s25+$0x0] =	vst.idx.msk $0xffff, v22;
	v22 =	vld [tilespmem:s2+$0xC0];
	v23 =	vor.u32 v4, v11  }
0x1ff: {  	v25 =	vor.u32 v4, v10;
	[tilespmem:v27+s25+$0x0] =	vst.idx.msk $0xffff, v26;
	v24 =	vld [tilespmem:s2+$0x140]  }
0x200: {  	v27 =	vor.u32 v4, v8;
	v26 =	vld [tilespmem:s2+$0xFFFFFE40];
	[tilespmem:v18+s25+$0x0] =	vst.idx.msk $0xffff, v17  }
0x201: {  	v15 =	vor.u32 v7, v15;
	[tilespmem:v20+s25+$0x0] =	vst.idx.msk $0xffff, v19;
	v17 =	vld [tilespmem:s2+$0x1F0]  }
0x202: {  	v19 =	vor.u32 v5, v13;
	v18 =	vld [tilespmem:s2+$0xFFFFFED0];
	[tilespmem:v21+s25+$0x0] =	vst.idx.msk $0xffff, v16  }
0x203: {  	v20 =	vor.u32 v5, v14;
	v16 =	vld [tilespmem:s2+$0xFFFFFF50];
	[tilespmem:v23+s25+$0x0] =	vst.idx.msk $0xffff, v22  }
0x204: {  	v22 =	vor.u32 v5, v12;
	v21 =	vld [tilespmem:s2+$0xFFFFFFD0];
	[tilespmem:v25+s25+$0x0] =	vst.idx.msk $0xffff, v24  }
0x205: {  	v24 =	vor.u32 v5, v9;
	[tilespmem:v27+s25+$0x0] =	vst.idx.msk $0xffff, v26;
	v23 =	vld [tilespmem:s2+$0x50]  }
0x206: {  	v26 =	vor.u32 v5, v11;
	v25 =	vld [tilespmem:s2+$0xD0];
	[tilespmem:v15+s25+$0x0] =	vst.idx.msk $0xffff, v17  }
0x207: {  	v17 =	vor.u32 v5, v10;
	[tilespmem:v19+s25+$0x0] =	vst.idx.msk $0xffff, v18;
	v15 =	vld [tilespmem:s2+$0x150]  }
0x208: {  	v19 =	vor.u32 v5, v8;
	v18 =	vld [tilespmem:s2+$0xFFFFFE50];
	[tilespmem:v20+s25+$0x0] =	vst.idx.msk $0xffff, v16  }
0x209: {  	v20 =	vor.u32 v6, v13;
	v16 =	vld [tilespmem:s2+$0xFFFFFEE0];
	[tilespmem:v22+s25+$0x0] =	vst.idx.msk $0xffff, v21  }
0x20a: {  	v27 =	vor.u32 v6, v14;
	v21 =	vld [tilespmem:s2+$0xFFFFFF60];
	[tilespmem:v24+s25+$0x0] =	vst.idx.msk $0xffff, v23  }
0x20b: {  	v24 =	vor.u32 v6, v12;
	v23 =	vld [tilespmem:s2+$0xFFFFFFE0];
	[tilespmem:v26+s25+$0x0] =	vst.idx.msk $0xffff, v25  }
0x20c: {  	v26 =	vor.u32 v6, v9;
	v25 =	vld [tilespmem:s2+$0x60];
	[tilespmem:v17+s25+$0x0] =	vst.idx.msk $0xffff, v15  }
0x20d: {  	v29 =	vor.u32 v6, v11;
	[tilespmem:v19+s25+$0x0] =	vst.idx.msk $0xffff, v18;
	v28 =	vld [tilespmem:s2+$0xE0]  }
.Ltmp3:
0x20e: {  	v22 =	vor.u32 v6, v10;
	[tilespmem:v20+s25+$0x0] =	vst.idx.msk $0xffff, v16;
	v19 =	vld [tilespmem:s2+$0x160];
	(pc) =	sbr.rel @p3 .LBB2_7-.Ltmp3, $4  }
0x20f: {  	v20 =	vor.u32 v6, v8;
	v15 =	vld [tilespmem:s2+$0xFFFFFE60];
	[tilespmem:v27+s25+$0x0] =	vst.idx.msk $0xffff, v21  }
0x210: {  	v18 =	vor.u32 v7, v13;
	v16 =	vld [tilespmem:s2+$0xFFFFFEF0];
	[tilespmem:v24+s25+$0x0] =	vst.idx.msk $0xffff, v23  }
0x211: {  	s8 =	sadd.s32 $0x1, s3;
	v14 =	vor.u32 v7, v14;
	v17 =	vmov s3;
	v13 =	vld [tilespmem:s2+$0xFFFFFF70];
	[tilespmem:v26+s25+$0x0] =	vst.idx.msk $0xffff, v25  }
0x212: {  	s19 =	sadd.s32 $0x2, s0;
	s18 =	sadd.s32 $0x7, s0;
	v12 =	vor.u32 v7, v12;
	s3 =	sadd.s32 $0x8, s3;
	v21 =	vand.u32 $0x78, v17;
	v23 =	vmov s8;
	v17 =	vld [tilespmem:s2+$0xFFFFFFF0];
	[tilespmem:v29+s25+$0x0] =	vst.idx.msk $0xffff, v28  }
0x213: {  	_ =	sdelay $0x2  }
0x214: {  	v24 =	vmov s19  }
0x215: {  	v25 =	vmov s18;
	v26 =	vld [tilespmem:s2+$0x70];
	v27 =	vor.u32 v7, v9;
	[tilespmem:v22+s25+$0x0] =	vst.idx.msk $0xffff, v19;
	v56 =	vor.u32 v7, v11  }
0x216: {  	s3 =	sadd.s32 $0x3, s0;
	v55 =	vld [tilespmem:s2+$0xF0];
	v59 =	vor.u32 v7, v10;
	v10 =	vand.u32 $0x79, v23;
	v61 =	vor.u32 v7, v8;
	[tilespmem:v20+s25+$0x0] =	vst.idx.msk $0xffff, v15  }
0x217: {  	s30 =	sadd.s32 $0x4, s0;
	v54 =	vmov s3;
	v9 =	vand.u32 $0x7F, v25;
	v58 =	vld [tilespmem:s2+$0x170];
	v8 =	vbroadcast v10, $0x0;
	[tilespmem:v18+s25+$0x0] =	vst.idx.msk $0xffff, v16  }
0x218: {  	s31 =	sadd.s32 $0x400, s2;
	v57 =	vmov s30;
	v10 =	vand.u32 $0x7A, v24;
	v15 =	vbroadcast v9, $0x0;
	v60 =	vld [tilespmem:s2+$0xFFFFFE70];
	[tilespmem:v14+s25+$0x0] =	vst.idx.msk $0xffff, v13  }
0x219: {  	v30 =	vld [tilespmem:s31+$0xFFFFFE80];
	v9 =	vbroadcast v21, $0x0;
	v11 =	vand.u32 $0x7B, v54;
	v31 =	vor.u32 v0, v8;
	[tilespmem:v12+s25+$0x0] =	vst.idx.msk $0xffff, v17  }
0x21a: {  	s8 =	sadd.s32 $0x5, s0;
	v10 =	vbroadcast v10, $0x0;
	v14 =	vld [tilespmem:s31+$0x180];
	v11 =	vbroadcast v11, $0x0;
	v62 =	vor.u32 v0, v15;
	[tilespmem:v27+s25+$0x0] =	vst.idx.msk $0xffff, v26  }
0x21b: {  	v63 =	vld [tilespmem:s31+$0xFFFFFE00];
	v13 =	vmov s8;
	v28 =	vor.u32 v0, v9;
	v12 =	vand.u32 $0x7C, v57;
	[tilespmem:v56+s25+$0x0] =	vst.idx.msk $0xffff, v55  }
0x21c: {  	v32 =	vld [tilespmem:s31+$0xFFFFFF00];
	v33 =	vor.u32 v0, v10;
	v13 =	vand.u32 $0x7D, v13;
	v12 =	vbroadcast v12, $0x0;
	[tilespmem:v59+s25+$0x0] =	vst.idx.msk $0xffff, v58  }
0x21d: {  	v34 =	vld [tilespmem:s31+$0xFFFFFF80];
	v35 =	vor.u32 v0, v11;
	v13 =	vbroadcast v13, $0x0;
	[tilespmem:v61+s25+$0x0] =	vst.idx.msk $0xffff, v60  }
0x21e: {  	v37 =	vld [tilespmem:s31+$0x0];
	v38 =	vor.u32 v0, v12;
	[tilespmem:v31+s25+$0x0] =	vst.idx.msk $0xffff, v30  }
0x21f: {  	s9 =	sadd.s32 $0x6, s0;
	v41 =	vld [tilespmem:s31+$0x80];
	v42 =	vor.u32 v0, v13;
	[tilespmem:v62+s25+$0x0] =	vst.idx.msk $0xffff, v14  }
0x220: {  	v36 =	vmov s9;
	v45 =	vor.u32 v1, v8;
	[tilespmem:v28+s25+$0x0] =	vst.idx.msk $0xffff, v63;
	v26 =	vld [tilespmem:s31+$0xFFFFFE90]  }
0x221: {  	v25 =	vand.u32 $0x7E, v36;
	v40 =	vor.u32 v1, v15;
	[tilespmem:v33+s25+$0x0] =	vst.idx.msk $0xffff, v32;
	v39 =	vld [tilespmem:s31+$0x190]  }
0x222: {  	v47 =	vor.u32 v1, v10;
	v14 =	vbroadcast v25, $0x0;
	[tilespmem:v35+s25+$0x0] =	vst.idx.msk $0xffff, v34;
	v46 =	vld [tilespmem:s31+$0xFFFFFF10]  }
0x223: {  	v58 =	vor.u32 v1, v9;
	v57 =	vld [tilespmem:s31+$0xFFFFFE10];
	[tilespmem:v38+s25+$0x0] =	vst.idx.msk $0xffff, v37  }
0x224: {  	v43 =	vld [tilespmem:s31+$0x100];
	v44 =	vor.u32 v0, v14;
	[tilespmem:v42+s25+$0x0] =	vst.idx.msk $0xffff, v41  }
0x225: {  	v49 =	vor.u32 v1, v11;
	v48 =	vld [tilespmem:s31+$0xFFFFFF90];
	[tilespmem:v45+s25+$0x0] =	vst.idx.msk $0xffff, v26  }
0x226: {  	v52 =	vor.u32 v1, v12;
	v51 =	vld [tilespmem:s31+$0x10];
	[tilespmem:v40+s25+$0x0] =	vst.idx.msk $0xffff, v39  }
0x227: {  	v54 =	vor.u32 v1, v13;
	v53 =	vld [tilespmem:s31+$0x90];
	[tilespmem:v47+s25+$0x0] =	vst.idx.msk $0xffff, v46  }
0x228: {  	v60 =	vor.u32 v2, v8;
	v59 =	vld [tilespmem:s31+$0xFFFFFEA0];
	[tilespmem:v58+s25+$0x0] =	vst.idx.msk $0xffff, v57  }
0x229: {  	v50 =	vor.u32 v2, v15;
	v17 =	vld [tilespmem:s31+$0x1A0];
	[tilespmem:v44+s25+$0x0] =	vst.idx.msk $0xffff, v43  }
0x22a: {  	v63 =	vor.u32 v2, v10;
	[tilespmem:v49+s25+$0x0] =	vst.idx.msk $0xffff, v48;
	v62 =	vld [tilespmem:s31+$0xFFFFFF20]  }
0x22b: {  	v40 =	vor.u32 v2, v9;
	v39 =	vld [tilespmem:s31+$0xFFFFFE20];
	[tilespmem:v52+s25+$0x0] =	vst.idx.msk $0xffff, v51  }
0x22c: {  	v56 =	vor.u32 v1, v14;
	v55 =	vld [tilespmem:s31+$0x110];
	[tilespmem:v54+s25+$0x0] =	vst.idx.msk $0xffff, v53  }
0x22d: {  	v31 =	vor.u32 v2, v11;
	v30 =	vld [tilespmem:s31+$0xFFFFFFA0];
	[tilespmem:v60+s25+$0x0] =	vst.idx.msk $0xffff, v59  }
0x22e: {  	v33 =	vor.u32 v2, v12;
	v32 =	vld [tilespmem:s31+$0x20];
	[tilespmem:v50+s25+$0x0] =	vst.idx.msk $0xffff, v17  }
0x22f: {  	v61 =	vor.u32 v3, v15;
	[tilespmem:v63+s25+$0x0] =	vst.idx.msk $0xffff, v62;
	v17 =	vld [tilespmem:s31+$0x1B0]  }
0x230: {  	v35 =	vor.u32 v2, v13;
	v34 =	vld [tilespmem:s31+$0xA0];
	[tilespmem:v40+s25+$0x0] =	vst.idx.msk $0xffff, v39  }
0x231: {  	v42 =	vor.u32 v3, v8;
	v41 =	vld [tilespmem:s31+$0xFFFFFEB0];
	[tilespmem:v56+s25+$0x0] =	vst.idx.msk $0xffff, v55  }
0x232: {  	v44 =	vor.u32 v3, v10;
	[tilespmem:v31+s25+$0x0] =	vst.idx.msk $0xffff, v30;
	v43 =	vld [tilespmem:s31+$0xFFFFFF30]  }
0x233: {  	v54 =	vor.u32 v3, v9;
	v24 =	vld [tilespmem:s31+$0xFFFFFE30];
	[tilespmem:v33+s25+$0x0] =	vst.idx.msk $0xffff, v32  }
0x234: {  	v37 =	vor.u32 v2, v14;
	v36 =	vld [tilespmem:s31+$0x120];
	[tilespmem:v61+s25+$0x0] =	vst.idx.msk $0xffff, v17  }
0x235: {  	v38 =	vor.u32 v4, v15;
	[tilespmem:v35+s25+$0x0] =	vst.idx.msk $0xffff, v34;
	v17 =	vld [tilespmem:s31+$0x1C0]  }
0x236: {  	v46 =	vor.u32 v3, v11;
	v45 =	vld [tilespmem:s31+$0xFFFFFFB0];
	[tilespmem:v42+s25+$0x0] =	vst.idx.msk $0xffff, v41  }
0x237: {  	v48 =	vor.u32 v3, v12;
	v47 =	vld [tilespmem:s31+$0x30];
	[tilespmem:v44+s25+$0x0] =	vst.idx.msk $0xffff, v43  }
0x238: {  	v51 =	vor.u32 v3, v13;
	v50 =	vld [tilespmem:s31+$0xB0];
	[tilespmem:v54+s25+$0x0] =	vst.idx.msk $0xffff, v24  }
0x239: {  	v56 =	vor.u32 v4, v8;
	v55 =	vld [tilespmem:s31+$0xFFFFFEC0];
	[tilespmem:v37+s25+$0x0] =	vst.idx.msk $0xffff, v36  }
0x23a: {  	v58 =	vor.u32 v4, v10;
	v57 =	vld [tilespmem:s31+$0xFFFFFF40];
	[tilespmem:v38+s25+$0x0] =	vst.idx.msk $0xffff, v17  }
0x23b: {  	v49 =	vor.u32 v5, v15;
	[tilespmem:v46+s25+$0x0] =	vst.idx.msk $0xffff, v45;
	v17 =	vld [tilespmem:s31+$0x1D0]  }
0x23c: {  	v35 =	vor.u32 v4, v9;
	v34 =	vld [tilespmem:s31+$0xFFFFFE40];
	[tilespmem:v48+s25+$0x0] =	vst.idx.msk $0xffff, v47  }
0x23d: {  	v53 =	vor.u32 v3, v14;
	v52 =	vld [tilespmem:s31+$0x130];
	[tilespmem:v51+s25+$0x0] =	vst.idx.msk $0xffff, v50  }
0x23e: {  	v61 =	vor.u32 v4, v11;
	v60 =	vld [tilespmem:s31+$0xFFFFFFC0];
	[tilespmem:v56+s25+$0x0] =	vst.idx.msk $0xffff, v55  }
0x23f: {  	v63 =	vor.u32 v4, v12;
	v62 =	vld [tilespmem:s31+$0x40];
	[tilespmem:v58+s25+$0x0] =	vst.idx.msk $0xffff, v57  }
0x240: {  	v31 =	vor.u32 v4, v13;
	v30 =	vld [tilespmem:s31+$0xC0];
	[tilespmem:v49+s25+$0x0] =	vst.idx.msk $0xffff, v17  }
0x241: {  	v59 =	vor.u32 v6, v15;
	[tilespmem:v35+s25+$0x0] =	vst.idx.msk $0xffff, v34;
	v17 =	vld [tilespmem:s31+$0x1E0]  }
0x242: {  	v37 =	vor.u32 v5, v8;
	v36 =	vld [tilespmem:s31+$0xFFFFFED0];
	[tilespmem:v53+s25+$0x0] =	vst.idx.msk $0xffff, v52  }
0x243: {  	v39 =	vor.u32 v5, v10;
	[tilespmem:v61+s25+$0x0] =	vst.idx.msk $0xffff, v60;
	v38 =	vld [tilespmem:s31+$0xFFFFFF50]  }
0x244: {  	v48 =	vor.u32 v5, v9;
	v47 =	vld [tilespmem:s31+$0xFFFFFE50];
	[tilespmem:v63+s25+$0x0] =	vst.idx.msk $0xffff, v62  }
0x245: {  	v33 =	vor.u32 v4, v14;
	v32 =	vld [tilespmem:s31+$0x140];
	[tilespmem:v31+s25+$0x0] =	vst.idx.msk $0xffff, v30  }
0x246: {  	v41 =	vor.u32 v5, v11;
	v40 =	vld [tilespmem:s31+$0xFFFFFFD0];
	[tilespmem:v59+s25+$0x0] =	vst.idx.msk $0xffff, v17  }
0x247: {  	v15 =	vor.u32 v7, v15;
	[tilespmem:v37+s25+$0x0] =	vst.idx.msk $0xffff, v36;
	v17 =	vld [tilespmem:s31+$0x1F0]  }
0x248: {  	v43 =	vor.u32 v5, v12;
	v42 =	vld [tilespmem:s31+$0x50];
	[tilespmem:v39+s25+$0x0] =	vst.idx.msk $0xffff, v38  }
0x249: {  	v45 =	vor.u32 v5, v13;
	v44 =	vld [tilespmem:s31+$0xD0];
	[tilespmem:v48+s25+$0x0] =	vst.idx.msk $0xffff, v47  }
0x24a: {  	v50 =	vor.u32 v6, v8;
	v49 =	vld [tilespmem:s31+$0xFFFFFEE0];
	[tilespmem:v33+s25+$0x0] =	vst.idx.msk $0xffff, v32  }
0x24b: {  	v52 =	vor.u32 v6, v10;
	[tilespmem:v41+s25+$0x0] =	vst.idx.msk $0xffff, v40;
	v51 =	vld [tilespmem:s31+$0xFFFFFF60]  }
0x24c: {  	v46 =	vor.u32 v5, v14;
	[tilespmem:v15+s25+$0x0] =	vst.idx.msk $0xffff, v17;
	v15 =	vld [tilespmem:s31+$0x150]  }
0x24d: {  	v60 =	vor.u32 v6, v9;
	v19 =	vld [tilespmem:s31+$0xFFFFFE60];
	[tilespmem:v43+s25+$0x0] =	vst.idx.msk $0xffff, v42  }
0x24e: {  	v54 =	vor.u32 v6, v11;
	v53 =	vld [tilespmem:s31+$0xFFFFFFE0];
	[tilespmem:v45+s25+$0x0] =	vst.idx.msk $0xffff, v44  }
0x24f: {  	v56 =	vor.u32 v6, v12;
	v55 =	vld [tilespmem:s31+$0x60];
	[tilespmem:v50+s25+$0x0] =	vst.idx.msk $0xffff, v49  }
0x250: {  	v8 =	vor.u32 v7, v8;
	[tilespmem:v52+s25+$0x0] =	vst.idx.msk $0xffff, v51;
	v61 =	vld [tilespmem:s31+$0xFFFFFEF0]  }
0x251: {  	v57 =	vor.u32 v6, v13;
	[tilespmem:v46+s25+$0x0] =	vst.idx.msk $0xffff, v15;
	v15 =	vld [tilespmem:s31+$0xE0]  }
0x252: {  	v59 =	vor.u32 v6, v14;
	[tilespmem:v60+s25+$0x0] =	vst.idx.msk $0xffff, v19;
	v58 =	vld [tilespmem:s31+$0x160]  }
0x253: {  	v10 =	vor.u32 v7, v10;
	[tilespmem:v54+s25+$0x0] =	vst.idx.msk $0xffff, v53;
	v22 =	vld [tilespmem:s31+$0xFFFFFF70]  }
0x254: {  	v9 =	vor.u32 v7, v9;
	v63 =	vld [tilespmem:s31+$0xFFFFFE70];
	[tilespmem:v56+s25+$0x0] =	vst.idx.msk $0xffff, v55  }
0x255: {  	v11 =	vor.u32 v7, v11;
	v23 =	vld [tilespmem:s31+$0xFFFFFFF0];
	[tilespmem:v8+s25+$0x0] =	vst.idx.msk $0xffff, v61  }
0x256: {  	v12 =	vor.u32 v7, v12;
	[tilespmem:v57+s25+$0x0] =	vst.idx.msk $0xffff, v15;
	v15 =	vld [tilespmem:s31+$0x70]  }
0x257: {  	v13 =	vor.u32 v7, v13;
	[tilespmem:v59+s25+$0x0] =	vst.idx.msk $0xffff, v58;
	v62 =	vld [tilespmem:s31+$0xF0]  }
0x258: {  	v14 =	vor.u32 v7, v14;
	[tilespmem:v10+s25+$0x0] =	vst.idx.msk $0xffff, v22;
	v8 =	vld [tilespmem:s31+$0x170]  }
0x259: {  	[tilespmem:v9+s25+$0x0] =	vst.idx.msk $0xffff, v63  }
0x25a: {  	[tilespmem:v11+s25+$0x0] =	vst.idx.msk $0xffff, v23  }
0x25b: {  	[tilespmem:v12+s25+$0x0] =	vst.idx.msk $0xffff, v15  }
0x25c: {  	[tilespmem:v13+s25+$0x0] =	vst.idx.msk $0xffff, v62  }
0x25d: {  	s18 =	simm.s32 $0x4200;
	[tilespmem:v14+s25+$0x0] =	vst.idx.msk $0xffff, v8  }
0x25e: {  	v8 =	vld [tilespmem:s18+$0x180]  }
0x25f: {  	v9 =	vld [tilespmem:s18+$0xFFFFFE80]  }
0x260: {  	v10 =	vld [tilespmem:s18+$0xFFFFFF00]  }
0x261: {  	v11 =	vld [tilespmem:s18+$0xFFFFFF80]  }
0x262: {  	s0 =	simm.s32 $0xA100;
	v12 =	vld [tilespmem:s18+$0x0]  }
0x263: {  	v13 =	vld [tilespmem:s18+$0x80];
	[tilespmem:s0+$0xC0] =	vst v8  }
0x264: {  	[tilespmem:s0+$0xFFFFFF40] =	vst v9;
	v9 =	vld [tilespmem:s18+$0x100]  }
0x265: {  	[tilespmem:s0+$0xFFFFFF80] =	vst v10;
	v10 =	vld [tilespmem:s18+$0xFFFFFE00]  }
0x266: {  	[tilespmem:s0+$0xFFFFFFC0] =	vst v11;
	v8 =	vld [tilespmem:s18+$0x190]  }
0x267: {  	[tilespmem:s0+$0x0] =	vst v12;
	v11 =	vld [tilespmem:s18+$0xFFFFFE90]  }
0x268: {  	[tilespmem:s0+$0x40] =	vst v13;
	v12 =	vld [tilespmem:s18+$0xFFFFFF10]  }
0x269: {  	s2 =	simm.s32 $0x1C0;
	v13 =	vld [tilespmem:s18+$0xFFFFFF90];
	[tilespmem:s0+$0x80] =	vst v9  }
0x26a: {  	s11 =	simm.s32 $0x40;
	s10 =	sor.u32 $0x50, s2;
	[tilespmem:s0+$0xFFFFFF00] =	vst v10;
	v9 =	vld [tilespmem:s18+$0x10]  }
0x26b: {  	s8 =	sor.u32 $0x50, s11;
	[tilespmem:s10+$0xA000] =	vst v8;
	v10 =	vld [tilespmem:s18+$0xFFFFFE10]  }
0x26c: {  	s9 =	simm.s32 $0xC0;
	[tilespmem:s8+$0xA000] =	vst v11;
	v11 =	vld [tilespmem:s18+$0x90]  }
0x26d: {  	s19 =	sor.u32 $0x50, s9;
	[tilespmem:s0+$0xFFFFFF90] =	vst v12;
	v12 =	vld [tilespmem:s18+$0x110]  }
0x26e: {  	[tilespmem:s19+$0xA000] =	vst v13;
	v8 =	vld [tilespmem:s18+$0x1A0]  }
0x26f: {  	s21 =	simm.s32 $0x140;
	v13 =	vld [tilespmem:s18+$0xFFFFFEA0];
	[tilespmem:s0+$0x10] =	vst v9  }
0x270: {  	s10 =	sor.u32 $0x50, s21;
	v9 =	vld [tilespmem:s18+$0xFFFFFF20];
	[tilespmem:s0+$0xFFFFFF10] =	vst v10  }
0x271: {  	[tilespmem:s10+$0xA000] =	vst v11;
	v11 =	vld [tilespmem:s18+$0xFFFFFFA0]  }
0x272: {  	s20 =	sor.u32 $0x60, s2;
	[tilespmem:s0+$0x90] =	vst v12;
	v10 =	vld [tilespmem:s18+$0xFFFFFE20]  }
0x273: {  	s22 =	sor.u32 $0x60, s11;
	v12 =	vld [tilespmem:s18+$0x20];
	[tilespmem:s20+$0xA000] =	vst v8  }
0x274: {  	[tilespmem:s22+$0xA000] =	vst v13;
	v8 =	vld [tilespmem:s18+$0x1B0]  }
0x275: {  	s24 =	sor.u32 $0x60, s9;
	v13 =	vld [tilespmem:s18+$0xA0];
	[tilespmem:s0+$0xFFFFFFA0] =	vst v9  }
0x276: {  	v14 =	vld [tilespmem:s18+$0x120];
	[tilespmem:s24+$0xA000] =	vst v11  }
0x277: {  	v15 =	vld [tilespmem:s18+$0xFFFFFEB0];
	[tilespmem:s0+$0xFFFFFF20] =	vst v10  }
0x278: {  	p3 =	por $0x1, $0x1;
	s23 =	sor.u32 $0x70, s2;
	[tilespmem:s0+$0x20] =	vst v12;
	v16 =	vld [tilespmem:s18+$0xFFFFFE30]  }
.Ltmp4:
0x279: {  	s30 =	sor.u32 $0x60, s21;
	[tilespmem:s23+$0xA000] =	vst v8;
	v8 =	vld [tilespmem:s18+$0xFFFFFF30];
	(pc) =	sbr.rel @!p3 .LBB2_10-.Ltmp4, $4  }
0x27a: {  	v9 =	vld [tilespmem:s18+$0xFFFFFFB0];
	[tilespmem:s30+$0xA000] =	vst v13  }
0x27b: {  	s31 =	sor.u32 $0x70, s11;
	v10 =	vld [tilespmem:s18+$0x30];
	[tilespmem:s0+$0xA0] =	vst v14  }
0x27c: {  	s3 =	simm.s32 $0x0;
	[tilespmem:s31+$0xA000] =	vst v15;
	v11 =	vld [tilespmem:s18+$0xB0]  }
0x27d: {  	s19 =	sor.u32 $0x70, s21;
	s20 =	sor.u32 $0x70, s9;
	v12 =	vld [tilespmem:s18+$0x130];
	s18 =	simm.s32 $0x4600;
	[tilespmem:s0+$0xFFFFFF30] =	vst v16  }
.LBB2_9:
0x27e: {  	v13 =	vld [tilespmem:s18+$0x180];
	s3 =	sadd.s32 $0x8, s3;
	[tilespmem:s0+$0xFFFFFFB0] =	vst v8  }
0x27f: {  	v8 =	vld [tilespmem:s18+$0xFFFFFE80];
	p3 =	slt.u32 s3, $0x78;
	[tilespmem:s20+$0xA000] =	vst v9  }
0x280: {  	v9 =	vld [tilespmem:s18+$0xFFFFFF00];
	[tilespmem:s0+$0x30] =	vst v10  }
0x281: {  	v10 =	vld [tilespmem:s18+$0xFFFFFF80];
	[tilespmem:s19+$0xA000] =	vst v11  }
0x282: {  	v11 =	vld [tilespmem:s18+$0x0];
	[tilespmem:s0+$0xB0] =	vst v12;
	s0 =	sadd.s32 $0x200, s0  }
0x283: {  	v12 =	vld [tilespmem:s18+$0x80];
	[tilespmem:s0+$0xC0] =	vst v13  }
0x284: {  	[tilespmem:s0+$0xFFFFFF40] =	vst v8;
	v8 =	vld [tilespmem:s18+$0x190]  }
0x285: {  	[tilespmem:s0+$0xFFFFFF80] =	vst v9;
	v9 =	vld [tilespmem:s18+$0x100]  }
0x286: {  	v13 =	vld [tilespmem:s18+$0xFFFFFE00];
	[tilespmem:s0+$0xFFFFFFC0] =	vst v10  }
0x287: {  	s2 =	sadd.s32 $0x200, s2;
	v10 =	vld [tilespmem:s18+$0xFFFFFE90];
	[tilespmem:s0+$0x0] =	vst v11  }
0x288: {  	s8 =	sadd.s32 $0xFFFFFE80, s2;
	s9 =	sadd.s32 $0xFFFFFF00, s2;
	s10 =	sor.u32 $0x50, s2;
	v11 =	vld [tilespmem:s18+$0xFFFFFF10];
	[tilespmem:s0+$0x40] =	vst v12  }
0x289: {  	s11 =	sor.u32 $0x50, s8;
	s21 =	sor.u32 $0x50, s9;
	s19 =	sadd.s32 $0xFFFFFF80, s2;
	v12 =	vld [tilespmem:s18+$0xFFFFFF90];
	[tilespmem:s10+$0xA000] =	vst v8  }
0x28a: {  	s22 =	sor.u32 $0x60, s9;
	s23 =	sor.u32 $0x50, s19;
	s10 =	sor.u32 $0x60, s8;
	[tilespmem:s0+$0x80] =	vst v9;
	v8 =	vld [tilespmem:s18+$0x1A0]  }
0x28b: {  	s20 =	sor.u32 $0x70, s9;
	s9 =	sor.u32 $0x60, s19;
	s8 =	sor.u32 $0x70, s8;
	[tilespmem:s0+$0xFFFFFF00] =	vst v13;
	v9 =	vld [tilespmem:s18+$0x10]  }
0x28c: {  	s19 =	sor.u32 $0x70, s19;
	v13 =	vld [tilespmem:s18+$0xFFFFFE10];
	[tilespmem:s11+$0xA000] =	vst v10  }
0x28d: {  	[tilespmem:s0+$0xFFFFFF90] =	vst v11;
	v10 =	vld [tilespmem:s18+$0x90]  }
0x28e: {  	s11 =	sor.u32 $0x60, s2;
	[tilespmem:s21+$0xA000] =	vst v12;
	v11 =	vld [tilespmem:s18+$0x110]  }
0x28f: {  	v12 =	vld [tilespmem:s18+$0xFFFFFEA0];
	[tilespmem:s11+$0xA000] =	vst v8  }
0x290: {  	[tilespmem:s0+$0x10] =	vst v9;
	v8 =	vld [tilespmem:s18+$0x1B0]  }
0x291: {  	[tilespmem:s0+$0xFFFFFF10] =	vst v13;
	v9 =	vld [tilespmem:s18+$0xFFFFFF20]  }
0x292: {  	v13 =	vld [tilespmem:s18+$0xFFFFFE20];
	[tilespmem:s23+$0xA000] =	vst v10  }
0x293: {  	v10 =	vld [tilespmem:s18+$0xFFFFFFA0];
	[tilespmem:s0+$0x90] =	vst v11  }
0x294: {  	[tilespmem:s10+$0xA000] =	vst v12;
	v11 =	vld [tilespmem:s18+$0x20];
	s10 =	sor.u32 $0x70, s2  }
0x295: {  	v12 =	vld [tilespmem:s18+$0xA0];
	[tilespmem:s10+$0xA000] =	vst v8  }
0x296: {  	[tilespmem:s0+$0xFFFFFFA0] =	vst v9;
	v14 =	vld [tilespmem:s18+$0x120]  }
0x297: {  	[tilespmem:s0+$0xFFFFFF20] =	vst v13;
	v13 =	vld [tilespmem:s18+$0xFFFFFEB0]  }
0x298: {  	v15 =	vld [tilespmem:s18+$0xFFFFFE30];
	[tilespmem:s22+$0xA000] =	vst v10  }
.Ltmp5:
0x299: {  	v8 =	vld [tilespmem:s18+$0xFFFFFF30];
	[tilespmem:s0+$0x20] =	vst v11;
	(pc) =	sbr.rel @p3 .LBB2_9-.Ltmp5, $4  }
0x29a: {  	v9 =	vld [tilespmem:s18+$0xFFFFFFB0];
	[tilespmem:s9+$0xA000] =	vst v12  }
0x29b: {  	v10 =	vld [tilespmem:s18+$0x30];
	[tilespmem:s0+$0xA0] =	vst v14  }
0x29c: {  	[tilespmem:s8+$0xA000] =	vst v13;
	v11 =	vld [tilespmem:s18+$0xB0]  }
0x29d: {  	[tilespmem:s0+$0xFFFFFF30] =	vst v15;
	v12 =	vld [tilespmem:s18+$0x130];
	s18 =	sadd.s32 $0x400, s18  }
.LBB2_10:
0x29e: {  	[tilespmem:s0+$0xFFFFFFB0] =	vst v8  }
0x29f: {  	[tilespmem:s20+$0xA000] =	vst v9  }
0x2a0: {  	[tilespmem:s0+$0x30] =	vst v10  }
0x2a1: {  	s2 =	sshll.u32 @!p2 s29, $0xA;
	s3 =	simm.s32 @!p2 $0xA000;
	[tilespmem:s19+$0xA000] =	vst v11  }
0x2a2: {  	s28 =	sadd.s32 $0x1, s28;
	[tilespmem:s0+$0xB0] =	vst v12;
	s0 =	sadd.s32 @!p2 s6, s2;
	s2 =	simm.s32 @!p2 $0x0  }
0x2a3: {  	[hbm4b:s0+s2] =	stream.linear.scatter @!p2 [tilespmem:s3], [sflag:$0x2], $0x2000, $0x38;
	[tilespmem:$0xD000] =	vst v63  }
0x2a4: {  	p2 =	sne.s32 s28, $0x7B  }
.Ltmp6:
0x2a5: {  	_ = 	snop;
	(pc) =	sbr.rel @p2 .LBB2_2-.Ltmp6, $1  }
0x2a6: {  	_ =	sdelay $0x3  }
0x2a7: {  	s26 =	sadd.s32 $0x1, s26  }
0x2a8: {  	p2 =	sne.s32 s26, s17  }
.Ltmp7:
0x2a9: {  	_ = 	snop;
	(pc) =	sbr.rel @p2 .LBB2_1-.Ltmp7, $4  }
0x2aa: {  	s0 =	simm.s32 @!p1 $0x2  }
0x2ab: {  	_ =	swait.ge @!p1 [sflag:s0], $0x2000  }
0x2ac: {  	[sflag:s0] =	ssyncset.done @!p1 $0x0  }
0x2ad: {  	[sflag:s0] =	ssyncadd.s32 @!p1 $0xFFFFE000  }
0x2ae: {  	_ =	sfence.sel $0x180000  }
0x2af: {  	[bflag:$0x0] =	sbarrier.arrive $0xFFFF  }
0x2b0: {  	_ =	strace $0x90000047  }
0x2b1: {  	s0 =	stileid.u32;
	[bflag:$0x2] =	sbarrier.arrive $0xFFFF  }
0x2b2: {  	p0 =	sne.s32 s0, $0x0;
	s0 =	rddreg [dreg:$0x3]  }
0x2b3: {  	s0 =	sadd.s32 @!p0 $0x100000, s0  }
0x2b4: {  	[sflag:s0] =	ssyncadd.tile.s32 @!p0 $0x1;
	_ =	shalt  }
.Lfunc_end2:
_tile_overlayer_lowered:
.L_overlay_start_2:
0x2b5: {  	(tag) =	ssettag $0x2  }
0x2b6: {  	s0 =	rddreg [dreg:$0x0];
	s2 =	stileid.u32  }
0x2b7: {  	s1 =	rddreg [dreg:$0x1];
	p0 =	sne.s32 s2, $0x0  }
0x2b8: {  	s3 =	rddreg [dreg:$0x2];
	[bflag:$0x3] =	sbarrier.arrive $0xFFFF;
	s2 =	simm.s32 @!p0 $0x1C03  }
0x2b9: {  	[timem:s3], [sflag:s2] =	dma.local @!p0 [hbm:s0], s1  }
0x2ba: {  	s0 =	simm.s32 @!p0 $0x3  }
0x2bb: {  	_ =	swait.ge @!p0 [sflag:s0], s1  }
0x2bc: {  	s1 =	ssub.s32 @!p0 $0x0, s1;
	[sflag:s0] =	ssyncset.done @!p0 $0x0  }
0x2bd: {  	[sflag:s0] =	ssyncadd.s32 @!p0 s1  }
0x2be: {  	[bflag:$0x3] =	sbarrier.arrive $0xFFFF  }
0x2bf: {  	_ =	shalt  }

// kernel: kernel.7.cloned.1.call-start
scs
__scs_entry_jumppad:
0x0: {  	(pc) =	sbr.rel $0x88, $3  }
0x1: {  	(tag) =	ssettag $0x0;
	lr =	simm.s32 $0x1  }
0x2: {  	[smem:$0x3F9E] =	sst lr;
	_ =	strace $0xD0000000  }
0x3: {  	_ = 	snop  }
0x4: {  	_ = 	snop  }
0x5: {  	_ = 	snop  }
0x6: {  	_ = 	snop  }
0x7: {  	_ = 	snop  }
__scs_overlays_trampoline_lowered:
0x8: {  	[smem:$0x3FAD] =	sst s0  }
0x9: {  	[smem:$0x3FAE] =	sst s1  }
0xa: {  	[smem:$0x3FAF] =	sst s2  }
0xb: {  	[smem:$0x3FB0] =	sst s3  }
0xc: {  	[smem:$0x3FB1] =	sst s4  }
0xd: {  	[smem:$0x3FB2] =	sst s5  }
0xe: {  	[smem:$0x3FB3] =	sst s6  }
0xf: {  	[smem:$0x3FB4] =	sst s7  }
0x10: {  	[smem:$0x3FB5] =	sst s8  }
0x11: {  	[smem:$0x3FB6] =	sst s9;
	s0 =	simm.s32 @!p0 $0x0  }
0x12: {  	s1 =	sld [smem:$0x3F9C];
	s0 =	simm.s32 @p0 $0x1  }
0x13: {  	[smem:$0x3FB7] =	sst s0;
	s0 =	simm.s32 @!p1 $0x0  }
0x14: {  	s2 =	sld [smem:$0x3F9B];
	s0 =	simm.s32 @p1 $0x1  }
0x15: {  	[smem:$0x3FB8] =	sst s0;
	s0 =	simm.s32 @!p2 $0x0  }
0x16: {  	s3 =	sld [smem:$0x3FDB];
	s0 =	simm.s32 @p2 $0x1  }
0x17: {  	s4 =	simm.s32 $0x1BF5;
	[smem:$0x3FBA] =	sst s0  }
0x18: {  	s0 =	sld [smem:$0x3F9D];
	_ =	swait.ge [sflag:s4], $0x0  }
0x19: {  	s7 =	sld [smem:$0x3F9E]  }
0x1a: {  	s8 =	sadd.s32 $0xFFFFE003, lr  }
0x1b: {  	s9 =	sadd.s32 $0xFFFFFEF7, lr;
	s5 =	simm.s32 $0xFFFFFFFF;
	p2 =	slt.u32 s8, $0xFFFFF086  }
0x1c: {  	p1 =	slt.u32 s9, $0xF7A;
	s5 =	simm.s32 @!p2 $0x0  }
0x1d: {  	s5 =	simm.s32 @p1 $0x1;
	p0 =	seq.s32 s7, s2  }
0x1e: {  	s7 =	smul.u32 @!p0 $0xF7A, s2;
	p2 =	seq.s32 @!p0 s5, $0x0  }
0x1f: {  	s9 =	smul.u32 $0xF7A, s1;
	s8 =	simm.s32 @!p0 $0x1BF5;
	p2 =	por !p2, p0  }
0x20: {  	[sflag:s8] =	ssyncset.s32 @!p0 $0xFFFFF086;
	s6 =	sadd.s32 @!p0 s3, s7;
	s7 =	simm.s32 @!p0 $0x108  }
0x21: {  	s3 =	sadd.s32 s3, s9;
	s6 =	sadd.s32 @!p0 $0x88, s6;
	s7 =	simm.s32 @p2 $0x1082  }
0x22: {  	[simem:s7], [sflag:s8] =	dma.local @!p0 [hbm:s6], $0xF7A  }
0x23: {  	s9 =	sor.u32 $0xD0000000, s2;
	s6 =	simm.s32 $0x108;
	_ =	swait.ge @!p0 [sflag:s8], $0x0  }
0x24: {  	s3 =	sadd.s32 $0x88, s3;
	s6 =	simm.s32 @!p1 $0x1082;
	[sflag:s4] =	ssyncset.s32 $0xFFFFF086  }
0x25: {  	[simem:s6], [sflag:s4] =	dma.local [hbm:s3], $0xF7A  }
0x26: {  	[smem:$0x3F9E] =	sst s1;
	(tag) =	ssettag s2;
	_ =	strace s9  }
0x27: {  	s1 =	sld [smem:$0x3FAE]  }
0x28: {  	s2 =	sld [smem:$0x3FAF]  }
0x29: {  	s4 =	sld [smem:$0x3FB1]  }
0x2a: {  	p0 =	seq.s32 s5, $0x0;
	s5 =	sld [smem:$0x3FB2]  }
0x2b: {  	s6 =	sld [smem:$0x3FB3]  }
0x2c: {  	s7 =	sld [smem:$0x3FB4]  }
0x2d: {  	s3 =	simm.s32 $0x108;
	s8 =	sld [smem:$0x3FB5]  }
0x2e: {  	s3 =	simm.s32 @!p0 $0x1082;
	s9 =	sld [smem:$0x3FB6]  }
0x2f: {  	lr =	sadd.s32 s0, s3;
	s0 =	sld [smem:$0x3FAD]  }
0x30: {  	s3 =	sld [smem:$0x3FB0]  }
0x31: {  	[smem:$0x3FB9] =	sst s10  }
0x32: {  	s10 =	sld [smem:$0x3FB7];
	_ =	sdelay $0x3  }
0x33: {  	p0 =	seq.s32 s10, $0x1;
	s10 =	sld [smem:$0x3FB9];
	_ =	sdelay $0x3  }
0x34: {  	[smem:$0x3FB9] =	sst s10  }
0x35: {  	s10 =	sld [smem:$0x3FB8];
	_ =	sdelay $0x3  }
0x36: {  	p1 =	seq.s32 s10, $0x1;
	s10 =	sld [smem:$0x3FB9];
	_ =	sdelay $0x3  }
0x37: {  	[smem:$0x3FB9] =	sst s10  }
0x38: {  	s10 =	sld [smem:$0x3FBA]  }
0x39: {  	_ = 	snop;
	(pc) =	sbr.ind lr, $3  }
0x3a: {  	_ = 	snop  }
0x3b: {  	_ = 	snop  }
0x3c: {  	p2 =	seq.s32 s10, $0x1;
	s10 =	sld [smem:$0x3FB9]  }
0x3d: {  	_ =	shalt  }
0x3e: {  	_ =	shalt  }
0x3f: {  	_ =	shalt  }
0x40: {  	_ =	shalt  }
0x41: {  	_ =	shalt  }
0x42: {  	_ =	shalt  }
0x43: {  	_ =	shalt  }
0x44: {  	_ =	shalt  }
0x45: {  	_ =	shalt  }
0x46: {  	_ =	shalt  }
0x47: {  	_ =	shalt  }
0x48: {  	_ =	shalt  }
0x49: {  	_ =	shalt  }
0x4a: {  	_ =	shalt  }
0x4b: {  	_ =	shalt  }
0x4c: {  	_ =	shalt  }
0x4d: {  	_ =	shalt  }
0x4e: {  	_ =	shalt  }
0x4f: {  	_ =	shalt  }
0x50: {  	_ =	shalt  }
0x51: {  	_ =	shalt  }
0x52: {  	_ =	shalt  }
0x53: {  	_ =	shalt  }
0x54: {  	_ =	shalt  }
0x55: {  	_ =	shalt  }
0x56: {  	_ =	shalt  }
0x57: {  	_ =	shalt  }
0x58: {  	_ =	shalt  }
0x59: {  	_ =	shalt  }
0x5a: {  	_ =	shalt  }
0x5b: {  	_ =	shalt  }
0x5c: {  	_ =	shalt  }
0x5d: {  	_ =	shalt  }
0x5e: {  	_ =	shalt  }
0x5f: {  	_ =	shalt  }
0x60: {  	_ =	shalt  }
0x61: {  	_ =	shalt  }
0x62: {  	_ =	shalt  }
0x63: {  	_ =	shalt  }
0x64: {  	_ =	shalt  }
0x65: {  	_ =	shalt  }
0x66: {  	_ =	shalt  }
0x67: {  	_ =	shalt  }
0x68: {  	_ =	shalt  }
0x69: {  	_ =	shalt  }
0x6a: {  	_ =	shalt  }
0x6b: {  	_ =	shalt  }
0x6c: {  	_ =	shalt  }
0x6d: {  	_ =	shalt  }
0x6e: {  	_ =	shalt  }
0x6f: {  	_ =	shalt  }
0x70: {  	_ =	shalt  }
0x71: {  	_ =	shalt  }
0x72: {  	_ =	shalt  }
0x73: {  	_ =	shalt  }
0x74: {  	_ =	shalt  }
0x75: {  	_ =	shalt  }
0x76: {  	_ =	shalt  }
0x77: {  	_ =	shalt  }
0x78: {  	_ =	shalt  }
0x79: {  	_ =	shalt  }
0x7a: {  	_ =	shalt  }
0x7b: {  	_ =	shalt  }
0x7c: {  	_ =	shalt  }
0x7d: {  	_ =	shalt  }
0x7e: {  	_ =	shalt  }
0x7f: {  	_ =	shalt  }
0x80: {  	_ =	shalt  }
0x81: {  	_ =	shalt  }
0x82: {  	_ =	shalt  }
0x83: {  	_ =	shalt  }
0x84: {  	_ =	shalt  }
0x85: {  	_ =	shalt  }
0x86: {  	_ =	shalt  }
0x87: {  	_ =	shalt  }
.Lfunc_end0:
.L_simem_size_0:
called_computation.1_lowered:
.L_overlay_start_0:
0x88: {  	s2 =	sld [smem:$0x3FD9]  }
0x89: {  	s3 =	sld [smem:$0x3FFE];
	_ =	sdelay $0x1  }
0x8a: {  	s1 =	srdreg.scid  }
0x8b: {  	s0 =	sand.u32 $0x1, s1  }
0x8c: {  	s17 =	sshll.u32 s0, $0xA;
	s2 =	sadd.s32 s3, s2  }
0x8d: {  	s2 =	sadd.s32 s2, s17  }
0x8e: {  	[smem:$0x3FC5] =	sst s2  }
0x8f: {  	_ = 	snop  }
0x90: {  	s2 =	sld [smem:$0x3FD0];
	(tm) =	ssettm $0x1  }
0x91: {  	s18 =	sld [smem:$0x3FFB];
	_ =	sdelay $0x3  }
0x92: {  	_ =	strace s18  }
0x93: {  	s3 =	sld [smem:$0x3FFC];
	_ =	sdelay $0x3  }
0x94: {  	_ =	strace s3  }
0x95: {  	s3 =	sld [smem:$0x3FFD];
	_ =	sdelay $0x3  }
0x96: {  	_ =	strace s3  }
0x97: {  	_ =	strace $0x8FFFFFFF  }
0x98: {  	s19 =	sld [smem:$0x3FDB];
	_ =	sdelay $0x1  }
0x99: {  	s4 =	simm.s32 $_scs_section_size  }
0x9a: {  	s5 =	simm.s32 $_size__tile_overlayer_lowered;
	s6 =	simm.s32 $_tile_overlayer_lowered  }
0x9b: {  	s22 =	simm.s32 $0x1BFF;
	s21 =	sshll.u32 s6, $0x1;
	s3 =	sadd.s32 s4, s19  }
0x9c: {  	s7 =	simm.s32 $0x0;
	s20 =	sshll.u32 s5, $0x1;
	s5 =	sadd.s32 s21, s3  }
0x9d: {  	[timem:s7], [sflag:s22] =	dma.local [hbm:s5], s20  }
0x9e: {  	_ =	swait.ge [sflag:s22], s20  }
0x9f: {  	s4 =	ssub.s32 $0x0, s20;
	[sflag:s22] =	ssyncset.done $0x0  }
0xa0: {  	[sflag:s22] =	ssyncadd.s32 s4;
	_ =	sdelay $0x1  }
0xa1: {  	s23 =	simm.s32 $0x1B8B  }
0xa2: {  	_ =	swait.ge [sflag:s23], $0x1  }
0xa3: {  	[sflag:s23] =	ssyncset.done $0x0  }
0xa4: {  	s25 =	simm.s32 $0x1B8E;
	s24 =	sld [smem:$0x3FFE];
	[sflag:s23] =	ssyncadd.s32 $0xFFFFFFFF  }
0xa5: {  	s26 =	simm.s32 $execute0_lowered;
	[smem:$0x3FD2] =	sst s25  }
0xa6: {  	s5 =	sshll.u32 s26, $0x1;
	_ =	strace $0x80000049;
	[dreg:$0x1] =	wrdreg $0xFFFFFFFF  }
0xa7: {  	s28 =	simm.s32 $_size_execute0_lowered;
	s3 =	sadd.s32 s3, s5;
	[dreg:$0x0] =	wrdreg $0x0  }
0xa8: {  	s5 =	sshll.u32 s28, $0x1;
	[dreg:$0x2] =	wrdreg s3  }
0xa9: {  	[dreg:$0x3] =	wrdreg s5  }
0xaa: {  	[dreg:$0x4] =	wrdreg $0xC0  }
0xab: {  	_ =	task [dreg:s7], $0x5FFFF  }
0xac: {  	[dreg:$0x1] =	wrdreg $0xFFFFFFFF  }
0xad: {  	[dreg:$0x0] =	wrdreg $0x60  }
0xae: {  	[dreg:$0x2] =	wrdreg s24  }
0xaf: {  	[dreg:$0x3] =	wrdreg s2  }
0xb0: {  	[dreg:$0x4] =	wrdreg $0x9  }
0xb1: {  	_ =	task.clear_ibuf [dreg:s7], $0x5FFFF;
	_ =	strace $0x90000049  }
0xb2: {  	s29 =	simm.s32 $0x9;
	_ =	strace $0x8000004B  }
0xb3: {  	_ =	swait.ge [sflag:s29], $0x1  }
0xb4: {  	[sflag:s29] =	ssyncadd.s32 $0xFFFFFFFF  }
0xb5: {  	_ =	strace $0x9000004B  }
0xb6: {  	_ =	sfence  }
0xb7: {  	s30 =	sld [smem:$0x0];
	_ =	sdelay $0x2  }
0xb8: {  	s31 =	sshll.u32 s1, $0xD;
	s1 =	sshrl.u32 s1, $0x2  }
0xb9: {  	s3 =	sand.u32 $0x4000, s31;
	s1 =	sadd.s32 s1, s30  }
0xba: {  	s0 =	sor.u32 s3, s0;
	s1 =	sshll.u32 s1, $0x11  }
0xbb: {  	s0 =	sor.u32 s1, s0  }
0xbc: {  	s0 =	sadd.s32 $0x8F2B, s0  }
0xbd: {  	[sflag:s0] =	ssyncadd.remote.s32 $0x1  }
0xbe: {  	_ =	sfence.sel $0xFFFF  }
0xbf: {  	[dreg:$0x0] =	wrdreg $0xFFFFFFFF;
	(pc) =	sbr.abs _section_cstart, $3  }
0xc0: {  	[dreg:$0x1] =	wrdreg $0xFFFFFFFF  }
0xc1: {  	_ =	task.clear_ibuf [dreg:s7], $0x2FFFF;
	_ =	strace $0x9FFFFFFF  }
0xc2: {  	(tm) =	ssettm $0x7FFFFFFF  }
0xc3: {  	_ =	shalt  }
tec
execute0_lowered:
.L_overlay_start_1:
0x0: {  	(tag) =	ssettag $0x1  }
0x1: {  	v0 =	vlaneseq.u32  }
0x2: {  	v1 =	vmul.u32 $0xC8, v0;
	_ =	sdelay $0x1  }
0x3: {  	v2 =	vadd.s32 $0xC80, v1;
	[tilespmem:$0x1FE30] =	vst v1  }
0x4: {  	v59 =	vadd.s32 $0x1900, v1;
	[tilespmem:$0x1FD50] =	vst v2  }
0x5: {  	v60 =	vadd.s32 $0x2580, v1;
	[tilespmem:$0x1FD60] =	vst v59  }
0x6: {  	v61 =	vadd.s32 $0x3200, v1;
	[tilespmem:$0x1FD70] =	vst v60  }
0x7: {  	v62 =	vadd.s32 $0x3E80, v1;
	[tilespmem:$0x1FD80] =	vst v61  }
0x8: {  	v63 =	vadd.s32 $0x4B00, v1;
	[tilespmem:$0x1FD90] =	vst v62  }
0x9: {  	v4 =	vadd.s32 $0x5780, v1;
	[tilespmem:$0x1FDA0] =	vst v63  }
0xa: {  	v5 =	vor.u32 $0x1, v1;
	[tilespmem:$0x1FDB0] =	vst v4  }
0xb: {  	v6 =	vadd.s32 $0xC81, v1;
	[tilespmem:$0x1FDC0] =	vst v5  }
0xc: {  	v7 =	vadd.s32 $0x1901, v1;
	[tilespmem:$0x1FDD0] =	vst v6  }
0xd: {  	v8 =	vadd.s32 $0x2581, v1;
	[tilespmem:$0x1FDE0] =	vst v7  }
0xe: {  	v9 =	vadd.s32 $0x3201, v1;
	[tilespmem:$0x1FDF0] =	vst v8  }
0xf: {  	s0 =	srdreg.scid;
	s2 =	stileid.u32;
	v10 =	vadd.s32 $0x3E81, v1;
	[tilespmem:$0x1FE00] =	vst v9  }
0x10: {  	v36 =	vmul.u32 $0x88, v0;
	s0 =	sand.u32 $0x1, s0;
	s3 =	sshll.u32 s2, $0x1;
	v11 =	vadd.s32 $0x4B01, v1;
	[tilespmem:$0x1FE10] =	vst v10  }
0x11: {  	s1 =	rddreg [dreg:$0x0];
	s7 =	sor.u32 s0, s3;
	s3 =	simm.s32 $0x0;
	v1 =	vadd.s32 $0x5781, v1;
	[tilespmem:$0x1FE20] =	vst v11  }
0x12: {  	[smem:$0x7FF] =	sst s3;
	v52 =	vadd.s32 $0x1105, v36;
	[tilespmem:$0x1FE40] =	vst v1  }
0x13: {  	s2 =	rddreg [dreg:$0x1];
	v53 =	vadd.s32 $0x1985, v36;
	_ =	strace $0x8000004A;
	[tilespmem:$0x1FE50] =	vst v52  }
0x14: {  	v54 =	vor.u32 $0x6, v36;
	[tilespmem:$0x1FE60] =	vst v53  }
0x15: {  	v55 =	vadd.s32 $0x886, v36;
	[tilespmem:$0x1FE70] =	vst v54  }
0x16: {  	v56 =	vadd.s32 $0x1106, v36;
	[tilespmem:$0x1FE80] =	vst v55  }
0x17: {  	v57 =	vadd.s32 $0x887, v36;
	[tilespmem:$0x1FE90] =	vst v56  }
0x18: {  	v34 =	vadd.s32 $0x881, v36;
	[tilespmem:$0x1FEA0] =	vst v57  }
0x19: {  	v35 =	vadd.s32 $0x882, v36;
	[tilespmem:$0x1FEB0] =	vst v34  }
0x1a: {  	v29 =	vadd.s32 $0x1102, v36;
	[tilespmem:$0x1FEC0] =	vst v35  }
0x1b: {  	v60 =	vadd.s32 $0x1982, v36;
	[tilespmem:$0x1FED0] =	vst v29  }
0x1c: {  	v33 =	vor.u32 $0x3, v36;
	[tilespmem:$0x1FEE0] =	vst v60  }
0x1d: {  	v59 =	vadd.s32 $0x883, v36;
	[tilespmem:$0x1FEF0] =	vst v33  }
0x1e: {  	v26 =	vadd.s32 $0x1103, v36;
	[tilespmem:$0x1FF00] =	vst v59  }
0x1f: {  	v41 =	vadd.s32 $0x1983, v36;
	[tilespmem:$0x1FF10] =	vst v26  }
0x20: {  	v44 =	vor.u32 $0x4, v36;
	[tilespmem:$0x1FF20] =	vst v41  }
0x21: {  	v32 =	vadd.s32 $0x884, v36;
	[tilespmem:$0x1FF30] =	vst v44  }
0x22: {  	v48 =	vadd.s32 $0x1104, v36;
	[tilespmem:$0x1FF40] =	vst v32  }
0x23: {  	v21 =	vor.u32 $0x5, v36;
	[tilespmem:$0x1FF50] =	vst v48  }
0x24: {  	v30 =	vadd.s32 $0x885, v36;
	[tilespmem:$0x1FF60] =	vst v21  }
0x25: {  	s11 =	simm.s32 $0x80;
	s12 =	simm.s32 $0x6400;
	s13 =	simm.s32 $0x6500;
	v63 =	vadd.s32 $0x1986, v36;
	[tilespmem:$0x1FF70] =	vst v30  }
0x26: {  	s14 =	simm.s32 $0x6480;
	s15 =	simm.s32 $0x8500;
	s16 =	simm.s32 $0x1;
	v62 =	vor.u32 $0x7, v36;
	[tilespmem:$0x1FF80] =	vst v63  }
0x27: {  	s17 =	simm.s32 $0xA500;
	s18 =	simm.s32 $0x400;
	s0 =	ssub.s32 $0x2, s0;
	v61 =	vadd.s32 $0x1987, v36;
	[tilespmem:$0x1FF90] =	vst v62  }
0x28: {  	s19 =	simm.s32 $0x8000;
	s4 =	smul.u32 $0xC80, s7;
	v13 =	vadd.s32 $0x1101, v36;
	s8 =	sshrl.u32 s0, $0x1;
	[tilespmem:$0x1FFA0] =	vst v61  }
.Ltmp0:
0x29: {  	s20 =	simm.s32 $0xC700;
	v14 =	vadd.s32 $0x1981, v36;
	s0 =	ssub.s32 s0, s8;
	[tilespmem:$0x1FFB0] =	vst v13;
	(pc) =	sbr.rel .LBB2_1-.Ltmp0, $4  }
0x2a: {  	v3 =	vor.u32 $0x2, v36;
	s6 =	sadd.s32 s4, s1;
	s4 =	sadd.s32 $0xC00, s1;
	s1 =	sadd.s32 $0x7A1E00, s1;
	[tilespmem:$0x1FFC0] =	vst v14  }
0x2b: {  	v12 =	vimm.s32 $0x0;
	vm0 =	vcmask $0x300;
	s21 =	simm.s32 $0x2;
	v28 =	vadd.s32 $0x1107, v36;
	s0 =	smax.u32 s0, $0x1;
	[tilespmem:$0x1FFD0] =	vst v3;
	[dreg:$0x3] =	wrdreg s1  }
0x2c: {  	s22 =	simm.s32 $0xE700;
	v17 =	vsel vm0, $0x3, v12;
	v37 =	vadd.s32 $0x880, v36;
	v58 =	vadd.s32 $0x1984, v36;
	[tilespmem:$0x1FFE0] =	vst v28;
	s31 =	sadd.s32 $0x7A2600, s6;
	[dreg:$0x5] =	wrdreg s0  }
0x2d: {  	s23 =	simm.s32 $0x0;
	v38 =	vadd.s32 $0x1100, v36;
	v39 =	vadd.s32 $0x1980, v36;
	v40 =	vor.u32 $0x1, v36;
	s7 =	sshll.u32 s7, $0xA;
	[tilespmem:$0x1FFF0] =	vst v58;
	[dreg:$0x4] =	wrdreg s31  }
.LBB2_16:
0x2e: {  	_ =	swait.ge [sflag:s21], $0x2000  }
0x2f: {  	[sflag:s21] =	ssyncset.done $0x0  }
0x30: {  	[sflag:s21] =	ssyncadd.s32 $0xFFFFE000  }
0x31: {  	_ =	swait.ge [sflag:s21], $0x2000  }
0x32: {  	s23 =	sadd.s32 $0x1, s23;
	s0 =	rddreg [dreg:$0x5]  }
0x33: {  	p0 =	sne.s32 s23, s0  }
.Ltmp1:
0x34: {  	_ = 	snop;
	(pc) =	sbr.rel @!p0 .LBB2_17-.Ltmp1, $3  }
0x35: {  	_ =	sdelay $0x1  }
0x36: {  	[sflag:s21] =	ssyncset.done $0x0  }
0x37: {  	v21 =	vld [tilespmem:$0x1FF60];
	[sflag:s21] =	ssyncadd.s32 $0xFFFFE000  }
.LBB2_1:
0x38: {  	s0 =	rddreg [dreg:$0x4];
	s1 =	simm.s32 $0x3  }
0x39: {  	[tilespmem:s3], [sflag:$0x3] =	stream.linear.gather [hbm4b:s0+s3], $0x6400, $0x38;
	[tilespmem:$0x13900] =	vst v63  }
0x3a: {  	_ =	swait.ge [sflag:s1], $0x6400  }
0x3b: {  	[sflag:s1] =	ssyncset.done $0x0  }
0x3c: {  	s5 =	simm.s32 $0x10700;
	s31 =	rddreg [dreg:$0x3];
	[sflag:s1] =	ssyncadd.s32 $0xFFFF9C00  }
0x3d: {  	[tilespmem:s5], [sflag:$0x3] =	stream.linear.gather [hbm4b:s31+s3], $0x3200, $0x38;
	[tilespmem:$0x13900] =	vst v63  }
0x3e: {  	_ =	swait.ge [sflag:s1], $0x3200  }
0x3f: {  	v0 =	vld [tilespmem:$0x1FE30];
	_ =	sdelay $0x5  }
0x40: {  	[sflag:s1] =	ssyncset.done $0x0;
	v42 =	vld [tilespmem:$0x1FD50]  }
0x41: {  	[sflag:s1] =	ssyncadd.s32 $0xFFFFCE00  }
0x42: {  	v0 =	vld.idx.msk [tilespmem:v0+s3+$0x0], $0xffff;
	_ =	sdelay $0x3  }
0x43: {  	v43 =	vld [tilespmem:$0x1FD60]  }
0x44: {  	[tilespmem:$0x6400] =	vst v0  }
0x45: {  	v0 =	vld.idx.msk [tilespmem:v42+s3+$0x0], $0xffff;
	_ =	sdelay $0x3  }
0x46: {  	v45 =	vld [tilespmem:$0x1FD70]  }
0x47: {  	[tilespmem:$0x6410] =	vst v0  }
0x48: {  	v0 =	vld.idx.msk [tilespmem:v43+s3+$0x0], $0xffff;
	_ =	sdelay $0x3  }
0x49: {  	v46 =	vld [tilespmem:$0x1FD80]  }
0x4a: {  	[tilespmem:$0x6420] =	vst v0  }
0x4b: {  	v0 =	vld.idx.msk [tilespmem:v45+s3+$0x0], $0xffff;
	_ =	sdelay $0x3  }
0x4c: {  	v47 =	vld [tilespmem:$0x1FD90]  }
0x4d: {  	[tilespmem:$0x6430] =	vst v0  }
0x4e: {  	v0 =	vld.idx.msk [tilespmem:v46+s3+$0x0], $0xffff;
	_ =	sdelay $0x3  }
0x4f: {  	v49 =	vld [tilespmem:$0x1FDA0]  }
0x50: {  	[tilespmem:$0x6440] =	vst v0  }
0x51: {  	v0 =	vld.idx.msk [tilespmem:v47+s3+$0x0], $0xffff;
	_ =	sdelay $0x3  }
0x52: {  	v50 =	vld [tilespmem:$0x1FDB0]  }
0x53: {  	[tilespmem:$0x6450] =	vst v0  }
0x54: {  	v0 =	vld.idx.msk [tilespmem:v49+s3+$0x0], $0xffff;
	_ =	sdelay $0x4  }
0x55: {  	v51 =	vld [tilespmem:$0x1FDC0];
	[tilespmem:$0x6460] =	vst v0  }
0x56: {  	v0 =	vld.idx.msk [tilespmem:v50+s3+$0x0], $0xffff;
	_ =	sdelay $0x4  }
0x57: {  	v52 =	vld [tilespmem:$0x1FDD0];
	[tilespmem:$0x6470] =	vst v0  }
0x58: {  	[tilespmem:s13], [sflag:$0x1] =	stream.indirect.gather [hbm4b:s4+s11], $0x40, s12, s11, $0xb8;
	[tilespmem:$0x13900] =	vst v63  }
0x59: {  	v0 =	vld.idx.msk [tilespmem:v51+s3+$0x0], $0xffff;
	_ =	sdelay $0x3  }
0x5a: {  	v53 =	vld [tilespmem:$0x1FDE0]  }
0x5b: {  	[tilespmem:$0x6480] =	vst v0  }
0x5c: {  	v0 =	vld.idx.msk [tilespmem:v52+s3+$0x0], $0xffff;
	_ =	sdelay $0x3  }
0x5d: {  	v54 =	vld [tilespmem:$0x1FDF0]  }
0x5e: {  	[tilespmem:$0x6490] =	vst v0  }
0x5f: {  	v0 =	vld.idx.msk [tilespmem:v53+s3+$0x0], $0xffff;
	_ =	sdelay $0x3  }
0x60: {  	v55 =	vld [tilespmem:$0x1FE00]  }
0x61: {  	[tilespmem:$0x64A0] =	vst v0  }
0x62: {  	v0 =	vld.idx.msk [tilespmem:v54+s3+$0x0], $0xffff;
	_ =	sdelay $0x3  }
0x63: {  	v56 =	vld [tilespmem:$0x1FE10]  }
0x64: {  	[tilespmem:$0x64B0] =	vst v0  }
0x65: {  	v0 =	vld.idx.msk [tilespmem:v55+s3+$0x0], $0xffff;
	_ =	sdelay $0x3  }
0x66: {  	v57 =	vld [tilespmem:$0x1FE20]  }
0x67: {  	[tilespmem:$0x64C0] =	vst v0  }
0x68: {  	v0 =	vld.idx.msk [tilespmem:v56+s3+$0x0], $0xffff;
	_ =	sdelay $0x3  }
0x69: {  	v61 =	vld [tilespmem:$0x1FE40]  }
0x6a: {  	[tilespmem:$0x64D0] =	vst v0  }
0x6b: {  	v0 =	vld.idx.msk [tilespmem:v57+s3+$0x0], $0xffff;
	_ =	sdelay $0x4  }
0x6c: {  	[tilespmem:$0x64E0] =	vst v0  }
0x6d: {  	v0 =	vld.idx.msk [tilespmem:v61+s3+$0x0], $0xffff;
	_ =	sdelay $0x4  }
0x6e: {  	s24 =	simm.s32 $0x0;
	[tilespmem:$0x64F0] =	vst v0  }
.LBB2_2:
0x6f: {  	[tilespmem:s15], [sflag:$0x1] =	stream.indirect.gather [hbm4b:s4+s11], $0x40, s14, s11, $0xb8;
	[tilespmem:$0x13900] =	vst v63  }
0x70: {  	p0 =	seq.s32 s24, $0x0;
	_ =	swait.ge [sflag:s16], $0x2000  }
0x71: {  	s6 =	sshll.u32 s24, $0x7;
	s1 =	simm.s32 $0x0;
	[sflag:s16] =	ssyncset.done $0x0  }
0x72: {  	s25 =	simm.s32 $0x7;
	s0 =	simm.s32 @!p0 $0x2;
	[sflag:s16] =	ssyncadd.s32 $0xFFFFE000  }
0x73: {  	s8 =	simm.s32 $0x4;
	s26 =	simm.s32 $0x1;
	_ =	swait.ge @!p0 [sflag:s0], $0x2000  }
0x74: {  	s28 =	simm.s32 $0x5;
	s9 =	simm.s32 $0x2;
	v0 =	vmov s1;
	v1 =	vmov s25;
	[sflag:s0] =	ssyncset.done @!p0 $0x0;
	v46 =	vld [tilespmem:$0x1FFC0]  }
0x75: {  	s10 =	simm.s32 $0x3;
	v2 =	vmov s8;
	v3 =	vmov s26;
	v4 =	vmov s28;
	v47 =	vld [tilespmem:$0x1FFD0];
	[sflag:s0] =	ssyncadd.s32 @!p0 $0xFFFFE000;
	s0 =	sand.u32 $0x3FFFFF80, s6  }
0x76: {  	v5 =	vmov s9;
	s25 =	simm.s32 $0x6600;
	v12 =	vmov s10;
	v3 =	vshrl.u32 v3, $0x3;
	v52 =	vld [tilespmem:s0+$0x10700]  }
0x77: {  	v4 =	vshrl.u32 v4, $0x3;
	v2 =	vshrl.u32 v2, $0x3;
	v3 =	vshll.u32 v3, v17;
	v6 =	vld [tilespmem:s25+$0xFFFFFF40]  }
0x78: {  	v5 =	vshrl.u32 v5, $0x3;
	v2 =	vshll.u32 v2, v17;
	v7 =	vbroadcast v3, $0x0;
	v3 =	vld [tilespmem:s25+$0x0]  }
0x79: {  	s26 =	simm.s32 $0x6;
	v0 =	vshrl.u32 v0, $0x3;
	v1 =	vshrl.u32 v1, $0x3;
	v9 =	vbroadcast v2, $0x0;
	v2 =	vld [tilespmem:s25+$0xFFFFFF00]  }
0x7a: {  	v12 =	vshrl.u32 v12, $0x3;
	v15 =	vmov s26;
	v5 =	vshll.u32 v5, v17;
	v10 =	vld [tilespmem:s25+$0xFFFFFF80]  }
0x7b: {  	v0 =	vshll.u32 v0, v17;
	v1 =	vshll.u32 v1, v17;
	v8 =	vadd.s32 v40, v7;
	v50 =	vld [tilespmem:s0+$0x10710]  }
0x7c: {  	v15 =	vshrl.u32 v15, $0x3;
	v5 =	vbroadcast v5, $0x0;
	v14 =	vadd.s32 v44, v9;
	v13 =	vld [tilespmem:s25+$0xC0]  }
0x7d: {  	v4 =	vshll.u32 v4, v17;
	v19 =	vbroadcast v0, $0x0;
	v0 =	vshll.u32 v15, v17;
	v51 =	vld [tilespmem:s0+$0x10720]  }
0x7e: {  	v49 =	vld [tilespmem:s0+$0x10730];
	v11 =	vadd.s32 v47, v5;
	v6 =	vadd.f32 v6, v52;
	v3 =	vadd.f32 v3, v52  }
0x7f: {  	v16 =	vld [tilespmem:s25+$0xFFFFFFC0];
	v18 =	vadd.f32 v2, v52;
	v2 =	vadd.f32 v10, v52;
	v10 =	vbroadcast v1, $0x0  }
0x80: {  	v4 =	vbroadcast v4, $0x0;
	[tilespmem:v8+s17+$0x0] =	vst.idx.msk $0xffff, v6;
	v6 =	vbroadcast v0, $0x0;
	v8 =	vld [tilespmem:s25+$0x40];
	v0 =	vshll.u32 v12, v17  }
0x81: {  	v1 =	vadd.f32 v13, v52;
	v13 =	vld [tilespmem:s25+$0x80];
	[tilespmem:v14+s17+$0x0] =	vst.idx.msk $0xffff, v3;
	v15 =	vadd.s32 v62, v10;
	v22 =	vbroadcast v0, $0x0  }
0x82: {  	v21 =	vadd.s32 v21, v4;
	v12 =	vld [tilespmem:s25+$0x10]  }
0x83: {  	v3 =	vld [tilespmem:$0x1FE70];
	[tilespmem:v11+s17+$0x0] =	vst.idx.msk $0xffff, v2;
	v0 =	vadd.s32 v26, v22  }
0x84: {  	v24 =	vadd.s32 v32, v9;
	v23 =	vld [tilespmem:s25+$0xFFFFFF50];
	[tilespmem:$0x1FCE0] =	vst v0;
	v0 =	vadd.s32 v38, v19  }
0x85: {  	v26 =	vld [tilespmem:s25+$0xFFFFFF90];
	v2 =	vadd.f32 v8, v52;
	[tilespmem:$0x1FCD0] =	vst v0  }
0x86: {  	[tilespmem:v15+s17+$0x0] =	vst.idx.msk $0xffff, v1  }
0x87: {  	v0 =	vadd.s32 v63, v6;
	v12 =	vadd.f32 v12, v50;
	[tilespmem:v21+s17+$0x0] =	vst.idx.msk $0xffff, v2  }
0x88: {  	v21 =	vld [tilespmem:s25+$0xD0];
	[tilespmem:$0x1FD00] =	vst v0  }
0x89: {  	[tilespmem:v24+s17+$0x0] =	vst.idx.msk $0xffff, v12  }
0x8a: {  	v43 =	vld [tilespmem:$0x1FE60];
	_ =	sdelay $0x1  }
0x8b: {  	v20 =	vadd.s32 v3, v6;
	_ =	sdelay $0x1  }
0x8c: {  	v14 =	vadd.s32 v34, v7  }
0x8d: {  	v8 =	vadd.f32 v13, v52;
	v12 =	vld [tilespmem:s25+$0x50];
	v0 =	vadd.s32 v43, v4  }
0x8e: {  	v24 =	vadd.f32 v26, v50;
	v26 =	vld [tilespmem:s25+$0x20];
	[tilespmem:$0x1FD20] =	vst v0  }
0x8f: {  	v13 =	vadd.f32 v23, v50;
	v42 =	vld [tilespmem:$0x1FE80];
	[tilespmem:v20+s17+$0x0] =	vst.idx.msk $0xffff, v8  }
0x90: {  	v45 =	vld [tilespmem:$0x1FFB0]  }
0x91: {  	v11 =	vadd.f32 v16, v52;
	v16 =	vadd.s32 v36, v19;
	v32 =	vld [tilespmem:$0x1FEA0];
	[tilespmem:v14+s17+$0x0] =	vst.idx.msk $0xffff, v13  }
0x92: {  	v13 =	vadd.s32 v48, v9;
	v48 =	vld [tilespmem:$0x1FE50];
	_ =	sdelay $0x1  }
0x93: {  	v31 =	vld [tilespmem:$0x1FFA0]  }
0x94: {  	v44 =	vmovc v33;
	v25 =	vadd.s32 v33, v22;
	v15 =	vadd.s32 v30, v4;
	v0 =	vadd.s32 v28, v10;
	v33 =	vld [tilespmem:$0x1FE90]  }
0x95: {  	v14 =	vadd.f32 v21, v50;
	v21 =	vadd.f32 v26, v51;
	v26 =	vld [tilespmem:s25+$0xFFFFFF60];
	[tilespmem:v16+s17+$0x0] =	vst.idx.msk $0xffff, v18  }
0x96: {  	v20 =	vadd.s32 v48, v4;
	v4 =	vld [tilespmem:s25+$0x90];
	[tilespmem:$0x1FCF0] =	vst v0  }
0x97: {  	v27 =	vadd.s32 v35, v5;
	v55 =	vadd.s32 v41, v22;
	v22 =	vadd.s32 v59, v22;
	v59 =	vld [tilespmem:s25+$0xFFFFFF10]  }
0x98: {  	s9 =	simm.s32 $0x9;
	v54 =	vadd.s32 v39, v19;
	v12 =	vadd.f32 v12, v50;
	v23 =	vadd.s32 v42, v6  }
0x99: {  	v56 =	vadd.s32 v60, v5;
	v19 =	vadd.s32 v37, v19;
	v16 =	vmovc v41;
	v41 =	vmovc v60;
	v60 =	vmov s9  }
0x9a: {  	s6 =	simm.s32 $0xC;
	v58 =	vadd.s32 v58, v9;
	[tilespmem:v15+s17+$0x0] =	vst.idx.msk $0xffff, v12;
	v15 =	vshrl.u32 v60, $0x3  }
0x9b: {  	s29 =	simm.s32 $0x6800;
	v28 =	vmov s6;
	[tilespmem:v25+s17+$0x0] =	vst.idx.msk $0xffff, v11;
	v15 =	vshll.u32 v15, v17;
	v4 =	vadd.f32 v4, v50  }
0x9c: {  	v9 =	vld [tilespmem:s29+$0xFFFFFF40];
	[tilespmem:v27+s17+$0x0] =	vst.idx.msk $0xffff, v24;
	v27 =	vbroadcast v15, $0x0;
	v15 =	vshrl.u32 v28, $0x3;
	v28 =	vadd.f32 v59, v50  }
0x9d: {  	v12 =	vld [tilespmem:s29+$0xFFFFFF80];
	[tilespmem:v23+s17+$0x0] =	vst.idx.msk $0xffff, v4  }
0x9e: {  	v1 =	vld [tilespmem:s29+$0xC0];
	[tilespmem:v19+s17+$0x0] =	vst.idx.msk $0xffff, v28  }
0x9f: {  	s28 =	simm.s32 $0xA;
	v53 =	vadd.s32 v46, v7;
	v7 =	vadd.s32 v45, v7;
	v0 =	vld [tilespmem:$0x1FF30]  }
0xa0: {  	v61 =	vmov s28;
	v8 =	vadd.s32 v32, v10;
	v24 =	vld [tilespmem:s25+$0xFFFFFFD0]  }
0xa1: {  	v60 =	vshrl.u32 v61, $0x3;
	v11 =	vld [tilespmem:s25+$0x60];
	v15 =	vshll.u32 v15, v17  }
0xa2: {  	s1 =	simm.s32 $0x8;
	v25 =	vshll.u32 v60, v17;
	v60 =	vbroadcast v15, $0x0;
	v15 =	vadd.f32 v26, v51;
	v23 =	vld [tilespmem:s29+$0x0]  }
0xa3: {  	v57 =	vadd.s32 v31, v10;
	v10 =	vmov s1;
	v26 =	vld [tilespmem:s29+$0xFFFFFF00];
	v4 =	vadd.s32 v40, v27  }
0xa4: {  	v10 =	vshrl.u32 v10, $0x3;
	[tilespmem:v7+s17+$0x0] =	vst.idx.msk $0xffff, v15;
	v28 =	vadd.s32 v0, v60;
	v0 =	vld [tilespmem:s25+$0xA0]  }
0xa5: {  	s26 =	simm.s32 $0xE;
	v61 =	vld [tilespmem:s25+$0xFFFFFFA0];
	v19 =	vshll.u32 v10, v17;
	v10 =	vadd.f32 v24, v50;
	[tilespmem:v8+s17+$0x0] =	vst.idx.msk $0xffff, v14  }
0xa6: {  	v6 =	vadd.s32 v33, v6;
	v9 =	vadd.f32 v9, v52;
	v24 =	vld [tilespmem:s25+$0xFFFFFF20];
	v8 =	vmov s26;
	[tilespmem:v13+s17+$0x0] =	vst.idx.msk $0xffff, v21  }
0xa7: {  	v14 =	vld [tilespmem:s29+$0xFFFFFFC0];
	v8 =	vshrl.u32 v8, $0x3;
	[tilespmem:v22+s17+$0x0] =	vst.idx.msk $0xffff, v10;
	v23 =	vadd.f32 v23, v52  }
0xa8: {  	v10 =	vadd.f32 v26, v52;
	v26 =	vbroadcast v19, $0x0;
	v19 =	vld [tilespmem:s25+$0x30];
	[tilespmem:v4+s17+$0x0] =	vst.idx.msk $0xffff, v9;
	v4 =	vshll.u32 v8, v17  }
0xa9: {  	v8 =	vld [tilespmem:s25+$0xFFFFFFE0];
	v7 =	vbroadcast v4, $0x0;
	v4 =	vadd.s32 v34, v27;
	v0 =	vadd.f32 v0, v51;
	[tilespmem:v28+s17+$0x0] =	vst.idx.msk $0xffff, v23  }
0xaa: {  	v9 =	vadd.f32 v12, v52;
	v12 =	vld [tilespmem:s25+$0xE0];
	[tilespmem:$0x1FD10] =	vst v4  }
0xab: {  	v30 =	vbroadcast v25, $0x0;
	[tilespmem:v6+s17+$0x0] =	vst.idx.msk $0xffff, v0  }
0xac: {  	v23 =	vadd.s32 v3, v7;
	v3 =	vld [tilespmem:$0x1FF40]  }
0xad: {  	v25 =	vmov v62;
	v62 =	vadd.s32 v47, v30  }
0xae: {  	s5 =	simm.s32 $0xF  }
0xaf: {  	v18 =	vmov s5  }
0xb0: {  	s10 =	simm.s32 $0xB;
	v18 =	vshrl.u32 v18, $0x3  }
0xb1: {  	v47 =	vmov s10;
	v21 =	vld [tilespmem:s29+$0x40];
	v6 =	vadd.s32 v3, v60;
	v3 =	vadd.f32 v14, v52  }
0xb2: {  	v18 =	vshll.u32 v18, v17;
	v11 =	vadd.f32 v11, v51;
	v15 =	vshrl.u32 v47, $0x3;
	v47 =	vld [tilespmem:$0x1FF60];
	[tilespmem:v62+s17+$0x0] =	vst.idx.msk $0xffff, v9  }
0xb3: {  	v13 =	vbroadcast v18, $0x0;
	v18 =	vld [tilespmem:s29+$0x80];
	[tilespmem:$0x1FD30] =	vst v3  }
0xb4: {  	[tilespmem:v20+s17+$0x0] =	vst.idx.msk $0xffff, v11  }
0xb5: {  	v3 =	vld [tilespmem:$0x1FCD0];
	_ =	sdelay $0x4  }
0xb6: {  	v5 =	vadd.s32 v29, v5;
	v0 =	vshll.u32 v15, v17  }
0xb7: {  	v0 =	vbroadcast v0, $0x0;
	v14 =	vadd.f32 v24, v51  }
0xb8: {  	v59 =	vadd.s32 v46, v27  }
0xb9: {  	s8 =	simm.s32 $0xD;
	v46 =	vmov v63;
	v63 =	vadd.f32 v61, v51;
	v9 =	vld [tilespmem:s29+$0x10];
	[tilespmem:v3+s17+$0x0] =	vst.idx.msk $0xffff, v14;
	v3 =	vadd.s32 v44, v0  }
0xba: {  	v29 =	vmov s8;
	v11 =	vld [tilespmem:s29+$0xFFFFFF50];
	[tilespmem:$0x1FD40] =	vst v3  }
0xbb: {  	v29 =	vshrl.u32 v29, $0x3;
	[tilespmem:v5+s17+$0x0] =	vst.idx.msk $0xffff, v63  }
0xbc: {  	v29 =	vshll.u32 v29, v17;
	v5 =	vld [tilespmem:$0x1FF10]  }
0xbd: {  	v2 =	vbroadcast v29, $0x0;
	v14 =	vld [tilespmem:$0x1FCE0];
	_ =	sdelay $0x1  }
0xbe: {  	v15 =	vadd.s32 v47, v2;
	_ =	sdelay $0x2  }
0xbf: {  	v62 =	vadd.s32 v5, v0;
	v5 =	vadd.f32 v21, v52  }
0xc0: {  	v8 =	vadd.f32 v8, v51  }
0xc1: {  	[tilespmem:v15+s17+$0x0] =	vst.idx.msk $0xffff, v5  }
0xc2: {  	[tilespmem:v14+s17+$0x0] =	vst.idx.msk $0xffff, v8  }
0xc3: {  	v14 =	vld [tilespmem:$0x1FCF0];
	_ =	sdelay $0x1  }
0xc4: {  	v20 =	vadd.s32 v25, v13;
	_ =	sdelay $0x2  }
0xc5: {  	v1 =	vadd.f32 v1, v52  }
0xc6: {  	v8 =	vadd.f32 v12, v51  }
0xc7: {  	v9 =	vadd.f32 v9, v50;
	[tilespmem:v20+s17+$0x0] =	vst.idx.msk $0xffff, v1  }
0xc8: {  	[tilespmem:v14+s17+$0x0] =	vst.idx.msk $0xffff, v8  }
0xc9: {  	v44 =	vld [tilespmem:$0x1FF70];
	[tilespmem:v6+s17+$0x0] =	vst.idx.msk $0xffff, v9  }
0xca: {  	v6 =	vld [tilespmem:$0x1FD00]  }
0xcb: {  	v3 =	vld [tilespmem:s25+$0xB0];
	_ =	sdelay $0x4  }
0xcc: {  	v3 =	vadd.f32 v3, v49;
	_ =	sdelay $0x1  }
0xcd: {  	[tilespmem:v6+s17+$0x0] =	vst.idx.msk $0xffff, v3  }
0xce: {  	v3 =	vld [tilespmem:$0x1FF00];
	_ =	sdelay $0x1  }
0xcf: {  	v12 =	vadd.f32 v18, v52;
	_ =	sdelay $0x1  }
0xd0: {  	[tilespmem:v23+s17+$0x0] =	vst.idx.msk $0xffff, v12  }
0xd1: {  	v15 =	vadd.s32 v16, v0;
	v16 =	vadd.s32 v3, v0;
	v3 =	vld [tilespmem:$0x1FD10];
	_ =	sdelay $0x5  }
0xd2: {  	v11 =	vadd.f32 v11, v50;
	_ =	sdelay $0x1  }
0xd3: {  	v5 =	vld [tilespmem:s29+$0xFFFFFF90];
	[tilespmem:v3+s17+$0x0] =	vst.idx.msk $0xffff, v11  }
0xd4: {  	v11 =	vld [tilespmem:$0x1FD20]  }
0xd5: {  	v18 =	vld [tilespmem:s25+$0x70]  }
0xd6: {  	v28 =	vadd.s32 v35, v30  }
0xd7: {  	v25 =	vld [tilespmem:s29+$0xD0]  }
0xd8: {  	v22 =	vld [tilespmem:s25+$0xF0]  }
0xd9: {  	v5 =	vadd.f32 v5, v50  }
0xda: {  	v29 =	vld [tilespmem:s25+$0xFFFFFFB0];
	v18 =	vadd.f32 v18, v49  }
0xdb: {  	v0 =	vld [tilespmem:s29+$0x50];
	[tilespmem:v28+s17+$0x0] =	vst.idx.msk $0xffff, v5  }
0xdc: {  	v24 =	vld [tilespmem:s25+$0xFFFFFF70];
	[tilespmem:v11+s17+$0x0] =	vst.idx.msk $0xffff, v18  }
0xdd: {  	v28 =	vadd.f32 v22, v49;
	v22 =	vadd.f32 v25, v50;
	v25 =	vld [tilespmem:$0x1FD40]  }
0xde: {  	v1 =	vld [tilespmem:s25+$0xFFFFFFF0]  }
0xdf: {  	v8 =	vadd.s32 v46, v7;
	v46 =	vld [tilespmem:$0x1FF50]  }
0xe0: {  	v61 =	vadd.s32 v39, v26;
	v23 =	vadd.f32 v29, v49;
	v29 =	vadd.f32 v0, v50;
	v0 =	vld [tilespmem:$0x1FD30]  }
0xe1: {  	v4 =	vadd.s32 v36, v26;
	v63 =	vadd.s32 v38, v26;
	v20 =	vadd.f32 v24, v49;
	v11 =	vld [tilespmem:$0x1FED0]  }
0xe2: {  	v14 =	vadd.f32 v19, v49;
	v19 =	vadd.s32 v42, v7;
	v7 =	vadd.s32 v33, v7  }
0xe3: {  	v24 =	vld [tilespmem:s25+$0xFFFFFF30];
	v9 =	vadd.s32 v43, v2;
	v21 =	vadd.s32 v44, v2;
	v2 =	vadd.s32 v48, v2  }
0xe4: {  	v6 =	vadd.s32 v32, v13;
	v12 =	vadd.s32 v41, v30;
	v3 =	vadd.s32 v45, v27;
	v5 =	vld [tilespmem:s29+$0x20]  }
0xe5: {  	s30 =	simm.s32 $0xA720;
	s31 =	simm.s32 $0x10;
	s28 =	simm.s32 $0xC900;
	v27 =	vadd.f32 v1, v49;
	v18 =	vadd.s32 v31, v13;
	[tilespmem:v25+s17+$0x0] =	vst.idx.msk $0xffff, v0;
	v0 =	vld [tilespmem:s29+$0x90]  }
0xe6: {  	s1 =	simm.s32 $0x6A00;
	s26 =	sshllo.u32 s24, $0x1;
	s25 =	sshll.u32 s24, $0x1;
	v48 =	vmovc v44;
	v1 =	vadd.s32 v46, v60;
	v11 =	vadd.s32 v11, v30;
	v25 =	vadd.s32 v37, v26;
	v26 =	vld [tilespmem:s29+$0xFFFFFF60]  }
.LBB2_3:
0xe7: {  	_ =	sdelay $0x2  }
0xe8: {  	[tilespmem:v4+s17+$0x0] =	vst.idx.msk $0xffff, v10;
	v4 =	vadd.f32 v5, v51;
	v5 =	vld [tilespmem:$0x1FFE0];
	_ =	sdelay $0x1  }
0xe9: {  	s5 =	smov.u32 s31  }
0xea: {  	[tilespmem:v57+s17+$0x0] =	vst.idx.msk $0xffff, v28;
	s8 =	sadd.s32 $0x5, s5;
	s9 =	sadd.s32 $0x2, s5;
	v31 =	vld [tilespmem:s29+$0xFFFFFF10]  }
0xeb: {  	s10 =	sadd.s32 $0x7, s31;
	v57 =	vmovc v18;
	v32 =	vld [tilespmem:$0x1FFF0];
	v10 =	vmov s5;
	[tilespmem:v21+s17+$0x0] =	vst.idx.msk $0xffff, v29;
	v18 =	vmov s8;
	v29 =	vmov s9  }
0xec: {  	[tilespmem:v58+s17+$0x0] =	vst.idx.msk $0xffff, v14;
	v24 =	vadd.f32 v24, v49;
	v5 =	vadd.s32 v5, v13;
	v13 =	vmov s10;
	s10 =	sadd.s32 $0x1, s5  }
0xed: {  	v30 =	vld [tilespmem:s1+$0xFFFFFF40];
	[tilespmem:v53+s17+$0x0] =	vst.idx.msk $0xffff, v20;
	v33 =	vshrl.u32 v18, $0x3;
	v18 =	vshrl.u32 v29, $0x3;
	v21 =	vmov s10  }
0xee: {  	s6 =	sadd.s32 $0x4, s5;
	v10 =	vshrl.u32 v10, $0x3;
	v29 =	vld [tilespmem:s29+$0xFFFFFFD0];
	[tilespmem:v55+s17+$0x0] =	vst.idx.msk $0xffff, v27;
	v20 =	vshll.u32 v18, v17;
	v14 =	vshrl.u32 v21, $0x3  }
0xef: {  	v28 =	vmov s6;
	v55 =	vmovc v15;
	[tilespmem:v54+s17+$0x0] =	vst.idx.msk $0xffff, v24;
	v15 =	vadd.f32 v31, v50;
	v14 =	vshll.u32 v14, v17  }
0xf0: {  	v60 =	vadd.s32 v32, v60;
	v24 =	vld [tilespmem:s1+$0xFFFFFF00];
	v18 =	vbroadcast v14, $0x0;
	v14 =	vshrl.u32 v28, $0x3  }
0xf1: {  	[tilespmem:v25+s17+$0x0] =	vst.idx.msk $0xffff, v15;
	v15 =	vshll.u32 v10, v17;
	v10 =	vld [tilespmem:$0x1FF30];
	v14 =	vshll.u32 v14, v17  }
0xf2: {  	v0 =	vadd.f32 v0, v50;
	v58 =	vmovc v60;
	v60 =	vbroadcast v14, $0x0;
	v14 =	vadd.f32 v26, v51;
	v26 =	vld [tilespmem:$0x1FFC0]  }
0xf3: {  	v43 =	vld [tilespmem:s1+$0xFFFFFF80]  }
0xf4: {  	v27 =	vld [tilespmem:s1+$0xC0];
	[tilespmem:v19+s17+$0x0] =	vst.idx.msk $0xffff, v0  }
0xf5: {  	s0 =	sadd.s32 $0x6, s5;
	v19 =	vld [tilespmem:s29+$0xFFFFFFA0];
	[tilespmem:v56+s17+$0x0] =	vst.idx.msk $0xffff, v23  }
0xf6: {  	v23 =	vld [tilespmem:s1+$0x0];
	v25 =	vadd.s32 v10, v60;
	[tilespmem:v3+s17+$0x0] =	vst.idx.msk $0xffff, v14;
	v3 =	vadd.f32 v29, v50;
	v10 =	vmov s0  }
0xf7: {  	v53 =	vmov v59;
	[tilespmem:v6+s17+$0x0] =	vst.idx.msk $0xffff, v22;
	v22 =	vshrl.u32 v10, $0x3;
	v59 =	vadd.s32 v26, v18;
	v26 =	vld [tilespmem:$0x1FFD0]  }
0xf8: {  	v29 =	vld [tilespmem:s1+$0xFFFFFFC0];
	[tilespmem:v16+s17+$0x0] =	vst.idx.msk $0xffff, v3;
	v3 =	vshll.u32 v22, v17  }
0xf9: {  	v32 =	vbroadcast v3, $0x0;
	v3 =	vld [tilespmem:s29+$0xE0]  }
0xfa: {  	v0 =	vbroadcast v20, $0x0  }
0xfb: {  	v31 =	vld [tilespmem:s29+$0xA0]  }
0xfc: {  	v26 =	vadd.s32 v26, v0  }
0xfd: {  	v21 =	vld [tilespmem:s29+$0x60];
	v6 =	vadd.f32 v23, v52  }
0xfe: {  	[tilespmem:v1+s17+$0x0] =	vst.idx.msk $0xffff, v4;
	v20 =	vadd.s32 v40, v18;
	v3 =	vadd.f32 v3, v51  }
0xff: {  	v14 =	vadd.f32 v30, v52;
	v30 =	vbroadcast v15, $0x0;
	v15 =	vadd.f32 v43, v52;
	[tilespmem:v25+s17+$0x0] =	vst.idx.msk $0xffff, v6  }
0x100: {  	s5 =	sadd.s32 $0x3, s5;
	v1 =	vadd.f32 v31, v51;
	[tilespmem:v5+s17+$0x0] =	vst.idx.msk $0xffff, v3;
	v5 =	vld [tilespmem:$0x1FF20]  }
0x101: {  	v28 =	vmov s5;
	[tilespmem:v26+s17+$0x0] =	vst.idx.msk $0xffff, v15;
	v15 =	vld [tilespmem:s1+$0x10]  }
0x102: {  	v56 =	vmov v12;
	v12 =	vshrl.u32 v28, $0x3;
	[tilespmem:v7+s17+$0x0] =	vst.idx.msk $0xffff, v1;
	v21 =	vadd.f32 v21, v51  }
0x103: {  	v1 =	vshll.u32 v12, v17;
	[tilespmem:v20+s17+$0x0] =	vst.idx.msk $0xffff, v14;
	v20 =	vld [tilespmem:s1+$0x40]  }
0x104: {  	v19 =	vadd.f32 v19, v51;
	v1 =	vbroadcast v1, $0x0;
	[tilespmem:v2+s17+$0x0] =	vst.idx.msk $0xffff, v21;
	v2 =	vld [tilespmem:$0x1FEF0]  }
0x105: {  	v31 =	vadd.f32 v29, v52;
	v29 =	vadd.s32 v35, v0;
	v35 =	vld [tilespmem:s1+$0xFFFFFF90]  }
0x106: {  	[tilespmem:v11+s17+$0x0] =	vst.idx.msk $0xffff, v19;
	v11 =	vadd.f32 v15, v50;
	v15 =	vadd.s32 v5, v1;
	v5 =	vld [tilespmem:$0x1FE80];
	_ =	sdelay $0x1  }
0x107: {  	v14 =	vld [tilespmem:s29+$0xFFFFFFE0]  }
0x108: {  	v16 =	vld [tilespmem:s29+$0x30]  }
0x109: {  	v28 =	vshll.u32 v33, v17;
	v33 =	vadd.s32 v2, v1;
	v2 =	vld [tilespmem:$0x1FF10]  }
0x10a: {  	v19 =	vadd.s32 v5, v32;
	v5 =	vld [tilespmem:$0x1FF00];
	_ =	sdelay $0x1  }
0x10b: {  	v4 =	vld [tilespmem:$0x1FE70];
	v25 =	vbroadcast v28, $0x0;
	v14 =	vadd.f32 v14, v51  }
0x10c: {  	v44 =	vld [tilespmem:s29+$0xFFFFFF20]  }
0x10d: {  	v10 =	vadd.f32 v24, v52;
	v24 =	vld [tilespmem:s1+$0x80];
	v12 =	vadd.s32 v47, v25;
	[tilespmem:v62+s17+$0x0] =	vst.idx.msk $0xffff, v14  }
0x10e: {  	v14 =	vadd.f32 v16, v49;
	v2 =	vadd.s32 v2, v1;
	v16 =	vadd.s32 v5, v1;
	v1 =	vld [tilespmem:$0x1FEE0]  }
0x10f: {  	v22 =	vadd.s32 v34, v18;
	v34 =	vld [tilespmem:s29+$0xFFFFFF70]  }
0x110: {  	v28 =	vld [tilespmem:$0x1FF90]  }
0x111: {  	v13 =	vshrl.u32 v13, $0x3;
	v23 =	vadd.s32 v4, v32;
	v4 =	vld [tilespmem:$0x1FF40];
	v20 =	vadd.f32 v20, v52  }
0x112: {  	v13 =	vshll.u32 v13, v17;
	v45 =	vld [tilespmem:s29+$0x70]  }
0x113: {  	v13 =	vbroadcast v13, $0x0;
	[tilespmem:v12+s17+$0x0] =	vst.idx.msk $0xffff, v20;
	v12 =	vadd.s32 v1, v0;
	v1 =	vld [tilespmem:$0x1FE60]  }
0x114: {  	v6 =	vadd.f32 v27, v52;
	v27 =	vld [tilespmem:s1+$0xFFFFFF50];
	v26 =	vadd.f32 v44, v51  }
0x115: {  	v28 =	vadd.s32 v28, v13;
	v3 =	vld [tilespmem:$0x1FF80]  }
0x116: {  	v7 =	vadd.s32 v4, v60;
	[tilespmem:v63+s17+$0x0] =	vst.idx.msk $0xffff, v26;
	v26 =	vld [tilespmem:s29+$0xB0]  }
0x117: {  	v54 =	vmov v61;
	v61 =	vadd.s32 v39, v30;
	v44 =	vmov v39;
	v39 =	vld [tilespmem:s1+$0x50]  }
0x118: {  	v42 =	vmovc v37;
	v37 =	vadd.f32 v45, v49;
	v45 =	vmov v40;
	v40 =	vadd.s32 v1, v25;
	v1 =	vld [tilespmem:$0x1FFB0]  }
0x119: {  	v62 =	vmov v2;
	v2 =	vadd.f32 v27, v50;
	v27 =	vld [tilespmem:s29+$0xFFFFFFF0]  }
0x11a: {  	v43 =	vmov v38;
	v63 =	vadd.s32 v38, v30;
	v38 =	vld [tilespmem:s29+$0xFFFFFFB0];
	[tilespmem:v28+s17+$0x0] =	vst.idx.msk $0xffff, v6  }
0x11b: {  	v26 =	vadd.f32 v26, v49;
	[tilespmem:v7+s17+$0x0] =	vst.idx.msk $0xffff, v11;
	v7 =	vld [tilespmem:s29+$0xF0]  }
0x11c: {  	v3 =	vadd.s32 v3, v32;
	[tilespmem:v22+s17+$0x0] =	vst.idx.msk $0xffff, v2;
	v2 =	vld [tilespmem:$0x1FED0]  }
0x11d: {  	[tilespmem:v8+s17+$0x0] =	vst.idx.msk $0xffff, v26;
	v8 =	vmov v3;
	v3 =	vadd.s32 v1, v18;
	v1 =	vld [tilespmem:$0x1FEA0]  }
0x11e: {  	v41 =	vmov v36;
	v4 =	vadd.s32 v36, v30;
	v36 =	vadd.f32 v24, v52;
	v24 =	vld [tilespmem:s29+$0xFFFFFF30]  }
0x11f: {  	v20 =	vadd.f32 v34, v49;
	v34 =	vadd.f32 v35, v50;
	v35 =	vld [tilespmem:s1+$0xD0]  }
0x120: {  	v28 =	vadd.f32 v7, v49;
	v7 =	vld [tilespmem:$0x1FE90]  }
0x121: {  	v11 =	vadd.s32 v2, v0;
	v0 =	vld [tilespmem:$0x1FE50]  }
0x122: {  	p1 =	slt.u32 s31, $0x78;
	[tilespmem:v9+s17+$0x0] =	vst.idx.msk $0xffff, v37;
	v6 =	vadd.s32 v1, v13;
	v1 =	vld [tilespmem:$0x1FFA0]  }
.Ltmp2:
0x123: {  	v21 =	vadd.s32 v48, v25;
	s29 =	smov.u32 s1;
	[tilespmem:v29+s17+$0x0] =	vst.idx.msk $0xffff, v34;
	v34 =	vld [tilespmem:$0x1FEB0];
	(pc) =	sbr.rel @p1 .LBB2_3-.Ltmp2, $4  }
0x124: {  	v37 =	vmov v42;
	[tilespmem:v33+s17+$0x0] =	vst.idx.msk $0xffff, v31;
	v27 =	vadd.f32 v27, v49;
	v29 =	vadd.f32 v39, v50;
	v26 =	vld [tilespmem:s29+$0xFFFFFF60]  }
0x125: {  	v39 =	vmov v44;
	[tilespmem:v23+s17+$0x0] =	vst.idx.msk $0xffff, v36;
	v23 =	vadd.f32 v38, v49;
	v22 =	vadd.f32 v35, v50;
	v35 =	vld [tilespmem:$0x1FEC0]  }
0x126: {  	v36 =	vmovc v41;
	v5 =	vld [tilespmem:s1+$0x20];
	v7 =	vadd.s32 v7, v32;
	v2 =	vadd.s32 v0, v25;
	v25 =	vadd.s32 v42, v30  }
0x127: {  	s31 =	sadd.s32 $0x8, s31;
	v38 =	vmovc v43;
	v0 =	vld [tilespmem:s1+$0x90];
	s1 =	sadd.s32 $0x200, s1;
	v9 =	vmovc v40;
	v40 =	vmov v45;
	v18 =	vadd.s32 v1, v13;
	v1 =	vadd.s32 v46, v60  }
0x128: {  	_ =	sdelay $0x3  }
0x129: {  	[tilespmem:v4+s17+$0x0] =	vst.idx.msk $0xffff, v10  }
0x12a: {  	[tilespmem:v57+s17+$0x0] =	vst.idx.msk $0xffff, v28  }
0x12b: {  	[tilespmem:v21+s17+$0x0] =	vst.idx.msk $0xffff, v29  }
0x12c: {  	[tilespmem:v58+s17+$0x0] =	vst.idx.msk $0xffff, v14  }
0x12d: {  	[tilespmem:v53+s17+$0x0] =	vst.idx.msk $0xffff, v20  }
0x12e: {  	[tilespmem:v6+s17+$0x0] =	vst.idx.msk $0xffff, v22  }
0x12f: {  	v4 =	vld [tilespmem:s29+$0xFFFFFFD0];
	[tilespmem:v55+s17+$0x0] =	vst.idx.msk $0xffff, v27;
	v0 =	vadd.f32 v0, v50  }
0x130: {  	[tilespmem:v56+s17+$0x0] =	vst.idx.msk $0xffff, v23  }
0x131: {  	v10 =	vld [tilespmem:s29+$0xFFFFFF10];
	[tilespmem:v19+s17+$0x0] =	vst.idx.msk $0xffff, v0  }
0x132: {  	v28 =	vld [tilespmem:$0x1FFE0]  }
0x133: {  	v0 =	vld [tilespmem:s29+$0xA0]  }
0x134: {  	v53 =	vld [tilespmem:s29+$0x60];
	v4 =	vadd.f32 v4, v50  }
0x135: {  	v6 =	vld [tilespmem:s29+$0xE0];
	v5 =	vadd.f32 v5, v51  }
0x136: {  	v19 =	vadd.f32 v24, v49;
	[tilespmem:v16+s17+$0x0] =	vst.idx.msk $0xffff, v4  }
0x137: {  	v10 =	vadd.f32 v10, v50;
	[tilespmem:v1+s17+$0x0] =	vst.idx.msk $0xffff, v5;
	v4 =	vld [tilespmem:s29+$0xFFFFFFE0];
	v13 =	vadd.s32 v28, v13  }
0x138: {  	[tilespmem:v54+s17+$0x0] =	vst.idx.msk $0xffff, v19;
	v0 =	vadd.f32 v0, v51  }
0x139: {  	v57 =	vadd.f32 v53, v51;
	[tilespmem:v25+s17+$0x0] =	vst.idx.msk $0xffff, v10  }
0x13a: {  	v58 =	vld [tilespmem:s29+$0xFFFFFF20];
	[tilespmem:v7+s17+$0x0] =	vst.idx.msk $0xffff, v0;
	v0 =	vadd.f32 v6, v51  }
0x13b: {  	v16 =	vld [tilespmem:s29+$0xFFFFFFA0];
	[tilespmem:v2+s17+$0x0] =	vst.idx.msk $0xffff, v57;
	v6 =	vadd.f32 v26, v51  }
0x13c: {  	v7 =	vld [tilespmem:s29+$0x70];
	[tilespmem:v13+s17+$0x0] =	vst.idx.msk $0xffff, v0;
	v0 =	vadd.f32 v4, v51  }
0x13d: {  	v2 =	vld [tilespmem:s29+$0xB0];
	[tilespmem:v3+s17+$0x0] =	vst.idx.msk $0xffff, v6  }
0x13e: {  	v4 =	vld [tilespmem:s29+$0x30];
	[tilespmem:v62+s17+$0x0] =	vst.idx.msk $0xffff, v0  }
0x13f: {  	v5 =	vadd.f32 v58, v51;
	v58 =	vld [tilespmem:$0x1FFF0]  }
0x140: {  	v6 =	vld [tilespmem:s29+$0xFFFFFF70]  }
0x141: {  	v3 =	vadd.f32 v16, v51;
	v1 =	vld [tilespmem:s29+$0xF0];
	_ =	sdelay $0x1  }
0x142: {  	[tilespmem:v11+s17+$0x0] =	vst.idx.msk $0xffff, v3;
	v2 =	vadd.f32 v2, v49;
	v3 =	vld [tilespmem:s29+$0xFFFFFFF0]  }
0x143: {  	v7 =	vadd.f32 v7, v49;
	[tilespmem:v63+s17+$0x0] =	vst.idx.msk $0xffff, v5;
	v5 =	vld [tilespmem:s29+$0xFFFFFFB0];
	v0 =	vadd.s32 v58, v60  }
0x144: {  	v63 =	vld [tilespmem:s29+$0xFFFFFF30];
	[tilespmem:v8+s17+$0x0] =	vst.idx.msk $0xffff, v2;
	v2 =	vadd.f32 v4, v49;
	v4 =	vadd.f32 v6, v49  }
0x145: {  	[tilespmem:v9+s17+$0x0] =	vst.idx.msk $0xffff, v7;
	v1 =	vadd.f32 v1, v49  }
0x146: {  	[tilespmem:v59+s17+$0x0] =	vst.idx.msk $0xffff, v4  }
0x147: {  	[tilespmem:v18+s17+$0x0] =	vst.idx.msk $0xffff, v1;
	v1 =	vadd.f32 v3, v49  }
0x148: {  	[tilespmem:v0+s17+$0x0] =	vst.idx.msk $0xffff, v2;
	v0 =	vadd.f32 v5, v49  }
0x149: {  	[tilespmem:v15+s17+$0x0] =	vst.idx.msk $0xffff, v1;
	v2 =	vadd.f32 v63, v49  }
0x14a: {  	[tilespmem:v12+s17+$0x0] =	vst.idx.msk $0xffff, v0  }
0x14b: {  	[tilespmem:v61+s17+$0x0] =	vst.idx.msk $0xffff, v2  }
0x14c: {  	v0 =	vld [tilespmem:s30+$0x198]  }
0x14d: {  	v1 =	vld [tilespmem:s30+$0xFFFFFE68]  }
0x14e: {  	v2 =	vld [tilespmem:s30+$0xFFFFFEF0]  }
0x14f: {  	v3 =	vld [tilespmem:s30+$0xFFFFFF78]  }
0x150: {  	v4 =	vld [tilespmem:s30+$0x0]  }
0x151: {  	v5 =	vld [tilespmem:s30+$0x88];
	[tilespmem:s28+$0x180] =	vst v0  }
0x152: {  	[tilespmem:s28+$0xFFFFFE80] =	vst v1;
	v1 =	vld [tilespmem:s30+$0x110]  }
0x153: {  	[tilespmem:s28+$0xFFFFFF00] =	vst v2;
	v2 =	vld [tilespmem:s30+$0xFFFFFDE0]  }
0x154: {  	[tilespmem:s28+$0xFFFFFF80] =	vst v3;
	v0 =	vld [tilespmem:s30+$0x1A8]  }
0x155: {  	[tilespmem:s28+$0x0] =	vst v4;
	v3 =	vld [tilespmem:s30+$0xFFFFFE78]  }
0x156: {  	[tilespmem:s28+$0x80] =	vst v5;
	v4 =	vld [tilespmem:s30+$0xFFFFFF00]  }
0x157: {  	v5 =	vld [tilespmem:s30+$0xFFFFFF88];
	[tilespmem:s28+$0x100] =	vst v1  }
0x158: {  	[tilespmem:s28+$0xFFFFFE00] =	vst v2;
	v1 =	vld [tilespmem:s30+$0x10]  }
0x159: {  	[tilespmem:s28+$0x190] =	vst v0;
	v2 =	vld [tilespmem:s30+$0xFFFFFDF0]  }
0x15a: {  	[tilespmem:s28+$0xFFFFFE90] =	vst v3;
	v3 =	vld [tilespmem:s30+$0x98]  }
0x15b: {  	[tilespmem:s28+$0xFFFFFF10] =	vst v4;
	v0 =	vld [tilespmem:s30+$0x1B8]  }
0x15c: {  	[tilespmem:s28+$0xFFFFFF90] =	vst v5;
	v4 =	vld [tilespmem:s30+$0x120]  }
0x15d: {  	v5 =	vld [tilespmem:s30+$0xFFFFFE88];
	[tilespmem:s28+$0x10] =	vst v1  }
0x15e: {  	v1 =	vld [tilespmem:s30+$0xFFFFFF10];
	[tilespmem:s28+$0xFFFFFE10] =	vst v2  }
0x15f: {  	[tilespmem:s28+$0x90] =	vst v3;
	v3 =	vld [tilespmem:s30+$0xFFFFFF98]  }
0x160: {  	[tilespmem:s28+$0x1A0] =	vst v0;
	v2 =	vld [tilespmem:s30+$0xFFFFFE00]  }
0x161: {  	[tilespmem:s28+$0x110] =	vst v4;
	v0 =	vld [tilespmem:s30+$0x1C8]  }
0x162: {  	v4 =	vld [tilespmem:s30+$0x20];
	[tilespmem:s28+$0xFFFFFEA0] =	vst v5  }
0x163: {  	v5 =	vld [tilespmem:s30+$0xA8];
	[tilespmem:s28+$0xFFFFFF20] =	vst v1  }
0x164: {  	v1 =	vld [tilespmem:s30+$0x130];
	[tilespmem:s28+$0xFFFFFFA0] =	vst v3  }
0x165: {  	v3 =	vld [tilespmem:s30+$0xFFFFFE98];
	[tilespmem:s28+$0xFFFFFE20] =	vst v2  }
0x166: {  	[tilespmem:s28+$0x1B0] =	vst v0;
	v2 =	vld [tilespmem:s30+$0xFFFFFE10]  }
0x167: {  	[tilespmem:s28+$0x20] =	vst v4;
	v0 =	vld [tilespmem:s30+$0x1D8]  }
0x168: {  	v4 =	vld [tilespmem:s30+$0xFFFFFF20];
	[tilespmem:s28+$0xA0] =	vst v5  }
0x169: {  	v5 =	vld [tilespmem:s30+$0xFFFFFFA8];
	[tilespmem:s28+$0x120] =	vst v1  }
0x16a: {  	v1 =	vld [tilespmem:s30+$0x30];
	[tilespmem:s28+$0xFFFFFEB0] =	vst v3  }
0x16b: {  	v3 =	vld [tilespmem:s30+$0x140];
	[tilespmem:s28+$0xFFFFFE30] =	vst v2  }
0x16c: {  	v2 =	vld [tilespmem:s30+$0xB8];
	[tilespmem:s28+$0x1C0] =	vst v0  }
0x16d: {  	[tilespmem:s28+$0xFFFFFF30] =	vst v4;
	v0 =	vld [tilespmem:s30+$0x1E8]  }
0x16e: {  	[tilespmem:s28+$0xFFFFFFB0] =	vst v5;
	v5 =	vld [tilespmem:s30+$0xFFFFFEA8]  }
0x16f: {  	v4 =	vld [tilespmem:s30+$0xFFFFFE20];
	[tilespmem:s28+$0x30] =	vst v1  }
0x170: {  	v1 =	vld [tilespmem:s30+$0xFFFFFF30];
	[tilespmem:s28+$0x130] =	vst v3  }
0x171: {  	v3 =	vld [tilespmem:s30+$0x40];
	[tilespmem:s28+$0xB0] =	vst v2  }
0x172: {  	v2 =	vld [tilespmem:s30+$0xFFFFFFB8];
	[tilespmem:s28+$0x1D0] =	vst v0  }
0x173: {  	[tilespmem:s28+$0xFFFFFEC0] =	vst v5;
	v0 =	vld [tilespmem:s30+$0x1F8]  }
0x174: {  	v5 =	vld [tilespmem:s30+$0x150];
	[tilespmem:s28+$0xFFFFFE40] =	vst v4  }
0x175: {  	v4 =	vld [tilespmem:s30+$0xC8];
	[tilespmem:s28+$0xFFFFFF40] =	vst v1  }
0x176: {  	v1 =	vld [tilespmem:s30+$0xFFFFFE30];
	[tilespmem:s28+$0x40] =	vst v3  }
0x177: {  	[tilespmem:s28+$0xFFFFFFC0] =	vst v2;
	v2 =	vld [tilespmem:s30+$0xFFFFFEB8]  }
0x178: {  	v3 =	vld [tilespmem:s30+$0xFFFFFF40];
	[tilespmem:s28+$0x1E0] =	vst v0  }
0x179: {  	[tilespmem:s28+$0x140] =	vst v5;
	v0 =	vld [tilespmem:s30+$0x208]  }
0x17a: {  	v5 =	vld [tilespmem:s30+$0x50];
	[tilespmem:s28+$0xC0] =	vst v4  }
0x17b: {  	v4 =	vld [tilespmem:s30+$0xFFFFFFC8];
	[tilespmem:s28+$0xFFFFFE50] =	vst v1  }
0x17c: {  	v1 =	vld [tilespmem:s30+$0x160];
	[tilespmem:s28+$0xFFFFFED0] =	vst v2  }
0x17d: {  	[tilespmem:s28+$0xFFFFFF50] =	vst v3;
	v3 =	vld [tilespmem:s30+$0xFFFFFEC8]  }
0x17e: {  	[tilespmem:s28+$0x1F0] =	vst v0;
	v0 =	vld [tilespmem:s30+$0xD8]  }
0x17f: {  	[tilespmem:s28+$0x50] =	vst v5;
	v2 =	vld [tilespmem:s30+$0xFFFFFE40]  }
0x180: {  	v6 =	vld [tilespmem:s30+$0x60];
	[tilespmem:s28+$0xFFFFFFD0] =	vst v4  }
0x181: {  	v4 =	vld [tilespmem:s30+$0xFFFFFF50];
	[tilespmem:s28+$0x150] =	vst v1  }
0x182: {  	v5 =	vld [tilespmem:s30+$0xFFFFFFD8];
	[tilespmem:s28+$0xFFFFFEE0] =	vst v3  }
0x183: {  	v3 =	vld [tilespmem:s30+$0x170];
	[tilespmem:s28+$0xD0] =	vst v0  }
0x184: {  	[tilespmem:s28+$0xFFFFFE60] =	vst v2;
	v2 =	vld [tilespmem:s30+$0xE8]  }
0x185: {  	[tilespmem:s28+$0x60] =	vst v6;
	v7 =	vld [tilespmem:s30+$0xFFFFFE50]  }
0x186: {  	[tilespmem:s28+$0xFFFFFF60] =	vst v4;
	v4 =	vld [tilespmem:s30+$0xFFFFFED8]  }
0x187: {  	[tilespmem:s28+$0xFFFFFFE0] =	vst v5;
	v0 =	vld [tilespmem:s30+$0xFFFFFF60]  }
0x188: {  	v1 =	vld [tilespmem:s30+$0xFFFFFFE8];
	[tilespmem:s28+$0x160] =	vst v3  }
0x189: {  	[tilespmem:s28+$0xE0] =	vst v2;
	v2 =	vld [tilespmem:s30+$0x70]  }
0x18a: {  	[tilespmem:s28+$0xFFFFFE70] =	vst v7;
	v3 =	vld [tilespmem:s30+$0xF8]  }
0x18b: {  	s1 =	simm.s32 $0x0;
	s29 =	simm.s32 $0xAB60;
	[tilespmem:s28+$0xFFFFFEF0] =	vst v4;
	v4 =	vld [tilespmem:s30+$0x180]  }
.LBB2_5:
0x18c: {  	v5 =	vld [tilespmem:s29+$0x198];
	s1 =	sadd.s32 $0x8, s1;
	[tilespmem:s28+$0xFFFFFF70] =	vst v0  }
0x18d: {  	v0 =	vld [tilespmem:s29+$0xFFFFFE68];
	p1 =	slt.u32 s1, $0x38;
	[tilespmem:s28+$0xFFFFFFF0] =	vst v1  }
0x18e: {  	v1 =	vld [tilespmem:s29+$0xFFFFFEF0];
	[tilespmem:s28+$0x70] =	vst v2  }
0x18f: {  	v2 =	vld [tilespmem:s29+$0xFFFFFF78];
	[tilespmem:s28+$0xF0] =	vst v3  }
0x190: {  	v3 =	vld [tilespmem:s29+$0x0];
	[tilespmem:s28+$0x170] =	vst v4;
	s28 =	sadd.s32 $0x400, s28  }
0x191: {  	v4 =	vld [tilespmem:s29+$0x88];
	[tilespmem:s28+$0x180] =	vst v5  }
0x192: {  	[tilespmem:s28+$0xFFFFFE80] =	vst v0;
	v0 =	vld [tilespmem:s29+$0x1A8]  }
0x193: {  	[tilespmem:s28+$0xFFFFFF00] =	vst v1;
	v1 =	vld [tilespmem:s29+$0x110]  }
0x194: {  	v5 =	vld [tilespmem:s29+$0xFFFFFDE0];
	[tilespmem:s28+$0xFFFFFF80] =	vst v2  }
0x195: {  	v2 =	vld [tilespmem:s29+$0xFFFFFE78];
	[tilespmem:s28+$0x0] =	vst v3  }
0x196: {  	v3 =	vld [tilespmem:s29+$0xFFFFFF00];
	[tilespmem:s28+$0x80] =	vst v4  }
0x197: {  	v4 =	vld [tilespmem:s29+$0xFFFFFF88];
	[tilespmem:s28+$0x190] =	vst v0  }
0x198: {  	[tilespmem:s28+$0x100] =	vst v1;
	v0 =	vld [tilespmem:s29+$0x1B8]  }
0x199: {  	[tilespmem:s28+$0xFFFFFE00] =	vst v5;
	v1 =	vld [tilespmem:s29+$0x10]  }
0x19a: {  	v5 =	vld [tilespmem:s29+$0xFFFFFDF0];
	[tilespmem:s28+$0xFFFFFE90] =	vst v2  }
0x19b: {  	[tilespmem:s28+$0xFFFFFF10] =	vst v3;
	v2 =	vld [tilespmem:s29+$0x98]  }
0x19c: {  	[tilespmem:s28+$0xFFFFFF90] =	vst v4;
	v3 =	vld [tilespmem:s29+$0x120]  }
0x19d: {  	v4 =	vld [tilespmem:s29+$0xFFFFFE88];
	[tilespmem:s28+$0x1A0] =	vst v0  }
0x19e: {  	[tilespmem:s28+$0x10] =	vst v1;
	v0 =	vld [tilespmem:s29+$0x1C8]  }
0x19f: {  	[tilespmem:s28+$0xFFFFFE10] =	vst v5;
	v1 =	vld [tilespmem:s29+$0xFFFFFF10]  }
0x1a0: {  	v5 =	vld [tilespmem:s29+$0xFFFFFE00];
	[tilespmem:s28+$0x90] =	vst v2  }
0x1a1: {  	v2 =	vld [tilespmem:s29+$0xFFFFFF98];
	[tilespmem:s28+$0x110] =	vst v3  }
0x1a2: {  	[tilespmem:s28+$0xFFFFFEA0] =	vst v4;
	v3 =	vld [tilespmem:s29+$0x20]  }
0x1a3: {  	v4 =	vld [tilespmem:s29+$0xA8];
	[tilespmem:s28+$0x1B0] =	vst v0  }
0x1a4: {  	[tilespmem:s28+$0xFFFFFF20] =	vst v1;
	v0 =	vld [tilespmem:s29+$0x1D8]  }
0x1a5: {  	[tilespmem:s28+$0xFFFFFE20] =	vst v5;
	v1 =	vld [tilespmem:s29+$0x130]  }
0x1a6: {  	v5 =	vld [tilespmem:s29+$0xFFFFFE10];
	[tilespmem:s28+$0xFFFFFFA0] =	vst v2  }
0x1a7: {  	v2 =	vld [tilespmem:s29+$0xFFFFFE98];
	[tilespmem:s28+$0x20] =	vst v3  }
0x1a8: {  	v3 =	vld [tilespmem:s29+$0xFFFFFF20];
	[tilespmem:s28+$0xA0] =	vst v4  }
0x1a9: {  	v4 =	vld [tilespmem:s29+$0xFFFFFFA8];
	[tilespmem:s28+$0x1C0] =	vst v0  }
0x1aa: {  	[tilespmem:s28+$0x120] =	vst v1;
	v0 =	vld [tilespmem:s29+$0x1E8]  }
0x1ab: {  	[tilespmem:s28+$0xFFFFFE30] =	vst v5;
	v1 =	vld [tilespmem:s29+$0x30]  }
0x1ac: {  	[tilespmem:s28+$0xFFFFFEB0] =	vst v2;
	v2 =	vld [tilespmem:s29+$0xB8]  }
0x1ad: {  	[tilespmem:s28+$0xFFFFFF30] =	vst v3;
	v3 =	vld [tilespmem:s29+$0x140]  }
0x1ae: {  	v5 =	vld [tilespmem:s29+$0xFFFFFE20];
	[tilespmem:s28+$0xFFFFFFB0] =	vst v4  }
0x1af: {  	v4 =	vld [tilespmem:s29+$0xFFFFFEA8];
	[tilespmem:s28+$0x1D0] =	vst v0  }
0x1b0: {  	[tilespmem:s28+$0x30] =	vst v1;
	v0 =	vld [tilespmem:s29+$0x1F8]  }
0x1b1: {  	v1 =	vld [tilespmem:s29+$0xFFFFFF30];
	[tilespmem:s28+$0xB0] =	vst v2  }
0x1b2: {  	v2 =	vld [tilespmem:s29+$0xFFFFFFB8];
	[tilespmem:s28+$0x130] =	vst v3  }
0x1b3: {  	[tilespmem:s28+$0xFFFFFE40] =	vst v5;
	v3 =	vld [tilespmem:s29+$0x40]  }
0x1b4: {  	[tilespmem:s28+$0xFFFFFEC0] =	vst v4;
	v4 =	vld [tilespmem:s29+$0xC8]  }
0x1b5: {  	v5 =	vld [tilespmem:s29+$0x150];
	[tilespmem:s28+$0x1E0] =	vst v0  }
0x1b6: {  	[tilespmem:s28+$0xFFFFFF40] =	vst v1;
	v0 =	vld [tilespmem:s29+$0x208]  }
0x1b7: {  	v1 =	vld [tilespmem:s29+$0xFFFFFE30];
	[tilespmem:s28+$0xFFFFFFC0] =	vst v2  }
0x1b8: {  	v2 =	vld [tilespmem:s29+$0xFFFFFEB8];
	[tilespmem:s28+$0x40] =	vst v3  }
0x1b9: {  	v3 =	vld [tilespmem:s29+$0xFFFFFF40];
	[tilespmem:s28+$0xC0] =	vst v4  }
0x1ba: {  	v4 =	vld [tilespmem:s29+$0xFFFFFFC8];
	[tilespmem:s28+$0x140] =	vst v5  }
0x1bb: {  	v5 =	vld [tilespmem:s29+$0x50];
	[tilespmem:s28+$0x1F0] =	vst v0  }
0x1bc: {  	[tilespmem:s28+$0xFFFFFE50] =	vst v1;
	v0 =	vld [tilespmem:s29+$0xD8]  }
0x1bd: {  	[tilespmem:s28+$0xFFFFFED0] =	vst v2;
	v1 =	vld [tilespmem:s29+$0x160]  }
0x1be: {  	v2 =	vld [tilespmem:s29+$0xFFFFFE40];
	[tilespmem:s28+$0xFFFFFF50] =	vst v3  }
0x1bf: {  	v3 =	vld [tilespmem:s29+$0xFFFFFEC8];
	[tilespmem:s28+$0xFFFFFFD0] =	vst v4  }
0x1c0: {  	v4 =	vld [tilespmem:s29+$0xFFFFFF50];
	[tilespmem:s28+$0x50] =	vst v5  }
0x1c1: {  	v5 =	vld [tilespmem:s29+$0xFFFFFFD8];
	[tilespmem:s28+$0xD0] =	vst v0  }
0x1c2: {  	v6 =	vld [tilespmem:s29+$0x60];
	[tilespmem:s28+$0x150] =	vst v1  }
0x1c3: {  	[tilespmem:s28+$0xFFFFFE60] =	vst v2;
	v2 =	vld [tilespmem:s29+$0xE8]  }
0x1c4: {  	[tilespmem:s28+$0xFFFFFEE0] =	vst v3;
	v3 =	vld [tilespmem:s29+$0x170]  }
0x1c5: {  	v7 =	vld [tilespmem:s29+$0xFFFFFE50];
	[tilespmem:s28+$0xFFFFFF60] =	vst v4  }
0x1c6: {  	v4 =	vld [tilespmem:s29+$0xFFFFFED8];
	[tilespmem:s28+$0xFFFFFFE0] =	vst v5  }
.Ltmp3:
0x1c7: {  	v0 =	vld [tilespmem:s29+$0xFFFFFF60];
	[tilespmem:s28+$0x60] =	vst v6;
	(pc) =	sbr.rel @p1 .LBB2_5-.Ltmp3, $4  }
0x1c8: {  	v1 =	vld [tilespmem:s29+$0xFFFFFFE8];
	[tilespmem:s28+$0xE0] =	vst v2  }
0x1c9: {  	v2 =	vld [tilespmem:s29+$0x70];
	[tilespmem:s28+$0x160] =	vst v3  }
0x1ca: {  	[tilespmem:s28+$0xFFFFFE70] =	vst v7;
	v3 =	vld [tilespmem:s29+$0xF8]  }
0x1cb: {  	[tilespmem:s28+$0xFFFFFEF0] =	vst v4;
	v4 =	vld [tilespmem:s29+$0x180];
	s29 =	sadd.s32 $0x440, s29  }
0x1cc: {  	[tilespmem:s28+$0xFFFFFF70] =	vst v0  }
0x1cd: {  	[tilespmem:s28+$0xFFFFFFF0] =	vst v1  }
0x1ce: {  	[tilespmem:s28+$0x70] =	vst v2  }
0x1cf: {  	[tilespmem:s28+$0xF0] =	vst v3  }
0x1d0: {  	[tilespmem:s28+$0x170] =	vst v4  }
0x1d1: {  	v46 =	vld [tilespmem:$0x1FF60]  }
0x1d2: {  	v32 =	vld [tilespmem:$0x1FE50]  }
0x1d3: {  	p1 =	sne.s32 s24, $0x63;
	v30 =	vld [tilespmem:$0x1FE60]  }
.Ltmp4:
0x1d4: {  	s0 =	sshll.u32 s24, $0x13;
	v21 =	vld [tilespmem:$0x1FE70];
	(pc) =	sbr.rel @p1 .LBB2_8-.Ltmp4, $4  }
0x1d5: {  	s0 =	sor.u32 s7, s0;
	v31 =	vld [tilespmem:$0x1FE80]  }
0x1d6: {  	s0 =	sshrl.u32 s0, $0x3;
	v29 =	vld [tilespmem:$0x1FF80]  }
0x1d7: {  	s0 =	sadd.s32 s2, s0;
	v20 =	vld [tilespmem:$0x1FF90]  }
0x1d8: {  	[hbm4b:s0+s18] =	stream.strided.scatter [tilespmem:s20], [sflag:$0x2], $0x2000, s19, s18, $0x38;
	v33 =	vld [tilespmem:$0x1FEA0]  }
.Ltmp5:
0x1d9: {  	(pc) =	sbr.rel .LBB2_9-.Ltmp5, $4  }
0x1da: {  	_ = 	snop  }
0x1db: {  	_ =	swait.ge [sflag:s16], $0x2000  }
0x1dc: {  	[sflag:s16] =	ssyncset.done $0x0  }
0x1dd: {  	[sflag:s16] =	ssyncadd.s32 $0xFFFFE000  }
.LBB2_8:
0x1de: {  	v1 =	vld [tilespmem:$0x1FE30];
	_ =	sdelay $0x3  }
0x1df: {  	s0 =	sadd.s32 $0x2, s25  }
0x1e0: {  	v0 =	vmov s0;
	v1 =	vadd.s32 s0, v1  }
0x1e1: {  	v2 =	vld [tilespmem:$0x1FD50];
	v0 =	vand.u32 $0x6, v0;
	v1 =	vand.u32 $0x1FF8, v1  }
0x1e2: {  	v1 =	vor.u32 v0, v1;
	_ =	sdelay $0x3  }
0x1e3: {  	v57 =	vld [tilespmem:$0x1FD60];
	v2 =	vadd.s32 s0, v2  }
0x1e4: {  	v2 =	vand.u32 $0x3FF8, v2;
	v1 =	vld.idx.msk [tilespmem:v1+s3+$0x0], $0xffff  }
0x1e5: {  	v2 =	vor.u32 v0, v2;
	_ =	sdelay $0x3  }
0x1e6: {  	v59 =	vld [tilespmem:$0x1FD70];
	[tilespmem:$0x6400] =	vst v1;
	v1 =	vadd.s32 s0, v57  }
0x1e7: {  	v2 =	vld.idx.msk [tilespmem:v2+s3+$0x0], $0xffff;
	v1 =	vand.u32 $0x7FF8, v1  }
0x1e8: {  	v1 =	vor.u32 v0, v1;
	_ =	sdelay $0x3  }
0x1e9: {  	v60 =	vld [tilespmem:$0x1FD80];
	[tilespmem:$0x6410] =	vst v2;
	v2 =	vadd.s32 s0, v59  }
0x1ea: {  	v1 =	vld.idx.msk [tilespmem:v1+s3+$0x0], $0xffff;
	v2 =	vand.u32 $0x7FF8, v2  }
0x1eb: {  	v2 =	vor.u32 v0, v2;
	_ =	sdelay $0x3  }
0x1ec: {  	v61 =	vld [tilespmem:$0x1FD90];
	[tilespmem:$0x6420] =	vst v1;
	v1 =	vadd.s32 s0, v60  }
0x1ed: {  	v2 =	vld.idx.msk [tilespmem:v2+s3+$0x0], $0xffff;
	v1 =	vand.u32 $0x7FF8, v1  }
0x1ee: {  	v1 =	vor.u32 v0, v1;
	_ =	sdelay $0x3  }
0x1ef: {  	v62 =	vld [tilespmem:$0x1FDA0];
	[tilespmem:$0x6430] =	vst v2;
	v2 =	vadd.s32 s0, v61  }
0x1f0: {  	v1 =	vld.idx.msk [tilespmem:v1+s3+$0x0], $0xffff;
	v2 =	vand.u32 $0xFFF8, v2  }
0x1f1: {  	v2 =	vor.u32 v0, v2;
	_ =	sdelay $0x3  }
0x1f2: {  	v63 =	vld [tilespmem:$0x1FDB0];
	[tilespmem:$0x6440] =	vst v1;
	v1 =	vadd.s32 s0, v62  }
0x1f3: {  	v2 =	vld.idx.msk [tilespmem:v2+s3+$0x0], $0xffff;
	v1 =	vand.u32 $0x7FF8, v1  }
0x1f4: {  	v1 =	vor.u32 v0, v1;
	_ =	sdelay $0x3  }
0x1f5: {  	[tilespmem:$0x6450] =	vst v2;
	v2 =	vadd.s32 s0, v63  }
0x1f6: {  	v1 =	vld.idx.msk [tilespmem:v1+s3+$0x0], $0xffff;
	v2 =	vand.u32 $0xFFF8, v2  }
0x1f7: {  	v0 =	vor.u32 v0, v2;
	_ =	sdelay $0x3  }
0x1f8: {  	[tilespmem:$0x6460] =	vst v1  }
0x1f9: {  	v0 =	vld.idx.msk [tilespmem:v0+s3+$0x0], $0xffff;
	_ =	sdelay $0x4  }
.Ltmp6:
0x1fa: {  	[tilespmem:$0x6470] =	vst v0;
	(pc) =	sbr.rel @p0 .LBB2_10-.Ltmp6, $4  }
0x1fb: {  	[tilespmem:s13], [sflag:$0x1] =	stream.indirect.gather [hbm4b:s4+s11], $0x40, s12, s11, $0xb8;
	[tilespmem:$0x13900] =	vst v63  }
0x1fc: {  	_ =	swait.ge [sflag:s16], $0x2000  }
0x1fd: {  	[sflag:s16] =	ssyncset.done $0x0  }
0x1fe: {  	[sflag:s16] =	ssyncadd.s32 $0xFFFFE000  }
.LBB2_9:
0x1ff: {  	_ =	swait.ge [sflag:s21], $0x2000  }
0x200: {  	[sflag:s21] =	ssyncset.done $0x0  }
0x201: {  	[sflag:s21] =	ssyncadd.s32 $0xFFFFE000  }
.LBB2_10:
0x202: {  	s6 =	simm.s32 $0x1;
	v63 =	vld [tilespmem:$0x1FFD0]  }
0x203: {  	s10 =	simm.s32 $0x4;
	s28 =	simm.s32 $0x8600;
	v61 =	vld [tilespmem:$0x1FF30];
	v3 =	vmov s6  }
0x204: {  	s0 =	sshll.u32 s26, $0x6;
	s9 =	simm.s32 $0x2;
	v2 =	vmov s10;
	v6 =	vld [tilespmem:s28+$0xFFFFFF40];
	v3 =	vshrl.u32 v3, $0x3  }
0x205: {  	s0 =	sand.u32 $0x3FFFFFC0, s0;
	v5 =	vmov s9;
	v10 =	vld [tilespmem:s28+$0xFFFFFF80];
	v2 =	vshrl.u32 v2, $0x3;
	v3 =	vshll.u32 v3, v17  }
0x206: {  	v52 =	vld [tilespmem:s0+$0x10700];
	v5 =	vshrl.u32 v5, $0x3;
	v2 =	vshll.u32 v2, v17;
	v7 =	vbroadcast v3, $0x0  }
0x207: {  	s1 =	simm.s32 $0x0;
	v5 =	vshll.u32 v5, v17;
	v3 =	vld [tilespmem:s28+$0x0];
	v9 =	vbroadcast v2, $0x0  }
0x208: {  	s5 =	simm.s32 $0x7;
	v0 =	vmov s1;
	v5 =	vbroadcast v5, $0x0;
	v2 =	vld [tilespmem:s28+$0xFFFFFF00];
	v8 =	vadd.s32 v40, v7  }
0x209: {  	v1 =	vmov s5;
	s10 =	simm.s32 $0x3;
	s5 =	simm.s32 $0x6;
	v0 =	vshrl.u32 v0, $0x3;
	v14 =	vadd.s32 v61, v9  }
0x20a: {  	v59 =	vld [tilespmem:$0x1FFC0];
	v12 =	vmov s10;
	v15 =	vmov s5;
	v11 =	vadd.s32 v63, v5  }
0x20b: {  	v50 =	vld [tilespmem:s0+$0x10710];
	v0 =	vshll.u32 v0, v17;
	v15 =	vshrl.u32 v15, $0x3;
	v6 =	vadd.f32 v6, v52  }
0x20c: {  	v51 =	vld [tilespmem:s0+$0x10720];
	v19 =	vbroadcast v0, $0x0;
	v0 =	vshll.u32 v15, v17;
	v3 =	vadd.f32 v3, v52  }
0x20d: {  	v49 =	vld [tilespmem:s0+$0x10730];
	v12 =	vshrl.u32 v12, $0x3;
	v18 =	vadd.f32 v2, v52;
	v2 =	vadd.f32 v10, v52;
	[tilespmem:v8+s17+$0x0] =	vst.idx.msk $0xffff, v6  }
0x20e: {  	s8 =	simm.s32 $0x5;
	v13 =	vld [tilespmem:s28+$0xC0];
	v6 =	vbroadcast v0, $0x0;
	[tilespmem:v14+s17+$0x0] =	vst.idx.msk $0xffff, v3;
	v0 =	vshll.u32 v12, v17  }
0x20f: {  	v4 =	vmov s8;
	v1 =	vshrl.u32 v1, $0x3;
	v22 =	vbroadcast v0, $0x0;
	v0 =	vld [tilespmem:$0x1FF40];
	[tilespmem:v11+s17+$0x0] =	vst.idx.msk $0xffff, v2  }
0x210: {  	v4 =	vshrl.u32 v4, $0x3;
	v1 =	vshll.u32 v1, v17;
	v48 =	vld [tilespmem:$0x1FF10]  }
0x211: {  	v4 =	vshll.u32 v4, v17;
	v10 =	vbroadcast v1, $0x0;
	v8 =	vld [tilespmem:s28+$0x40]  }
0x212: {  	v4 =	vbroadcast v4, $0x0  }
0x213: {  	v16 =	vld [tilespmem:s28+$0xFFFFFFC0];
	v15 =	vadd.s32 v20, v10  }
0x214: {  	v1 =	vadd.f32 v13, v52;
	v13 =	vld [tilespmem:s28+$0x80];
	v20 =	vadd.s32 v21, v6;
	v21 =	vadd.s32 v46, v4  }
0x215: {  	v12 =	vld [tilespmem:s28+$0x10];
	v2 =	vadd.s32 v48, v22  }
0x216: {  	v23 =	vld [tilespmem:s28+$0xFFFFFF50];
	[tilespmem:$0x1FC90] =	vst v2;
	v2 =	vadd.f32 v8, v52;
	v8 =	vadd.s32 v38, v19  }
0x217: {  	v24 =	vadd.s32 v0, v9;
	v26 =	vld [tilespmem:s28+$0xFFFFFF90];
	[tilespmem:$0x1FC80] =	vst v8  }
0x218: {  	v3 =	vld [tilespmem:$0x1FEF0];
	[tilespmem:v15+s17+$0x0] =	vst.idx.msk $0xffff, v1  }
0x219: {  	[tilespmem:v21+s17+$0x0] =	vst.idx.msk $0xffff, v2  }
0x21a: {  	v12 =	vadd.f32 v12, v50;
	v1 =	vadd.s32 v29, v6;
	v2 =	vld [tilespmem:$0x1FF70]  }
0x21b: {  	v21 =	vld [tilespmem:s28+$0xD0];
	[tilespmem:$0x1FCB0] =	vst v1  }
0x21c: {  	v47 =	vld [tilespmem:$0x1FF20];
	[tilespmem:v24+s17+$0x0] =	vst.idx.msk $0xffff, v12  }
0x21d: {  	v1 =	vld [tilespmem:$0x1FF00];
	_ =	sdelay $0x4  }
0x21e: {  	v25 =	vadd.s32 v3, v22;
	v55 =	vadd.s32 v47, v22;
	v22 =	vadd.s32 v1, v22;
	v1 =	vld [tilespmem:$0x1FEE0];
	_ =	sdelay $0x2  }
0x21f: {  	v14 =	vadd.s32 v34, v7;
	_ =	sdelay $0x1  }
0x220: {  	v8 =	vadd.f32 v13, v52;
	v12 =	vld [tilespmem:s28+$0x50];
	v56 =	vadd.s32 v1, v5;
	v1 =	vadd.s32 v30, v4  }
0x221: {  	v13 =	vadd.f32 v23, v50;
	v24 =	vadd.f32 v26, v50;
	v26 =	vld [tilespmem:s28+$0x20];
	[tilespmem:$0x1FCC0] =	vst v1  }
0x222: {  	[tilespmem:v20+s17+$0x0] =	vst.idx.msk $0xffff, v8  }
0x223: {  	v62 =	vld [tilespmem:$0x1FFB0];
	[tilespmem:v14+s17+$0x0] =	vst.idx.msk $0xffff, v13  }
0x224: {  	v1 =	vld [tilespmem:$0x1FFA0];
	_ =	sdelay $0x4  }
0x225: {  	v57 =	vadd.s32 v1, v10;
	v1 =	vld [tilespmem:$0x1FF50];
	_ =	sdelay $0x4  }
0x226: {  	v13 =	vadd.s32 v1, v9;
	v1 =	vld [tilespmem:$0x1FED0];
	_ =	sdelay $0x3  }
0x227: {  	v27 =	vadd.s32 v35, v5  }
0x228: {  	v11 =	vadd.f32 v16, v52;
	v16 =	vadd.s32 v36, v19;
	v5 =	vadd.s32 v1, v5;
	v1 =	vld [tilespmem:$0x1FE90];
	_ =	sdelay $0x1  }
0x229: {  	v53 =	vadd.s32 v59, v7;
	v54 =	vadd.s32 v39, v19  }
0x22a: {  	v58 =	vadd.s32 v58, v9;
	v15 =	vadd.s32 v2, v4;
	v20 =	vadd.s32 v32, v4;
	v4 =	vld [tilespmem:s28+$0x90]  }
0x22b: {  	v23 =	vadd.s32 v31, v6;
	v12 =	vadd.f32 v12, v50;
	v8 =	vadd.s32 v33, v10  }
0x22c: {  	s6 =	simm.s32 $0x8;
	[tilespmem:v16+s17+$0x0] =	vst.idx.msk $0xffff, v18;
	v6 =	vadd.s32 v1, v6;
	v1 =	vadd.s32 v28, v10  }
0x22d: {  	s8 =	simm.s32 $0xF;
	v14 =	vadd.f32 v21, v50;
	v21 =	vadd.f32 v26, v51;
	v26 =	vld [tilespmem:s28+$0xFFFFFF60];
	v10 =	vmov s6;
	s6 =	simm.s32 $0x9;
	[tilespmem:$0x1FCA0] =	vst v1  }
0x22e: {  	v19 =	vadd.s32 v37, v19;
	v18 =	vmov s8;
	s8 =	simm.s32 $0xA;
	v16 =	vmovc v31;
	v31 =	vmov s6;
	v30 =	vld [tilespmem:s28+$0xFFFFFF10]  }
0x22f: {  	s9 =	simm.s32 $0xC;
	v4 =	vadd.f32 v4, v50;
	v60 =	vmov s8;
	[tilespmem:v15+s17+$0x0] =	vst.idx.msk $0xffff, v12;
	v15 =	vshrl.u32 v31, $0x3  }
0x230: {  	s29 =	simm.s32 $0x8800;
	v28 =	vmov s9;
	v31 =	vshrl.u32 v60, $0x3;
	[tilespmem:v25+s17+$0x0] =	vst.idx.msk $0xffff, v11;
	v15 =	vshll.u32 v15, v17  }
0x231: {  	v9 =	vld [tilespmem:s29+$0xFFFFFF40];
	[tilespmem:v27+s17+$0x0] =	vst.idx.msk $0xffff, v24;
	v25 =	vshll.u32 v31, v17;
	v27 =	vbroadcast v15, $0x0;
	v15 =	vshrl.u32 v28, $0x3  }
0x232: {  	v7 =	vadd.s32 v62, v7;
	v24 =	vld [tilespmem:s28+$0xFFFFFFD0];
	v25 =	vbroadcast v25, $0x0;
	v15 =	vshll.u32 v15, v17  }
0x233: {  	s10 =	simm.s32 $0xD;
	[tilespmem:v23+s17+$0x0] =	vst.idx.msk $0xffff, v4;
	v23 =	vld [tilespmem:s29+$0x0];
	v4 =	vadd.s32 v40, v27;
	v60 =	vbroadcast v15, $0x0;
	v28 =	vadd.f32 v30, v50  }
0x234: {  	v29 =	vmov s10;
	[tilespmem:v8+s17+$0x0] =	vst.idx.msk $0xffff, v14;
	v31 =	vadd.s32 v63, v25;
	v63 =	vld [tilespmem:s28+$0xA0]  }
0x235: {  	s10 =	simm.s32 $0xE;
	v29 =	vshrl.u32 v29, $0x3;
	v12 =	vld [tilespmem:s29+$0xFFFFFF80];
	v15 =	vadd.f32 v26, v51;
	[tilespmem:v19+s17+$0x0] =	vst.idx.msk $0xffff, v28;
	v28 =	vadd.s32 v61, v60  }
0x236: {  	v10 =	vshrl.u32 v10, $0x3;
	v8 =	vmov s10;
	[tilespmem:v13+s17+$0x0] =	vst.idx.msk $0xffff, v21;
	v11 =	vld [tilespmem:s28+$0x60];
	v9 =	vadd.f32 v9, v52  }
0x237: {  	s9 =	simm.s32 $0xB;
	v8 =	vshrl.u32 v8, $0x3;
	[tilespmem:v7+s17+$0x0] =	vst.idx.msk $0xffff, v15;
	v19 =	vshll.u32 v10, v17;
	v10 =	vadd.f32 v24, v50  }
0x238: {  	v32 =	vmov s9;
	v23 =	vadd.f32 v23, v52;
	[tilespmem:v4+s17+$0x0] =	vst.idx.msk $0xffff, v9;
	v4 =	vshll.u32 v8, v17  }
0x239: {  	v15 =	vshrl.u32 v32, $0x3;
	[tilespmem:v22+s17+$0x0] =	vst.idx.msk $0xffff, v10;
	v32 =	vbroadcast v4, $0x0;
	v4 =	vadd.f32 v63, v51  }
0x23a: {  	v29 =	vshll.u32 v29, v17;
	v9 =	vadd.f32 v12, v52;
	[tilespmem:v28+s17+$0x0] =	vst.idx.msk $0xffff, v23  }
0x23b: {  	v1 =	vmov v33;
	v33 =	vbroadcast v29, $0x0;
	v11 =	vadd.f32 v11, v51;
	v29 =	vld [tilespmem:$0x1FE70];
	[tilespmem:v6+s17+$0x0] =	vst.idx.msk $0xffff, v4  }
0x23c: {  	[tilespmem:v31+s17+$0x0] =	vst.idx.msk $0xffff, v9  }
0x23d: {  	[tilespmem:v20+s17+$0x0] =	vst.idx.msk $0xffff, v11  }
0x23e: {  	v6 =	vadd.s32 v0, v60;
	v0 =	vld [tilespmem:$0x1FF90]  }
0x23f: {  	v18 =	vshrl.u32 v18, $0x3  }
0x240: {  	v18 =	vshll.u32 v18, v17  }
0x241: {  	v13 =	vbroadcast v18, $0x0  }
0x242: {  	v30 =	vld [tilespmem:s28+$0xFFFFFFA0]  }
0x243: {  	v20 =	vadd.s32 v0, v13;
	v0 =	vld [tilespmem:$0x1FC80]  }
0x244: {  	v24 =	vld [tilespmem:s28+$0xFFFFFF20];
	_ =	sdelay $0x3  }
0x245: {  	v30 =	vadd.f32 v30, v51  }
0x246: {  	v24 =	vadd.f32 v24, v51  }
0x247: {  	v14 =	vld [tilespmem:s29+$0xFFFFFFC0];
	[tilespmem:v5+s17+$0x0] =	vst.idx.msk $0xffff, v30  }
0x248: {  	v22 =	vld [tilespmem:s29+$0x40];
	[tilespmem:v0+s17+$0x0] =	vst.idx.msk $0xffff, v24  }
0x249: {  	v0 =	vld [tilespmem:$0x1FC90]  }
0x24a: {  	v8 =	vld [tilespmem:s28+$0xFFFFFFE0]  }
0x24b: {  	v4 =	vshll.u32 v15, v17;
	v15 =	vadd.s32 v46, v33;
	_ =	sdelay $0x1  }
0x24c: {  	v31 =	vadd.f32 v14, v52;
	v14 =	vld [tilespmem:s29+$0x10]  }
0x24d: {  	v5 =	vadd.f32 v22, v52  }
0x24e: {  	v8 =	vadd.f32 v8, v51  }
0x24f: {  	[tilespmem:v15+s17+$0x0] =	vst.idx.msk $0xffff, v5  }
0x250: {  	v7 =	vld [tilespmem:s29+$0xC0];
	[tilespmem:v0+s17+$0x0] =	vst.idx.msk $0xffff, v8  }
0x251: {  	v15 =	vadd.f32 v14, v50;
	v14 =	vld [tilespmem:$0x1FCA0]  }
0x252: {  	v12 =	vld [tilespmem:s28+$0xE0];
	_ =	sdelay $0x3  }
0x253: {  	v7 =	vadd.f32 v7, v52  }
0x254: {  	v12 =	vadd.f32 v12, v51  }
0x255: {  	[tilespmem:v20+s17+$0x0] =	vst.idx.msk $0xffff, v7  }
0x256: {  	[tilespmem:v14+s17+$0x0] =	vst.idx.msk $0xffff, v12  }
0x257: {  	v22 =	vadd.s32 v2, v33;
	v2 =	vld [tilespmem:$0x1FF80];
	_ =	sdelay $0x3  }
0x258: {  	v9 =	vbroadcast v4, $0x0;
	[tilespmem:v6+s17+$0x0] =	vst.idx.msk $0xffff, v15  }
0x259: {  	v63 =	vadd.s32 v2, v32;
	v2 =	vld [tilespmem:$0x1FCB0]  }
0x25a: {  	v21 =	vadd.s32 v34, v27;
	v34 =	vadd.s32 v3, v9;
	v3 =	vld [tilespmem:s28+$0xB0];
	_ =	sdelay $0x1  }
0x25b: {  	v26 =	vld [tilespmem:s29+$0xFFFFFF00];
	_ =	sdelay $0x2  }
0x25c: {  	v18 =	vld [tilespmem:s29+$0x80];
	v3 =	vadd.f32 v3, v49  }
0x25d: {  	v11 =	vld [tilespmem:s29+$0xFFFFFF50]  }
0x25e: {  	v10 =	vadd.f32 v26, v52;
	v26 =	vbroadcast v19, $0x0;
	v19 =	vld [tilespmem:s28+$0x30];
	v23 =	vadd.s32 v29, v32;
	[tilespmem:v2+s17+$0x0] =	vst.idx.msk $0xffff, v3  }
0x25f: {  	v3 =	vld [tilespmem:$0x1FF00];
	_ =	sdelay $0x1  }
0x260: {  	v18 =	vadd.f32 v18, v52  }
0x261: {  	v11 =	vadd.f32 v11, v50  }
0x262: {  	v24 =	vld [tilespmem:s28+$0x70];
	v14 =	vadd.f32 v19, v49;
	[tilespmem:v23+s17+$0x0] =	vst.idx.msk $0xffff, v18  }
0x263: {  	v19 =	vadd.s32 v16, v32;
	v16 =	vadd.s32 v3, v9;
	v3 =	vld [tilespmem:$0x1FEE0];
	[tilespmem:v21+s17+$0x0] =	vst.idx.msk $0xffff, v11  }
0x264: {  	v6 =	vadd.s32 v1, v13;
	v1 =	vld [tilespmem:$0x1FCC0]  }
0x265: {  	v5 =	vld [tilespmem:s29+$0xFFFFFF90];
	_ =	sdelay $0x4  }
0x266: {  	v2 =	vadd.f32 v5, v50;
	v5 =	vadd.f32 v24, v49  }
0x267: {  	v0 =	vld [tilespmem:s28+$0xFFFFFF70]  }
0x268: {  	v46 =	vadd.s32 v35, v25;
	v12 =	vadd.s32 v3, v25;
	v3 =	vld [tilespmem:$0x1FE60];
	[tilespmem:v1+s17+$0x0] =	vst.idx.msk $0xffff, v5  }
0x269: {  	v1 =	vld [tilespmem:$0x1FFA0];
	_ =	sdelay $0x1  }
0x26a: {  	v29 =	vld [tilespmem:s28+$0xFFFFFFB0]  }
0x26b: {  	v20 =	vadd.f32 v0, v49;
	v0 =	vld [tilespmem:s28+$0xF0]  }
0x26c: {  	v7 =	vld [tilespmem:s28+$0xFFFFFFF0];
	[tilespmem:v46+s17+$0x0] =	vst.idx.msk $0xffff, v2  }
0x26d: {  	v18 =	vadd.s32 v1, v13;
	v1 =	vld [tilespmem:$0x1FF50]  }
0x26e: {  	v35 =	vld [tilespmem:s29+$0x50]  }
0x26f: {  	v28 =	vmovc v62;
	v62 =	vadd.s32 v48, v9;
	v30 =	vld [tilespmem:s29+$0xD0];
	v15 =	vadd.s32 v47, v9;
	v9 =	vadd.s32 v3, v33  }
0x270: {  	v3 =	vadd.s32 v28, v27;
	v28 =	vadd.f32 v0, v49;
	v0 =	vld [tilespmem:$0x1FED0];
	[tilespmem:v34+s17+$0x0] =	vst.idx.msk $0xffff, v31  }
0x271: {  	v59 =	vadd.s32 v59, v27;
	v27 =	vadd.f32 v7, v49;
	v7 =	vld [tilespmem:$0x1FE90]  }
0x272: {  	v47 =	vmov v1;
	v2 =	vadd.s32 v1, v60;
	v1 =	vld [tilespmem:$0x1FE50]  }
0x273: {  	v4 =	vadd.s32 v36, v26  }
0x274: {  	v24 =	vld [tilespmem:s28+$0xFFFFFF30]  }
0x275: {  	v61 =	vadd.s32 v39, v26;
	v8 =	vadd.s32 v38, v26;
	v23 =	vadd.f32 v29, v49;
	v5 =	vld [tilespmem:s29+$0x20]  }
0x276: {  	v29 =	vadd.f32 v35, v50;
	v21 =	vadd.f32 v30, v50;
	v46 =	vmovc v0;
	v11 =	vadd.s32 v0, v25;
	v0 =	vld [tilespmem:s29+$0x90]  }
0x277: {  	s30 =	simm.s32 $0x10;
	s31 =	simm.s32 $0x8A00;
	s28 =	simm.s32 $0xE900;
	v25 =	vadd.s32 v37, v26;
	v26 =	vld [tilespmem:s29+$0xFFFFFF60];
	v7 =	vadd.s32 v7, v32;
	v48 =	vmovc v1;
	v1 =	vadd.s32 v1, v33  }
.LBB2_11:
0x278: {  	[tilespmem:v4+s17+$0x0] =	vst.idx.msk $0xffff, v10  }
0x279: {  	s5 =	smov.u32 s30;
	[tilespmem:v57+s17+$0x0] =	vst.idx.msk $0xffff, v28  }
0x27a: {  	v30 =	vld [tilespmem:s31+$0xFFFFFF40];
	[tilespmem:v58+s17+$0x0] =	vst.idx.msk $0xffff, v14;
	s6 =	sadd.s32 $0x4, s5;
	s8 =	sadd.s32 $0x5, s5  }
0x27b: {  	v57 =	vmovc v18;
	v10 =	vmov s5;
	s10 =	sadd.s32 $0x1, s5;
	s9 =	sadd.s32 $0x2, s5;
	v31 =	vld [tilespmem:s29+$0xFFFFFF10];
	v28 =	vmov s6;
	v18 =	vmov s8  }
0x27c: {  	v32 =	vld [tilespmem:$0x1FFF0];
	[tilespmem:v22+s17+$0x0] =	vst.idx.msk $0xffff, v29;
	v22 =	vmov s10;
	v29 =	vmov s9;
	v24 =	vadd.f32 v24, v49  }
0x27d: {  	v33 =	vld [tilespmem:s31+$0xFFFFFF80];
	[tilespmem:v53+s17+$0x0] =	vst.idx.msk $0xffff, v20;
	v10 =	vshrl.u32 v10, $0x3;
	v14 =	vshrl.u32 v22, $0x3;
	v0 =	vadd.f32 v0, v50  }
0x27e: {  	v34 =	vshrl.u32 v18, $0x3;
	v18 =	vshrl.u32 v29, $0x3;
	v29 =	vld [tilespmem:s29+$0xFFFFFFD0];
	v14 =	vshll.u32 v14, v17;
	[tilespmem:v54+s17+$0x0] =	vst.idx.msk $0xffff, v24  }
0x27f: {  	v20 =	vshll.u32 v18, v17;
	v18 =	vbroadcast v14, $0x0;
	v14 =	vshrl.u32 v28, $0x3;
	[tilespmem:v19+s17+$0x0] =	vst.idx.msk $0xffff, v0;
	v19 =	vld [tilespmem:s29+$0xFFFFFFA0]  }
0x280: {  	[tilespmem:v55+s17+$0x0] =	vst.idx.msk $0xffff, v27;
	v55 =	vmov v15;
	v14 =	vshll.u32 v14, v17;
	v15 =	vadd.f32 v31, v50;
	v24 =	vld [tilespmem:s31+$0xFFFFFF00]  }
0x281: {  	v32 =	vadd.s32 v32, v60;
	v60 =	vbroadcast v14, $0x0;
	v14 =	vadd.f32 v26, v51;
	v26 =	vld [tilespmem:$0x1FFC0]  }
0x282: {  	v4 =	vadd.f32 v5, v51;
	[tilespmem:v25+s17+$0x0] =	vst.idx.msk $0xffff, v15;
	v15 =	vshll.u32 v10, v17;
	v10 =	vld [tilespmem:$0x1FF30]  }
0x283: {  	[tilespmem:v56+s17+$0x0] =	vst.idx.msk $0xffff, v23;
	v23 =	vld [tilespmem:s31+$0x0]  }
0x284: {  	[tilespmem:v2+s17+$0x0] =	vst.idx.msk $0xffff, v4;
	v4 =	vld [tilespmem:$0x1FEB0]  }
0x285: {  	v27 =	vld [tilespmem:s31+$0xC0]  }
0x286: {  	v53 =	vmov v59;
	s0 =	sadd.s32 $0x6, s5;
	v0 =	vbroadcast v20, $0x0;
	v59 =	vadd.s32 v26, v18;
	v26 =	vld [tilespmem:$0x1FFD0]  }
0x287: {  	v5 =	vld [tilespmem:$0x1FFE0];
	[tilespmem:v3+s17+$0x0] =	vst.idx.msk $0xffff, v14;
	v3 =	vadd.f32 v29, v50;
	v25 =	vadd.s32 v10, v60;
	v10 =	vmov s0  }
0x288: {  	[tilespmem:v6+s17+$0x0] =	vst.idx.msk $0xffff, v21;
	v20 =	vadd.s32 v40, v18;
	v14 =	vadd.f32 v30, v52;
	v29 =	vld [tilespmem:s31+$0xFFFFFFC0];
	v21 =	vshrl.u32 v10, $0x3  }
0x289: {  	[tilespmem:v16+s17+$0x0] =	vst.idx.msk $0xffff, v3;
	v3 =	vshll.u32 v21, v17;
	v21 =	vadd.s32 v4, v18;
	v4 =	vld [tilespmem:$0x1FE70]  }
0x28a: {  	v30 =	vbroadcast v15, $0x0;
	v15 =	vadd.f32 v33, v52;
	v33 =	vbroadcast v3, $0x0;
	v3 =	vld [tilespmem:s29+$0xE0]  }
0x28b: {  	v22 =	vld [tilespmem:s29+$0x60];
	v26 =	vadd.s32 v26, v0  }
0x28c: {  	v31 =	vld [tilespmem:s29+$0xA0];
	v5 =	vadd.s32 v5, v13  }
0x28d: {  	v6 =	vadd.f32 v23, v52  }
0x28e: {  	[tilespmem:v20+s17+$0x0] =	vst.idx.msk $0xffff, v14  }
0x28f: {  	[tilespmem:v25+s17+$0x0] =	vst.idx.msk $0xffff, v6;
	v23 =	vadd.s32 v4, v33;
	v4 =	vld [tilespmem:$0x1FF40];
	v3 =	vadd.f32 v3, v51  }
0x290: {  	s5 =	sadd.s32 $0x3, s5;
	v22 =	vadd.f32 v22, v51;
	[tilespmem:v26+s17+$0x0] =	vst.idx.msk $0xffff, v15;
	v15 =	vld [tilespmem:s31+$0x10]  }
0x291: {  	v28 =	vmov s5;
	v2 =	vadd.f32 v31, v51;
	[tilespmem:v5+s17+$0x0] =	vst.idx.msk $0xffff, v3;
	v5 =	vld [tilespmem:$0x1FF20]  }
0x292: {  	v56 =	vmov v12;
	v12 =	vshrl.u32 v28, $0x3;
	v20 =	vld [tilespmem:s31+$0x40];
	[tilespmem:v1+s17+$0x0] =	vst.idx.msk $0xffff, v22  }
0x293: {  	v1 =	vld [tilespmem:$0x1FEF0];
	[tilespmem:v7+s17+$0x0] =	vst.idx.msk $0xffff, v2;
	v2 =	vshll.u32 v12, v17  }
0x294: {  	v19 =	vadd.f32 v19, v51;
	v2 =	vbroadcast v2, $0x0;
	v35 =	vld [tilespmem:s31+$0xFFFFFF90]  }
0x295: {  	v7 =	vadd.s32 v4, v60;
	v4 =	vld [tilespmem:$0x1FF60]  }
0x296: {  	[tilespmem:v11+s17+$0x0] =	vst.idx.msk $0xffff, v19;
	v11 =	vadd.f32 v15, v50;
	v15 =	vadd.s32 v5, v2;
	v5 =	vld [tilespmem:$0x1FE80]  }
0x297: {  	v28 =	vshll.u32 v34, v17;
	v14 =	vld [tilespmem:s29+$0xFFFFFFE0]  }
0x298: {  	v37 =	vld [tilespmem:s29+$0xFFFFFF20];
	v25 =	vbroadcast v28, $0x0  }
0x299: {  	v58 =	vmov v32;
	v32 =	vadd.s32 v1, v2;
	v1 =	vld [tilespmem:$0x1FF10]  }
0x29a: {  	v16 =	vld [tilespmem:s29+$0x30];
	v12 =	vadd.s32 v4, v25  }
0x29b: {  	s1 =	sadd.s32 $0x7, s30;
	v19 =	vadd.s32 v5, v33;
	v5 =	vld [tilespmem:$0x1FF00]  }
0x29c: {  	v13 =	vmov s1;
	v14 =	vadd.f32 v14, v51;
	v28 =	vld [tilespmem:$0x1FF90]  }
0x29d: {  	v13 =	vshrl.u32 v13, $0x3;
	v40 =	vld [tilespmem:s29+$0xFFFFFF70];
	v20 =	vadd.f32 v20, v52  }
0x29e: {  	v13 =	vshll.u32 v13, v17;
	[tilespmem:v62+s17+$0x0] =	vst.idx.msk $0xffff, v14;
	v26 =	vadd.f32 v37, v51;
	v37 =	vld [tilespmem:s29+$0x70]  }
0x29f: {  	v13 =	vbroadcast v13, $0x0;
	[tilespmem:v12+s17+$0x0] =	vst.idx.msk $0xffff, v20;
	v12 =	vld [tilespmem:$0x1FF70]  }
0x2a0: {  	v1 =	vadd.s32 v1, v2;
	v14 =	vadd.f32 v16, v49;
	v16 =	vadd.s32 v5, v2;
	v2 =	vld [tilespmem:$0x1FEE0]  }
0x2a1: {  	v6 =	vadd.f32 v27, v52;
	v27 =	vld [tilespmem:s31+$0xFFFFFF50];
	v28 =	vadd.s32 v28, v13  }
0x2a2: {  	v10 =	vadd.f32 v24, v52;
	v24 =	vld [tilespmem:s31+$0x80]  }
0x2a3: {  	v3 =	vld [tilespmem:$0x1FF80]  }
0x2a4: {  	[tilespmem:v8+s17+$0x0] =	vst.idx.msk $0xffff, v26;
	v8 =	vld [tilespmem:$0x1FEC0]  }
0x2a5: {  	v22 =	vadd.s32 v12, v25;
	v12 =	vadd.s32 v2, v0;
	v2 =	vld [tilespmem:$0x1FE60]  }
0x2a6: {  	v62 =	vmov v1;
	v1 =	vadd.f32 v27, v50;
	v27 =	vld [tilespmem:s29+$0xFFFFFFF0];
	[tilespmem:v28+s17+$0x0] =	vst.idx.msk $0xffff, v6  }
0x2a7: {  	[tilespmem:v7+s17+$0x0] =	vst.idx.msk $0xffff, v11;
	v7 =	vld [tilespmem:s29+$0xF0]  }
0x2a8: {  	v26 =	vld [tilespmem:s29+$0xB0]  }
0x2a9: {  	v31 =	vadd.f32 v29, v52;
	v29 =	vadd.s32 v8, v0;
	v8 =	vadd.s32 v38, v30;
	v38 =	vld [tilespmem:s29+$0xFFFFFFB0]  }
0x2aa: {  	v20 =	vadd.f32 v40, v49;
	v40 =	vadd.s32 v2, v25;
	v2 =	vld [tilespmem:$0x1FFB0]  }
0x2ab: {  	v34 =	vadd.f32 v35, v50;
	v35 =	vld [tilespmem:s31+$0xD0]  }
0x2ac: {  	[tilespmem:v32+s17+$0x0] =	vst.idx.msk $0xffff, v31;
	v28 =	vadd.f32 v7, v49;
	v7 =	vld [tilespmem:$0x1FE90]  }
0x2ad: {  	v54 =	vmov v61;
	v61 =	vadd.s32 v39, v30;
	[tilespmem:v21+s17+$0x0] =	vst.idx.msk $0xffff, v1;
	v26 =	vadd.f32 v26, v49;
	v39 =	vld [tilespmem:s31+$0x50]  }
0x2ae: {  	v1 =	vld [tilespmem:$0x1FFA0];
	v3 =	vadd.s32 v3, v33;
	v4 =	vadd.s32 v36, v30;
	v36 =	vadd.f32 v24, v52  }
0x2af: {  	p0 =	slt.u32 s30, $0x78;
	v37 =	vadd.f32 v37, v49;
	[tilespmem:v63+s17+$0x0] =	vst.idx.msk $0xffff, v26;
	v63 =	vmov v3;
	v3 =	vadd.s32 v2, v18;
	v2 =	vld [tilespmem:$0x1FEA0]  }
.Ltmp7:
0x2b0: {  	v27 =	vadd.f32 v27, v49;
	v11 =	vadd.s32 v46, v0;
	[tilespmem:v23+s17+$0x0] =	vst.idx.msk $0xffff, v36;
	(pc) =	sbr.rel @p0 .LBB2_11-.Ltmp7, $4  }
0x2b1: {  	v24 =	vld [tilespmem:s29+$0xFFFFFF30];
	s29 =	smov.u32 s31;
	v23 =	vadd.f32 v38, v49;
	v21 =	vadd.f32 v35, v50;
	[tilespmem:v29+s17+$0x0] =	vst.idx.msk $0xffff, v34  }
0x2b2: {  	v26 =	vld [tilespmem:s29+$0xFFFFFF60];
	v36 =	vmov v41;
	[tilespmem:v9+s17+$0x0] =	vst.idx.msk $0xffff, v37;
	v7 =	vadd.s32 v7, v33;
	v29 =	vadd.f32 v39, v50  }
0x2b3: {  	v38 =	vmovc v43;
	v5 =	vld [tilespmem:s31+$0x20];
	v39 =	vmovc v44;
	v9 =	vmov v40;
	v18 =	vadd.s32 v1, v13;
	v1 =	vadd.s32 v48, v25  }
0x2b4: {  	s30 =	sadd.s32 $0x8, s30;
	s0 =	simm.s32 $0xA720;
	v0 =	vld [tilespmem:s31+$0x90];
	s31 =	sadd.s32 $0x200, s31;
	v40 =	vmovc v45;
	v25 =	vadd.s32 v42, v30;
	v6 =	vadd.s32 v2, v13;
	v2 =	vadd.s32 v47, v60  }
0x2b5: {  	_ =	sdelay $0x3  }
0x2b6: {  	[tilespmem:v4+s17+$0x0] =	vst.idx.msk $0xffff, v10  }
0x2b7: {  	[tilespmem:v57+s17+$0x0] =	vst.idx.msk $0xffff, v28  }
0x2b8: {  	[tilespmem:v22+s17+$0x0] =	vst.idx.msk $0xffff, v29  }
0x2b9: {  	[tilespmem:v58+s17+$0x0] =	vst.idx.msk $0xffff, v14  }
0x2ba: {  	[tilespmem:v53+s17+$0x0] =	vst.idx.msk $0xffff, v20  }
0x2bb: {  	[tilespmem:v6+s17+$0x0] =	vst.idx.msk $0xffff, v21  }
0x2bc: {  	v4 =	vld [tilespmem:s29+$0xFFFFFFD0];
	[tilespmem:v55+s17+$0x0] =	vst.idx.msk $0xffff, v27;
	v0 =	vadd.f32 v0, v50  }
0x2bd: {  	[tilespmem:v56+s17+$0x0] =	vst.idx.msk $0xffff, v23  }
0x2be: {  	v10 =	vld [tilespmem:s29+$0xFFFFFF10];
	[tilespmem:v19+s17+$0x0] =	vst.idx.msk $0xffff, v0  }
0x2bf: {  	v28 =	vld [tilespmem:$0x1FFE0]  }
0x2c0: {  	v0 =	vld [tilespmem:s29+$0xA0]  }
0x2c1: {  	v53 =	vld [tilespmem:s29+$0x60];
	v4 =	vadd.f32 v4, v50  }
0x2c2: {  	v6 =	vld [tilespmem:s29+$0xE0];
	v5 =	vadd.f32 v5, v51  }
0x2c3: {  	v19 =	vadd.f32 v24, v49;
	[tilespmem:v16+s17+$0x0] =	vst.idx.msk $0xffff, v4  }
0x2c4: {  	v10 =	vadd.f32 v10, v50;
	[tilespmem:v2+s17+$0x0] =	vst.idx.msk $0xffff, v5;
	v4 =	vld [tilespmem:s29+$0xFFFFFFE0];
	v13 =	vadd.s32 v28, v13  }
0x2c5: {  	[tilespmem:v54+s17+$0x0] =	vst.idx.msk $0xffff, v19;
	v0 =	vadd.f32 v0, v51  }
0x2c6: {  	v57 =	vadd.f32 v53, v51;
	[tilespmem:v25+s17+$0x0] =	vst.idx.msk $0xffff, v10  }
0x2c7: {  	v58 =	vld [tilespmem:s29+$0xFFFFFF20];
	[tilespmem:v7+s17+$0x0] =	vst.idx.msk $0xffff, v0;
	v0 =	vadd.f32 v6, v51  }
0x2c8: {  	v16 =	vld [tilespmem:s29+$0xFFFFFFA0];
	[tilespmem:v1+s17+$0x0] =	vst.idx.msk $0xffff, v57;
	v6 =	vadd.f32 v26, v51  }
0x2c9: {  	v7 =	vld [tilespmem:s29+$0x70];
	[tilespmem:v13+s17+$0x0] =	vst.idx.msk $0xffff, v0;
	v0 =	vadd.f32 v4, v51  }
0x2ca: {  	v1 =	vld [tilespmem:s29+$0xB0];
	[tilespmem:v3+s17+$0x0] =	vst.idx.msk $0xffff, v6  }
0x2cb: {  	v4 =	vld [tilespmem:s29+$0x30];
	[tilespmem:v62+s17+$0x0] =	vst.idx.msk $0xffff, v0  }
0x2cc: {  	v5 =	vadd.f32 v58, v51;
	v58 =	vld [tilespmem:$0x1FFF0]  }
0x2cd: {  	v2 =	vld [tilespmem:s29+$0xF0]  }
0x2ce: {  	v3 =	vadd.f32 v16, v51;
	v6 =	vld [tilespmem:s29+$0xFFFFFF70];
	_ =	sdelay $0x1  }
0x2cf: {  	[tilespmem:v11+s17+$0x0] =	vst.idx.msk $0xffff, v3;
	v1 =	vadd.f32 v1, v49;
	v3 =	vld [tilespmem:s29+$0xFFFFFFF0]  }
0x2d0: {  	v7 =	vadd.f32 v7, v49;
	[tilespmem:v8+s17+$0x0] =	vst.idx.msk $0xffff, v5;
	v5 =	vld [tilespmem:s29+$0xFFFFFFB0];
	v0 =	vadd.s32 v58, v60  }
0x2d1: {  	v8 =	vld [tilespmem:s29+$0xFFFFFF30];
	[tilespmem:v63+s17+$0x0] =	vst.idx.msk $0xffff, v1;
	v1 =	vadd.f32 v2, v49  }
0x2d2: {  	[tilespmem:v9+s17+$0x0] =	vst.idx.msk $0xffff, v7;
	v2 =	vadd.f32 v4, v49;
	v4 =	vadd.f32 v6, v49  }
0x2d3: {  	[tilespmem:v18+s17+$0x0] =	vst.idx.msk $0xffff, v1  }
0x2d4: {  	v1 =	vadd.f32 v3, v49;
	[tilespmem:v59+s17+$0x0] =	vst.idx.msk $0xffff, v4  }
0x2d5: {  	[tilespmem:v0+s17+$0x0] =	vst.idx.msk $0xffff, v2;
	v0 =	vadd.f32 v5, v49  }
0x2d6: {  	[tilespmem:v15+s17+$0x0] =	vst.idx.msk $0xffff, v1;
	v2 =	vadd.f32 v8, v49  }
0x2d7: {  	[tilespmem:v12+s17+$0x0] =	vst.idx.msk $0xffff, v0  }
0x2d8: {  	[tilespmem:v61+s17+$0x0] =	vst.idx.msk $0xffff, v2  }
0x2d9: {  	v0 =	vld [tilespmem:s0+$0x198]  }
0x2da: {  	v1 =	vld [tilespmem:s0+$0xFFFFFE68]  }
0x2db: {  	v2 =	vld [tilespmem:s0+$0xFFFFFEF0]  }
0x2dc: {  	v3 =	vld [tilespmem:s0+$0xFFFFFF78]  }
0x2dd: {  	v4 =	vld [tilespmem:s0+$0x0]  }
0x2de: {  	v5 =	vld [tilespmem:s0+$0x88];
	[tilespmem:s28+$0x180] =	vst v0  }
0x2df: {  	[tilespmem:s28+$0xFFFFFE80] =	vst v1;
	v1 =	vld [tilespmem:s0+$0x110]  }
0x2e0: {  	[tilespmem:s28+$0xFFFFFF00] =	vst v2;
	v2 =	vld [tilespmem:s0+$0xFFFFFDE0]  }
0x2e1: {  	[tilespmem:s28+$0xFFFFFF80] =	vst v3;
	v0 =	vld [tilespmem:s0+$0x1A8]  }
0x2e2: {  	[tilespmem:s28+$0x0] =	vst v4;
	v3 =	vld [tilespmem:s0+$0xFFFFFE78]  }
0x2e3: {  	[tilespmem:s28+$0x80] =	vst v5;
	v4 =	vld [tilespmem:s0+$0xFFFFFF00]  }
0x2e4: {  	v5 =	vld [tilespmem:s0+$0xFFFFFF88];
	[tilespmem:s28+$0x100] =	vst v1  }
0x2e5: {  	[tilespmem:s28+$0xFFFFFE00] =	vst v2;
	v1 =	vld [tilespmem:s0+$0x10]  }
0x2e6: {  	[tilespmem:s28+$0x190] =	vst v0;
	v2 =	vld [tilespmem:s0+$0xFFFFFDF0]  }
0x2e7: {  	[tilespmem:s28+$0xFFFFFE90] =	vst v3;
	v3 =	vld [tilespmem:s0+$0x98]  }
0x2e8: {  	[tilespmem:s28+$0xFFFFFF10] =	vst v4;
	v0 =	vld [tilespmem:s0+$0x1B8]  }
0x2e9: {  	[tilespmem:s28+$0xFFFFFF90] =	vst v5;
	v4 =	vld [tilespmem:s0+$0x120]  }
0x2ea: {  	v5 =	vld [tilespmem:s0+$0xFFFFFE88];
	[tilespmem:s28+$0x10] =	vst v1  }
0x2eb: {  	v1 =	vld [tilespmem:s0+$0xFFFFFF10];
	[tilespmem:s28+$0xFFFFFE10] =	vst v2  }
0x2ec: {  	[tilespmem:s28+$0x90] =	vst v3;
	v3 =	vld [tilespmem:s0+$0xFFFFFF98]  }
0x2ed: {  	[tilespmem:s28+$0x1A0] =	vst v0;
	v2 =	vld [tilespmem:s0+$0xFFFFFE00]  }
0x2ee: {  	[tilespmem:s28+$0x110] =	vst v4;
	v0 =	vld [tilespmem:s0+$0x1C8]  }
0x2ef: {  	v4 =	vld [tilespmem:s0+$0x20];
	[tilespmem:s28+$0xFFFFFEA0] =	vst v5  }
0x2f0: {  	v5 =	vld [tilespmem:s0+$0xA8];
	[tilespmem:s28+$0xFFFFFF20] =	vst v1  }
0x2f1: {  	v1 =	vld [tilespmem:s0+$0x130];
	[tilespmem:s28+$0xFFFFFFA0] =	vst v3  }
0x2f2: {  	v3 =	vld [tilespmem:s0+$0xFFFFFE98];
	[tilespmem:s28+$0xFFFFFE20] =	vst v2  }
0x2f3: {  	[tilespmem:s28+$0x1B0] =	vst v0;
	v2 =	vld [tilespmem:s0+$0xFFFFFE10]  }
0x2f4: {  	[tilespmem:s28+$0x20] =	vst v4;
	v0 =	vld [tilespmem:s0+$0x1D8]  }
0x2f5: {  	v4 =	vld [tilespmem:s0+$0xFFFFFF20];
	[tilespmem:s28+$0xA0] =	vst v5  }
0x2f6: {  	v5 =	vld [tilespmem:s0+$0xFFFFFFA8];
	[tilespmem:s28+$0x120] =	vst v1  }
0x2f7: {  	v1 =	vld [tilespmem:s0+$0x30];
	[tilespmem:s28+$0xFFFFFEB0] =	vst v3  }
0x2f8: {  	v3 =	vld [tilespmem:s0+$0x140];
	[tilespmem:s28+$0xFFFFFE30] =	vst v2  }
0x2f9: {  	v2 =	vld [tilespmem:s0+$0xB8];
	[tilespmem:s28+$0x1C0] =	vst v0  }
0x2fa: {  	[tilespmem:s28+$0xFFFFFF30] =	vst v4;
	v0 =	vld [tilespmem:s0+$0x1E8]  }
0x2fb: {  	[tilespmem:s28+$0xFFFFFFB0] =	vst v5;
	v5 =	vld [tilespmem:s0+$0xFFFFFEA8]  }
0x2fc: {  	v4 =	vld [tilespmem:s0+$0xFFFFFE20];
	[tilespmem:s28+$0x30] =	vst v1  }
0x2fd: {  	v1 =	vld [tilespmem:s0+$0xFFFFFF30];
	[tilespmem:s28+$0x130] =	vst v3  }
0x2fe: {  	v3 =	vld [tilespmem:s0+$0x40];
	[tilespmem:s28+$0xB0] =	vst v2  }
0x2ff: {  	v2 =	vld [tilespmem:s0+$0xFFFFFFB8];
	[tilespmem:s28+$0x1D0] =	vst v0  }
0x300: {  	[tilespmem:s28+$0xFFFFFEC0] =	vst v5;
	v0 =	vld [tilespmem:s0+$0x1F8]  }
0x301: {  	v5 =	vld [tilespmem:s0+$0x150];
	[tilespmem:s28+$0xFFFFFE40] =	vst v4  }
0x302: {  	v4 =	vld [tilespmem:s0+$0xC8];
	[tilespmem:s28+$0xFFFFFF40] =	vst v1  }
0x303: {  	v1 =	vld [tilespmem:s0+$0xFFFFFE30];
	[tilespmem:s28+$0x40] =	vst v3  }
0x304: {  	[tilespmem:s28+$0xFFFFFFC0] =	vst v2;
	v2 =	vld [tilespmem:s0+$0xFFFFFEB8]  }
0x305: {  	v3 =	vld [tilespmem:s0+$0xFFFFFF40];
	[tilespmem:s28+$0x1E0] =	vst v0  }
0x306: {  	[tilespmem:s28+$0x140] =	vst v5;
	v0 =	vld [tilespmem:s0+$0x208]  }
0x307: {  	v5 =	vld [tilespmem:s0+$0x50];
	[tilespmem:s28+$0xC0] =	vst v4  }
0x308: {  	v4 =	vld [tilespmem:s0+$0xFFFFFFC8];
	[tilespmem:s28+$0xFFFFFE50] =	vst v1  }
0x309: {  	v1 =	vld [tilespmem:s0+$0x160];
	[tilespmem:s28+$0xFFFFFED0] =	vst v2  }
0x30a: {  	[tilespmem:s28+$0xFFFFFF50] =	vst v3;
	v3 =	vld [tilespmem:s0+$0xFFFFFEC8]  }
0x30b: {  	[tilespmem:s28+$0x1F0] =	vst v0;
	v0 =	vld [tilespmem:s0+$0xD8]  }
0x30c: {  	[tilespmem:s28+$0x50] =	vst v5;
	v2 =	vld [tilespmem:s0+$0xFFFFFE40]  }
0x30d: {  	v6 =	vld [tilespmem:s0+$0x60];
	[tilespmem:s28+$0xFFFFFFD0] =	vst v4  }
0x30e: {  	v4 =	vld [tilespmem:s0+$0xFFFFFF50];
	[tilespmem:s28+$0x150] =	vst v1  }
0x30f: {  	v5 =	vld [tilespmem:s0+$0xFFFFFFD8];
	[tilespmem:s28+$0xFFFFFEE0] =	vst v3  }
0x310: {  	v3 =	vld [tilespmem:s0+$0x170];
	[tilespmem:s28+$0xD0] =	vst v0  }
0x311: {  	[tilespmem:s28+$0xFFFFFE60] =	vst v2;
	v2 =	vld [tilespmem:s0+$0xE8]  }
0x312: {  	[tilespmem:s28+$0x60] =	vst v6;
	v7 =	vld [tilespmem:s0+$0xFFFFFE50]  }
0x313: {  	[tilespmem:s28+$0xFFFFFF60] =	vst v4;
	v4 =	vld [tilespmem:s0+$0xFFFFFED8]  }
0x314: {  	[tilespmem:s28+$0xFFFFFFE0] =	vst v5;
	v0 =	vld [tilespmem:s0+$0xFFFFFF60]  }
0x315: {  	v1 =	vld [tilespmem:s0+$0xFFFFFFE8];
	[tilespmem:s28+$0x160] =	vst v3  }
0x316: {  	[tilespmem:s28+$0xE0] =	vst v2;
	v2 =	vld [tilespmem:s0+$0x70]  }
0x317: {  	[tilespmem:s28+$0xFFFFFE70] =	vst v7;
	v3 =	vld [tilespmem:s0+$0xF8]  }
0x318: {  	v37 =	vmov v42;
	s1 =	simm.s32 $0x0;
	s29 =	simm.s32 $0xAB60;
	[tilespmem:s28+$0xFFFFFEF0] =	vst v4;
	v4 =	vld [tilespmem:s0+$0x180]  }
.LBB2_13:
0x319: {  	v5 =	vld [tilespmem:s29+$0x198];
	s1 =	sadd.s32 $0x8, s1;
	[tilespmem:s28+$0xFFFFFF70] =	vst v0  }
0x31a: {  	v0 =	vld [tilespmem:s29+$0xFFFFFE68];
	p0 =	slt.u32 s1, $0x38;
	[tilespmem:s28+$0xFFFFFFF0] =	vst v1  }
0x31b: {  	v1 =	vld [tilespmem:s29+$0xFFFFFEF0];
	[tilespmem:s28+$0x70] =	vst v2  }
0x31c: {  	v2 =	vld [tilespmem:s29+$0xFFFFFF78];
	[tilespmem:s28+$0xF0] =	vst v3  }
0x31d: {  	v3 =	vld [tilespmem:s29+$0x0];
	[tilespmem:s28+$0x170] =	vst v4;
	s28 =	sadd.s32 $0x400, s28  }
0x31e: {  	v4 =	vld [tilespmem:s29+$0x88];
	[tilespmem:s28+$0x180] =	vst v5  }
0x31f: {  	[tilespmem:s28+$0xFFFFFE80] =	vst v0;
	v0 =	vld [tilespmem:s29+$0x1A8]  }
0x320: {  	[tilespmem:s28+$0xFFFFFF00] =	vst v1;
	v1 =	vld [tilespmem:s29+$0x110]  }
0x321: {  	v5 =	vld [tilespmem:s29+$0xFFFFFDE0];
	[tilespmem:s28+$0xFFFFFF80] =	vst v2  }
0x322: {  	v2 =	vld [tilespmem:s29+$0xFFFFFE78];
	[tilespmem:s28+$0x0] =	vst v3  }
0x323: {  	v3 =	vld [tilespmem:s29+$0xFFFFFF00];
	[tilespmem:s28+$0x80] =	vst v4  }
0x324: {  	v4 =	vld [tilespmem:s29+$0xFFFFFF88];
	[tilespmem:s28+$0x190] =	vst v0  }
0x325: {  	[tilespmem:s28+$0x100] =	vst v1;
	v0 =	vld [tilespmem:s29+$0x1B8]  }
0x326: {  	[tilespmem:s28+$0xFFFFFE00] =	vst v5;
	v1 =	vld [tilespmem:s29+$0x10]  }
0x327: {  	v5 =	vld [tilespmem:s29+$0xFFFFFDF0];
	[tilespmem:s28+$0xFFFFFE90] =	vst v2  }
0x328: {  	[tilespmem:s28+$0xFFFFFF10] =	vst v3;
	v2 =	vld [tilespmem:s29+$0x98]  }
0x329: {  	[tilespmem:s28+$0xFFFFFF90] =	vst v4;
	v3 =	vld [tilespmem:s29+$0x120]  }
0x32a: {  	v4 =	vld [tilespmem:s29+$0xFFFFFE88];
	[tilespmem:s28+$0x1A0] =	vst v0  }
0x32b: {  	[tilespmem:s28+$0x10] =	vst v1;
	v0 =	vld [tilespmem:s29+$0x1C8]  }
0x32c: {  	[tilespmem:s28+$0xFFFFFE10] =	vst v5;
	v1 =	vld [tilespmem:s29+$0xFFFFFF10]  }
0x32d: {  	v5 =	vld [tilespmem:s29+$0xFFFFFE00];
	[tilespmem:s28+$0x90] =	vst v2  }
0x32e: {  	v2 =	vld [tilespmem:s29+$0xFFFFFF98];
	[tilespmem:s28+$0x110] =	vst v3  }
0x32f: {  	[tilespmem:s28+$0xFFFFFEA0] =	vst v4;
	v3 =	vld [tilespmem:s29+$0x20]  }
0x330: {  	v4 =	vld [tilespmem:s29+$0xA8];
	[tilespmem:s28+$0x1B0] =	vst v0  }
0x331: {  	[tilespmem:s28+$0xFFFFFF20] =	vst v1;
	v0 =	vld [tilespmem:s29+$0x1D8]  }
0x332: {  	[tilespmem:s28+$0xFFFFFE20] =	vst v5;
	v1 =	vld [tilespmem:s29+$0x130]  }
0x333: {  	v5 =	vld [tilespmem:s29+$0xFFFFFE10];
	[tilespmem:s28+$0xFFFFFFA0] =	vst v2  }
0x334: {  	v2 =	vld [tilespmem:s29+$0xFFFFFE98];
	[tilespmem:s28+$0x20] =	vst v3  }
0x335: {  	v3 =	vld [tilespmem:s29+$0xFFFFFF20];
	[tilespmem:s28+$0xA0] =	vst v4  }
0x336: {  	v4 =	vld [tilespmem:s29+$0xFFFFFFA8];
	[tilespmem:s28+$0x1C0] =	vst v0  }
0x337: {  	[tilespmem:s28+$0x120] =	vst v1;
	v0 =	vld [tilespmem:s29+$0x1E8]  }
0x338: {  	[tilespmem:s28+$0xFFFFFE30] =	vst v5;
	v1 =	vld [tilespmem:s29+$0x30]  }
0x339: {  	[tilespmem:s28+$0xFFFFFEB0] =	vst v2;
	v2 =	vld [tilespmem:s29+$0xB8]  }
0x33a: {  	[tilespmem:s28+$0xFFFFFF30] =	vst v3;
	v3 =	vld [tilespmem:s29+$0x140]  }
0x33b: {  	v5 =	vld [tilespmem:s29+$0xFFFFFE20];
	[tilespmem:s28+$0xFFFFFFB0] =	vst v4  }
0x33c: {  	v4 =	vld [tilespmem:s29+$0xFFFFFEA8];
	[tilespmem:s28+$0x1D0] =	vst v0  }
0x33d: {  	[tilespmem:s28+$0x30] =	vst v1;
	v0 =	vld [tilespmem:s29+$0x1F8]  }
0x33e: {  	v1 =	vld [tilespmem:s29+$0xFFFFFF30];
	[tilespmem:s28+$0xB0] =	vst v2  }
0x33f: {  	v2 =	vld [tilespmem:s29+$0xFFFFFFB8];
	[tilespmem:s28+$0x130] =	vst v3  }
0x340: {  	[tilespmem:s28+$0xFFFFFE40] =	vst v5;
	v3 =	vld [tilespmem:s29+$0x40]  }
0x341: {  	[tilespmem:s28+$0xFFFFFEC0] =	vst v4;
	v4 =	vld [tilespmem:s29+$0xC8]  }
0x342: {  	v5 =	vld [tilespmem:s29+$0x150];
	[tilespmem:s28+$0x1E0] =	vst v0  }
0x343: {  	[tilespmem:s28+$0xFFFFFF40] =	vst v1;
	v0 =	vld [tilespmem:s29+$0x208]  }
0x344: {  	v1 =	vld [tilespmem:s29+$0xFFFFFE30];
	[tilespmem:s28+$0xFFFFFFC0] =	vst v2  }
0x345: {  	v2 =	vld [tilespmem:s29+$0xFFFFFEB8];
	[tilespmem:s28+$0x40] =	vst v3  }
0x346: {  	v3 =	vld [tilespmem:s29+$0xFFFFFF40];
	[tilespmem:s28+$0xC0] =	vst v4  }
0x347: {  	v4 =	vld [tilespmem:s29+$0xFFFFFFC8];
	[tilespmem:s28+$0x140] =	vst v5  }
0x348: {  	v5 =	vld [tilespmem:s29+$0x50];
	[tilespmem:s28+$0x1F0] =	vst v0  }
0x349: {  	[tilespmem:s28+$0xFFFFFE50] =	vst v1;
	v0 =	vld [tilespmem:s29+$0xD8]  }
0x34a: {  	[tilespmem:s28+$0xFFFFFED0] =	vst v2;
	v1 =	vld [tilespmem:s29+$0x160]  }
0x34b: {  	v2 =	vld [tilespmem:s29+$0xFFFFFE40];
	[tilespmem:s28+$0xFFFFFF50] =	vst v3  }
0x34c: {  	v3 =	vld [tilespmem:s29+$0xFFFFFEC8];
	[tilespmem:s28+$0xFFFFFFD0] =	vst v4  }
0x34d: {  	v4 =	vld [tilespmem:s29+$0xFFFFFF50];
	[tilespmem:s28+$0x50] =	vst v5  }
0x34e: {  	v5 =	vld [tilespmem:s29+$0xFFFFFFD8];
	[tilespmem:s28+$0xD0] =	vst v0  }
0x34f: {  	v6 =	vld [tilespmem:s29+$0x60];
	[tilespmem:s28+$0x150] =	vst v1  }
0x350: {  	[tilespmem:s28+$0xFFFFFE60] =	vst v2;
	v2 =	vld [tilespmem:s29+$0xE8]  }
0x351: {  	[tilespmem:s28+$0xFFFFFEE0] =	vst v3;
	v3 =	vld [tilespmem:s29+$0x170]  }
0x352: {  	v7 =	vld [tilespmem:s29+$0xFFFFFE50];
	[tilespmem:s28+$0xFFFFFF60] =	vst v4  }
0x353: {  	v4 =	vld [tilespmem:s29+$0xFFFFFED8];
	[tilespmem:s28+$0xFFFFFFE0] =	vst v5  }
.Ltmp8:
0x354: {  	v0 =	vld [tilespmem:s29+$0xFFFFFF60];
	[tilespmem:s28+$0x60] =	vst v6;
	(pc) =	sbr.rel @p0 .LBB2_13-.Ltmp8, $4  }
0x355: {  	v1 =	vld [tilespmem:s29+$0xFFFFFFE8];
	[tilespmem:s28+$0xE0] =	vst v2  }
0x356: {  	v2 =	vld [tilespmem:s29+$0x70];
	[tilespmem:s28+$0x160] =	vst v3  }
0x357: {  	[tilespmem:s28+$0xFFFFFE70] =	vst v7;
	v3 =	vld [tilespmem:s29+$0xF8]  }
0x358: {  	[tilespmem:s28+$0xFFFFFEF0] =	vst v4;
	v4 =	vld [tilespmem:s29+$0x180];
	s29 =	sadd.s32 $0x440, s29  }
0x359: {  	[tilespmem:s28+$0xFFFFFF70] =	vst v0  }
0x35a: {  	[tilespmem:s28+$0xFFFFFFF0] =	vst v1  }
0x35b: {  	[tilespmem:s28+$0x70] =	vst v2  }
0x35c: {  	[tilespmem:s28+$0xF0] =	vst v3  }
0x35d: {  	[tilespmem:s28+$0x170] =	vst v4  }
0x35e: {  	v34 =	vld [tilespmem:$0x1FEB0]  }
0x35f: {  	v35 =	vld [tilespmem:$0x1FEC0]  }
0x360: {  	v29 =	vld [tilespmem:$0x1FED0]  }
0x361: {  	v60 =	vld [tilespmem:$0x1FEE0]  }
0x362: {  	v33 =	vld [tilespmem:$0x1FEF0]  }
0x363: {  	v59 =	vld [tilespmem:$0x1FF00]  }
0x364: {  	v26 =	vld [tilespmem:$0x1FF10]  }
0x365: {  	v41 =	vld [tilespmem:$0x1FF20]  }
0x366: {  	p0 =	seq.s32 s24, $0x63;
	v44 =	vld [tilespmem:$0x1FF30]  }
.Ltmp9:
0x367: {  	s0 =	sshll.u32 s26, $0x12;
	v32 =	vld [tilespmem:$0x1FF40];
	(pc) =	sbr.rel @p0 .LBB2_16-.Ltmp9, $4  }
0x368: {  	s0 =	sor.u32 s7, s0;
	v48 =	vld [tilespmem:$0x1FF50]  }
0x369: {  	s0 =	sshrl.u32 s0, $0x3;
	v30 =	vld [tilespmem:$0x1FF70]  }
0x36a: {  	s0 =	sadd.s32 s2, s0;
	v63 =	vld [tilespmem:$0x1FF80]  }
0x36b: {  	[hbm4b:s0+s18] =	stream.strided.scatter [tilespmem:s22], [sflag:$0x2], $0x2000, s19, s18, $0x38;
	v62 =	vld [tilespmem:$0x1FF90]  }
0x36c: {  	v0 =	vld [tilespmem:$0x1FE30];
	_ =	sdelay $0x3  }
0x36d: {  	s0 =	sadd.s32 $0x3, s25  }
0x36e: {  	v0 =	vadd.s32 s0, v0  }
0x36f: {  	v1 =	vld [tilespmem:$0x1FD50];
	_ =	sdelay $0x3  }
0x370: {  	v0 =	vld.idx.msk [tilespmem:v0+s3+$0x0], $0xffff  }
0x371: {  	v1 =	vadd.s32 s0, v1  }
0x372: {  	v53 =	vld [tilespmem:$0x1FD60];
	_ =	sdelay $0x2  }
0x373: {  	[tilespmem:$0x6480] =	vst v0  }
0x374: {  	v0 =	vld.idx.msk [tilespmem:v1+s3+$0x0], $0xffff  }
0x375: {  	v1 =	vadd.s32 s0, v53  }
0x376: {  	v54 =	vld [tilespmem:$0x1FD70];
	_ =	sdelay $0x2  }
0x377: {  	[tilespmem:$0x6490] =	vst v0  }
0x378: {  	v0 =	vld.idx.msk [tilespmem:v1+s3+$0x0], $0xffff  }
0x379: {  	v1 =	vadd.s32 s0, v54  }
0x37a: {  	v55 =	vld [tilespmem:$0x1FD80];
	_ =	sdelay $0x2  }
0x37b: {  	[tilespmem:$0x64A0] =	vst v0  }
0x37c: {  	v0 =	vld.idx.msk [tilespmem:v1+s3+$0x0], $0xffff  }
0x37d: {  	v1 =	vadd.s32 s0, v55  }
0x37e: {  	v56 =	vld [tilespmem:$0x1FD90];
	_ =	sdelay $0x2  }
0x37f: {  	[tilespmem:$0x64B0] =	vst v0  }
0x380: {  	v0 =	vld.idx.msk [tilespmem:v1+s3+$0x0], $0xffff  }
0x381: {  	v1 =	vadd.s32 s0, v56  }
0x382: {  	v57 =	vld [tilespmem:$0x1FDA0];
	_ =	sdelay $0x2  }
0x383: {  	[tilespmem:$0x64C0] =	vst v0  }
0x384: {  	v0 =	vld.idx.msk [tilespmem:v1+s3+$0x0], $0xffff  }
0x385: {  	v1 =	vadd.s32 s0, v57  }
0x386: {  	v61 =	vld [tilespmem:$0x1FDB0];
	_ =	sdelay $0x2  }
0x387: {  	[tilespmem:$0x64D0] =	vst v0  }
0x388: {  	v0 =	vld.idx.msk [tilespmem:v1+s3+$0x0], $0xffff  }
0x389: {  	v1 =	vadd.s32 s0, v61;
	_ =	sdelay $0x3  }
0x38a: {  	[tilespmem:$0x64E0] =	vst v0  }
0x38b: {  	v0 =	vld.idx.msk [tilespmem:v1+s3+$0x0], $0xffff  }
.Ltmp10:
0x38c: {  	_ = 	snop;
	(pc) =	sbr.rel .LBB2_2-.Ltmp10, $2  }
0x38d: {  	_ =	sdelay $0x2  }
0x38e: {  	s24 =	sadd.s32 $0x1, s24;
	v21 =	vld [tilespmem:$0x1FF60];
	[tilespmem:$0x64F0] =	vst v0  }
.LBB2_17:
0x38f: {  	_ =	sfence.sel $0x180000  }
0x390: {  	[bflag:$0x0] =	sbarrier.arrive $0xFFFF  }
0x391: {  	_ =	strace $0x9000004A  }
0x392: {  	s0 =	stileid.u32;
	[bflag:$0x2] =	sbarrier.arrive $0xFFFF  }
0x393: {  	p0 =	sne.s32 s0, $0x0;
	s0 =	rddreg [dreg:$0x2]  }
0x394: {  	s0 =	sadd.s32 @!p0 $0x100000, s0  }
0x395: {  	[sflag:s0] =	ssyncadd.tile.s32 @!p0 $0x1;
	_ =	shalt  }
.Lfunc_end2:
_tile_overlayer_lowered:
.L_overlay_start_2:
0x396: {  	(tag) =	ssettag $0x2  }
0x397: {  	s0 =	rddreg [dreg:$0x0];
	s2 =	stileid.u32  }
0x398: {  	s1 =	rddreg [dreg:$0x1];
	p0 =	sne.s32 s2, $0x0  }
0x399: {  	s3 =	rddreg [dreg:$0x2];
	[bflag:$0x3] =	sbarrier.arrive $0xFFFF;
	s2 =	simm.s32 @!p0 $0x1C03  }
0x39a: {  	[timem:s3], [sflag:s2] =	dma.local @!p0 [hbm:s0], s1  }
0x39b: {  	s0 =	simm.s32 @!p0 $0x3  }
0x39c: {  	_ =	swait.ge @!p0 [sflag:s0], s1  }
0x39d: {  	s1 =	ssub.s32 @!p0 $0x0, s1;
	[sflag:s0] =	ssyncset.done @!p0 $0x0  }
0x39e: {  	[sflag:s0] =	ssyncadd.s32 @!p0 s1  }
0x39f: {  	[bflag:$0x3] =	sbarrier.arrive $0xFFFF  }
0x3a0: {  	_ =	shalt  }

</sc_bundles>
